<compile_context>
chip_gen: v7x
topology: tpu7x:2x2x1
jax: 0.10.2.dev20260603
libtpu: 0.0.44.dev20260713+nightly
codegen_flags: <defaults>
</compile_context>

<pallas_src>
import functools

import jax
import jax.numpy as jnp
from jax import lax
from jax.experimental import pallas as pl
from jax.experimental.pallas import tpu as pltpu
from jax.experimental.pallas import tpu_sc as plsc

N = 10000
D = 128
E = 320000
NCLASS = 8

NC = 2
NS = 16
NW = NC * NS
K = 80
NCH = E // (NW * K)
EPW = E // NW
KS = 128
NCHS = 80
IB = 8
NB = NCHS // IB
EPWP = NCHS * KS
EPAD = NW * EPWP - E

NP = 10240
ZR = 128

_mesh = plsc.VectorSubcoreMesh(core_axis_name="c", subcore_axis_name="s")


@functools.partial(
    pl.kernel,
    out_type=jax.ShapeDtypeStruct((NC * NP,), jnp.float32),
    mesh=_mesh,
    scratch_types=[
        pltpu.VMEM((NCH, K), jnp.int32),
        pltpu.VMEM((K,), jnp.float32),
        pltpu.VMEM((640,), jnp.float32),
        pltpu.VMEM_SHARED((NP,), jnp.float32),
    ],
)
def _deg_kernel(dst_hbm, out_hbm, dstv, ones_v, zv, hist_sh):
    c = lax.axis_index("c")
    s = lax.axis_index("s")
    wid = c * NS + s

    zero16 = jnp.zeros((16,), jnp.float32)
    one16 = jnp.ones((16,), jnp.float32)
    for i in range(640 // 16):
        zv[pl.ds(i * 16, 16)] = zero16
    for i in range(K // 16):
        ones_v[pl.ds(i * 16, 16)] = one16
    pltpu.sync_copy(zv, hist_sh.at[pl.ds(s * 640, 640)])
    pltpu.sync_copy(dst_hbm.at[wid], dstv)
    plsc.subcore_barrier()

    def body(j, carry):
        pltpu.sync_copy(ones_v, hist_sh.at[dstv.at[j]], add=True)
        return carry

    lax.fori_loop(0, NCH, body, 0)
    plsc.subcore_barrier()
    pltpu.sync_copy(hist_sh.at[pl.ds(s * 640, 640)],
                    out_hbm.at[pl.ds(c * NP + s * 640, 640)])


@functools.partial(
    pl.kernel,
    out_type=jax.ShapeDtypeStruct((NC * N, D), jnp.float32),
    mesh=_mesh,
    scratch_types=[
        pltpu.VMEM((IB, KS), jnp.int32),
        pltpu.VMEM((IB, KS), jnp.int32),
        pltpu.VMEM((IB, KS), jnp.int32),
        pltpu.VMEM((IB, KS), jnp.int32),
        pltpu.VMEM((KS, D), jnp.float32),
        pltpu.VMEM((KS, D), jnp.float32),
        pltpu.VMEM_SHARED((NP, D), jnp.float32),
        pltpu.SemaphoreType.DMA,
        pltpu.SemaphoreType.DMA,
        pltpu.SemaphoreType.DMA,
        pltpu.SemaphoreType.DMA,
    ],
)
def _edge_scatter_kernel(u_hbm, src_hbm, dst_hbm, out_hbm,
                         sb0, sb1, db0, db1, rows0, rows1, acc_sh,
                         gsem0, gsem1, isem0, isem1):
    c = lax.axis_index("c")
    s = lax.axis_index("s")
    wid = c * NS + s
    base = wid * NCHS

    zero16 = jnp.zeros((16,), jnp.float32)

    def zbody(r, carry):
        for k in range(D // 16):
            rows0[r, pl.ds(k * 16, 16)] = zero16
        return carry

    lax.fori_loop(0, KS, zbody, 0)
    for t in range(NP // NS // KS):
        pltpu.sync_copy(rows0, acc_sh.at[pl.ds(s * (NP // NS) + t * KS, KS)])
    pltpu.sync_copy(src_hbm.at[pl.ds(pl.multiple_of(base, IB), IB)], sb0)
    pltpu.sync_copy(dst_hbm.at[pl.ds(pl.multiple_of(base, IB), IB)], db0)
    plsc.subcore_barrier()

    pltpu.async_copy(u_hbm.at[sb0.at[0]], rows0, gsem0)
    pltpu.async_copy(u_hbm.at[sb0.at[1]], rows1, gsem1)

    def _block(b, sbX, dbX, sbY, dbY):
        for i in range(IB):
            rp, gp = (rows0, gsem0) if i % 2 == 0 else (rows1, gsem1)
            pltpu.make_async_copy(u_hbm.at[sbX.at[i]], rp, gp).wait()
            pltpu.sync_copy(rp, acc_sh.at[dbX.at[i]], add=True)
            if i == 0:
                @pl.when(b + 1 < NB)
                def _ld():
                    off = pl.multiple_of(base + (b + 1) * IB, IB)
                    pltpu.async_copy(src_hbm.at[pl.ds(off, IB)], sbY, isem0)
                    pltpu.async_copy(dst_hbm.at[pl.ds(off, IB)], dbY, isem1)
            if i == IB - 3:
                @pl.when(b + 1 < NB)
                def _wld():
                    pltpu.make_async_copy(
                        src_hbm.at[pl.ds(0, IB)], sbY, isem0).wait()
                    pltpu.make_async_copy(
                        dst_hbm.at[pl.ds(0, IB)], dbY, isem1).wait()
            if i < IB - 2:
                pltpu.async_copy(u_hbm.at[sbX.at[i + 2]], rp, gp)
            else:
                @pl.when(b + 1 < NB)
                def _fn():
                    pltpu.async_copy(u_hbm.at[sbY.at[i - (IB - 2)]], rp, gp)

    def outer(bb, carry):
        _block(2 * bb, sb0, db0, sb1, db1)
        _block(2 * bb + 1, sb1, db1, sb0, db0)
        return carry

    lax.fori_loop(0, NB // 2, outer, 0)
    plsc.subcore_barrier()
    pltpu.sync_copy(acc_sh.at[pl.ds(s * 624, 624)],
                    out_hbm.at[pl.ds(c * N + s * 624, 624)])

    @pl.when(s == NS - 1)
    def _tail():
        pltpu.sync_copy(acc_sh.at[pl.ds(16 * 624, 16)],
                        out_hbm.at[pl.ds(c * N + 16 * 624, 16)])


R = 1000
GRID = N // R
NBLK = GRID


def _bc_body(h0_ref, h1_ref, fe_ref, w1_ref, u1_ref, dinv_ref):
    deg = h0_ref[...] + h1_ref[...] + 1.0
    dinv = lax.rsqrt(deg)
    dinv_ref[...] = dinv
    u1_ref[...] = jnp.dot(fe_ref[...], w1_ref[...],
                          preferred_element_type=jnp.float32) * dinv


def _mid_body(s1a_ref, s1b_ref, u1_ref, dinv_ref, w2_ref, b1_ref, u2_ref):
    dinv = dinv_ref[...]
    h = jax.nn.relu(dinv * (s1a_ref[...] + s1b_ref[...] + u1_ref[...])
                    + b1_ref[...])
    u2_ref[...] = jnp.dot(h, w2_ref[...],
                          preferred_element_type=jnp.float32) * dinv


def _fin_body(s2a_ref, s2b_ref, u2_ref, dinv_ref, b2_ref, wfc_ref, bfc_ref,
              h2_ref, log_ref):
    h2 = (dinv_ref[...] * (s2a_ref[...] + s2b_ref[...] + u2_ref[...])
          + b2_ref[...])
    h2_ref[...] = h2
    log_ref[...] = jnp.dot(h2, wfc_ref[...],
                           preferred_element_type=jnp.float32) + bfc_ref[...]


def _row_spec(shape):
    return pl.BlockSpec(shape, lambda i: (i, 0))


def _full_spec(shape):
    return pl.BlockSpec(shape, lambda i: (0, 0))


_bc_call = pl.pallas_call(
    _bc_body,
    grid=(GRID,),
    in_specs=[
        _row_spec((R, 1)), _row_spec((R, 1)),
        _row_spec((R, D)), _full_spec((D, D)),
    ],
    out_specs=[_row_spec((R, D)), _row_spec((R, 1))],
    out_shape=[jax.ShapeDtypeStruct((N, D), jnp.float32),
               jax.ShapeDtypeStruct((N, 1), jnp.float32)],
)

_mid_call = pl.pallas_call(
    _mid_body,
    grid=(GRID,),
    in_specs=[
        _row_spec((R, D)),
        pl.BlockSpec((R, D), lambda i: (i + NBLK, 0)),
        _row_spec((R, D)), _row_spec((R, 1)),
        _full_spec((D, D)), _full_spec((1, D)),
    ],
    out_specs=[_row_spec((R, D))],
    out_shape=[jax.ShapeDtypeStruct((N, D), jnp.float32)],
)

_fin_call = pl.pallas_call(
    _fin_body,
    grid=(GRID,),
    in_specs=[
        _row_spec((R, D)),
        pl.BlockSpec((R, D), lambda i: (i + NBLK, 0)),
        _row_spec((R, D)), _row_spec((R, 1)),
        _full_spec((1, D)), _full_spec((D, NCLASS)), _full_spec((1, NCLASS)),
    ],
    out_specs=[_row_spec((R, D)), _row_spec((R, NCLASS))],
    out_shape=[jax.ShapeDtypeStruct((N, D), jnp.float32),
               jax.ShapeDtypeStruct((N, NCLASS), jnp.float32)],
)


def kernel(x, edge_index, free_embedding, W1, b1, W2, b2, Wfc, bfc):
    pad_iota = jnp.arange(EPAD, dtype=jnp.int32)
    pad_src = (pad_iota * 79) % N
    pad_dst = N + (pad_iota % (NP - N))
    srcp = jnp.concatenate(
        [edge_index[0], pad_src]).reshape(NW * NCHS, KS)
    dstp = jnp.concatenate(
        [edge_index[1], pad_dst]).reshape(NW * NCHS, KS)
    dst3d = edge_index[1].reshape(NW, NCH, K)

    hist = _deg_kernel(dst3d)
    h0 = hist[0:N].reshape(N, 1)
    h1 = hist[NP:NP + N].reshape(N, 1)

    u1, dinv = _bc_call(h0, h1, free_embedding, W1)
    s1 = _edge_scatter_kernel(u1, srcp, dstp)
    (u2,) = _mid_call(s1, s1, u1, dinv, W2, b1.reshape(1, D))
    s2 = _edge_scatter_kernel(u2, srcp, dstp)
    h2, logits = _fin_call(s2, s2, u2, dinv, b2.reshape(1, D),
                           Wfc, bfc.reshape(1, NCLASS))
    return (logits, h2)

# --- scband reference (transcript-rebuilt; emitter-appended) ---
"""Pipeline reference for scband-gcn-free-embedding-84275848282318 (READ-ONLY COPY).

The authoritative reference and input builder live on the scoring server;
editing this copy changes nothing except your own understanding.
"""

import jax, jax.numpy as jnp
import numpy as np

N = 10000
E = 320000
NFEAT = 128
NHID = 128
NCLASS = 8


def setup_inputs(seed: int = 0):
    key = jax.random.key(seed)
    ks = jax.random.split(key, 9)
    x = jax.random.normal(ks[0], (N, NFEAT), dtype=jnp.float32)
    edge_index = jax.random.randint(ks[1], (2, E), 0, N, dtype=jnp.int32)
    free_embedding = jax.random.normal(ks[2], (N, NFEAT), dtype=jnp.float32) * 0.05
    W1 = jax.random.normal(ks[3], (NFEAT, NHID), dtype=jnp.float32) * (1.0 / np.sqrt(NFEAT))
    b1 = jnp.zeros((NHID,), dtype=jnp.float32)
    W2 = jax.random.normal(ks[4], (NHID, NHID), dtype=jnp.float32) * (1.0 / np.sqrt(NHID))
    b2 = jnp.zeros((NHID,), dtype=jnp.float32)
    Wfc = jax.random.normal(ks[5], (NHID, NCLASS), dtype=jnp.float32) * (1.0 / np.sqrt(NHID))
    bfc = jnp.zeros((NCLASS,), dtype=jnp.float32)
    return {"x": x, "edge_index": edge_index, "free_embedding": free_embedding,
            "W1": W1, "b1": b1, "W2": W2, "b2": b2, "Wfc": Wfc, "bfc": bfc}


def _gcn_forward(x_unused, free_embedding, W1, b1, W2, b2, Wfc, bfc, src, dst):
    # GCN_free_embedding.forward ignores x and runs the body on free_embedding.
    n = free_embedding.shape[0]
    loop = jnp.arange(n, dtype=src.dtype)
    src_sl = jnp.concatenate([src, loop])
    dst_sl = jnp.concatenate([dst, loop])
    deg = jnp.zeros((n,), jnp.float32).at[dst_sl].add(1.0)
    dinv = jnp.where(deg > 0, jax.lax.rsqrt(deg), 0.0)
    norm = dinv[src_sl] * dinv[dst_sl]

    def gcn_conv(h, W, b):
        hw = h @ W
        msg = jnp.take(hw, src_sl, axis=0) * norm[:, None]
        agg = jnp.zeros((n, W.shape[1]), jnp.float32).at[dst_sl].add(msg)
        return agg + b

    # GCN_Body: 2 GCNConv layers, ReLU between (dropout = identity at inference)
    h = jax.nn.relu(gcn_conv(free_embedding, W1, b1))
    h = gcn_conv(h, W2, b2)
    logits = h @ Wfc + bfc
    return (logits, h)


def reference(x, edge_index, free_embedding, W1, b1, W2, b2, Wfc, bfc):
    src = edge_index[0]
    dst = edge_index[1]
    return _gcn_forward(x, free_embedding, W1, b1, W2, b2, Wfc, bfc, src, dst)

if __name__ == "__main__":
    import jax
    _d = setup_inputs()
    print(jax.jit(kernel)(*tuple(_d.values())))

</pallas_src>

<mosaic_0001>
#map = affine_map<(d0, d1) -> (0, 0, 0)>
#map1 = affine_map<(d0, d1) -> (0)>
module attributes {stable_mosaic.version = 14 : i64} {
  func.func @_deg_kernel(%arg0: i32, %arg1: i32, %arg2: memref<32x125x80xi32, #tpu.memory_space<hbm>>, %arg3: memref<20480xf32, #tpu.memory_space<hbm>>, %arg4: memref<125x80xi32, #tpu.memory_space<vmem>>, %arg5: memref<80xf32, #tpu.memory_space<vmem>>, %arg6: memref<640xf32, #tpu.memory_space<vmem>>, %arg7: memref<10240xf32, #tpu.memory_space<vmem_shared>>) attributes {dimension_semantics = [#tpu.dimension_semantics<core_parallel>, #tpu.dimension_semantics<subcore_parallel>], iteration_bounds = array<i64: 2, 16>, scalar_prefetch = 0 : i64, scratch_operands = 4 : i64, tpu.core_type = #tpu.core_type<sc_vector_subcore>, window_params = [{transform_indices = #map}, {transform_indices = #map1}]} {
    %mul3A = arith.constant 16 : i32
    %mul3A_0 = arith.muli %arg0, %mul3A : i32
    %add3A = arith.addi %mul3A_0, %arg1 : i32
    %broadcast_in_dim3A = arith.constant 0.000000e+00 : f32
    %broadcast_in_dim3A_1 = vector.broadcast %broadcast_in_dim3A : f32 to vector<16xf32>
    %broadcast_in_dim3A_2 = arith.constant 1.000000e+00 : f32
    %broadcast_in_dim3A_3 = vector.broadcast %broadcast_in_dim3A_2 : f32 to vector<16xf32>
    %swap3A = arith.constant 0 : index
    %swap3A_4 = tpu.vector_load %arg6[%swap3A] {strides = array<i32>} : memref<640xf32, #tpu.memory_space<vmem>>, vector<16xf32>,
    %swap3A_5 = vector.shape_cast %swap3A_4 : vector<16xf32> to vector<16xf32>
    %swap3A_6 = vector.shape_cast %broadcast_in_dim3A_1 : vector<16xf32> to vector<16xf32>
    tpu.vector_store %arg6[%swap3A], %swap3A_6 {strides = array<i32>} : memref<640xf32, #tpu.memory_space<vmem>>, vector<16xf32>,
    %swap3A_7 = arith.constant 16 : index
    %swap3A_8 = tpu.vector_load %arg6[%swap3A_7] {strides = array<i32>} : memref<640xf32, #tpu.memory_space<vmem>>, vector<16xf32>,
    %swap3A_9 = vector.shape_cast %swap3A_8 : vector<16xf32> to vector<16xf32>
    %swap3A_10 = vector.shape_cast %broadcast_in_dim3A_1 : vector<16xf32> to vector<16xf32>
    tpu.vector_store %arg6[%swap3A_7], %swap3A_10 {strides = array<i32>} : memref<640xf32, #tpu.memory_space<vmem>>, vector<16xf32>,
    %swap3A_11 = arith.constant 32 : index
    %swap3A_12 = tpu.vector_load %arg6[%swap3A_11] {strides = array<i32>} : memref<640xf32, #tpu.memory_space<vmem>>, vector<16xf32>,
    %swap3A_13 = vector.shape_cast %swap3A_12 : vector<16xf32> to vector<16xf32>
    %swap3A_14 = vector.shape_cast %broadcast_in_dim3A_1 : vector<16xf32> to vector<16xf32>
    tpu.vector_store %arg6[%swap3A_11], %swap3A_14 {strides = array<i32>} : memref<640xf32, #tpu.memory_space<vmem>>, vector<16xf32>,
    %swap3A_15 = arith.constant 48 : index
    %swap3A_16 = tpu.vector_load %arg6[%swap3A_15] {strides = array<i32>} : memref<640xf32, #tpu.memory_space<vmem>>, vector<16xf32>,
    %swap3A_17 = vector.shape_cast %swap3A_16 : vector<16xf32> to vector<16xf32>
    %swap3A_18 = vector.shape_cast %broadcast_in_dim3A_1 : vector<16xf32> to vector<16xf32>
    tpu.vector_store %arg6[%swap3A_15], %swap3A_18 {strides = array<i32>} : memref<640xf32, #tpu.memory_space<vmem>>, vector<16xf32>,
    %swap3A_19 = arith.constant 64 : index
    %swap3A_20 = tpu.vector_load %arg6[%swap3A_19] {strides = array<i32>} : memref<640xf32, #tpu.memory_space<vmem>>, vector<16xf32>,
    %swap3A_21 = vector.shape_cast %swap3A_20 : vector<16xf32> to vector<16xf32>
    %swap3A_22 = vector.shape_cast %broadcast_in_dim3A_1 : vector<16xf32> to vector<16xf32>
    tpu.vector_store %arg6[%swap3A_19], %swap3A_22 {strides = array<i32>} : memref<640xf32, #tpu.memory_space<vmem>>, vector<16xf32>,
    %swap3A_23 = arith.constant 80 : index
    %swap3A_24 = tpu.vector_load %arg6[%swap3A_23] {strides = array<i32>} : memref<640xf32, #tpu.memory_space<vmem>>, vector<16xf32>,
    %swap3A_25 = vector.shape_cast %swap3A_24 : vector<16xf32> to vector<16xf32>
    %swap3A_26 = vector.shape_cast %broadcast_in_dim3A_1 : vector<16xf32> to vector<16xf32>
    tpu.vector_store %arg6[%swap3A_23], %swap3A_26 {strides = array<i32>} : memref<640xf32, #tpu.memory_space<vmem>>, vector<16xf32>,
    %swap3A_27 = arith.constant 96 : index
    %swap3A_28 = tpu.vector_load %arg6[%swap3A_27] {strides = array<i32>} : memref<640xf32, #tpu.memory_space<vmem>>, vector<16xf32>,
    %swap3A_29 = vector.shape_cast %swap3A_28 : vector<16xf32> to vector<16xf32>
    %swap3A_30 = vector.shape_cast %broadcast_in_dim3A_1 : vector<16xf32> to vector<16xf32>
    tpu.vector_store %arg6[%swap3A_27], %swap3A_30 {strides = array<i32>} : memref<640xf32, #tpu.memory_space<vmem>>, vector<16xf32>,
    %swap3A_31 = arith.constant 112 : index
    %swap3A_32 = tpu.vector_load %arg6[%swap3A_31] {strides = array<i32>} : memref<640xf32, #tpu.memory_space<vmem>>, vector<16xf32>,
    %swap3A_33 = vector.shape_cast %swap3A_32 : vector<16xf32> to vector<16xf32>
    %swap3A_34 = vector.shape_cast %broadcast_in_dim3A_1 : vector<16xf32> to vector<16xf32>
    tpu.vector_store %arg6[%swap3A_31], %swap3A_34 {strides = array<i32>} : memref<640xf32, #tpu.memory_space<vmem>>, vector<16xf32>,
    %swap3A_35 = arith.constant 128 : index
    %swap3A_36 = tpu.vector_load %arg6[%swap3A_35] {strides = array<i32>} : memref<640xf32, #tpu.memory_space<vmem>>, vector<16xf32>,
    %swap3A_37 = vector.shape_cast %swap3A_36 : vector<16xf32> to vector<16xf32>
    %swap3A_38 = vector.shape_cast %broadcast_in_dim3A_1 : vector<16xf32> to vector<16xf32>
    tpu.vector_store %arg6[%swap3A_35], %swap3A_38 {strides = array<i32>} : memref<640xf32, #tpu.memory_space<vmem>>, vector<16xf32>,
    %swap3A_39 = arith.constant 144 : index
    %swap3A_40 = tpu.vector_load %arg6[%swap3A_39] {strides = array<i32>} : memref<640xf32, #tpu.memory_space<vmem>>, vector<16xf32>,
    %swap3A_41 = vector.shape_cast %swap3A_40 : vector<16xf32> to vector<16xf32>
    %swap3A_42 = vector.shape_cast %broadcast_in_dim3A_1 : vector<16xf32> to vector<16xf32>
    tpu.vector_store %arg6[%swap3A_39], %swap3A_42 {strides = array<i32>} : memref<640xf32, #tpu.memory_space<vmem>>, vector<16xf32>,
    %swap3A_43 = arith.constant 160 : index
    %swap3A_44 = tpu.vector_load %arg6[%swap3A_43] {strides = array<i32>} : memref<640xf32, #tpu.memory_space<vmem>>, vector<16xf32>,
    %swap3A_45 = vector.shape_cast %swap3A_44 : vector<16xf32> to vector<16xf32>
    %swap3A_46 = vector.shape_cast %broadcast_in_dim3A_1 : vector<16xf32> to vector<16xf32>
    tpu.vector_store %arg6[%swap3A_43], %swap3A_46 {strides = array<i32>} : memref<640xf32, #tpu.memory_space<vmem>>, vector<16xf32>,
    %swap3A_47 = arith.constant 176 : index
    %swap3A_48 = tpu.vector_load %arg6[%swap3A_47] {strides = array<i32>} : memref<640xf32, #tpu.memory_space<vmem>>, vector<16xf32>,
    %swap3A_49 = vector.shape_cast %swap3A_48 : vector<16xf32> to vector<16xf32>
    %swap3A_50 = vector.shape_cast %broadcast_in_dim3A_1 : vector<16xf32> to vector<16xf32>
    tpu.vector_store %arg6[%swap3A_47], %swap3A_50 {strides = array<i32>} : memref<640xf32, #tpu.memory_space<vmem>>, vector<16xf32>,
    %swap3A_51 = arith.constant 192 : index
    %swap3A_52 = tpu.vector_load %arg6[%swap3A_51] {strides = array<i32>} : memref<640xf32, #tpu.memory_space<vmem>>, vector<16xf32>,
    %swap3A_53 = vector.shape_cast %swap3A_52 : vector<16xf32> to vector<16xf32>
    %swap3A_54 = vector.shape_cast %broadcast_in_dim3A_1 : vector<16xf32> to vector<16xf32>
    tpu.vector_store %arg6[%swap3A_51], %swap3A_54 {strides = array<i32>} : memref<640xf32, #tpu.memory_space<vmem>>, vector<16xf32>,
    %swap3A_55 = arith.constant 208 : index
    %swap3A_56 = tpu.vector_load %arg6[%swap3A_55] {strides = array<i32>} : memref<640xf32, #tpu.memory_space<vmem>>, vector<16xf32>,
    %swap3A_57 = vector.shape_cast %swap3A_56 : vector<16xf32> to vector<16xf32>
    %swap3A_58 = vector.shape_cast %broadcast_in_dim3A_1 : vector<16xf32> to vector<16xf32>
    tpu.vector_store %arg6[%swap3A_55], %swap3A_58 {strides = array<i32>} : memref<640xf32, #tpu.memory_space<vmem>>, vector<16xf32>,
    %swap3A_59 = arith.constant 224 : index
    %swap3A_60 = tpu.vector_load %arg6[%swap3A_59] {strides = array<i32>} : memref<640xf32, #tpu.memory_space<vmem>>, vector<16xf32>,
    %swap3A_61 = vector.shape_cast %swap3A_60 : vector<16xf32> to vector<16xf32>
    %swap3A_62 = vector.shape_cast %broadcast_in_dim3A_1 : vector<16xf32> to vector<16xf32>
    tpu.vector_store %arg6[%swap3A_59], %swap3A_62 {strides = array<i32>} : memref<640xf32, #tpu.memory_space<vmem>>, vector<16xf32>,
    %swap3A_63 = arith.constant 240 : index
    %swap3A_64 = tpu.vector_load %arg6[%swap3A_63] {strides = array<i32>} : memref<640xf32, #tpu.memory_space<vmem>>, vector<16xf32>,
    %swap3A_65 = vector.shape_cast %swap3A_64 : vector<16xf32> to vector<16xf32>
    %swap3A_66 = vector.shape_cast %broadcast_in_dim3A_1 : vector<16xf32> to vector<16xf32>
    tpu.vector_store %arg6[%swap3A_63], %swap3A_66 {strides = array<i32>} : memref<640xf32, #tpu.memory_space<vmem>>, vector<16xf32>,
    %swap3A_67 = arith.constant 256 : index
    %swap3A_68 = tpu.vector_load %arg6[%swap3A_67] {strides = array<i32>} : memref<640xf32, #tpu.memory_space<vmem>>, vector<16xf32>,
    %swap3A_69 = vector.shape_cast %swap3A_68 : vector<16xf32> to vector<16xf32>
    %swap3A_70 = vector.shape_cast %broadcast_in_dim3A_1 : vector<16xf32> to vector<16xf32>
    tpu.vector_store %arg6[%swap3A_67], %swap3A_70 {strides = array<i32>} : memref<640xf32, #tpu.memory_space<vmem>>, vector<16xf32>,
    %swap3A_71 = arith.constant 272 : index
    %swap3A_72 = tpu.vector_load %arg6[%swap3A_71] {strides = array<i32>} : memref<640xf32, #tpu.memory_space<vmem>>, vector<16xf32>,
    %swap3A_73 = vector.shape_cast %swap3A_72 : vector<16xf32> to vector<16xf32>
    %swap3A_74 = vector.shape_cast %broadcast_in_dim3A_1 : vector<16xf32> to vector<16xf32>
    tpu.vector_store %arg6[%swap3A_71], %swap3A_74 {strides = array<i32>} : memref<640xf32, #tpu.memory_space<vmem>>, vector<16xf32>,
    %swap3A_75 = arith.constant 288 : index
    %swap3A_76 = tpu.vector_load %arg6[%swap3A_75] {strides = array<i32>} : memref<640xf32, #tpu.memory_space<vmem>>, vector<16xf32>,
    %swap3A_77 = vector.shape_cast %swap3A_76 : vector<16xf32> to vector<16xf32>
    %swap3A_78 = vector.shape_cast %broadcast_in_dim3A_1 : vector<16xf32> to vector<16xf32>
    tpu.vector_store %arg6[%swap3A_75], %swap3A_78 {strides = array<i32>} : memref<640xf32, #tpu.memory_space<vmem>>, vector<16xf32>,
    %swap3A_79 = arith.constant 304 : index
    %swap3A_80 = tpu.vector_load %arg6[%swap3A_79] {strides = array<i32>} : memref<640xf32, #tpu.memory_space<vmem>>, vector<16xf32>,
    %swap3A_81 = vector.shape_cast %swap3A_80 : vector<16xf32> to vector<16xf32>
    %swap3A_82 = vector.shape_cast %broadcast_in_dim3A_1 : vector<16xf32> to vector<16xf32>
    tpu.vector_store %arg6[%swap3A_79], %swap3A_82 {strides = array<i32>} : memref<640xf32, #tpu.memory_space<vmem>>, vector<16xf32>,
    %swap3A_83 = arith.constant 320 : index
    %swap3A_84 = tpu.vector_load %arg6[%swap3A_83] {strides = array<i32>} : memref<640xf32, #tpu.memory_space<vmem>>, vector<16xf32>,
    %swap3A_85 = vector.shape_cast %swap3A_84 : vector<16xf32> to vector<16xf32>
    %swap3A_86 = vector.shape_cast %broadcast_in_dim3A_1 : vector<16xf32> to vector<16xf32>
    tpu.vector_store %arg6[%swap3A_83], %swap3A_86 {strides = array<i32>} : memref<640xf32, #tpu.memory_space<vmem>>, vector<16xf32>,
    %swap3A_87 = arith.constant 336 : index
    %swap3A_88 = tpu.vector_load %arg6[%swap3A_87] {strides = array<i32>} : memref<640xf32, #tpu.memory_space<vmem>>, vector<16xf32>,
    %swap3A_89 = vector.shape_cast %swap3A_88 : vector<16xf32> to vector<16xf32>
    %swap3A_90 = vector.shape_cast %broadcast_in_dim3A_1 : vector<16xf32> to vector<16xf32>
    tpu.vector_store %arg6[%swap3A_87], %swap3A_90 {strides = array<i32>} : memref<640xf32, #tpu.memory_space<vmem>>, vector<16xf32>,
    %swap3A_91 = arith.constant 352 : index
    %swap3A_92 = tpu.vector_load %arg6[%swap3A_91] {strides = array<i32>} : memref<640xf32, #tpu.memory_space<vmem>>, vector<16xf32>,
    %swap3A_93 = vector.shape_cast %swap3A_92 : vector<16xf32> to vector<16xf32>
    %swap3A_94 = vector.shape_cast %broadcast_in_dim3A_1 : vector<16xf32> to vector<16xf32>
    tpu.vector_store %arg6[%swap3A_91], %swap3A_94 {strides = array<i32>} : memref<640xf32, #tpu.memory_space<vmem>>, vector<16xf32>,
    %swap3A_95 = arith.constant 368 : index
    %swap3A_96 = tpu.vector_load %arg6[%swap3A_95] {strides = array<i32>} : memref<640xf32, #tpu.memory_space<vmem>>, vector<16xf32>,
    %swap3A_97 = vector.shape_cast %swap3A_96 : vector<16xf32> to vector<16xf32>
    %swap3A_98 = vector.shape_cast %broadcast_in_dim3A_1 : vector<16xf32> to vector<16xf32>
    tpu.vector_store %arg6[%swap3A_95], %swap3A_98 {strides = array<i32>} : memref<640xf32, #tpu.memory_space<vmem>>, vector<16xf32>,
    %swap3A_99 = arith.constant 384 : index
    %swap3A_100 = tpu.vector_load %arg6[%swap3A_99] {strides = array<i32>} : memref<640xf32, #tpu.memory_space<vmem>>, vector<16xf32>,
    %swap3A_101 = vector.shape_cast %swap3A_100 : vector<16xf32> to vector<16xf32>
    %swap3A_102 = vector.shape_cast %broadcast_in_dim3A_1 : vector<16xf32> to vector<16xf32>
    tpu.vector_store %arg6[%swap3A_99], %swap3A_102 {strides = array<i32>} : memref<640xf32, #tpu.memory_space<vmem>>, vector<16xf32>,
    %swap3A_103 = arith.constant 400 : index
    %swap3A_104 = tpu.vector_load %arg6[%swap3A_103] {strides = array<i32>} : memref<640xf32, #tpu.memory_space<vmem>>, vector<16xf32>,
    %swap3A_105 = vector.shape_cast %swap3A_104 : vector<16xf32> to vector<16xf32>
    %swap3A_106 = vector.shape_cast %broadcast_in_dim3A_1 : vector<16xf32> to vector<16xf32>
    tpu.vector_store %arg6[%swap3A_103], %swap3A_106 {strides = array<i32>} : memref<640xf32, #tpu.memory_space<vmem>>, vector<16xf32>,
    %swap3A_107 = arith.constant 416 : index
    %swap3A_108 = tpu.vector_load %arg6[%swap3A_107] {strides = array<i32>} : memref<640xf32, #tpu.memory_space<vmem>>, vector<16xf32>,
    %swap3A_109 = vector.shape_cast %swap3A_108 : vector<16xf32> to vector<16xf32>
    %swap3A_110 = vector.shape_cast %broadcast_in_dim3A_1 : vector<16xf32> to vector<16xf32>
    tpu.vector_store %arg6[%swap3A_107], %swap3A_110 {strides = array<i32>} : memref<640xf32, #tpu.memory_space<vmem>>, vector<16xf32>,
    %swap3A_111 = arith.constant 432 : index
    %swap3A_112 = tpu.vector_load %arg6[%swap3A_111] {strides = array<i32>} : memref<640xf32, #tpu.memory_space<vmem>>, vector<16xf32>,
    %swap3A_113 = vector.shape_cast %swap3A_112 : vector<16xf32> to vector<16xf32>
    %swap3A_114 = vector.shape_cast %broadcast_in_dim3A_1 : vector<16xf32> to vector<16xf32>
    tpu.vector_store %arg6[%swap3A_111], %swap3A_114 {strides = array<i32>} : memref<640xf32, #tpu.memory_space<vmem>>, vector<16xf32>,
    %swap3A_115 = arith.constant 448 : index
    %swap3A_116 = tpu.vector_load %arg6[%swap3A_115] {strides = array<i32>} : memref<640xf32, #tpu.memory_space<vmem>>, vector<16xf32>,
    %swap3A_117 = vector.shape_cast %swap3A_116 : vector<16xf32> to vector<16xf32>
    %swap3A_118 = vector.shape_cast %broadcast_in_dim3A_1 : vector<16xf32> to vector<16xf32>
    tpu.vector_store %arg6[%swap3A_115], %swap3A_118 {strides = array<i32>} : memref<640xf32, #tpu.memory_space<vmem>>, vector<16xf32>,
    %swap3A_119 = arith.constant 464 : index
    %swap3A_120 = tpu.vector_load %arg6[%swap3A_119] {strides = array<i32>} : memref<640xf32, #tpu.memory_space<vmem>>, vector<16xf32>,
    %swap3A_121 = vector.shape_cast %swap3A_120 : vector<16xf32> to vector<16xf32>
    %swap3A_122 = vector.shape_cast %broadcast_in_dim3A_1 : vector<16xf32> to vector<16xf32>
    tpu.vector_store %arg6[%swap3A_119], %swap3A_122 {strides = array<i32>} : memref<640xf32, #tpu.memory_space<vmem>>, vector<16xf32>,
    %swap3A_123 = arith.constant 480 : index
    %swap3A_124 = tpu.vector_load %arg6[%swap3A_123] {strides = array<i32>} : memref<640xf32, #tpu.memory_space<vmem>>, vector<16xf32>,
    %swap3A_125 = vector.shape_cast %swap3A_124 : vector<16xf32> to vector<16xf32>
    %swap3A_126 = vector.shape_cast %broadcast_in_dim3A_1 : vector<16xf32> to vector<16xf32>
    tpu.vector_store %arg6[%swap3A_123], %swap3A_126 {strides = array<i32>} : memref<640xf32, #tpu.memory_space<vmem>>, vector<16xf32>,
    %swap3A_127 = arith.constant 496 : index
    %swap3A_128 = tpu.vector_load %arg6[%swap3A_127] {strides = array<i32>} : memref<640xf32, #tpu.memory_space<vmem>>, vector<16xf32>,
    %swap3A_129 = vector.shape_cast %swap3A_128 : vector<16xf32> to vector<16xf32>
    %swap3A_130 = vector.shape_cast %broadcast_in_dim3A_1 : vector<16xf32> to vector<16xf32>
    tpu.vector_store %arg6[%swap3A_127], %swap3A_130 {strides = array<i32>} : memref<640xf32, #tpu.memory_space<vmem>>, vector<16xf32>,
    %swap3A_131 = arith.constant 512 : index
    %swap3A_132 = tpu.vector_load %arg6[%swap3A_131] {strides = array<i32>} : memref<640xf32, #tpu.memory_space<vmem>>, vector<16xf32>,
    %swap3A_133 = vector.shape_cast %swap3A_132 : vector<16xf32> to vector<16xf32>
    %swap3A_134 = vector.shape_cast %broadcast_in_dim3A_1 : vector<16xf32> to vector<16xf32>
    tpu.vector_store %arg6[%swap3A_131], %swap3A_134 {strides = array<i32>} : memref<640xf32, #tpu.memory_space<vmem>>, vector<16xf32>,
    %swap3A_135 = arith.constant 528 : index
    %swap3A_136 = tpu.vector_load %arg6[%swap3A_135] {strides = array<i32>} : memref<640xf32, #tpu.memory_space<vmem>>, vector<16xf32>,
    %swap3A_137 = vector.shape_cast %swap3A_136 : vector<16xf32> to vector<16xf32>
    %swap3A_138 = vector.shape_cast %broadcast_in_dim3A_1 : vector<16xf32> to vector<16xf32>
    tpu.vector_store %arg6[%swap3A_135], %swap3A_138 {strides = array<i32>} : memref<640xf32, #tpu.memory_space<vmem>>, vector<16xf32>,
    %swap3A_139 = arith.constant 544 : index
    %swap3A_140 = tpu.vector_load %arg6[%swap3A_139] {strides = array<i32>} : memref<640xf32, #tpu.memory_space<vmem>>, vector<16xf32>,
    %swap3A_141 = vector.shape_cast %swap3A_140 : vector<16xf32> to vector<16xf32>
    %swap3A_142 = vector.shape_cast %broadcast_in_dim3A_1 : vector<16xf32> to vector<16xf32>
    tpu.vector_store %arg6[%swap3A_139], %swap3A_142 {strides = array<i32>} : memref<640xf32, #tpu.memory_space<vmem>>, vector<16xf32>,
    %swap3A_143 = arith.constant 560 : index
    %swap3A_144 = tpu.vector_load %arg6[%swap3A_143] {strides = array<i32>} : memref<640xf32, #tpu.memory_space<vmem>>, vector<16xf32>,
    %swap3A_145 = vector.shape_cast %swap3A_144 : vector<16xf32> to vector<16xf32>
    %swap3A_146 = vector.shape_cast %broadcast_in_dim3A_1 : vector<16xf32> to vector<16xf32>
    tpu.vector_store %arg6[%swap3A_143], %swap3A_146 {strides = array<i32>} : memref<640xf32, #tpu.memory_space<vmem>>, vector<16xf32>,
    %swap3A_147 = arith.constant 576 : index
    %swap3A_148 = tpu.vector_load %arg6[%swap3A_147] {strides = array<i32>} : memref<640xf32, #tpu.memory_space<vmem>>, vector<16xf32>,
    %swap3A_149 = vector.shape_cast %swap3A_148 : vector<16xf32> to vector<16xf32>
    %swap3A_150 = vector.shape_cast %broadcast_in_dim3A_1 : vector<16xf32> to vector<16xf32>
    tpu.vector_store %arg6[%swap3A_147], %swap3A_150 {strides = array<i32>} : memref<640xf32, #tpu.memory_space<vmem>>, vector<16xf32>,
    %swap3A_151 = arith.constant 592 : index
    %swap3A_152 = tpu.vector_load %arg6[%swap3A_151] {strides = array<i32>} : memref<640xf32, #tpu.memory_space<vmem>>, vector<16xf32>,
    %swap3A_153 = vector.shape_cast %swap3A_152 : vector<16xf32> to vector<16xf32>
    %swap3A_154 = vector.shape_cast %broadcast_in_dim3A_1 : vector<16xf32> to vector<16xf32>
    tpu.vector_store %arg6[%swap3A_151], %swap3A_154 {strides = array<i32>} : memref<640xf32, #tpu.memory_space<vmem>>, vector<16xf32>,
    %swap3A_155 = arith.constant 608 : index
    %swap3A_156 = tpu.vector_load %arg6[%swap3A_155] {strides = array<i32>} : memref<640xf32, #tpu.memory_space<vmem>>, vector<16xf32>,
    %swap3A_157 = vector.shape_cast %swap3A_156 : vector<16xf32> to vector<16xf32>
    %swap3A_158 = vector.shape_cast %broadcast_in_dim3A_1 : vector<16xf32> to vector<16xf32>
    tpu.vector_store %arg6[%swap3A_155], %swap3A_158 {strides = array<i32>} : memref<640xf32, #tpu.memory_space<vmem>>, vector<16xf32>,
    %swap3A_159 = arith.constant 624 : index
    %swap3A_160 = tpu.vector_load %arg6[%swap3A_159] {strides = array<i32>} : memref<640xf32, #tpu.memory_space<vmem>>, vector<16xf32>,
    %swap3A_161 = vector.shape_cast %swap3A_160 : vector<16xf32> to vector<16xf32>
    %swap3A_162 = vector.shape_cast %broadcast_in_dim3A_1 : vector<16xf32> to vector<16xf32>
    tpu.vector_store %arg6[%swap3A_159], %swap3A_162 {strides = array<i32>} : memref<640xf32, #tpu.memory_space<vmem>>, vector<16xf32>,
    %swap3A_163 = arith.constant 0 : index
    %swap3A_164 = tpu.vector_load %arg5[%swap3A_163] {strides = array<i32>} : memref<80xf32, #tpu.memory_space<vmem>>, vector<16xf32>,
    %swap3A_165 = vector.shape_cast %swap3A_164 : vector<16xf32> to vector<16xf32>
    %swap3A_166 = vector.shape_cast %broadcast_in_dim3A_3 : vector<16xf32> to vector<16xf32>
    tpu.vector_store %arg5[%swap3A_163], %swap3A_166 {strides = array<i32>} : memref<80xf32, #tpu.memory_space<vmem>>, vector<16xf32>,
    %swap3A_167 = arith.constant 16 : index
    %swap3A_168 = tpu.vector_load %arg5[%swap3A_167] {strides = array<i32>} : memref<80xf32, #tpu.memory_space<vmem>>, vector<16xf32>,
    %swap3A_169 = vector.shape_cast %swap3A_168 : vector<16xf32> to vector<16xf32>
    %swap3A_170 = vector.shape_cast %broadcast_in_dim3A_3 : vector<16xf32> to vector<16xf32>
    tpu.vector_store %arg5[%swap3A_167], %swap3A_170 {strides = array<i32>} : memref<80xf32, #tpu.memory_space<vmem>>, vector<16xf32>,
    %swap3A_171 = arith.constant 32 : index
    %swap3A_172 = tpu.vector_load %arg5[%swap3A_171] {strides = array<i32>} : memref<80xf32, #tpu.memory_space<vmem>>, vector<16xf32>,
    %swap3A_173 = vector.shape_cast %swap3A_172 : vector<16xf32> to vector<16xf32>
    %swap3A_174 = vector.shape_cast %broadcast_in_dim3A_3 : vector<16xf32> to vector<16xf32>
    tpu.vector_store %arg5[%swap3A_171], %swap3A_174 {strides = array<i32>} : memref<80xf32, #tpu.memory_space<vmem>>, vector<16xf32>,
    %swap3A_175 = arith.constant 48 : index
    %swap3A_176 = tpu.vector_load %arg5[%swap3A_175] {strides = array<i32>} : memref<80xf32, #tpu.memory_space<vmem>>, vector<16xf32>,
    %swap3A_177 = vector.shape_cast %swap3A_176 : vector<16xf32> to vector<16xf32>
    %swap3A_178 = vector.shape_cast %broadcast_in_dim3A_3 : vector<16xf32> to vector<16xf32>
    tpu.vector_store %arg5[%swap3A_175], %swap3A_178 {strides = array<i32>} : memref<80xf32, #tpu.memory_space<vmem>>, vector<16xf32>,
    %swap3A_179 = arith.constant 64 : index
    %swap3A_180 = tpu.vector_load %arg5[%swap3A_179] {strides = array<i32>} : memref<80xf32, #tpu.memory_space<vmem>>, vector<16xf32>,
    %swap3A_181 = vector.shape_cast %swap3A_180 : vector<16xf32> to vector<16xf32>
    %swap3A_182 = vector.shape_cast %broadcast_in_dim3A_3 : vector<16xf32> to vector<16xf32>
    tpu.vector_store %arg5[%swap3A_179], %swap3A_182 {strides = array<i32>} : memref<80xf32, #tpu.memory_space<vmem>>, vector<16xf32>,
    %mul3A_183 = arith.constant 640 : i32
    %mul3A_184 = arith.muli %arg1, %mul3A_183 : i32
    "tpu.region"() ({
      %run_scoped3A = tpu.sem_alloc : memref<!tpu.dma_semaphore, #tpu.memory_space<semaphore_mem>>
      %dma_start3A = tpu.memref_slice %arg7[%mul3A_184] : memref<10240xf32, #tpu.memory_space<vmem_shared>> -> memref<640xf32, #tpu.memory_space<vmem_shared>>
      %dma_start3A_198 = tpu.memref_slice %arg7[%mul3A_184] : memref<10240xf32, #tpu.memory_space<vmem_shared>> -> memref<640xf32, #tpu.memory_space<vmem_shared>>
      tpu.enqueue_dma source(%arg6 : memref<640xf32, #tpu.memory_space<vmem>>) target(%dma_start3A_198 : memref<640xf32, #tpu.memory_space<vmem_shared>>) target_semaphore(%run_scoped3A : memref<!tpu.dma_semaphore, #tpu.memory_space<semaphore_mem>>)
      %dma_wait3A = tpu.memref_slice %arg7[%mul3A_184] : memref<10240xf32, #tpu.memory_space<vmem_shared>> -> memref<640xf32, #tpu.memory_space<vmem_shared>>
      %dma_wait3A_199 = tpu.memref_slice %arg7[%mul3A_184] : memref<10240xf32, #tpu.memory_space<vmem_shared>> -> memref<640xf32, #tpu.memory_space<vmem_shared>>
      tpu.wait_dma2 semaphore(%run_scoped3A : memref<!tpu.dma_semaphore, #tpu.memory_space<semaphore_mem>>) src(%arg6 : memref<640xf32, #tpu.memory_space<vmem>>) dst(%dma_wait3A_199 : memref<640xf32, #tpu.memory_space<vmem_shared>>)
      tpu.yield
    }) : () -> ()
    "tpu.region"() ({
      %run_scoped3A = tpu.sem_alloc : memref<!tpu.dma_semaphore, #tpu.memory_space<semaphore_mem>>
      %dma_start3A = arith.constant 0 : i32
      %dma_start3A_198 = arith.constant 0 : i32
      %dma_start3A_199 = tpu.memref_slice %arg2[%add3A, %dma_start3A, %dma_start3A_198] : memref<32x125x80xi32, #tpu.memory_space<hbm>> -> memref<1x125x80xi32, #tpu.memory_space<hbm>>
      %dma_start3A_200 = tpu.memref_squeeze %dma_start3A_199 : memref<1x125x80xi32, #tpu.memory_space<hbm>> -> memref<125x80xi32, #tpu.memory_space<hbm>>
      %dma_start3A_201 = arith.constant 0 : i32
      %dma_start3A_202 = arith.constant 0 : i32
      %dma_start3A_203 = tpu.memref_slice %arg2[%add3A, %dma_start3A_201, %dma_start3A_202] : memref<32x125x80xi32, #tpu.memory_space<hbm>> -> memref<1x125x80xi32, #tpu.memory_space<hbm>>
      %dma_start3A_204 = tpu.memref_squeeze %dma_start3A_203 : memref<1x125x80xi32, #tpu.memory_space<hbm>> -> memref<125x80xi32, #tpu.memory_space<hbm>>
      tpu.enqueue_dma source(%dma_start3A_204 : memref<125x80xi32, #tpu.memory_space<hbm>>) target(%arg4 : memref<125x80xi32, #tpu.memory_space<vmem>>) target_semaphore(%run_scoped3A : memref<!tpu.dma_semaphore, #tpu.memory_space<semaphore_mem>>)
      %dma_wait3A = arith.constant 0 : i32
      %dma_wait3A_205 = arith.constant 0 : i32
      %dma_wait3A_206 = tpu.memref_slice %arg2[%add3A, %dma_wait3A, %dma_wait3A_205] : memref<32x125x80xi32, #tpu.memory_space<hbm>> -> memref<1x125x80xi32, #tpu.memory_space<hbm>>
      %dma_wait3A_207 = tpu.memref_squeeze %dma_wait3A_206 : memref<1x125x80xi32, #tpu.memory_space<hbm>> -> memref<125x80xi32, #tpu.memory_space<hbm>>
      %dma_wait3A_208 = arith.constant 0 : i32
      %dma_wait3A_209 = arith.constant 0 : i32
      %dma_wait3A_210 = tpu.memref_slice %arg2[%add3A, %dma_wait3A_208, %dma_wait3A_209] : memref<32x125x80xi32, #tpu.memory_space<hbm>> -> memref<1x125x80xi32, #tpu.memory_space<hbm>>
      %dma_wait3A_211 = tpu.memref_squeeze %dma_wait3A_210 : memref<1x125x80xi32, #tpu.memory_space<hbm>> -> memref<125x80xi32, #tpu.memory_space<hbm>>
      tpu.wait_dma2 semaphore(%run_scoped3A : memref<!tpu.dma_semaphore, #tpu.memory_space<semaphore_mem>>) src(%dma_wait3A_211 : memref<125x80xi32, #tpu.memory_space<hbm>>) dst(%arg4 : memref<125x80xi32, #tpu.memory_space<vmem>>)
      tpu.yield
    }) : () -> ()
    %barrier3A = arith.constant 0 : index
    tpu.barrier barrier_id(%barrier3A)
    %scan3A = arith.constant 0 : i32
    %scan3A_185 = arith.constant 0 : i32
    %scan3A_186 = arith.constant 125 : i32
    %scan3A_187 = arith.addi %scan3A_185, %scan3A_186 : i32
    %scan3A_188 = arith.constant 1 : i32
    scf.for %scan3A_198 = %scan3A_185 to %scan3A_187 step %scan3A_188  : i32 {
      "tpu.region"() ({
        %run_scoped3A = tpu.sem_alloc : memref<!tpu.dma_semaphore, #tpu.memory_space<semaphore_mem>>
        %dma_start3A = arith.constant 0 : i32
        %dma_start3A_199 = tpu.memref_slice %arg4[%scan3A_198, %dma_start3A] : memref<125x80xi32, #tpu.memory_space<vmem>> -> memref<1x80xi32, #tpu.memory_space<vmem>>
        %dma_start3A_200 = tpu.memref_squeeze %dma_start3A_199 : memref<1x80xi32, #tpu.memory_space<vmem>> -> memref<80xi32, #tpu.memory_space<vmem>>
        %dma_start3A_201 = arith.constant 0 : i32
        %dma_start3A_202 = tpu.memref_slice %arg7[%dma_start3A_201] : memref<10240xf32, #tpu.memory_space<vmem_shared>> -> memref<10240xf32, #tpu.memory_space<vmem_shared>>
        tpu.enqueue_indirect_dma source(%arg5 : memref<80xf32, #tpu.memory_space<vmem>>) target(%dma_start3A_202 : memref<10240xf32, #tpu.memory_space<vmem_shared>>) offsets(%dma_start3A_200 : memref<80xi32, #tpu.memory_space<vmem>>) semaphore(%run_scoped3A : memref<!tpu.dma_semaphore, #tpu.memory_space<semaphore_mem>>) {add = true}
        %dma_wait3A = arith.constant 0 : i32
        %dma_wait3A_203 = tpu.memref_slice %arg4[%scan3A_198, %dma_wait3A] : memref<125x80xi32, #tpu.memory_space<vmem>> -> memref<1x80xi32, #tpu.memory_space<vmem>>
        %dma_wait3A_204 = tpu.memref_squeeze %dma_wait3A_203 : memref<1x80xi32, #tpu.memory_space<vmem>> -> memref<80xi32, #tpu.memory_space<vmem>>
        %dma_wait3A_205 = arith.constant 0 : i32
        %dma_wait3A_206 = tpu.memref_slice %arg7[%dma_wait3A_205] : memref<10240xf32, #tpu.memory_space<vmem_shared>> -> memref<10240xf32, #tpu.memory_space<vmem_shared>>
        tpu.wait_indirect_dma semaphore(%run_scoped3A : memref<!tpu.dma_semaphore, #tpu.memory_space<semaphore_mem>>) src(%arg5 : memref<80xf32, #tpu.memory_space<vmem>>) dst(%dma_wait3A_206 : memref<10240xf32, #tpu.memory_space<vmem_shared>>)
        tpu.yield
      }) : () -> ()
    }
    %scan3A_189 = arith.constant 125 : i32
    %barrier3A_190 = arith.constant 0 : index
    tpu.barrier barrier_id(%barrier3A_190)
    %mul3A_191 = arith.constant 640 : i32
    %mul3A_192 = arith.muli %arg1, %mul3A_191 : i32
    %mul3A_193 = arith.constant 10240 : i32
    %mul3A_194 = arith.muli %arg0, %mul3A_193 : i32
    %mul3A_195 = arith.constant 640 : i32
    %mul3A_196 = arith.muli %arg1, %mul3A_195 : i32
    %add3A_197 = arith.addi %mul3A_194, %mul3A_196 : i32
    "tpu.region"() ({
      %run_scoped3A = tpu.sem_alloc : memref<!tpu.dma_semaphore, #tpu.memory_space<semaphore_mem>>
      %dma_start3A = tpu.memref_slice %arg3[%add3A_197] : memref<20480xf32, #tpu.memory_space<hbm>> -> memref<640xf32, #tpu.memory_space<hbm>>
      %dma_start3A_198 = tpu.memref_slice %arg7[%mul3A_192] : memref<10240xf32, #tpu.memory_space<vmem_shared>> -> memref<640xf32, #tpu.memory_space<vmem_shared>>
      tpu.enqueue_dma source(%dma_start3A_198 : memref<640xf32, #tpu.memory_space<vmem_shared>>) target(%dma_start3A : memref<640xf32, #tpu.memory_space<hbm>>) target_semaphore(%run_scoped3A : memref<!tpu.dma_semaphore, #tpu.memory_space<semaphore_mem>>)
      %dma_wait3A = tpu.memref_slice %arg3[%add3A_197] : memref<20480xf32, #tpu.memory_space<hbm>> -> memref<640xf32, #tpu.memory_space<hbm>>
      %dma_wait3A_199 = tpu.memref_slice %arg7[%mul3A_192] : memref<10240xf32, #tpu.memory_space<vmem_shared>> -> memref<640xf32, #tpu.memory_space<vmem_shared>>
      tpu.wait_dma2 semaphore(%run_scoped3A : memref<!tpu.dma_semaphore, #tpu.memory_space<semaphore_mem>>) src(%dma_wait3A_199 : memref<640xf32, #tpu.memory_space<vmem_shared>>) dst(%dma_wait3A : memref<640xf32, #tpu.memory_space<hbm>>)
      tpu.yield
    }) : () -> ()
    return
  }
}

#map = affine_map<(d0, d1) -> (0, 0)>
module attributes {stable_mosaic.version = 14 : i64} {
  func.func @_edge_scatter_kernel(%arg0: i32, %arg1: i32, %arg2: memref<10000x128xf32, #tpu.memory_space<hbm>>, %arg3: memref<2560x128xi32, #tpu.memory_space<hbm>>, %arg4: memref<2560x128xi32, #tpu.memory_space<hbm>>, %arg5: memref<20000x128xf32, #tpu.memory_space<hbm>>, %arg6: memref<8x128xi32, #tpu.memory_space<vmem>>, %arg7: memref<8x128xi32, #tpu.memory_space<vmem>>, %arg8: memref<8x128xi32, #tpu.memory_space<vmem>>, %arg9: memref<8x128xi32, #tpu.memory_space<vmem>>, %arg10: memref<128x128xf32, #tpu.memory_space<vmem>>, %arg11: memref<128x128xf32, #tpu.memory_space<vmem>>, %arg12: memref<10240x128xf32, #tpu.memory_space<vmem_shared>>, %arg13: memref<!tpu.dma_semaphore, #tpu.memory_space<semaphore_mem>>, %arg14: memref<!tpu.dma_semaphore, #tpu.memory_space<semaphore_mem>>, %arg15: memref<!tpu.dma_semaphore, #tpu.memory_space<semaphore_mem>>, %arg16: memref<!tpu.dma_semaphore, #tpu.memory_space<semaphore_mem>>) attributes {dimension_semantics = [#tpu.dimension_semantics<core_parallel>, #tpu.dimension_semantics<subcore_parallel>], iteration_bounds = array<i64: 2, 16>, scalar_prefetch = 0 : i64, scratch_operands = 11 : i64, tpu.core_type = #tpu.core_type<sc_vector_subcore>, window_params = [{transform_indices = #map}, {transform_indices = #map}, {transform_indices = #map}, {transform_indices = #map}]} {
    %mul3A = arith.constant 16 : i32
    %mul3A_0 = arith.muli %arg0, %mul3A : i32
    %add3A = arith.addi %mul3A_0, %arg1 : i32
    %mul3A_1 = arith.constant 80 : i32
    %mul3A_2 = arith.muli %add3A, %mul3A_1 : i32
    %broadcast_in_dim3A = arith.constant 0.000000e+00 : f32
    %broadcast_in_dim3A_3 = vector.broadcast %broadcast_in_dim3A : f32 to vector<16xf32>
    %scan3A = arith.constant 0 : i32
    %scan3A_4 = arith.constant 0 : i32
    %scan3A_5 = arith.constant 128 : i32
    %scan3A_6 = arith.addi %scan3A_4, %scan3A_5 : i32
    %scan3A_7 = arith.constant 1 : i32
    scf.for %scan3A_59 = %scan3A_4 to %scan3A_6 step %scan3A_7  : i32 {
      %swap3A = arith.index_cast %scan3A_59 : i32 to index
      %swap3A_60 = arith.constant 0 : index
      %swap3A_61 = tpu.vector_load %arg10[%swap3A, %swap3A_60] {strides = array<i32>} : memref<128x128xf32, #tpu.memory_space<vmem>>, vector<1x16xf32>,
      %swap3A_62 = vector.shape_cast %swap3A_61 : vector<1x16xf32> to vector<16xf32>
      %swap3A_63 = vector.shape_cast %broadcast_in_dim3A_3 : vector<16xf32> to vector<1x16xf32>
      tpu.vector_store %arg10[%swap3A, %swap3A_60], %swap3A_63 {strides = array<i32>} : memref<128x128xf32, #tpu.memory_space<vmem>>, vector<1x16xf32>,
      %swap3A_64 = arith.index_cast %scan3A_59 : i32 to index
      %swap3A_65 = arith.constant 16 : index
      %swap3A_66 = tpu.vector_load %arg10[%swap3A_64, %swap3A_65] {strides = array<i32>} : memref<128x128xf32, #tpu.memory_space<vmem>>, vector<1x16xf32>,
      %swap3A_67 = vector.shape_cast %swap3A_66 : vector<1x16xf32> to vector<16xf32>
      %swap3A_68 = vector.shape_cast %broadcast_in_dim3A_3 : vector<16xf32> to vector<1x16xf32>
      tpu.vector_store %arg10[%swap3A_64, %swap3A_65], %swap3A_68 {strides = array<i32>} : memref<128x128xf32, #tpu.memory_space<vmem>>, vector<1x16xf32>,
      %swap3A_69 = arith.index_cast %scan3A_59 : i32 to index
      %swap3A_70 = arith.constant 32 : index
      %swap3A_71 = tpu.vector_load %arg10[%swap3A_69, %swap3A_70] {strides = array<i32>} : memref<128x128xf32, #tpu.memory_space<vmem>>, vector<1x16xf32>,
      %swap3A_72 = vector.shape_cast %swap3A_71 : vector<1x16xf32> to vector<16xf32>
      %swap3A_73 = vector.shape_cast %broadcast_in_dim3A_3 : vector<16xf32> to vector<1x16xf32>
      tpu.vector_store %arg10[%swap3A_69, %swap3A_70], %swap3A_73 {strides = array<i32>} : memref<128x128xf32, #tpu.memory_space<vmem>>, vector<1x16xf32>,
      %swap3A_74 = arith.index_cast %scan3A_59 : i32 to index
      %swap3A_75 = arith.constant 48 : index
      %swap3A_76 = tpu.vector_load %arg10[%swap3A_74, %swap3A_75] {strides = array<i32>} : memref<128x128xf32, #tpu.memory_space<vmem>>, vector<1x16xf32>,
      %swap3A_77 = vector.shape_cast %swap3A_76 : vector<1x16xf32> to vector<16xf32>
      %swap3A_78 = vector.shape_cast %broadcast_in_dim3A_3 : vector<16xf32> to vector<1x16xf32>
      tpu.vector_store %arg10[%swap3A_74, %swap3A_75], %swap3A_78 {strides = array<i32>} : memref<128x128xf32, #tpu.memory_space<vmem>>, vector<1x16xf32>,
      %swap3A_79 = arith.index_cast %scan3A_59 : i32 to index
      %swap3A_80 = arith.constant 64 : index
      %swap3A_81 = tpu.vector_load %arg10[%swap3A_79, %swap3A_80] {strides = array<i32>} : memref<128x128xf32, #tpu.memory_space<vmem>>, vector<1x16xf32>,
      %swap3A_82 = vector.shape_cast %swap3A_81 : vector<1x16xf32> to vector<16xf32>
      %swap3A_83 = vector.shape_cast %broadcast_in_dim3A_3 : vector<16xf32> to vector<1x16xf32>
      tpu.vector_store %arg10[%swap3A_79, %swap3A_80], %swap3A_83 {strides = array<i32>} : memref<128x128xf32, #tpu.memory_space<vmem>>, vector<1x16xf32>,
      %swap3A_84 = arith.index_cast %scan3A_59 : i32 to index
      %swap3A_85 = arith.constant 80 : index
      %swap3A_86 = tpu.vector_load %arg10[%swap3A_84, %swap3A_85] {strides = array<i32>} : memref<128x128xf32, #tpu.memory_space<vmem>>, vector<1x16xf32>,
      %swap3A_87 = vector.shape_cast %swap3A_86 : vector<1x16xf32> to vector<16xf32>
      %swap3A_88 = vector.shape_cast %broadcast_in_dim3A_3 : vector<16xf32> to vector<1x16xf32>
      tpu.vector_store %arg10[%swap3A_84, %swap3A_85], %swap3A_88 {strides = array<i32>} : memref<128x128xf32, #tpu.memory_space<vmem>>, vector<1x16xf32>,
      %swap3A_89 = arith.index_cast %scan3A_59 : i32 to index
      %swap3A_90 = arith.constant 96 : index
      %swap3A_91 = tpu.vector_load %arg10[%swap3A_89, %swap3A_90] {strides = array<i32>} : memref<128x128xf32, #tpu.memory_space<vmem>>, vector<1x16xf32>,
      %swap3A_92 = vector.shape_cast %swap3A_91 : vector<1x16xf32> to vector<16xf32>
      %swap3A_93 = vector.shape_cast %broadcast_in_dim3A_3 : vector<16xf32> to vector<1x16xf32>
      tpu.vector_store %arg10[%swap3A_89, %swap3A_90], %swap3A_93 {strides = array<i32>} : memref<128x128xf32, #tpu.memory_space<vmem>>, vector<1x16xf32>,
      %swap3A_94 = arith.index_cast %scan3A_59 : i32 to index
      %swap3A_95 = arith.constant 112 : index
      %swap3A_96 = tpu.vector_load %arg10[%swap3A_94, %swap3A_95] {strides = array<i32>} : memref<128x128xf32, #tpu.memory_space<vmem>>, vector<1x16xf32>,
      %swap3A_97 = vector.shape_cast %swap3A_96 : vector<1x16xf32> to vector<16xf32>
      %swap3A_98 = vector.shape_cast %broadcast_in_dim3A_3 : vector<16xf32> to vector<1x16xf32>
      tpu.vector_store %arg10[%swap3A_94, %swap3A_95], %swap3A_98 {strides = array<i32>} : memref<128x128xf32, #tpu.memory_space<vmem>>, vector<1x16xf32>,
    }
    %scan3A_8 = arith.constant 128 : i32
    %mul3A_9 = arith.constant 640 : i32
    %mul3A_10 = arith.muli %arg1, %mul3A_9 : i32
    %add3A_11 = arith.constant 0 : i32
    %add3A_12 = arith.addi %mul3A_10, %add3A_11 : i32
    "tpu.region"() ({
      %run_scoped3A = tpu.sem_alloc : memref<!tpu.dma_semaphore, #tpu.memory_space<semaphore_mem>>
      %dma_start3A_59 = arith.constant 0 : i32
      %dma_start3A_60 = tpu.memref_slice %arg12[%add3A_12, %dma_start3A_59] : memref<10240x128xf32, #tpu.memory_space<vmem_shared>> -> memref<128x128xf32, #tpu.memory_space<vmem_shared>>
      %dma_start3A_61 = arith.constant 0 : i32
      %dma_start3A_62 = tpu.memref_slice %arg12[%add3A_12, %dma_start3A_61] : memref<10240x128xf32, #tpu.memory_space<vmem_shared>> -> memref<128x128xf32, #tpu.memory_space<vmem_shared>>
      tpu.enqueue_dma source(%arg10 : memref<128x128xf32, #tpu.memory_space<vmem>>) target(%dma_start3A_62 : memref<128x128xf32, #tpu.memory_space<vmem_shared>>) target_semaphore(%run_scoped3A : memref<!tpu.dma_semaphore, #tpu.memory_space<semaphore_mem>>)
      %dma_wait3A = arith.constant 0 : i32
      %dma_wait3A_63 = tpu.memref_slice %arg12[%add3A_12, %dma_wait3A] : memref<10240x128xf32, #tpu.memory_space<vmem_shared>> -> memref<128x128xf32, #tpu.memory_space<vmem_shared>>
      %dma_wait3A_64 = arith.constant 0 : i32
      %dma_wait3A_65 = tpu.memref_slice %arg12[%add3A_12, %dma_wait3A_64] : memref<10240x128xf32, #tpu.memory_space<vmem_shared>> -> memref<128x128xf32, #tpu.memory_space<vmem_shared>>
      tpu.wait_dma2 semaphore(%run_scoped3A : memref<!tpu.dma_semaphore, #tpu.memory_space<semaphore_mem>>) src(%arg10 : memref<128x128xf32, #tpu.memory_space<vmem>>) dst(%dma_wait3A_65 : memref<128x128xf32, #tpu.memory_space<vmem_shared>>)
      tpu.yield
    }) : () -> ()
    %mul3A_13 = arith.constant 640 : i32
    %mul3A_14 = arith.muli %arg1, %mul3A_13 : i32
    %add3A_15 = arith.constant 128 : i32
    %add3A_16 = arith.addi %mul3A_14, %add3A_15 : i32
    "tpu.region"() ({
      %run_scoped3A = tpu.sem_alloc : memref<!tpu.dma_semaphore, #tpu.memory_space<semaphore_mem>>
      %dma_start3A_59 = arith.constant 0 : i32
      %dma_start3A_60 = tpu.memref_slice %arg12[%add3A_16, %dma_start3A_59] : memref<10240x128xf32, #tpu.memory_space<vmem_shared>> -> memref<128x128xf32, #tpu.memory_space<vmem_shared>>
      %dma_start3A_61 = arith.constant 0 : i32
      %dma_start3A_62 = tpu.memref_slice %arg12[%add3A_16, %dma_start3A_61] : memref<10240x128xf32, #tpu.memory_space<vmem_shared>> -> memref<128x128xf32, #tpu.memory_space<vmem_shared>>
      tpu.enqueue_dma source(%arg10 : memref<128x128xf32, #tpu.memory_space<vmem>>) target(%dma_start3A_62 : memref<128x128xf32, #tpu.memory_space<vmem_shared>>) target_semaphore(%run_scoped3A : memref<!tpu.dma_semaphore, #tpu.memory_space<semaphore_mem>>)
      %dma_wait3A = arith.constant 0 : i32
      %dma_wait3A_63 = tpu.memref_slice %arg12[%add3A_16, %dma_wait3A] : memref<10240x128xf32, #tpu.memory_space<vmem_shared>> -> memref<128x128xf32, #tpu.memory_space<vmem_shared>>
      %dma_wait3A_64 = arith.constant 0 : i32
      %dma_wait3A_65 = tpu.memref_slice %arg12[%add3A_16, %dma_wait3A_64] : memref<10240x128xf32, #tpu.memory_space<vmem_shared>> -> memref<128x128xf32, #tpu.memory_space<vmem_shared>>
      tpu.wait_dma2 semaphore(%run_scoped3A : memref<!tpu.dma_semaphore, #tpu.memory_space<semaphore_mem>>) src(%arg10 : memref<128x128xf32, #tpu.memory_space<vmem>>) dst(%dma_wait3A_65 : memref<128x128xf32, #tpu.memory_space<vmem_shared>>)
      tpu.yield
    }) : () -> ()
    %mul3A_17 = arith.constant 640 : i32
    %mul3A_18 = arith.muli %arg1, %mul3A_17 : i32
    %add3A_19 = arith.constant 256 : i32
    %add3A_20 = arith.addi %mul3A_18, %add3A_19 : i32
    "tpu.region"() ({
      %run_scoped3A = tpu.sem_alloc : memref<!tpu.dma_semaphore, #tpu.memory_space<semaphore_mem>>
      %dma_start3A_59 = arith.constant 0 : i32
      %dma_start3A_60 = tpu.memref_slice %arg12[%add3A_20, %dma_start3A_59] : memref<10240x128xf32, #tpu.memory_space<vmem_shared>> -> memref<128x128xf32, #tpu.memory_space<vmem_shared>>
      %dma_start3A_61 = arith.constant 0 : i32
      %dma_start3A_62 = tpu.memref_slice %arg12[%add3A_20, %dma_start3A_61] : memref<10240x128xf32, #tpu.memory_space<vmem_shared>> -> memref<128x128xf32, #tpu.memory_space<vmem_shared>>
      tpu.enqueue_dma source(%arg10 : memref<128x128xf32, #tpu.memory_space<vmem>>) target(%dma_start3A_62 : memref<128x128xf32, #tpu.memory_space<vmem_shared>>) target_semaphore(%run_scoped3A : memref<!tpu.dma_semaphore, #tpu.memory_space<semaphore_mem>>)
      %dma_wait3A = arith.constant 0 : i32
      %dma_wait3A_63 = tpu.memref_slice %arg12[%add3A_20, %dma_wait3A] : memref<10240x128xf32, #tpu.memory_space<vmem_shared>> -> memref<128x128xf32, #tpu.memory_space<vmem_shared>>
      %dma_wait3A_64 = arith.constant 0 : i32
      %dma_wait3A_65 = tpu.memref_slice %arg12[%add3A_20, %dma_wait3A_64] : memref<10240x128xf32, #tpu.memory_space<vmem_shared>> -> memref<128x128xf32, #tpu.memory_space<vmem_shared>>
      tpu.wait_dma2 semaphore(%run_scoped3A : memref<!tpu.dma_semaphore, #tpu.memory_space<semaphore_mem>>) src(%arg10 : memref<128x128xf32, #tpu.memory_space<vmem>>) dst(%dma_wait3A_65 : memref<128x128xf32, #tpu.memory_space<vmem_shared>>)
      tpu.yield
    }) : () -> ()
    %mul3A_21 = arith.constant 640 : i32
    %mul3A_22 = arith.muli %arg1, %mul3A_21 : i32
    %add3A_23 = arith.constant 384 : i32
    %add3A_24 = arith.addi %mul3A_22, %add3A_23 : i32
    "tpu.region"() ({
      %run_scoped3A = tpu.sem_alloc : memref<!tpu.dma_semaphore, #tpu.memory_space<semaphore_mem>>
      %dma_start3A_59 = arith.constant 0 : i32
      %dma_start3A_60 = tpu.memref_slice %arg12[%add3A_24, %dma_start3A_59] : memref<10240x128xf32, #tpu.memory_space<vmem_shared>> -> memref<128x128xf32, #tpu.memory_space<vmem_shared>>
      %dma_start3A_61 = arith.constant 0 : i32
      %dma_start3A_62 = tpu.memref_slice %arg12[%add3A_24, %dma_start3A_61] : memref<10240x128xf32, #tpu.memory_space<vmem_shared>> -> memref<128x128xf32, #tpu.memory_space<vmem_shared>>
      tpu.enqueue_dma source(%arg10 : memref<128x128xf32, #tpu.memory_space<vmem>>) target(%dma_start3A_62 : memref<128x128xf32, #tpu.memory_space<vmem_shared>>) target_semaphore(%run_scoped3A : memref<!tpu.dma_semaphore, #tpu.memory_space<semaphore_mem>>)
      %dma_wait3A = arith.constant 0 : i32
      %dma_wait3A_63 = tpu.memref_slice %arg12[%add3A_24, %dma_wait3A] : memref<10240x128xf32, #tpu.memory_space<vmem_shared>> -> memref<128x128xf32, #tpu.memory_space<vmem_shared>>
      %dma_wait3A_64 = arith.constant 0 : i32
      %dma_wait3A_65 = tpu.memref_slice %arg12[%add3A_24, %dma_wait3A_64] : memref<10240x128xf32, #tpu.memory_space<vmem_shared>> -> memref<128x128xf32, #tpu.memory_space<vmem_shared>>
      tpu.wait_dma2 semaphore(%run_scoped3A : memref<!tpu.dma_semaphore, #tpu.memory_space<semaphore_mem>>) src(%arg10 : memref<128x128xf32, #tpu.memory_space<vmem>>) dst(%dma_wait3A_65 : memref<128x128xf32, #tpu.memory_space<vmem_shared>>)
      tpu.yield
    }) : () -> ()
    %mul3A_25 = arith.constant 640 : i32
    %mul3A_26 = arith.muli %arg1, %mul3A_25 : i32
    %add3A_27 = arith.constant 512 : i32
    %add3A_28 = arith.addi %mul3A_26, %add3A_27 : i32
    "tpu.region"() ({
      %run_scoped3A = tpu.sem_alloc : memref<!tpu.dma_semaphore, #tpu.memory_space<semaphore_mem>>
      %dma_start3A_59 = arith.constant 0 : i32
      %dma_start3A_60 = tpu.memref_slice %arg12[%add3A_28, %dma_start3A_59] : memref<10240x128xf32, #tpu.memory_space<vmem_shared>> -> memref<128x128xf32, #tpu.memory_space<vmem_shared>>
      %dma_start3A_61 = arith.constant 0 : i32
      %dma_start3A_62 = tpu.memref_slice %arg12[%add3A_28, %dma_start3A_61] : memref<10240x128xf32, #tpu.memory_space<vmem_shared>> -> memref<128x128xf32, #tpu.memory_space<vmem_shared>>
      tpu.enqueue_dma source(%arg10 : memref<128x128xf32, #tpu.memory_space<vmem>>) target(%dma_start3A_62 : memref<128x128xf32, #tpu.memory_space<vmem_shared>>) target_semaphore(%run_scoped3A : memref<!tpu.dma_semaphore, #tpu.memory_space<semaphore_mem>>)
      %dma_wait3A = arith.constant 0 : i32
      %dma_wait3A_63 = tpu.memref_slice %arg12[%add3A_28, %dma_wait3A] : memref<10240x128xf32, #tpu.memory_space<vmem_shared>> -> memref<128x128xf32, #tpu.memory_space<vmem_shared>>
      %dma_wait3A_64 = arith.constant 0 : i32
      %dma_wait3A_65 = tpu.memref_slice %arg12[%add3A_28, %dma_wait3A_64] : memref<10240x128xf32, #tpu.memory_space<vmem_shared>> -> memref<128x128xf32, #tpu.memory_space<vmem_shared>>
      tpu.wait_dma2 semaphore(%run_scoped3A : memref<!tpu.dma_semaphore, #tpu.memory_space<semaphore_mem>>) src(%arg10 : memref<128x128xf32, #tpu.memory_space<vmem>>) dst(%dma_wait3A_65 : memref<128x128xf32, #tpu.memory_space<vmem_shared>>)
      tpu.yield
    }) : () -> ()
    %multiple_of3A = tpu.assume_multiple %mul3A_2, 8 : i32
    "tpu.region"() ({
      %run_scoped3A = tpu.sem_alloc : memref<!tpu.dma_semaphore, #tpu.memory_space<semaphore_mem>>
      %dma_start3A_59 = arith.constant 0 : i32
      %dma_start3A_60 = tpu.memref_slice %arg3[%multiple_of3A, %dma_start3A_59] : memref<2560x128xi32, #tpu.memory_space<hbm>> -> memref<8x128xi32, #tpu.memory_space<hbm>>
      %dma_start3A_61 = arith.constant 0 : i32
      %dma_start3A_62 = tpu.memref_slice %arg3[%multiple_of3A, %dma_start3A_61] : memref<2560x128xi32, #tpu.memory_space<hbm>> -> memref<8x128xi32, #tpu.memory_space<hbm>>
      tpu.enqueue_dma source(%dma_start3A_62 : memref<8x128xi32, #tpu.memory_space<hbm>>) target(%arg6 : memref<8x128xi32, #tpu.memory_space<vmem>>) target_semaphore(%run_scoped3A : memref<!tpu.dma_semaphore, #tpu.memory_space<semaphore_mem>>)
      %dma_wait3A = arith.constant 0 : i32
      %dma_wait3A_63 = tpu.memref_slice %arg3[%multiple_of3A, %dma_wait3A] : memref<2560x128xi32, #tpu.memory_space<hbm>> -> memref<8x128xi32, #tpu.memory_space<hbm>>
      %dma_wait3A_64 = arith.constant 0 : i32
      %dma_wait3A_65 = tpu.memref_slice %arg3[%multiple_of3A, %dma_wait3A_64] : memref<2560x128xi32, #tpu.memory_space<hbm>> -> memref<8x128xi32, #tpu.memory_space<hbm>>
      tpu.wait_dma2 semaphore(%run_scoped3A : memref<!tpu.dma_semaphore, #tpu.memory_space<semaphore_mem>>) src(%dma_wait3A_65 : memref<8x128xi32, #tpu.memory_space<hbm>>) dst(%arg6 : memref<8x128xi32, #tpu.memory_space<vmem>>)
      tpu.yield
    }) : () -> ()
    %multiple_of3A_29 = tpu.assume_multiple %mul3A_2, 8 : i32
    "tpu.region"() ({
      %run_scoped3A = tpu.sem_alloc : memref<!tpu.dma_semaphore, #tpu.memory_space<semaphore_mem>>
      %dma_start3A_59 = arith.constant 0 : i32
      %dma_start3A_60 = tpu.memref_slice %arg4[%multiple_of3A_29, %dma_start3A_59] : memref<2560x128xi32, #tpu.memory_space<hbm>> -> memref<8x128xi32, #tpu.memory_space<hbm>>
      %dma_start3A_61 = arith.constant 0 : i32
      %dma_start3A_62 = tpu.memref_slice %arg4[%multiple_of3A_29, %dma_start3A_61] : memref<2560x128xi32, #tpu.memory_space<hbm>> -> memref<8x128xi32, #tpu.memory_space<hbm>>
      tpu.enqueue_dma source(%dma_start3A_62 : memref<8x128xi32, #tpu.memory_space<hbm>>) target(%arg8 : memref<8x128xi32, #tpu.memory_space<vmem>>) target_semaphore(%run_scoped3A : memref<!tpu.dma_semaphore, #tpu.memory_space<semaphore_mem>>)
      %dma_wait3A = arith.constant 0 : i32
      %dma_wait3A_63 = tpu.memref_slice %arg4[%multiple_of3A_29, %dma_wait3A] : memref<2560x128xi32, #tpu.memory_space<hbm>> -> memref<8x128xi32, #tpu.memory_space<hbm>>
      %dma_wait3A_64 = arith.constant 0 : i32
      %dma_wait3A_65 = tpu.memref_slice %arg4[%multiple_of3A_29, %dma_wait3A_64] : memref<2560x128xi32, #tpu.memory_space<hbm>> -> memref<8x128xi32, #tpu.memory_space<hbm>>
      tpu.wait_dma2 semaphore(%run_scoped3A : memref<!tpu.dma_semaphore, #tpu.memory_space<semaphore_mem>>) src(%dma_wait3A_65 : memref<8x128xi32, #tpu.memory_space<hbm>>) dst(%arg8 : memref<8x128xi32, #tpu.memory_space<vmem>>)
      tpu.yield
    }) : () -> ()
    %barrier3A = arith.constant 0 : index
    tpu.barrier barrier_id(%barrier3A)
    %dma_start3A = arith.constant 0 : i32
    %dma_start3A_30 = arith.constant 0 : i32
    %dma_start3A_31 = tpu.memref_slice %arg6[%dma_start3A, %dma_start3A_30] : memref<8x128xi32, #tpu.memory_space<vmem>> -> memref<1x128xi32, #tpu.memory_space<vmem>>
    %dma_start3A_32 = tpu.memref_squeeze %dma_start3A_31 : memref<1x128xi32, #tpu.memory_space<vmem>> -> memref<128xi32, #tpu.memory_space<vmem>>
    %dma_start3A_33 = arith.constant 0 : i32
    %dma_start3A_34 = arith.constant 0 : i32
    %dma_start3A_35 = tpu.memref_slice %arg2[%dma_start3A_33, %dma_start3A_34] : memref<10000x128xf32, #tpu.memory_space<hbm>> -> memref<10000x128xf32, #tpu.memory_space<hbm>>
    tpu.enqueue_indirect_dma source(%dma_start3A_35 : memref<10000x128xf32, #tpu.memory_space<hbm>>) target(%arg10 : memref<128x128xf32, #tpu.memory_space<vmem>>) offsets(%dma_start3A_32 : memref<128xi32, #tpu.memory_space<vmem>>) semaphore(%arg13 : memref<!tpu.dma_semaphore, #tpu.memory_space<semaphore_mem>>)
    %dma_start3A_36 = arith.constant 1 : i32
    %dma_start3A_37 = arith.constant 0 : i32
    %dma_start3A_38 = tpu.memref_slice %arg6[%dma_start3A_36, %dma_start3A_37] : memref<8x128xi32, #tpu.memory_space<vmem>> -> memref<1x128xi32, #tpu.memory_space<vmem>>
    %dma_start3A_39 = tpu.memref_squeeze %dma_start3A_38 : memref<1x128xi32, #tpu.memory_space<vmem>> -> memref<128xi32, #tpu.memory_space<vmem>>
    %dma_start3A_40 = arith.constant 0 : i32
    %dma_start3A_41 = arith.constant 0 : i32
    %dma_start3A_42 = tpu.memref_slice %arg2[%dma_start3A_40, %dma_start3A_41] : memref<10000x128xf32, #tpu.memory_space<hbm>> -> memref<10000x128xf32, #tpu.memory_space<hbm>>
    tpu.enqueue_indirect_dma source(%dma_start3A_42 : memref<10000x128xf32, #tpu.memory_space<hbm>>) target(%arg11 : memref<128x128xf32, #tpu.memory_space<vmem>>) offsets(%dma_start3A_39 : memref<128xi32, #tpu.memory_space<vmem>>) semaphore(%arg14 : memref<!tpu.dma_semaphore, #tpu.memory_space<semaphore_mem>>)
    %scan3A_43 = arith.constant 0 : i32
    %scan3A_44 = arith.constant 0 : i32
    %scan3A_45 = arith.constant 5 : i32
    %scan3A_46 = arith.addi %scan3A_44, %scan3A_45 : i32
    %scan3A_47 = arith.constant 1 : i32
    scf.for %scan3A_59 = %scan3A_44 to %scan3A_46 step %scan3A_47  : i32 {
      %mul3A_60 = arith.constant 2 : i32
      %mul3A_61 = arith.muli %mul3A_60, %scan3A_59 : i32
      %dma_wait3A = arith.constant 0 : i32
      %dma_wait3A_62 = arith.constant 0 : i32
      %dma_wait3A_63 = tpu.memref_slice %arg6[%dma_wait3A, %dma_wait3A_62] : memref<8x128xi32, #tpu.memory_space<vmem>> -> memref<1x128xi32, #tpu.memory_space<vmem>>
      %dma_wait3A_64 = tpu.memref_squeeze %dma_wait3A_63 : memref<1x128xi32, #tpu.memory_space<vmem>> -> memref<128xi32, #tpu.memory_space<vmem>>
      %dma_wait3A_65 = arith.constant 0 : i32
      %dma_wait3A_66 = arith.constant 0 : i32
      %dma_wait3A_67 = tpu.memref_slice %arg2[%dma_wait3A_65, %dma_wait3A_66] : memref<10000x128xf32, #tpu.memory_space<hbm>> -> memref<10000x128xf32, #tpu.memory_space<hbm>>
      tpu.wait_indirect_dma semaphore(%arg13 : memref<!tpu.dma_semaphore, #tpu.memory_space<semaphore_mem>>) src(%dma_wait3A_67 : memref<10000x128xf32, #tpu.memory_space<hbm>>) dst(%arg10 : memref<128x128xf32, #tpu.memory_space<vmem>>)
      %run_scoped3A = arith.constant 0 : i32
      "tpu.region"() ({
        %run_scoped3A_331 = tpu.sem_alloc : memref<!tpu.dma_semaphore, #tpu.memory_space<semaphore_mem>>
        %dma_start3A_332 = arith.constant 0 : i32
        %dma_start3A_333 = tpu.memref_slice %arg8[%run_scoped3A, %dma_start3A_332] : memref<8x128xi32, #tpu.memory_space<vmem>> -> memref<1x128xi32, #tpu.memory_space<vmem>>
        %dma_start3A_334 = tpu.memref_squeeze %dma_start3A_333 : memref<1x128xi32, #tpu.memory_space<vmem>> -> memref<128xi32, #tpu.memory_space<vmem>>
        %dma_start3A_335 = arith.constant 0 : i32
        %dma_start3A_336 = arith.constant 0 : i32
        %dma_start3A_337 = tpu.memref_slice %arg12[%dma_start3A_335, %dma_start3A_336] : memref<10240x128xf32, #tpu.memory_space<vmem_shared>> -> memref<10240x128xf32, #tpu.memory_space<vmem_shared>>
        tpu.enqueue_indirect_dma source(%arg10 : memref<128x128xf32, #tpu.memory_space<vmem>>) target(%dma_start3A_337 : memref<10240x128xf32, #tpu.memory_space<vmem_shared>>) offsets(%dma_start3A_334 : memref<128xi32, #tpu.memory_space<vmem>>) semaphore(%run_scoped3A_331 : memref<!tpu.dma_semaphore, #tpu.memory_space<semaphore_mem>>) {add = true}
        %dma_wait3A_338 = arith.constant 0 : i32
        %dma_wait3A_339 = tpu.memref_slice %arg8[%run_scoped3A, %dma_wait3A_338] : memref<8x128xi32, #tpu.memory_space<vmem>> -> memref<1x128xi32, #tpu.memory_space<vmem>>
        %dma_wait3A_340 = tpu.memref_squeeze %dma_wait3A_339 : memref<1x128xi32, #tpu.memory_space<vmem>> -> memref<128xi32, #tpu.memory_space<vmem>>
        %dma_wait3A_341 = arith.constant 0 : i32
        %dma_wait3A_342 = arith.constant 0 : i32
        %dma_wait3A_343 = tpu.memref_slice %arg12[%dma_wait3A_341, %dma_wait3A_342] : memref<10240x128xf32, #tpu.memory_space<vmem_shared>> -> memref<10240x128xf32, #tpu.memory_space<vmem_shared>>
        tpu.wait_indirect_dma semaphore(%run_scoped3A_331 : memref<!tpu.dma_semaphore, #tpu.memory_space<semaphore_mem>>) src(%arg10 : memref<128x128xf32, #tpu.memory_space<vmem>>) dst(%dma_wait3A_343 : memref<10240x128xf32, #tpu.memory_space<vmem_shared>>)
        tpu.yield
      }) : () -> ()
      %add3A_68 = arith.constant 1 : i32
      %add3A_69 = arith.addi %mul3A_61, %add3A_68 : i32
      %lt3A = arith.constant 10 : i32
      %lt3A_70 = arith.cmpi slt, %add3A_69, %lt3A : i32
      %convert_element_type3A_71 = arith.extui %lt3A_70 : i1 to i32
      %cond3A_72 = arith.constant 0 : i32
      %cond3A_73 = arith.cmpi ne, %convert_element_type3A_71, %cond3A_72 : i32
      scf.if %cond3A_73 {
        %add3A_331 = arith.constant 1 : i32
        %add3A_332 = arith.addi %mul3A_61, %add3A_331 : i32
        %mul3A_333 = arith.constant 8 : i32
        %mul3A_334 = arith.muli %add3A_332, %mul3A_333 : i32
        %add3A_335 = arith.addi %mul3A_2, %mul3A_334 : i32
        %multiple_of3A_336 = tpu.assume_multiple %add3A_335, 8 : i32
        %dma_start3A_337 = arith.constant 0 : i32
        %dma_start3A_338 = tpu.memref_slice %arg3[%multiple_of3A_336, %dma_start3A_337] : memref<2560x128xi32, #tpu.memory_space<hbm>> -> memref<8x128xi32, #tpu.memory_space<hbm>>
        %dma_start3A_339 = arith.constant 0 : i32
        %dma_start3A_340 = tpu.memref_slice %arg3[%multiple_of3A_336, %dma_start3A_339] : memref<2560x128xi32, #tpu.memory_space<hbm>> -> memref<8x128xi32, #tpu.memory_space<hbm>>
        tpu.enqueue_dma source(%dma_start3A_340 : memref<8x128xi32, #tpu.memory_space<hbm>>) target(%arg7 : memref<8x128xi32, #tpu.memory_space<vmem>>) target_semaphore(%arg15 : memref<!tpu.dma_semaphore, #tpu.memory_space<semaphore_mem>>)
        %dma_start3A_341 = arith.constant 0 : i32
        %dma_start3A_342 = tpu.memref_slice %arg4[%multiple_of3A_336, %dma_start3A_341] : memref<2560x128xi32, #tpu.memory_space<hbm>> -> memref<8x128xi32, #tpu.memory_space<hbm>>
        %dma_start3A_343 = arith.constant 0 : i32
        %dma_start3A_344 = tpu.memref_slice %arg4[%multiple_of3A_336, %dma_start3A_343] : memref<2560x128xi32, #tpu.memory_space<hbm>> -> memref<8x128xi32, #tpu.memory_space<hbm>>
        tpu.enqueue_dma source(%dma_start3A_344 : memref<8x128xi32, #tpu.memory_space<hbm>>) target(%arg9 : memref<8x128xi32, #tpu.memory_space<vmem>>) target_semaphore(%arg16 : memref<!tpu.dma_semaphore, #tpu.memory_space<semaphore_mem>>)
      } else {
      }
      %dma_start3A_74 = arith.constant 2 : i32
      %dma_start3A_75 = arith.constant 0 : i32
      %dma_start3A_76 = tpu.memref_slice %arg6[%dma_start3A_74, %dma_start3A_75] : memref<8x128xi32, #tpu.memory_space<vmem>> -> memref<1x128xi32, #tpu.memory_space<vmem>>
      %dma_start3A_77 = tpu.memref_squeeze %dma_start3A_76 : memref<1x128xi32, #tpu.memory_space<vmem>> -> memref<128xi32, #tpu.memory_space<vmem>>
      %dma_start3A_78 = arith.constant 0 : i32
      %dma_start3A_79 = arith.constant 0 : i32
      %dma_start3A_80 = tpu.memref_slice %arg2[%dma_start3A_78, %dma_start3A_79] : memref<10000x128xf32, #tpu.memory_space<hbm>> -> memref<10000x128xf32, #tpu.memory_space<hbm>>
      tpu.enqueue_indirect_dma source(%dma_start3A_80 : memref<10000x128xf32, #tpu.memory_space<hbm>>) target(%arg10 : memref<128x128xf32, #tpu.memory_space<vmem>>) offsets(%dma_start3A_77 : memref<128xi32, #tpu.memory_space<vmem>>) semaphore(%arg13 : memref<!tpu.dma_semaphore, #tpu.memory_space<semaphore_mem>>)
      %dma_wait3A_81 = arith.constant 1 : i32
      %dma_wait3A_82 = arith.constant 0 : i32
      %dma_wait3A_83 = tpu.memref_slice %arg6[%dma_wait3A_81, %dma_wait3A_82] : memref<8x128xi32, #tpu.memory_space<vmem>> -> memref<1x128xi32, #tpu.memory_space<vmem>>
      %dma_wait3A_84 = tpu.memref_squeeze %dma_wait3A_83 : memref<1x128xi32, #tpu.memory_space<vmem>> -> memref<128xi32, #tpu.memory_space<vmem>>
      %dma_wait3A_85 = arith.constant 0 : i32
      %dma_wait3A_86 = arith.constant 0 : i32
      %dma_wait3A_87 = tpu.memref_slice %arg2[%dma_wait3A_85, %dma_wait3A_86] : memref<10000x128xf32, #tpu.memory_space<hbm>> -> memref<10000x128xf32, #tpu.memory_space<hbm>>
      tpu.wait_indirect_dma semaphore(%arg14 : memref<!tpu.dma_semaphore, #tpu.memory_space<semaphore_mem>>) src(%dma_wait3A_87 : memref<10000x128xf32, #tpu.memory_space<hbm>>) dst(%arg11 : memref<128x128xf32, #tpu.memory_space<vmem>>)
      %run_scoped3A_88 = arith.constant 1 : i32
      "tpu.region"() ({
        %run_scoped3A_331 = tpu.sem_alloc : memref<!tpu.dma_semaphore, #tpu.memory_space<semaphore_mem>>
        %dma_start3A_332 = arith.constant 0 : i32
        %dma_start3A_333 = tpu.memref_slice %arg8[%run_scoped3A_88, %dma_start3A_332] : memref<8x128xi32, #tpu.memory_space<vmem>> -> memref<1x128xi32, #tpu.memory_space<vmem>>
        %dma_start3A_334 = tpu.memref_squeeze %dma_start3A_333 : memref<1x128xi32, #tpu.memory_space<vmem>> -> memref<128xi32, #tpu.memory_space<vmem>>
        %dma_start3A_335 = arith.constant 0 : i32
        %dma_start3A_336 = arith.constant 0 : i32
        %dma_start3A_337 = tpu.memref_slice %arg12[%dma_start3A_335, %dma_start3A_336] : memref<10240x128xf32, #tpu.memory_space<vmem_shared>> -> memref<10240x128xf32, #tpu.memory_space<vmem_shared>>
        tpu.enqueue_indirect_dma source(%arg11 : memref<128x128xf32, #tpu.memory_space<vmem>>) target(%dma_start3A_337 : memref<10240x128xf32, #tpu.memory_space<vmem_shared>>) offsets(%dma_start3A_334 : memref<128xi32, #tpu.memory_space<vmem>>) semaphore(%run_scoped3A_331 : memref<!tpu.dma_semaphore, #tpu.memory_space<semaphore_mem>>) {add = true}
        %dma_wait3A_338 = arith.constant 0 : i32
        %dma_wait3A_339 = tpu.memref_slice %arg8[%run_scoped3A_88, %dma_wait3A_338] : memref<8x128xi32, #tpu.memory_space<vmem>> -> memref<1x128xi32, #tpu.memory_space<vmem>>
        %dma_wait3A_340 = tpu.memref_squeeze %dma_wait3A_339 : memref<1x128xi32, #tpu.memory_space<vmem>> -> memref<128xi32, #tpu.memory_space<vmem>>
        %dma_wait3A_341 = arith.constant 0 : i32
        %dma_wait3A_342 = arith.constant 0 : i32
        %dma_wait3A_343 = tpu.memref_slice %arg12[%dma_wait3A_341, %dma_wait3A_342] : memref<10240x128xf32, #tpu.memory_space<vmem_shared>> -> memref<10240x128xf32, #tpu.memory_space<vmem_shared>>
        tpu.wait_indirect_dma semaphore(%run_scoped3A_331 : memref<!tpu.dma_semaphore, #tpu.memory_space<semaphore_mem>>) src(%arg11 : memref<128x128xf32, #tpu.memory_space<vmem>>) dst(%dma_wait3A_343 : memref<10240x128xf32, #tpu.memory_space<vmem_shared>>)
        tpu.yield
      }) : () -> ()
      %dma_start3A_89 = arith.constant 3 : i32
      %dma_start3A_90 = arith.constant 0 : i32
      %dma_start3A_91 = tpu.memref_slice %arg6[%dma_start3A_89, %dma_start3A_90] : memref<8x128xi32, #tpu.memory_space<vmem>> -> memref<1x128xi32, #tpu.memory_space<vmem>>
      %dma_start3A_92 = tpu.memref_squeeze %dma_start3A_91 : memref<1x128xi32, #tpu.memory_space<vmem>> -> memref<128xi32, #tpu.memory_space<vmem>>
      %dma_start3A_93 = arith.constant 0 : i32
      %dma_start3A_94 = arith.constant 0 : i32
      %dma_start3A_95 = tpu.memref_slice %arg2[%dma_start3A_93, %dma_start3A_94] : memref<10000x128xf32, #tpu.memory_space<hbm>> -> memref<10000x128xf32, #tpu.memory_space<hbm>>
      tpu.enqueue_indirect_dma source(%dma_start3A_95 : memref<10000x128xf32, #tpu.memory_space<hbm>>) target(%arg11 : memref<128x128xf32, #tpu.memory_space<vmem>>) offsets(%dma_start3A_92 : memref<128xi32, #tpu.memory_space<vmem>>) semaphore(%arg14 : memref<!tpu.dma_semaphore, #tpu.memory_space<semaphore_mem>>)
      %dma_wait3A_96 = arith.constant 2 : i32
      %dma_wait3A_97 = arith.constant 0 : i32
      %dma_wait3A_98 = tpu.memref_slice %arg6[%dma_wait3A_96, %dma_wait3A_97] : memref<8x128xi32, #tpu.memory_space<vmem>> -> memref<1x128xi32, #tpu.memory_space<vmem>>
      %dma_wait3A_99 = tpu.memref_squeeze %dma_wait3A_98 : memref<1x128xi32, #tpu.memory_space<vmem>> -> memref<128xi32, #tpu.memory_space<vmem>>
      %dma_wait3A_100 = arith.constant 0 : i32
      %dma_wait3A_101 = arith.constant 0 : i32
      %dma_wait3A_102 = tpu.memref_slice %arg2[%dma_wait3A_100, %dma_wait3A_101] : memref<10000x128xf32, #tpu.memory_space<hbm>> -> memref<10000x128xf32, #tpu.memory_space<hbm>>
      tpu.wait_indirect_dma semaphore(%arg13 : memref<!tpu.dma_semaphore, #tpu.memory_space<semaphore_mem>>) src(%dma_wait3A_102 : memref<10000x128xf32, #tpu.memory_space<hbm>>) dst(%arg10 : memref<128x128xf32, #tpu.memory_space<vmem>>)
      %run_scoped3A_103 = arith.constant 2 : i32
      "tpu.region"() ({
        %run_scoped3A_331 = tpu.sem_alloc : memref<!tpu.dma_semaphore, #tpu.memory_space<semaphore_mem>>
        %dma_start3A_332 = arith.constant 0 : i32
        %dma_start3A_333 = tpu.memref_slice %arg8[%run_scoped3A_103, %dma_start3A_332] : memref<8x128xi32, #tpu.memory_space<vmem>> -> memref<1x128xi32, #tpu.memory_space<vmem>>
        %dma_start3A_334 = tpu.memref_squeeze %dma_start3A_333 : memref<1x128xi32, #tpu.memory_space<vmem>> -> memref<128xi32, #tpu.memory_space<vmem>>
        %dma_start3A_335 = arith.constant 0 : i32
        %dma_start3A_336 = arith.constant 0 : i32
        %dma_start3A_337 = tpu.memref_slice %arg12[%dma_start3A_335, %dma_start3A_336] : memref<10240x128xf32, #tpu.memory_space<vmem_shared>> -> memref<10240x128xf32, #tpu.memory_space<vmem_shared>>
        tpu.enqueue_indirect_dma source(%arg10 : memref<128x128xf32, #tpu.memory_space<vmem>>) target(%dma_start3A_337 : memref<10240x128xf32, #tpu.memory_space<vmem_shared>>) offsets(%dma_start3A_334 : memref<128xi32, #tpu.memory_space<vmem>>) semaphore(%run_scoped3A_331 : memref<!tpu.dma_semaphore, #tpu.memory_space<semaphore_mem>>) {add = true}
        %dma_wait3A_338 = arith.constant 0 : i32
        %dma_wait3A_339 = tpu.memref_slice %arg8[%run_scoped3A_103, %dma_wait3A_338] : memref<8x128xi32, #tpu.memory_space<vmem>> -> memref<1x128xi32, #tpu.memory_space<vmem>>
        %dma_wait3A_340 = tpu.memref_squeeze %dma_wait3A_339 : memref<1x128xi32, #tpu.memory_space<vmem>> -> memref<128xi32, #tpu.memory_space<vmem>>
        %dma_wait3A_341 = arith.constant 0 : i32
        %dma_wait3A_342 = arith.constant 0 : i32
        %dma_wait3A_343 = tpu.memref_slice %arg12[%dma_wait3A_341, %dma_wait3A_342] : memref<10240x128xf32, #tpu.memory_space<vmem_shared>> -> memref<10240x128xf32, #tpu.memory_space<vmem_shared>>
        tpu.wait_indirect_dma semaphore(%run_scoped3A_331 : memref<!tpu.dma_semaphore, #tpu.memory_space<semaphore_mem>>) src(%arg10 : memref<128x128xf32, #tpu.memory_space<vmem>>) dst(%dma_wait3A_343 : memref<10240x128xf32, #tpu.memory_space<vmem_shared>>)
        tpu.yield
      }) : () -> ()
      %dma_start3A_104 = arith.constant 4 : i32
      %dma_start3A_105 = arith.constant 0 : i32
      %dma_start3A_106 = tpu.memref_slice %arg6[%dma_start3A_104, %dma_start3A_105] : memref<8x128xi32, #tpu.memory_space<vmem>> -> memref<1x128xi32, #tpu.memory_space<vmem>>
      %dma_start3A_107 = tpu.memref_squeeze %dma_start3A_106 : memref<1x128xi32, #tpu.memory_space<vmem>> -> memref<128xi32, #tpu.memory_space<vmem>>
      %dma_start3A_108 = arith.constant 0 : i32
      %dma_start3A_109 = arith.constant 0 : i32
      %dma_start3A_110 = tpu.memref_slice %arg2[%dma_start3A_108, %dma_start3A_109] : memref<10000x128xf32, #tpu.memory_space<hbm>> -> memref<10000x128xf32, #tpu.memory_space<hbm>>
      tpu.enqueue_indirect_dma source(%dma_start3A_110 : memref<10000x128xf32, #tpu.memory_space<hbm>>) target(%arg10 : memref<128x128xf32, #tpu.memory_space<vmem>>) offsets(%dma_start3A_107 : memref<128xi32, #tpu.memory_space<vmem>>) semaphore(%arg13 : memref<!tpu.dma_semaphore, #tpu.memory_space<semaphore_mem>>)
      %dma_wait3A_111 = arith.constant 3 : i32
      %dma_wait3A_112 = arith.constant 0 : i32
      %dma_wait3A_113 = tpu.memref_slice %arg6[%dma_wait3A_111, %dma_wait3A_112] : memref<8x128xi32, #tpu.memory_space<vmem>> -> memref<1x128xi32, #tpu.memory_space<vmem>>
      %dma_wait3A_114 = tpu.memref_squeeze %dma_wait3A_113 : memref<1x128xi32, #tpu.memory_space<vmem>> -> memref<128xi32, #tpu.memory_space<vmem>>
      %dma_wait3A_115 = arith.constant 0 : i32
      %dma_wait3A_116 = arith.constant 0 : i32
      %dma_wait3A_117 = tpu.memref_slice %arg2[%dma_wait3A_115, %dma_wait3A_116] : memref<10000x128xf32, #tpu.memory_space<hbm>> -> memref<10000x128xf32, #tpu.memory_space<hbm>>
      tpu.wait_indirect_dma semaphore(%arg14 : memref<!tpu.dma_semaphore, #tpu.memory_space<semaphore_mem>>) src(%dma_wait3A_117 : memref<10000x128xf32, #tpu.memory_space<hbm>>) dst(%arg11 : memref<128x128xf32, #tpu.memory_space<vmem>>)
      %run_scoped3A_118 = arith.constant 3 : i32
      "tpu.region"() ({
        %run_scoped3A_331 = tpu.sem_alloc : memref<!tpu.dma_semaphore, #tpu.memory_space<semaphore_mem>>
        %dma_start3A_332 = arith.constant 0 : i32
        %dma_start3A_333 = tpu.memref_slice %arg8[%run_scoped3A_118, %dma_start3A_332] : memref<8x128xi32, #tpu.memory_space<vmem>> -> memref<1x128xi32, #tpu.memory_space<vmem>>
        %dma_start3A_334 = tpu.memref_squeeze %dma_start3A_333 : memref<1x128xi32, #tpu.memory_space<vmem>> -> memref<128xi32, #tpu.memory_space<vmem>>
        %dma_start3A_335 = arith.constant 0 : i32
        %dma_start3A_336 = arith.constant 0 : i32
        %dma_start3A_337 = tpu.memref_slice %arg12[%dma_start3A_335, %dma_start3A_336] : memref<10240x128xf32, #tpu.memory_space<vmem_shared>> -> memref<10240x128xf32, #tpu.memory_space<vmem_shared>>
        tpu.enqueue_indirect_dma source(%arg11 : memref<128x128xf32, #tpu.memory_space<vmem>>) target(%dma_start3A_337 : memref<10240x128xf32, #tpu.memory_space<vmem_shared>>) offsets(%dma_start3A_334 : memref<128xi32, #tpu.memory_space<vmem>>) semaphore(%run_scoped3A_331 : memref<!tpu.dma_semaphore, #tpu.memory_space<semaphore_mem>>) {add = true}
        %dma_wait3A_338 = arith.constant 0 : i32
        %dma_wait3A_339 = tpu.memref_slice %arg8[%run_scoped3A_118, %dma_wait3A_338] : memref<8x128xi32, #tpu.memory_space<vmem>> -> memref<1x128xi32, #tpu.memory_space<vmem>>
        %dma_wait3A_340 = tpu.memref_squeeze %dma_wait3A_339 : memref<1x128xi32, #tpu.memory_space<vmem>> -> memref<128xi32, #tpu.memory_space<vmem>>
        %dma_wait3A_341 = arith.constant 0 : i32
        %dma_wait3A_342 = arith.constant 0 : i32
        %dma_wait3A_343 = tpu.memref_slice %arg12[%dma_wait3A_341, %dma_wait3A_342] : memref<10240x128xf32, #tpu.memory_space<vmem_shared>> -> memref<10240x128xf32, #tpu.memory_space<vmem_shared>>
        tpu.wait_indirect_dma semaphore(%run_scoped3A_331 : memref<!tpu.dma_semaphore, #tpu.memory_space<semaphore_mem>>) src(%arg11 : memref<128x128xf32, #tpu.memory_space<vmem>>) dst(%dma_wait3A_343 : memref<10240x128xf32, #tpu.memory_space<vmem_shared>>)
        tpu.yield
      }) : () -> ()
      %dma_start3A_119 = arith.constant 5 : i32
      %dma_start3A_120 = arith.constant 0 : i32
      %dma_start3A_121 = tpu.memref_slice %arg6[%dma_start3A_119, %dma_start3A_120] : memref<8x128xi32, #tpu.memory_space<vmem>> -> memref<1x128xi32, #tpu.memory_space<vmem>>
      %dma_start3A_122 = tpu.memref_squeeze %dma_start3A_121 : memref<1x128xi32, #tpu.memory_space<vmem>> -> memref<128xi32, #tpu.memory_space<vmem>>
      %dma_start3A_123 = arith.constant 0 : i32
      %dma_start3A_124 = arith.constant 0 : i32
      %dma_start3A_125 = tpu.memref_slice %arg2[%dma_start3A_123, %dma_start3A_124] : memref<10000x128xf32, #tpu.memory_space<hbm>> -> memref<10000x128xf32, #tpu.memory_space<hbm>>
      tpu.enqueue_indirect_dma source(%dma_start3A_125 : memref<10000x128xf32, #tpu.memory_space<hbm>>) target(%arg11 : memref<128x128xf32, #tpu.memory_space<vmem>>) offsets(%dma_start3A_122 : memref<128xi32, #tpu.memory_space<vmem>>) semaphore(%arg14 : memref<!tpu.dma_semaphore, #tpu.memory_space<semaphore_mem>>)
      %dma_wait3A_126 = arith.constant 4 : i32
      %dma_wait3A_127 = arith.constant 0 : i32
      %dma_wait3A_128 = tpu.memref_slice %arg6[%dma_wait3A_126, %dma_wait3A_127] : memref<8x128xi32, #tpu.memory_space<vmem>> -> memref<1x128xi32, #tpu.memory_space<vmem>>
      %dma_wait3A_129 = tpu.memref_squeeze %dma_wait3A_128 : memref<1x128xi32, #tpu.memory_space<vmem>> -> memref<128xi32, #tpu.memory_space<vmem>>
      %dma_wait3A_130 = arith.constant 0 : i32
      %dma_wait3A_131 = arith.constant 0 : i32
      %dma_wait3A_132 = tpu.memref_slice %arg2[%dma_wait3A_130, %dma_wait3A_131] : memref<10000x128xf32, #tpu.memory_space<hbm>> -> memref<10000x128xf32, #tpu.memory_space<hbm>>
      tpu.wait_indirect_dma semaphore(%arg13 : memref<!tpu.dma_semaphore, #tpu.memory_space<semaphore_mem>>) src(%dma_wait3A_132 : memref<10000x128xf32, #tpu.memory_space<hbm>>) dst(%arg10 : memref<128x128xf32, #tpu.memory_space<vmem>>)
      %run_scoped3A_133 = arith.constant 4 : i32
      "tpu.region"() ({
        %run_scoped3A_331 = tpu.sem_alloc : memref<!tpu.dma_semaphore, #tpu.memory_space<semaphore_mem>>
        %dma_start3A_332 = arith.constant 0 : i32
        %dma_start3A_333 = tpu.memref_slice %arg8[%run_scoped3A_133, %dma_start3A_332] : memref<8x128xi32, #tpu.memory_space<vmem>> -> memref<1x128xi32, #tpu.memory_space<vmem>>
        %dma_start3A_334 = tpu.memref_squeeze %dma_start3A_333 : memref<1x128xi32, #tpu.memory_space<vmem>> -> memref<128xi32, #tpu.memory_space<vmem>>
        %dma_start3A_335 = arith.constant 0 : i32
        %dma_start3A_336 = arith.constant 0 : i32
        %dma_start3A_337 = tpu.memref_slice %arg12[%dma_start3A_335, %dma_start3A_336] : memref<10240x128xf32, #tpu.memory_space<vmem_shared>> -> memref<10240x128xf32, #tpu.memory_space<vmem_shared>>
        tpu.enqueue_indirect_dma source(%arg10 : memref<128x128xf32, #tpu.memory_space<vmem>>) target(%dma_start3A_337 : memref<10240x128xf32, #tpu.memory_space<vmem_shared>>) offsets(%dma_start3A_334 : memref<128xi32, #tpu.memory_space<vmem>>) semaphore(%run_scoped3A_331 : memref<!tpu.dma_semaphore, #tpu.memory_space<semaphore_mem>>) {add = true}
        %dma_wait3A_338 = arith.constant 0 : i32
        %dma_wait3A_339 = tpu.memref_slice %arg8[%run_scoped3A_133, %dma_wait3A_338] : memref<8x128xi32, #tpu.memory_space<vmem>> -> memref<1x128xi32, #tpu.memory_space<vmem>>
        %dma_wait3A_340 = tpu.memref_squeeze %dma_wait3A_339 : memref<1x128xi32, #tpu.memory_space<vmem>> -> memref<128xi32, #tpu.memory_space<vmem>>
        %dma_wait3A_341 = arith.constant 0 : i32
        %dma_wait3A_342 = arith.constant 0 : i32
        %dma_wait3A_343 = tpu.memref_slice %arg12[%dma_wait3A_341, %dma_wait3A_342] : memref<10240x128xf32, #tpu.memory_space<vmem_shared>> -> memref<10240x128xf32, #tpu.memory_space<vmem_shared>>
        tpu.wait_indirect_dma semaphore(%run_scoped3A_331 : memref<!tpu.dma_semaphore, #tpu.memory_space<semaphore_mem>>) src(%arg10 : memref<128x128xf32, #tpu.memory_space<vmem>>) dst(%dma_wait3A_343 : memref<10240x128xf32, #tpu.memory_space<vmem_shared>>)
        tpu.yield
      }) : () -> ()
      %dma_start3A_134 = arith.constant 6 : i32
      %dma_start3A_135 = arith.constant 0 : i32
      %dma_start3A_136 = tpu.memref_slice %arg6[%dma_start3A_134, %dma_start3A_135] : memref<8x128xi32, #tpu.memory_space<vmem>> -> memref<1x128xi32, #tpu.memory_space<vmem>>
      %dma_start3A_137 = tpu.memref_squeeze %dma_start3A_136 : memref<1x128xi32, #tpu.memory_space<vmem>> -> memref<128xi32, #tpu.memory_space<vmem>>
      %dma_start3A_138 = arith.constant 0 : i32
      %dma_start3A_139 = arith.constant 0 : i32
      %dma_start3A_140 = tpu.memref_slice %arg2[%dma_start3A_138, %dma_start3A_139] : memref<10000x128xf32, #tpu.memory_space<hbm>> -> memref<10000x128xf32, #tpu.memory_space<hbm>>
      tpu.enqueue_indirect_dma source(%dma_start3A_140 : memref<10000x128xf32, #tpu.memory_space<hbm>>) target(%arg10 : memref<128x128xf32, #tpu.memory_space<vmem>>) offsets(%dma_start3A_137 : memref<128xi32, #tpu.memory_space<vmem>>) semaphore(%arg13 : memref<!tpu.dma_semaphore, #tpu.memory_space<semaphore_mem>>)
      %dma_wait3A_141 = arith.constant 5 : i32
      %dma_wait3A_142 = arith.constant 0 : i32
      %dma_wait3A_143 = tpu.memref_slice %arg6[%dma_wait3A_141, %dma_wait3A_142] : memref<8x128xi32, #tpu.memory_space<vmem>> -> memref<1x128xi32, #tpu.memory_space<vmem>>
      %dma_wait3A_144 = tpu.memref_squeeze %dma_wait3A_143 : memref<1x128xi32, #tpu.memory_space<vmem>> -> memref<128xi32, #tpu.memory_space<vmem>>
      %dma_wait3A_145 = arith.constant 0 : i32
      %dma_wait3A_146 = arith.constant 0 : i32
      %dma_wait3A_147 = tpu.memref_slice %arg2[%dma_wait3A_145, %dma_wait3A_146] : memref<10000x128xf32, #tpu.memory_space<hbm>> -> memref<10000x128xf32, #tpu.memory_space<hbm>>
      tpu.wait_indirect_dma semaphore(%arg14 : memref<!tpu.dma_semaphore, #tpu.memory_space<semaphore_mem>>) src(%dma_wait3A_147 : memref<10000x128xf32, #tpu.memory_space<hbm>>) dst(%arg11 : memref<128x128xf32, #tpu.memory_space<vmem>>)
      %run_scoped3A_148 = arith.constant 5 : i32
      "tpu.region"() ({
        %run_scoped3A_331 = tpu.sem_alloc : memref<!tpu.dma_semaphore, #tpu.memory_space<semaphore_mem>>
        %dma_start3A_332 = arith.constant 0 : i32
        %dma_start3A_333 = tpu.memref_slice %arg8[%run_scoped3A_148, %dma_start3A_332] : memref<8x128xi32, #tpu.memory_space<vmem>> -> memref<1x128xi32, #tpu.memory_space<vmem>>
        %dma_start3A_334 = tpu.memref_squeeze %dma_start3A_333 : memref<1x128xi32, #tpu.memory_space<vmem>> -> memref<128xi32, #tpu.memory_space<vmem>>
        %dma_start3A_335 = arith.constant 0 : i32
        %dma_start3A_336 = arith.constant 0 : i32
        %dma_start3A_337 = tpu.memref_slice %arg12[%dma_start3A_335, %dma_start3A_336] : memref<10240x128xf32, #tpu.memory_space<vmem_shared>> -> memref<10240x128xf32, #tpu.memory_space<vmem_shared>>
        tpu.enqueue_indirect_dma source(%arg11 : memref<128x128xf32, #tpu.memory_space<vmem>>) target(%dma_start3A_337 : memref<10240x128xf32, #tpu.memory_space<vmem_shared>>) offsets(%dma_start3A_334 : memref<128xi32, #tpu.memory_space<vmem>>) semaphore(%run_scoped3A_331 : memref<!tpu.dma_semaphore, #tpu.memory_space<semaphore_mem>>) {add = true}
        %dma_wait3A_338 = arith.constant 0 : i32
        %dma_wait3A_339 = tpu.memref_slice %arg8[%run_scoped3A_148, %dma_wait3A_338] : memref<8x128xi32, #tpu.memory_space<vmem>> -> memref<1x128xi32, #tpu.memory_space<vmem>>
        %dma_wait3A_340 = tpu.memref_squeeze %dma_wait3A_339 : memref<1x128xi32, #tpu.memory_space<vmem>> -> memref<128xi32, #tpu.memory_space<vmem>>
        %dma_wait3A_341 = arith.constant 0 : i32
        %dma_wait3A_342 = arith.constant 0 : i32
        %dma_wait3A_343 = tpu.memref_slice %arg12[%dma_wait3A_341, %dma_wait3A_342] : memref<10240x128xf32, #tpu.memory_space<vmem_shared>> -> memref<10240x128xf32, #tpu.memory_space<vmem_shared>>
        tpu.wait_indirect_dma semaphore(%run_scoped3A_331 : memref<!tpu.dma_semaphore, #tpu.memory_space<semaphore_mem>>) src(%arg11 : memref<128x128xf32, #tpu.memory_space<vmem>>) dst(%dma_wait3A_343 : memref<10240x128xf32, #tpu.memory_space<vmem_shared>>)
        tpu.yield
      }) : () -> ()
      %add3A_149 = arith.constant 1 : i32
      %add3A_150 = arith.addi %mul3A_61, %add3A_149 : i32
      %lt3A_151 = arith.constant 10 : i32
      %lt3A_152 = arith.cmpi slt, %add3A_150, %lt3A_151 : i32
      %convert_element_type3A_153 = arith.extui %lt3A_152 : i1 to i32
      %cond3A_154 = arith.constant 0 : i32
      %cond3A_155 = arith.cmpi ne, %convert_element_type3A_153, %cond3A_154 : i32
      scf.if %cond3A_155 {
        %dma_wait3A_331 = arith.constant 0 : i32
        %dma_wait3A_332 = arith.constant 0 : i32
        %dma_wait3A_333 = tpu.memref_slice %arg3[%dma_wait3A_331, %dma_wait3A_332] : memref<2560x128xi32, #tpu.memory_space<hbm>> -> memref<8x128xi32, #tpu.memory_space<hbm>>
        %dma_wait3A_334 = arith.constant 0 : i32
        %dma_wait3A_335 = arith.constant 0 : i32
        %dma_wait3A_336 = tpu.memref_slice %arg3[%dma_wait3A_334, %dma_wait3A_335] : memref<2560x128xi32, #tpu.memory_space<hbm>> -> memref<8x128xi32, #tpu.memory_space<hbm>>
        tpu.wait_dma2 semaphore(%arg15 : memref<!tpu.dma_semaphore, #tpu.memory_space<semaphore_mem>>) src(%dma_wait3A_336 : memref<8x128xi32, #tpu.memory_space<hbm>>) dst(%arg7 : memref<8x128xi32, #tpu.memory_space<vmem>>)
        %dma_wait3A_337 = arith.constant 0 : i32
        %dma_wait3A_338 = arith.constant 0 : i32
        %dma_wait3A_339 = tpu.memref_slice %arg4[%dma_wait3A_337, %dma_wait3A_338] : memref<2560x128xi32, #tpu.memory_space<hbm>> -> memref<8x128xi32, #tpu.memory_space<hbm>>
        %dma_wait3A_340 = arith.constant 0 : i32
        %dma_wait3A_341 = arith.constant 0 : i32
        %dma_wait3A_342 = tpu.memref_slice %arg4[%dma_wait3A_340, %dma_wait3A_341] : memref<2560x128xi32, #tpu.memory_space<hbm>> -> memref<8x128xi32, #tpu.memory_space<hbm>>
        tpu.wait_dma2 semaphore(%arg16 : memref<!tpu.dma_semaphore, #tpu.memory_space<semaphore_mem>>) src(%dma_wait3A_342 : memref<8x128xi32, #tpu.memory_space<hbm>>) dst(%arg9 : memref<8x128xi32, #tpu.memory_space<vmem>>)
      } else {
      }
      %dma_start3A_156 = arith.constant 7 : i32
      %dma_start3A_157 = arith.constant 0 : i32
      %dma_start3A_158 = tpu.memref_slice %arg6[%dma_start3A_156, %dma_start3A_157] : memref<8x128xi32, #tpu.memory_space<vmem>> -> memref<1x128xi32, #tpu.memory_space<vmem>>
      %dma_start3A_159 = tpu.memref_squeeze %dma_start3A_158 : memref<1x128xi32, #tpu.memory_space<vmem>> -> memref<128xi32, #tpu.memory_space<vmem>>
      %dma_start3A_160 = arith.constant 0 : i32
      %dma_start3A_161 = arith.constant 0 : i32
      %dma_start3A_162 = tpu.memref_slice %arg2[%dma_start3A_160, %dma_start3A_161] : memref<10000x128xf32, #tpu.memory_space<hbm>> -> memref<10000x128xf32, #tpu.memory_space<hbm>>
      tpu.enqueue_indirect_dma source(%dma_start3A_162 : memref<10000x128xf32, #tpu.memory_space<hbm>>) target(%arg11 : memref<128x128xf32, #tpu.memory_space<vmem>>) offsets(%dma_start3A_159 : memref<128xi32, #tpu.memory_space<vmem>>) semaphore(%arg14 : memref<!tpu.dma_semaphore, #tpu.memory_space<semaphore_mem>>)
      %dma_wait3A_163 = arith.constant 6 : i32
      %dma_wait3A_164 = arith.constant 0 : i32
      %dma_wait3A_165 = tpu.memref_slice %arg6[%dma_wait3A_163, %dma_wait3A_164] : memref<8x128xi32, #tpu.memory_space<vmem>> -> memref<1x128xi32, #tpu.memory_space<vmem>>
      %dma_wait3A_166 = tpu.memref_squeeze %dma_wait3A_165 : memref<1x128xi32, #tpu.memory_space<vmem>> -> memref<128xi32, #tpu.memory_space<vmem>>
      %dma_wait3A_167 = arith.constant 0 : i32
      %dma_wait3A_168 = arith.constant 0 : i32
      %dma_wait3A_169 = tpu.memref_slice %arg2[%dma_wait3A_167, %dma_wait3A_168] : memref<10000x128xf32, #tpu.memory_space<hbm>> -> memref<10000x128xf32, #tpu.memory_space<hbm>>
      tpu.wait_indirect_dma semaphore(%arg13 : memref<!tpu.dma_semaphore, #tpu.memory_space<semaphore_mem>>) src(%dma_wait3A_169 : memref<10000x128xf32, #tpu.memory_space<hbm>>) dst(%arg10 : memref<128x128xf32, #tpu.memory_space<vmem>>)
      %run_scoped3A_170 = arith.constant 6 : i32
      "tpu.region"() ({
        %run_scoped3A_331 = tpu.sem_alloc : memref<!tpu.dma_semaphore, #tpu.memory_space<semaphore_mem>>
        %dma_start3A_332 = arith.constant 0 : i32
        %dma_start3A_333 = tpu.memref_slice %arg8[%run_scoped3A_170, %dma_start3A_332] : memref<8x128xi32, #tpu.memory_space<vmem>> -> memref<1x128xi32, #tpu.memory_space<vmem>>
        %dma_start3A_334 = tpu.memref_squeeze %dma_start3A_333 : memref<1x128xi32, #tpu.memory_space<vmem>> -> memref<128xi32, #tpu.memory_space<vmem>>
        %dma_start3A_335 = arith.constant 0 : i32
        %dma_start3A_336 = arith.constant 0 : i32
        %dma_start3A_337 = tpu.memref_slice %arg12[%dma_start3A_335, %dma_start3A_336] : memref<10240x128xf32, #tpu.memory_space<vmem_shared>> -> memref<10240x128xf32, #tpu.memory_space<vmem_shared>>
        tpu.enqueue_indirect_dma source(%arg10 : memref<128x128xf32, #tpu.memory_space<vmem>>) target(%dma_start3A_337 : memref<10240x128xf32, #tpu.memory_space<vmem_shared>>) offsets(%dma_start3A_334 : memref<128xi32, #tpu.memory_space<vmem>>) semaphore(%run_scoped3A_331 : memref<!tpu.dma_semaphore, #tpu.memory_space<semaphore_mem>>) {add = true}
        %dma_wait3A_338 = arith.constant 0 : i32
        %dma_wait3A_339 = tpu.memref_slice %arg8[%run_scoped3A_170, %dma_wait3A_338] : memref<8x128xi32, #tpu.memory_space<vmem>> -> memref<1x128xi32, #tpu.memory_space<vmem>>
        %dma_wait3A_340 = tpu.memref_squeeze %dma_wait3A_339 : memref<1x128xi32, #tpu.memory_space<vmem>> -> memref<128xi32, #tpu.memory_space<vmem>>
        %dma_wait3A_341 = arith.constant 0 : i32
        %dma_wait3A_342 = arith.constant 0 : i32
        %dma_wait3A_343 = tpu.memref_slice %arg12[%dma_wait3A_341, %dma_wait3A_342] : memref<10240x128xf32, #tpu.memory_space<vmem_shared>> -> memref<10240x128xf32, #tpu.memory_space<vmem_shared>>
        tpu.wait_indirect_dma semaphore(%run_scoped3A_331 : memref<!tpu.dma_semaphore, #tpu.memory_space<semaphore_mem>>) src(%arg10 : memref<128x128xf32, #tpu.memory_space<vmem>>) dst(%dma_wait3A_343 : memref<10240x128xf32, #tpu.memory_space<vmem_shared>>)
        tpu.yield
      }) : () -> ()
      %add3A_171 = arith.constant 1 : i32
      %add3A_172 = arith.addi %mul3A_61, %add3A_171 : i32
      %lt3A_173 = arith.constant 10 : i32
      %lt3A_174 = arith.cmpi slt, %add3A_172, %lt3A_173 : i32
      %convert_element_type3A_175 = arith.extui %lt3A_174 : i1 to i32
      %cond3A_176 = arith.constant 0 : i32
      %cond3A_177 = arith.cmpi ne, %convert_element_type3A_175, %cond3A_176 : i32
      scf.if %cond3A_177 {
        %dma_start3A_331 = arith.constant 0 : i32
        %dma_start3A_332 = arith.constant 0 : i32
        %dma_start3A_333 = tpu.memref_slice %arg7[%dma_start3A_331, %dma_start3A_332] : memref<8x128xi32, #tpu.memory_space<vmem>> -> memref<1x128xi32, #tpu.memory_space<vmem>>
        %dma_start3A_334 = tpu.memref_squeeze %dma_start3A_333 : memref<1x128xi32, #tpu.memory_space<vmem>> -> memref<128xi32, #tpu.memory_space<vmem>>
        %dma_start3A_335 = arith.constant 0 : i32
        %dma_start3A_336 = arith.constant 0 : i32
        %dma_start3A_337 = tpu.memref_slice %arg2[%dma_start3A_335, %dma_start3A_336] : memref<10000x128xf32, #tpu.memory_space<hbm>> -> memref<10000x128xf32, #tpu.memory_space<hbm>>
        tpu.enqueue_indirect_dma source(%dma_start3A_337 : memref<10000x128xf32, #tpu.memory_space<hbm>>) target(%arg10 : memref<128x128xf32, #tpu.memory_space<vmem>>) offsets(%dma_start3A_334 : memref<128xi32, #tpu.memory_space<vmem>>) semaphore(%arg13 : memref<!tpu.dma_semaphore, #tpu.memory_space<semaphore_mem>>)
      } else {
      }
      %dma_wait3A_178 = arith.constant 7 : i32
      %dma_wait3A_179 = arith.constant 0 : i32
      %dma_wait3A_180 = tpu.memref_slice %arg6[%dma_wait3A_178, %dma_wait3A_179] : memref<8x128xi32, #tpu.memory_space<vmem>> -> memref<1x128xi32, #tpu.memory_space<vmem>>
      %dma_wait3A_181 = tpu.memref_squeeze %dma_wait3A_180 : memref<1x128xi32, #tpu.memory_space<vmem>> -> memref<128xi32, #tpu.memory_space<vmem>>
      %dma_wait3A_182 = arith.constant 0 : i32
      %dma_wait3A_183 = arith.constant 0 : i32
      %dma_wait3A_184 = tpu.memref_slice %arg2[%dma_wait3A_182, %dma_wait3A_183] : memref<10000x128xf32, #tpu.memory_space<hbm>> -> memref<10000x128xf32, #tpu.memory_space<hbm>>
      tpu.wait_indirect_dma semaphore(%arg14 : memref<!tpu.dma_semaphore, #tpu.memory_space<semaphore_mem>>) src(%dma_wait3A_184 : memref<10000x128xf32, #tpu.memory_space<hbm>>) dst(%arg11 : memref<128x128xf32, #tpu.memory_space<vmem>>)
      %run_scoped3A_185 = arith.constant 7 : i32
      "tpu.region"() ({
        %run_scoped3A_331 = tpu.sem_alloc : memref<!tpu.dma_semaphore, #tpu.memory_space<semaphore_mem>>
        %dma_start3A_332 = arith.constant 0 : i32
        %dma_start3A_333 = tpu.memref_slice %arg8[%run_scoped3A_185, %dma_start3A_332] : memref<8x128xi32, #tpu.memory_space<vmem>> -> memref<1x128xi32, #tpu.memory_space<vmem>>
        %dma_start3A_334 = tpu.memref_squeeze %dma_start3A_333 : memref<1x128xi32, #tpu.memory_space<vmem>> -> memref<128xi32, #tpu.memory_space<vmem>>
        %dma_start3A_335 = arith.constant 0 : i32
        %dma_start3A_336 = arith.constant 0 : i32
        %dma_start3A_337 = tpu.memref_slice %arg12[%dma_start3A_335, %dma_start3A_336] : memref<10240x128xf32, #tpu.memory_space<vmem_shared>> -> memref<10240x128xf32, #tpu.memory_space<vmem_shared>>
        tpu.enqueue_indirect_dma source(%arg11 : memref<128x128xf32, #tpu.memory_space<vmem>>) target(%dma_start3A_337 : memref<10240x128xf32, #tpu.memory_space<vmem_shared>>) offsets(%dma_start3A_334 : memref<128xi32, #tpu.memory_space<vmem>>) semaphore(%run_scoped3A_331 : memref<!tpu.dma_semaphore, #tpu.memory_space<semaphore_mem>>) {add = true}
        %dma_wait3A_338 = arith.constant 0 : i32
        %dma_wait3A_339 = tpu.memref_slice %arg8[%run_scoped3A_185, %dma_wait3A_338] : memref<8x128xi32, #tpu.memory_space<vmem>> -> memref<1x128xi32, #tpu.memory_space<vmem>>
        %dma_wait3A_340 = tpu.memref_squeeze %dma_wait3A_339 : memref<1x128xi32, #tpu.memory_space<vmem>> -> memref<128xi32, #tpu.memory_space<vmem>>
        %dma_wait3A_341 = arith.constant 0 : i32
        %dma_wait3A_342 = arith.constant 0 : i32
        %dma_wait3A_343 = tpu.memref_slice %arg12[%dma_wait3A_341, %dma_wait3A_342] : memref<10240x128xf32, #tpu.memory_space<vmem_shared>> -> memref<10240x128xf32, #tpu.memory_space<vmem_shared>>
        tpu.wait_indirect_dma semaphore(%run_scoped3A_331 : memref<!tpu.dma_semaphore, #tpu.memory_space<semaphore_mem>>) src(%arg11 : memref<128x128xf32, #tpu.memory_space<vmem>>) dst(%dma_wait3A_343 : memref<10240x128xf32, #tpu.memory_space<vmem_shared>>)
        tpu.yield
      }) : () -> ()
      %add3A_186 = arith.constant 1 : i32
      %add3A_187 = arith.addi %mul3A_61, %add3A_186 : i32
      %lt3A_188 = arith.constant 10 : i32
      %lt3A_189 = arith.cmpi slt, %add3A_187, %lt3A_188 : i32
      %convert_element_type3A_190 = arith.extui %lt3A_189 : i1 to i32
      %cond3A_191 = arith.constant 0 : i32
      %cond3A_192 = arith.cmpi ne, %convert_element_type3A_190, %cond3A_191 : i32
      scf.if %cond3A_192 {
        %dma_start3A_331 = arith.constant 1 : i32
        %dma_start3A_332 = arith.constant 0 : i32
        %dma_start3A_333 = tpu.memref_slice %arg7[%dma_start3A_331, %dma_start3A_332] : memref<8x128xi32, #tpu.memory_space<vmem>> -> memref<1x128xi32, #tpu.memory_space<vmem>>
        %dma_start3A_334 = tpu.memref_squeeze %dma_start3A_333 : memref<1x128xi32, #tpu.memory_space<vmem>> -> memref<128xi32, #tpu.memory_space<vmem>>
        %dma_start3A_335 = arith.constant 0 : i32
        %dma_start3A_336 = arith.constant 0 : i32
        %dma_start3A_337 = tpu.memref_slice %arg2[%dma_start3A_335, %dma_start3A_336] : memref<10000x128xf32, #tpu.memory_space<hbm>> -> memref<10000x128xf32, #tpu.memory_space<hbm>>
        tpu.enqueue_indirect_dma source(%dma_start3A_337 : memref<10000x128xf32, #tpu.memory_space<hbm>>) target(%arg11 : memref<128x128xf32, #tpu.memory_space<vmem>>) offsets(%dma_start3A_334 : memref<128xi32, #tpu.memory_space<vmem>>) semaphore(%arg14 : memref<!tpu.dma_semaphore, #tpu.memory_space<semaphore_mem>>)
      } else {
      }
      %mul3A_193 = arith.constant 2 : i32
      %mul3A_194 = arith.muli %mul3A_193, %scan3A_59 : i32
      %add3A_195 = arith.constant 1 : i32
      %add3A_196 = arith.addi %mul3A_194, %add3A_195 : i32
      %dma_wait3A_197 = arith.constant 0 : i32
      %dma_wait3A_198 = arith.constant 0 : i32
      %dma_wait3A_199 = tpu.memref_slice %arg7[%dma_wait3A_197, %dma_wait3A_198] : memref<8x128xi32, #tpu.memory_space<vmem>> -> memref<1x128xi32, #tpu.memory_space<vmem>>
      %dma_wait3A_200 = tpu.memref_squeeze %dma_wait3A_199 : memref<1x128xi32, #tpu.memory_space<vmem>> -> memref<128xi32, #tpu.memory_space<vmem>>
      %dma_wait3A_201 = arith.constant 0 : i32
      %dma_wait3A_202 = arith.constant 0 : i32
      %dma_wait3A_203 = tpu.memref_slice %arg2[%dma_wait3A_201, %dma_wait3A_202] : memref<10000x128xf32, #tpu.memory_space<hbm>> -> memref<10000x128xf32, #tpu.memory_space<hbm>>
      tpu.wait_indirect_dma semaphore(%arg13 : memref<!tpu.dma_semaphore, #tpu.memory_space<semaphore_mem>>) src(%dma_wait3A_203 : memref<10000x128xf32, #tpu.memory_space<hbm>>) dst(%arg10 : memref<128x128xf32, #tpu.memory_space<vmem>>)
      %run_scoped3A_204 = arith.constant 0 : i32
      "tpu.region"() ({
        %run_scoped3A_331 = tpu.sem_alloc : memref<!tpu.dma_semaphore, #tpu.memory_space<semaphore_mem>>
        %dma_start3A_332 = arith.constant 0 : i32
        %dma_start3A_333 = tpu.memref_slice %arg9[%run_scoped3A_204, %dma_start3A_332] : memref<8x128xi32, #tpu.memory_space<vmem>> -> memref<1x128xi32, #tpu.memory_space<vmem>>
        %dma_start3A_334 = tpu.memref_squeeze %dma_start3A_333 : memref<1x128xi32, #tpu.memory_space<vmem>> -> memref<128xi32, #tpu.memory_space<vmem>>
        %dma_start3A_335 = arith.constant 0 : i32
        %dma_start3A_336 = arith.constant 0 : i32
        %dma_start3A_337 = tpu.memref_slice %arg12[%dma_start3A_335, %dma_start3A_336] : memref<10240x128xf32, #tpu.memory_space<vmem_shared>> -> memref<10240x128xf32, #tpu.memory_space<vmem_shared>>
        tpu.enqueue_indirect_dma source(%arg10 : memref<128x128xf32, #tpu.memory_space<vmem>>) target(%dma_start3A_337 : memref<10240x128xf32, #tpu.memory_space<vmem_shared>>) offsets(%dma_start3A_334 : memref<128xi32, #tpu.memory_space<vmem>>) semaphore(%run_scoped3A_331 : memref<!tpu.dma_semaphore, #tpu.memory_space<semaphore_mem>>) {add = true}
        %dma_wait3A_338 = arith.constant 0 : i32
        %dma_wait3A_339 = tpu.memref_slice %arg9[%run_scoped3A_204, %dma_wait3A_338] : memref<8x128xi32, #tpu.memory_space<vmem>> -> memref<1x128xi32, #tpu.memory_space<vmem>>
        %dma_wait3A_340 = tpu.memref_squeeze %dma_wait3A_339 : memref<1x128xi32, #tpu.memory_space<vmem>> -> memref<128xi32, #tpu.memory_space<vmem>>
        %dma_wait3A_341 = arith.constant 0 : i32
        %dma_wait3A_342 = arith.constant 0 : i32
        %dma_wait3A_343 = tpu.memref_slice %arg12[%dma_wait3A_341, %dma_wait3A_342] : memref<10240x128xf32, #tpu.memory_space<vmem_shared>> -> memref<10240x128xf32, #tpu.memory_space<vmem_shared>>
        tpu.wait_indirect_dma semaphore(%run_scoped3A_331 : memref<!tpu.dma_semaphore, #tpu.memory_space<semaphore_mem>>) src(%arg10 : memref<128x128xf32, #tpu.memory_space<vmem>>) dst(%dma_wait3A_343 : memref<10240x128xf32, #tpu.memory_space<vmem_shared>>)
        tpu.yield
      }) : () -> ()
      %add3A_205 = arith.constant 1 : i32
      %add3A_206 = arith.addi %add3A_196, %add3A_205 : i32
      %lt3A_207 = arith.constant 10 : i32
      %lt3A_208 = arith.cmpi slt, %add3A_206, %lt3A_207 : i32
      %convert_element_type3A_209 = arith.extui %lt3A_208 : i1 to i32
      %cond3A_210 = arith.constant 0 : i32
      %cond3A_211 = arith.cmpi ne, %convert_element_type3A_209, %cond3A_210 : i32
      scf.if %cond3A_211 {
        %add3A_331 = arith.constant 1 : i32
        %add3A_332 = arith.addi %add3A_196, %add3A_331 : i32
        %mul3A_333 = arith.constant 8 : i32
        %mul3A_334 = arith.muli %add3A_332, %mul3A_333 : i32
        %add3A_335 = arith.addi %mul3A_2, %mul3A_334 : i32
        %multiple_of3A_336 = tpu.assume_multiple %add3A_335, 8 : i32
        %dma_start3A_337 = arith.constant 0 : i32
        %dma_start3A_338 = tpu.memref_slice %arg3[%multiple_of3A_336, %dma_start3A_337] : memref<2560x128xi32, #tpu.memory_space<hbm>> -> memref<8x128xi32, #tpu.memory_space<hbm>>
        %dma_start3A_339 = arith.constant 0 : i32
        %dma_start3A_340 = tpu.memref_slice %arg3[%multiple_of3A_336, %dma_start3A_339] : memref<2560x128xi32, #tpu.memory_space<hbm>> -> memref<8x128xi32, #tpu.memory_space<hbm>>
        tpu.enqueue_dma source(%dma_start3A_340 : memref<8x128xi32, #tpu.memory_space<hbm>>) target(%arg6 : memref<8x128xi32, #tpu.memory_space<vmem>>) target_semaphore(%arg15 : memref<!tpu.dma_semaphore, #tpu.memory_space<semaphore_mem>>)
        %dma_start3A_341 = arith.constant 0 : i32
        %dma_start3A_342 = tpu.memref_slice %arg4[%multiple_of3A_336, %dma_start3A_341] : memref<2560x128xi32, #tpu.memory_space<hbm>> -> memref<8x128xi32, #tpu.memory_space<hbm>>
        %dma_start3A_343 = arith.constant 0 : i32
        %dma_start3A_344 = tpu.memref_slice %arg4[%multiple_of3A_336, %dma_start3A_343] : memref<2560x128xi32, #tpu.memory_space<hbm>> -> memref<8x128xi32, #tpu.memory_space<hbm>>
        tpu.enqueue_dma source(%dma_start3A_344 : memref<8x128xi32, #tpu.memory_space<hbm>>) target(%arg8 : memref<8x128xi32, #tpu.memory_space<vmem>>) target_semaphore(%arg16 : memref<!tpu.dma_semaphore, #tpu.memory_space<semaphore_mem>>)
      } else {
      }
      %dma_start3A_212 = arith.constant 2 : i32
      %dma_start3A_213 = arith.constant 0 : i32
      %dma_start3A_214 = tpu.memref_slice %arg7[%dma_start3A_212, %dma_start3A_213] : memref<8x128xi32, #tpu.memory_space<vmem>> -> memref<1x128xi32, #tpu.memory_space<vmem>>
      %dma_start3A_215 = tpu.memref_squeeze %dma_start3A_214 : memref<1x128xi32, #tpu.memory_space<vmem>> -> memref<128xi32, #tpu.memory_space<vmem>>
      %dma_start3A_216 = arith.constant 0 : i32
      %dma_start3A_217 = arith.constant 0 : i32
      %dma_start3A_218 = tpu.memref_slice %arg2[%dma_start3A_216, %dma_start3A_217] : memref<10000x128xf32, #tpu.memory_space<hbm>> -> memref<10000x128xf32, #tpu.memory_space<hbm>>
      tpu.enqueue_indirect_dma source(%dma_start3A_218 : memref<10000x128xf32, #tpu.memory_space<hbm>>) target(%arg10 : memref<128x128xf32, #tpu.memory_space<vmem>>) offsets(%dma_start3A_215 : memref<128xi32, #tpu.memory_space<vmem>>) semaphore(%arg13 : memref<!tpu.dma_semaphore, #tpu.memory_space<semaphore_mem>>)
      %dma_wait3A_219 = arith.constant 1 : i32
      %dma_wait3A_220 = arith.constant 0 : i32
      %dma_wait3A_221 = tpu.memref_slice %arg7[%dma_wait3A_219, %dma_wait3A_220] : memref<8x128xi32, #tpu.memory_space<vmem>> -> memref<1x128xi32, #tpu.memory_space<vmem>>
      %dma_wait3A_222 = tpu.memref_squeeze %dma_wait3A_221 : memref<1x128xi32, #tpu.memory_space<vmem>> -> memref<128xi32, #tpu.memory_space<vmem>>
      %dma_wait3A_223 = arith.constant 0 : i32
      %dma_wait3A_224 = arith.constant 0 : i32
      %dma_wait3A_225 = tpu.memref_slice %arg2[%dma_wait3A_223, %dma_wait3A_224] : memref<10000x128xf32, #tpu.memory_space<hbm>> -> memref<10000x128xf32, #tpu.memory_space<hbm>>
      tpu.wait_indirect_dma semaphore(%arg14 : memref<!tpu.dma_semaphore, #tpu.memory_space<semaphore_mem>>) src(%dma_wait3A_225 : memref<10000x128xf32, #tpu.memory_space<hbm>>) dst(%arg11 : memref<128x128xf32, #tpu.memory_space<vmem>>)
      %run_scoped3A_226 = arith.constant 1 : i32
      "tpu.region"() ({
        %run_scoped3A_331 = tpu.sem_alloc : memref<!tpu.dma_semaphore, #tpu.memory_space<semaphore_mem>>
        %dma_start3A_332 = arith.constant 0 : i32
        %dma_start3A_333 = tpu.memref_slice %arg9[%run_scoped3A_226, %dma_start3A_332] : memref<8x128xi32, #tpu.memory_space<vmem>> -> memref<1x128xi32, #tpu.memory_space<vmem>>
        %dma_start3A_334 = tpu.memref_squeeze %dma_start3A_333 : memref<1x128xi32, #tpu.memory_space<vmem>> -> memref<128xi32, #tpu.memory_space<vmem>>
        %dma_start3A_335 = arith.constant 0 : i32
        %dma_start3A_336 = arith.constant 0 : i32
        %dma_start3A_337 = tpu.memref_slice %arg12[%dma_start3A_335, %dma_start3A_336] : memref<10240x128xf32, #tpu.memory_space<vmem_shared>> -> memref<10240x128xf32, #tpu.memory_space<vmem_shared>>
        tpu.enqueue_indirect_dma source(%arg11 : memref<128x128xf32, #tpu.memory_space<vmem>>) target(%dma_start3A_337 : memref<10240x128xf32, #tpu.memory_space<vmem_shared>>) offsets(%dma_start3A_334 : memref<128xi32, #tpu.memory_space<vmem>>) semaphore(%run_scoped3A_331 : memref<!tpu.dma_semaphore, #tpu.memory_space<semaphore_mem>>) {add = true}
        %dma_wait3A_338 = arith.constant 0 : i32
        %dma_wait3A_339 = tpu.memref_slice %arg9[%run_scoped3A_226, %dma_wait3A_338] : memref<8x128xi32, #tpu.memory_space<vmem>> -> memref<1x128xi32, #tpu.memory_space<vmem>>
        %dma_wait3A_340 = tpu.memref_squeeze %dma_wait3A_339 : memref<1x128xi32, #tpu.memory_space<vmem>> -> memref<128xi32, #tpu.memory_space<vmem>>
        %dma_wait3A_341 = arith.constant 0 : i32
        %dma_wait3A_342 = arith.constant 0 : i32
        %dma_wait3A_343 = tpu.memref_slice %arg12[%dma_wait3A_341, %dma_wait3A_342] : memref<10240x128xf32, #tpu.memory_space<vmem_shared>> -> memref<10240x128xf32, #tpu.memory_space<vmem_shared>>
        tpu.wait_indirect_dma semaphore(%run_scoped3A_331 : memref<!tpu.dma_semaphore, #tpu.memory_space<semaphore_mem>>) src(%arg11 : memref<128x128xf32, #tpu.memory_space<vmem>>) dst(%dma_wait3A_343 : memref<10240x128xf32, #tpu.memory_space<vmem_shared>>)
        tpu.yield
      }) : () -> ()
      %dma_start3A_227 = arith.constant 3 : i32
      %dma_start3A_228 = arith.constant 0 : i32
      %dma_start3A_229 = tpu.memref_slice %arg7[%dma_start3A_227, %dma_start3A_228] : memref<8x128xi32, #tpu.memory_space<vmem>> -> memref<1x128xi32, #tpu.memory_space<vmem>>
      %dma_start3A_230 = tpu.memref_squeeze %dma_start3A_229 : memref<1x128xi32, #tpu.memory_space<vmem>> -> memref<128xi32, #tpu.memory_space<vmem>>
      %dma_start3A_231 = arith.constant 0 : i32
      %dma_start3A_232 = arith.constant 0 : i32
      %dma_start3A_233 = tpu.memref_slice %arg2[%dma_start3A_231, %dma_start3A_232] : memref<10000x128xf32, #tpu.memory_space<hbm>> -> memref<10000x128xf32, #tpu.memory_space<hbm>>
      tpu.enqueue_indirect_dma source(%dma_start3A_233 : memref<10000x128xf32, #tpu.memory_space<hbm>>) target(%arg11 : memref<128x128xf32, #tpu.memory_space<vmem>>) offsets(%dma_start3A_230 : memref<128xi32, #tpu.memory_space<vmem>>) semaphore(%arg14 : memref<!tpu.dma_semaphore, #tpu.memory_space<semaphore_mem>>)
      %dma_wait3A_234 = arith.constant 2 : i32
      %dma_wait3A_235 = arith.constant 0 : i32
      %dma_wait3A_236 = tpu.memref_slice %arg7[%dma_wait3A_234, %dma_wait3A_235] : memref<8x128xi32, #tpu.memory_space<vmem>> -> memref<1x128xi32, #tpu.memory_space<vmem>>
      %dma_wait3A_237 = tpu.memref_squeeze %dma_wait3A_236 : memref<1x128xi32, #tpu.memory_space<vmem>> -> memref<128xi32, #tpu.memory_space<vmem>>
      %dma_wait3A_238 = arith.constant 0 : i32
      %dma_wait3A_239 = arith.constant 0 : i32
      %dma_wait3A_240 = tpu.memref_slice %arg2[%dma_wait3A_238, %dma_wait3A_239] : memref<10000x128xf32, #tpu.memory_space<hbm>> -> memref<10000x128xf32, #tpu.memory_space<hbm>>
      tpu.wait_indirect_dma semaphore(%arg13 : memref<!tpu.dma_semaphore, #tpu.memory_space<semaphore_mem>>) src(%dma_wait3A_240 : memref<10000x128xf32, #tpu.memory_space<hbm>>) dst(%arg10 : memref<128x128xf32, #tpu.memory_space<vmem>>)
      %run_scoped3A_241 = arith.constant 2 : i32
      "tpu.region"() ({
        %run_scoped3A_331 = tpu.sem_alloc : memref<!tpu.dma_semaphore, #tpu.memory_space<semaphore_mem>>
        %dma_start3A_332 = arith.constant 0 : i32
        %dma_start3A_333 = tpu.memref_slice %arg9[%run_scoped3A_241, %dma_start3A_332] : memref<8x128xi32, #tpu.memory_space<vmem>> -> memref<1x128xi32, #tpu.memory_space<vmem>>
        %dma_start3A_334 = tpu.memref_squeeze %dma_start3A_333 : memref<1x128xi32, #tpu.memory_space<vmem>> -> memref<128xi32, #tpu.memory_space<vmem>>
        %dma_start3A_335 = arith.constant 0 : i32
        %dma_start3A_336 = arith.constant 0 : i32
        %dma_start3A_337 = tpu.memref_slice %arg12[%dma_start3A_335, %dma_start3A_336] : memref<10240x128xf32, #tpu.memory_space<vmem_shared>> -> memref<10240x128xf32, #tpu.memory_space<vmem_shared>>
        tpu.enqueue_indirect_dma source(%arg10 : memref<128x128xf32, #tpu.memory_space<vmem>>) target(%dma_start3A_337 : memref<10240x128xf32, #tpu.memory_space<vmem_shared>>) offsets(%dma_start3A_334 : memref<128xi32, #tpu.memory_space<vmem>>) semaphore(%run_scoped3A_331 : memref<!tpu.dma_semaphore, #tpu.memory_space<semaphore_mem>>) {add = true}
        %dma_wait3A_338 = arith.constant 0 : i32
        %dma_wait3A_339 = tpu.memref_slice %arg9[%run_scoped3A_241, %dma_wait3A_338] : memref<8x128xi32, #tpu.memory_space<vmem>> -> memref<1x128xi32, #tpu.memory_space<vmem>>
        %dma_wait3A_340 = tpu.memref_squeeze %dma_wait3A_339 : memref<1x128xi32, #tpu.memory_space<vmem>> -> memref<128xi32, #tpu.memory_space<vmem>>
        %dma_wait3A_341 = arith.constant 0 : i32
        %dma_wait3A_342 = arith.constant 0 : i32
        %dma_wait3A_343 = tpu.memref_slice %arg12[%dma_wait3A_341, %dma_wait3A_342] : memref<10240x128xf32, #tpu.memory_space<vmem_shared>> -> memref<10240x128xf32, #tpu.memory_space<vmem_shared>>
        tpu.wait_indirect_dma semaphore(%run_scoped3A_331 : memref<!tpu.dma_semaphore, #tpu.memory_space<semaphore_mem>>) src(%arg10 : memref<128x128xf32, #tpu.memory_space<vmem>>) dst(%dma_wait3A_343 : memref<10240x128xf32, #tpu.memory_space<vmem_shared>>)
        tpu.yield
      }) : () -> ()
      %dma_start3A_242 = arith.constant 4 : i32
      %dma_start3A_243 = arith.constant 0 : i32
      %dma_start3A_244 = tpu.memref_slice %arg7[%dma_start3A_242, %dma_start3A_243] : memref<8x128xi32, #tpu.memory_space<vmem>> -> memref<1x128xi32, #tpu.memory_space<vmem>>
      %dma_start3A_245 = tpu.memref_squeeze %dma_start3A_244 : memref<1x128xi32, #tpu.memory_space<vmem>> -> memref<128xi32, #tpu.memory_space<vmem>>
      %dma_start3A_246 = arith.constant 0 : i32
      %dma_start3A_247 = arith.constant 0 : i32
      %dma_start3A_248 = tpu.memref_slice %arg2[%dma_start3A_246, %dma_start3A_247] : memref<10000x128xf32, #tpu.memory_space<hbm>> -> memref<10000x128xf32, #tpu.memory_space<hbm>>
      tpu.enqueue_indirect_dma source(%dma_start3A_248 : memref<10000x128xf32, #tpu.memory_space<hbm>>) target(%arg10 : memref<128x128xf32, #tpu.memory_space<vmem>>) offsets(%dma_start3A_245 : memref<128xi32, #tpu.memory_space<vmem>>) semaphore(%arg13 : memref<!tpu.dma_semaphore, #tpu.memory_space<semaphore_mem>>)
      %dma_wait3A_249 = arith.constant 3 : i32
      %dma_wait3A_250 = arith.constant 0 : i32
      %dma_wait3A_251 = tpu.memref_slice %arg7[%dma_wait3A_249, %dma_wait3A_250] : memref<8x128xi32, #tpu.memory_space<vmem>> -> memref<1x128xi32, #tpu.memory_space<vmem>>
      %dma_wait3A_252 = tpu.memref_squeeze %dma_wait3A_251 : memref<1x128xi32, #tpu.memory_space<vmem>> -> memref<128xi32, #tpu.memory_space<vmem>>
      %dma_wait3A_253 = arith.constant 0 : i32
      %dma_wait3A_254 = arith.constant 0 : i32
      %dma_wait3A_255 = tpu.memref_slice %arg2[%dma_wait3A_253, %dma_wait3A_254] : memref<10000x128xf32, #tpu.memory_space<hbm>> -> memref<10000x128xf32, #tpu.memory_space<hbm>>
      tpu.wait_indirect_dma semaphore(%arg14 : memref<!tpu.dma_semaphore, #tpu.memory_space<semaphore_mem>>) src(%dma_wait3A_255 : memref<10000x128xf32, #tpu.memory_space<hbm>>) dst(%arg11 : memref<128x128xf32, #tpu.memory_space<vmem>>)
      %run_scoped3A_256 = arith.constant 3 : i32
      "tpu.region"() ({
        %run_scoped3A_331 = tpu.sem_alloc : memref<!tpu.dma_semaphore, #tpu.memory_space<semaphore_mem>>
        %dma_start3A_332 = arith.constant 0 : i32
        %dma_start3A_333 = tpu.memref_slice %arg9[%run_scoped3A_256, %dma_start3A_332] : memref<8x128xi32, #tpu.memory_space<vmem>> -> memref<1x128xi32, #tpu.memory_space<vmem>>
        %dma_start3A_334 = tpu.memref_squeeze %dma_start3A_333 : memref<1x128xi32, #tpu.memory_space<vmem>> -> memref<128xi32, #tpu.memory_space<vmem>>
        %dma_start3A_335 = arith.constant 0 : i32
        %dma_start3A_336 = arith.constant 0 : i32
        %dma_start3A_337 = tpu.memref_slice %arg12[%dma_start3A_335, %dma_start3A_336] : memref<10240x128xf32, #tpu.memory_space<vmem_shared>> -> memref<10240x128xf32, #tpu.memory_space<vmem_shared>>
        tpu.enqueue_indirect_dma source(%arg11 : memref<128x128xf32, #tpu.memory_space<vmem>>) target(%dma_start3A_337 : memref<10240x128xf32, #tpu.memory_space<vmem_shared>>) offsets(%dma_start3A_334 : memref<128xi32, #tpu.memory_space<vmem>>) semaphore(%run_scoped3A_331 : memref<!tpu.dma_semaphore, #tpu.memory_space<semaphore_mem>>) {add = true}
        %dma_wait3A_338 = arith.constant 0 : i32
        %dma_wait3A_339 = tpu.memref_slice %arg9[%run_scoped3A_256, %dma_wait3A_338] : memref<8x128xi32, #tpu.memory_space<vmem>> -> memref<1x128xi32, #tpu.memory_space<vmem>>
        %dma_wait3A_340 = tpu.memref_squeeze %dma_wait3A_339 : memref<1x128xi32, #tpu.memory_space<vmem>> -> memref<128xi32, #tpu.memory_space<vmem>>
        %dma_wait3A_341 = arith.constant 0 : i32
        %dma_wait3A_342 = arith.constant 0 : i32
        %dma_wait3A_343 = tpu.memref_slice %arg12[%dma_wait3A_341, %dma_wait3A_342] : memref<10240x128xf32, #tpu.memory_space<vmem_shared>> -> memref<10240x128xf32, #tpu.memory_space<vmem_shared>>
        tpu.wait_indirect_dma semaphore(%run_scoped3A_331 : memref<!tpu.dma_semaphore, #tpu.memory_space<semaphore_mem>>) src(%arg11 : memref<128x128xf32, #tpu.memory_space<vmem>>) dst(%dma_wait3A_343 : memref<10240x128xf32, #tpu.memory_space<vmem_shared>>)
        tpu.yield
      }) : () -> ()
      %dma_start3A_257 = arith.constant 5 : i32
      %dma_start3A_258 = arith.constant 0 : i32
      %dma_start3A_259 = tpu.memref_slice %arg7[%dma_start3A_257, %dma_start3A_258] : memref<8x128xi32, #tpu.memory_space<vmem>> -> memref<1x128xi32, #tpu.memory_space<vmem>>
      %dma_start3A_260 = tpu.memref_squeeze %dma_start3A_259 : memref<1x128xi32, #tpu.memory_space<vmem>> -> memref<128xi32, #tpu.memory_space<vmem>>
      %dma_start3A_261 = arith.constant 0 : i32
      %dma_start3A_262 = arith.constant 0 : i32
      %dma_start3A_263 = tpu.memref_slice %arg2[%dma_start3A_261, %dma_start3A_262] : memref<10000x128xf32, #tpu.memory_space<hbm>> -> memref<10000x128xf32, #tpu.memory_space<hbm>>
      tpu.enqueue_indirect_dma source(%dma_start3A_263 : memref<10000x128xf32, #tpu.memory_space<hbm>>) target(%arg11 : memref<128x128xf32, #tpu.memory_space<vmem>>) offsets(%dma_start3A_260 : memref<128xi32, #tpu.memory_space<vmem>>) semaphore(%arg14 : memref<!tpu.dma_semaphore, #tpu.memory_space<semaphore_mem>>)
      %dma_wait3A_264 = arith.constant 4 : i32
      %dma_wait3A_265 = arith.constant 0 : i32
      %dma_wait3A_266 = tpu.memref_slice %arg7[%dma_wait3A_264, %dma_wait3A_265] : memref<8x128xi32, #tpu.memory_space<vmem>> -> memref<1x128xi32, #tpu.memory_space<vmem>>
      %dma_wait3A_267 = tpu.memref_squeeze %dma_wait3A_266 : memref<1x128xi32, #tpu.memory_space<vmem>> -> memref<128xi32, #tpu.memory_space<vmem>>
      %dma_wait3A_268 = arith.constant 0 : i32
      %dma_wait3A_269 = arith.constant 0 : i32
      %dma_wait3A_270 = tpu.memref_slice %arg2[%dma_wait3A_268, %dma_wait3A_269] : memref<10000x128xf32, #tpu.memory_space<hbm>> -> memref<10000x128xf32, #tpu.memory_space<hbm>>
      tpu.wait_indirect_dma semaphore(%arg13 : memref<!tpu.dma_semaphore, #tpu.memory_space<semaphore_mem>>) src(%dma_wait3A_270 : memref<10000x128xf32, #tpu.memory_space<hbm>>) dst(%arg10 : memref<128x128xf32, #tpu.memory_space<vmem>>)
      %run_scoped3A_271 = arith.constant 4 : i32
      "tpu.region"() ({
        %run_scoped3A_331 = tpu.sem_alloc : memref<!tpu.dma_semaphore, #tpu.memory_space<semaphore_mem>>
        %dma_start3A_332 = arith.constant 0 : i32
        %dma_start3A_333 = tpu.memref_slice %arg9[%run_scoped3A_271, %dma_start3A_332] : memref<8x128xi32, #tpu.memory_space<vmem>> -> memref<1x128xi32, #tpu.memory_space<vmem>>
        %dma_start3A_334 = tpu.memref_squeeze %dma_start3A_333 : memref<1x128xi32, #tpu.memory_space<vmem>> -> memref<128xi32, #tpu.memory_space<vmem>>
        %dma_start3A_335 = arith.constant 0 : i32
        %dma_start3A_336 = arith.constant 0 : i32
        %dma_start3A_337 = tpu.memref_slice %arg12[%dma_start3A_335, %dma_start3A_336] : memref<10240x128xf32, #tpu.memory_space<vmem_shared>> -> memref<10240x128xf32, #tpu.memory_space<vmem_shared>>
        tpu.enqueue_indirect_dma source(%arg10 : memref<128x128xf32, #tpu.memory_space<vmem>>) target(%dma_start3A_337 : memref<10240x128xf32, #tpu.memory_space<vmem_shared>>) offsets(%dma_start3A_334 : memref<128xi32, #tpu.memory_space<vmem>>) semaphore(%run_scoped3A_331 : memref<!tpu.dma_semaphore, #tpu.memory_space<semaphore_mem>>) {add = true}
        %dma_wait3A_338 = arith.constant 0 : i32
        %dma_wait3A_339 = tpu.memref_slice %arg9[%run_scoped3A_271, %dma_wait3A_338] : memref<8x128xi32, #tpu.memory_space<vmem>> -> memref<1x128xi32, #tpu.memory_space<vmem>>
        %dma_wait3A_340 = tpu.memref_squeeze %dma_wait3A_339 : memref<1x128xi32, #tpu.memory_space<vmem>> -> memref<128xi32, #tpu.memory_space<vmem>>
        %dma_wait3A_341 = arith.constant 0 : i32
        %dma_wait3A_342 = arith.constant 0 : i32
        %dma_wait3A_343 = tpu.memref_slice %arg12[%dma_wait3A_341, %dma_wait3A_342] : memref<10240x128xf32, #tpu.memory_space<vmem_shared>> -> memref<10240x128xf32, #tpu.memory_space<vmem_shared>>
        tpu.wait_indirect_dma semaphore(%run_scoped3A_331 : memref<!tpu.dma_semaphore, #tpu.memory_space<semaphore_mem>>) src(%arg10 : memref<128x128xf32, #tpu.memory_space<vmem>>) dst(%dma_wait3A_343 : memref<10240x128xf32, #tpu.memory_space<vmem_shared>>)
        tpu.yield
      }) : () -> ()
      %dma_start3A_272 = arith.constant 6 : i32
      %dma_start3A_273 = arith.constant 0 : i32
      %dma_start3A_274 = tpu.memref_slice %arg7[%dma_start3A_272, %dma_start3A_273] : memref<8x128xi32, #tpu.memory_space<vmem>> -> memref<1x128xi32, #tpu.memory_space<vmem>>
      %dma_start3A_275 = tpu.memref_squeeze %dma_start3A_274 : memref<1x128xi32, #tpu.memory_space<vmem>> -> memref<128xi32, #tpu.memory_space<vmem>>
      %dma_start3A_276 = arith.constant 0 : i32
      %dma_start3A_277 = arith.constant 0 : i32
      %dma_start3A_278 = tpu.memref_slice %arg2[%dma_start3A_276, %dma_start3A_277] : memref<10000x128xf32, #tpu.memory_space<hbm>> -> memref<10000x128xf32, #tpu.memory_space<hbm>>
      tpu.enqueue_indirect_dma source(%dma_start3A_278 : memref<10000x128xf32, #tpu.memory_space<hbm>>) target(%arg10 : memref<128x128xf32, #tpu.memory_space<vmem>>) offsets(%dma_start3A_275 : memref<128xi32, #tpu.memory_space<vmem>>) semaphore(%arg13 : memref<!tpu.dma_semaphore, #tpu.memory_space<semaphore_mem>>)
      %dma_wait3A_279 = arith.constant 5 : i32
      %dma_wait3A_280 = arith.constant 0 : i32
      %dma_wait3A_281 = tpu.memref_slice %arg7[%dma_wait3A_279, %dma_wait3A_280] : memref<8x128xi32, #tpu.memory_space<vmem>> -> memref<1x128xi32, #tpu.memory_space<vmem>>
      %dma_wait3A_282 = tpu.memref_squeeze %dma_wait3A_281 : memref<1x128xi32, #tpu.memory_space<vmem>> -> memref<128xi32, #tpu.memory_space<vmem>>
      %dma_wait3A_283 = arith.constant 0 : i32
      %dma_wait3A_284 = arith.constant 0 : i32
      %dma_wait3A_285 = tpu.memref_slice %arg2[%dma_wait3A_283, %dma_wait3A_284] : memref<10000x128xf32, #tpu.memory_space<hbm>> -> memref<10000x128xf32, #tpu.memory_space<hbm>>
      tpu.wait_indirect_dma semaphore(%arg14 : memref<!tpu.dma_semaphore, #tpu.memory_space<semaphore_mem>>) src(%dma_wait3A_285 : memref<10000x128xf32, #tpu.memory_space<hbm>>) dst(%arg11 : memref<128x128xf32, #tpu.memory_space<vmem>>)
      %run_scoped3A_286 = arith.constant 5 : i32
      "tpu.region"() ({
        %run_scoped3A_331 = tpu.sem_alloc : memref<!tpu.dma_semaphore, #tpu.memory_space<semaphore_mem>>
        %dma_start3A_332 = arith.constant 0 : i32
        %dma_start3A_333 = tpu.memref_slice %arg9[%run_scoped3A_286, %dma_start3A_332] : memref<8x128xi32, #tpu.memory_space<vmem>> -> memref<1x128xi32, #tpu.memory_space<vmem>>
        %dma_start3A_334 = tpu.memref_squeeze %dma_start3A_333 : memref<1x128xi32, #tpu.memory_space<vmem>> -> memref<128xi32, #tpu.memory_space<vmem>>
        %dma_start3A_335 = arith.constant 0 : i32
        %dma_start3A_336 = arith.constant 0 : i32
        %dma_start3A_337 = tpu.memref_slice %arg12[%dma_start3A_335, %dma_start3A_336] : memref<10240x128xf32, #tpu.memory_space<vmem_shared>> -> memref<10240x128xf32, #tpu.memory_space<vmem_shared>>
        tpu.enqueue_indirect_dma source(%arg11 : memref<128x128xf32, #tpu.memory_space<vmem>>) target(%dma_start3A_337 : memref<10240x128xf32, #tpu.memory_space<vmem_shared>>) offsets(%dma_start3A_334 : memref<128xi32, #tpu.memory_space<vmem>>) semaphore(%run_scoped3A_331 : memref<!tpu.dma_semaphore, #tpu.memory_space<semaphore_mem>>) {add = true}
        %dma_wait3A_338 = arith.constant 0 : i32
        %dma_wait3A_339 = tpu.memref_slice %arg9[%run_scoped3A_286, %dma_wait3A_338] : memref<8x128xi32, #tpu.memory_space<vmem>> -> memref<1x128xi32, #tpu.memory_space<vmem>>
        %dma_wait3A_340 = tpu.memref_squeeze %dma_wait3A_339 : memref<1x128xi32, #tpu.memory_space<vmem>> -> memref<128xi32, #tpu.memory_space<vmem>>
        %dma_wait3A_341 = arith.constant 0 : i32
        %dma_wait3A_342 = arith.constant 0 : i32
        %dma_wait3A_343 = tpu.memref_slice %arg12[%dma_wait3A_341, %dma_wait3A_342] : memref<10240x128xf32, #tpu.memory_space<vmem_shared>> -> memref<10240x128xf32, #tpu.memory_space<vmem_shared>>
        tpu.wait_indirect_dma semaphore(%run_scoped3A_331 : memref<!tpu.dma_semaphore, #tpu.memory_space<semaphore_mem>>) src(%arg11 : memref<128x128xf32, #tpu.memory_space<vmem>>) dst(%dma_wait3A_343 : memref<10240x128xf32, #tpu.memory_space<vmem_shared>>)
        tpu.yield
      }) : () -> ()
      %add3A_287 = arith.constant 1 : i32
      %add3A_288 = arith.addi %add3A_196, %add3A_287 : i32
      %lt3A_289 = arith.constant 10 : i32
      %lt3A_290 = arith.cmpi slt, %add3A_288, %lt3A_289 : i32
      %convert_element_type3A_291 = arith.extui %lt3A_290 : i1 to i32
      %cond3A_292 = arith.constant 0 : i32
      %cond3A_293 = arith.cmpi ne, %convert_element_type3A_291, %cond3A_292 : i32
      scf.if %cond3A_293 {
        %dma_wait3A_331 = arith.constant 0 : i32
        %dma_wait3A_332 = arith.constant 0 : i32
        %dma_wait3A_333 = tpu.memref_slice %arg3[%dma_wait3A_331, %dma_wait3A_332] : memref<2560x128xi32, #tpu.memory_space<hbm>> -> memref<8x128xi32, #tpu.memory_space<hbm>>
        %dma_wait3A_334 = arith.constant 0 : i32
        %dma_wait3A_335 = arith.constant 0 : i32
        %dma_wait3A_336 = tpu.memref_slice %arg3[%dma_wait3A_334, %dma_wait3A_335] : memref<2560x128xi32, #tpu.memory_space<hbm>> -> memref<8x128xi32, #tpu.memory_space<hbm>>
        tpu.wait_dma2 semaphore(%arg15 : memref<!tpu.dma_semaphore, #tpu.memory_space<semaphore_mem>>) src(%dma_wait3A_336 : memref<8x128xi32, #tpu.memory_space<hbm>>) dst(%arg6 : memref<8x128xi32, #tpu.memory_space<vmem>>)
        %dma_wait3A_337 = arith.constant 0 : i32
        %dma_wait3A_338 = arith.constant 0 : i32
        %dma_wait3A_339 = tpu.memref_slice %arg4[%dma_wait3A_337, %dma_wait3A_338] : memref<2560x128xi32, #tpu.memory_space<hbm>> -> memref<8x128xi32, #tpu.memory_space<hbm>>
        %dma_wait3A_340 = arith.constant 0 : i32
        %dma_wait3A_341 = arith.constant 0 : i32
        %dma_wait3A_342 = tpu.memref_slice %arg4[%dma_wait3A_340, %dma_wait3A_341] : memref<2560x128xi32, #tpu.memory_space<hbm>> -> memref<8x128xi32, #tpu.memory_space<hbm>>
        tpu.wait_dma2 semaphore(%arg16 : memref<!tpu.dma_semaphore, #tpu.memory_space<semaphore_mem>>) src(%dma_wait3A_342 : memref<8x128xi32, #tpu.memory_space<hbm>>) dst(%arg8 : memref<8x128xi32, #tpu.memory_space<vmem>>)
      } else {
      }
      %dma_start3A_294 = arith.constant 7 : i32
      %dma_start3A_295 = arith.constant 0 : i32
      %dma_start3A_296 = tpu.memref_slice %arg7[%dma_start3A_294, %dma_start3A_295] : memref<8x128xi32, #tpu.memory_space<vmem>> -> memref<1x128xi32, #tpu.memory_space<vmem>>
      %dma_start3A_297 = tpu.memref_squeeze %dma_start3A_296 : memref<1x128xi32, #tpu.memory_space<vmem>> -> memref<128xi32, #tpu.memory_space<vmem>>
      %dma_start3A_298 = arith.constant 0 : i32
      %dma_start3A_299 = arith.constant 0 : i32
      %dma_start3A_300 = tpu.memref_slice %arg2[%dma_start3A_298, %dma_start3A_299] : memref<10000x128xf32, #tpu.memory_space<hbm>> -> memref<10000x128xf32, #tpu.memory_space<hbm>>
      tpu.enqueue_indirect_dma source(%dma_start3A_300 : memref<10000x128xf32, #tpu.memory_space<hbm>>) target(%arg11 : memref<128x128xf32, #tpu.memory_space<vmem>>) offsets(%dma_start3A_297 : memref<128xi32, #tpu.memory_space<vmem>>) semaphore(%arg14 : memref<!tpu.dma_semaphore, #tpu.memory_space<semaphore_mem>>)
      %dma_wait3A_301 = arith.constant 6 : i32
      %dma_wait3A_302 = arith.constant 0 : i32
      %dma_wait3A_303 = tpu.memref_slice %arg7[%dma_wait3A_301, %dma_wait3A_302] : memref<8x128xi32, #tpu.memory_space<vmem>> -> memref<1x128xi32, #tpu.memory_space<vmem>>
      %dma_wait3A_304 = tpu.memref_squeeze %dma_wait3A_303 : memref<1x128xi32, #tpu.memory_space<vmem>> -> memref<128xi32, #tpu.memory_space<vmem>>
      %dma_wait3A_305 = arith.constant 0 : i32
      %dma_wait3A_306 = arith.constant 0 : i32
      %dma_wait3A_307 = tpu.memref_slice %arg2[%dma_wait3A_305, %dma_wait3A_306] : memref<10000x128xf32, #tpu.memory_space<hbm>> -> memref<10000x128xf32, #tpu.memory_space<hbm>>
      tpu.wait_indirect_dma semaphore(%arg13 : memref<!tpu.dma_semaphore, #tpu.memory_space<semaphore_mem>>) src(%dma_wait3A_307 : memref<10000x128xf32, #tpu.memory_space<hbm>>) dst(%arg10 : memref<128x128xf32, #tpu.memory_space<vmem>>)
      %run_scoped3A_308 = arith.constant 6 : i32
      "tpu.region"() ({
        %run_scoped3A_331 = tpu.sem_alloc : memref<!tpu.dma_semaphore, #tpu.memory_space<semaphore_mem>>
        %dma_start3A_332 = arith.constant 0 : i32
        %dma_start3A_333 = tpu.memref_slice %arg9[%run_scoped3A_308, %dma_start3A_332] : memref<8x128xi32, #tpu.memory_space<vmem>> -> memref<1x128xi32, #tpu.memory_space<vmem>>
        %dma_start3A_334 = tpu.memref_squeeze %dma_start3A_333 : memref<1x128xi32, #tpu.memory_space<vmem>> -> memref<128xi32, #tpu.memory_space<vmem>>
        %dma_start3A_335 = arith.constant 0 : i32
        %dma_start3A_336 = arith.constant 0 : i32
        %dma_start3A_337 = tpu.memref_slice %arg12[%dma_start3A_335, %dma_start3A_336] : memref<10240x128xf32, #tpu.memory_space<vmem_shared>> -> memref<10240x128xf32, #tpu.memory_space<vmem_shared>>
        tpu.enqueue_indirect_dma source(%arg10 : memref<128x128xf32, #tpu.memory_space<vmem>>) target(%dma_start3A_337 : memref<10240x128xf32, #tpu.memory_space<vmem_shared>>) offsets(%dma_start3A_334 : memref<128xi32, #tpu.memory_space<vmem>>) semaphore(%run_scoped3A_331 : memref<!tpu.dma_semaphore, #tpu.memory_space<semaphore_mem>>) {add = true}
        %dma_wait3A_338 = arith.constant 0 : i32
        %dma_wait3A_339 = tpu.memref_slice %arg9[%run_scoped3A_308, %dma_wait3A_338] : memref<8x128xi32, #tpu.memory_space<vmem>> -> memref<1x128xi32, #tpu.memory_space<vmem>>
        %dma_wait3A_340 = tpu.memref_squeeze %dma_wait3A_339 : memref<1x128xi32, #tpu.memory_space<vmem>> -> memref<128xi32, #tpu.memory_space<vmem>>
        %dma_wait3A_341 = arith.constant 0 : i32
        %dma_wait3A_342 = arith.constant 0 : i32
        %dma_wait3A_343 = tpu.memref_slice %arg12[%dma_wait3A_341, %dma_wait3A_342] : memref<10240x128xf32, #tpu.memory_space<vmem_shared>> -> memref<10240x128xf32, #tpu.memory_space<vmem_shared>>
        tpu.wait_indirect_dma semaphore(%run_scoped3A_331 : memref<!tpu.dma_semaphore, #tpu.memory_space<semaphore_mem>>) src(%arg10 : memref<128x128xf32, #tpu.memory_space<vmem>>) dst(%dma_wait3A_343 : memref<10240x128xf32, #tpu.memory_space<vmem_shared>>)
        tpu.yield
      }) : () -> ()
      %add3A_309 = arith.constant 1 : i32
      %add3A_310 = arith.addi %add3A_196, %add3A_309 : i32
      %lt3A_311 = arith.constant 10 : i32
      %lt3A_312 = arith.cmpi slt, %add3A_310, %lt3A_311 : i32
      %convert_element_type3A_313 = arith.extui %lt3A_312 : i1 to i32
      %cond3A_314 = arith.constant 0 : i32
      %cond3A_315 = arith.cmpi ne, %convert_element_type3A_313, %cond3A_314 : i32
      scf.if %cond3A_315 {
        %dma_start3A_331 = arith.constant 0 : i32
        %dma_start3A_332 = arith.constant 0 : i32
        %dma_start3A_333 = tpu.memref_slice %arg6[%dma_start3A_331, %dma_start3A_332] : memref<8x128xi32, #tpu.memory_space<vmem>> -> memref<1x128xi32, #tpu.memory_space<vmem>>
        %dma_start3A_334 = tpu.memref_squeeze %dma_start3A_333 : memref<1x128xi32, #tpu.memory_space<vmem>> -> memref<128xi32, #tpu.memory_space<vmem>>
        %dma_start3A_335 = arith.constant 0 : i32
        %dma_start3A_336 = arith.constant 0 : i32
        %dma_start3A_337 = tpu.memref_slice %arg2[%dma_start3A_335, %dma_start3A_336] : memref<10000x128xf32, #tpu.memory_space<hbm>> -> memref<10000x128xf32, #tpu.memory_space<hbm>>
        tpu.enqueue_indirect_dma source(%dma_start3A_337 : memref<10000x128xf32, #tpu.memory_space<hbm>>) target(%arg10 : memref<128x128xf32, #tpu.memory_space<vmem>>) offsets(%dma_start3A_334 : memref<128xi32, #tpu.memory_space<vmem>>) semaphore(%arg13 : memref<!tpu.dma_semaphore, #tpu.memory_space<semaphore_mem>>)
      } else {
      }
      %dma_wait3A_316 = arith.constant 7 : i32
      %dma_wait3A_317 = arith.constant 0 : i32
      %dma_wait3A_318 = tpu.memref_slice %arg7[%dma_wait3A_316, %dma_wait3A_317] : memref<8x128xi32, #tpu.memory_space<vmem>> -> memref<1x128xi32, #tpu.memory_space<vmem>>
      %dma_wait3A_319 = tpu.memref_squeeze %dma_wait3A_318 : memref<1x128xi32, #tpu.memory_space<vmem>> -> memref<128xi32, #tpu.memory_space<vmem>>
      %dma_wait3A_320 = arith.constant 0 : i32
      %dma_wait3A_321 = arith.constant 0 : i32
      %dma_wait3A_322 = tpu.memref_slice %arg2[%dma_wait3A_320, %dma_wait3A_321] : memref<10000x128xf32, #tpu.memory_space<hbm>> -> memref<10000x128xf32, #tpu.memory_space<hbm>>
      tpu.wait_indirect_dma semaphore(%arg14 : memref<!tpu.dma_semaphore, #tpu.memory_space<semaphore_mem>>) src(%dma_wait3A_322 : memref<10000x128xf32, #tpu.memory_space<hbm>>) dst(%arg11 : memref<128x128xf32, #tpu.memory_space<vmem>>)
      %run_scoped3A_323 = arith.constant 7 : i32
      "tpu.region"() ({
        %run_scoped3A_331 = tpu.sem_alloc : memref<!tpu.dma_semaphore, #tpu.memory_space<semaphore_mem>>
        %dma_start3A_332 = arith.constant 0 : i32
        %dma_start3A_333 = tpu.memref_slice %arg9[%run_scoped3A_323, %dma_start3A_332] : memref<8x128xi32, #tpu.memory_space<vmem>> -> memref<1x128xi32, #tpu.memory_space<vmem>>
        %dma_start3A_334 = tpu.memref_squeeze %dma_start3A_333 : memref<1x128xi32, #tpu.memory_space<vmem>> -> memref<128xi32, #tpu.memory_space<vmem>>
        %dma_start3A_335 = arith.constant 0 : i32
        %dma_start3A_336 = arith.constant 0 : i32
        %dma_start3A_337 = tpu.memref_slice %arg12[%dma_start3A_335, %dma_start3A_336] : memref<10240x128xf32, #tpu.memory_space<vmem_shared>> -> memref<10240x128xf32, #tpu.memory_space<vmem_shared>>
        tpu.enqueue_indirect_dma source(%arg11 : memref<128x128xf32, #tpu.memory_space<vmem>>) target(%dma_start3A_337 : memref<10240x128xf32, #tpu.memory_space<vmem_shared>>) offsets(%dma_start3A_334 : memref<128xi32, #tpu.memory_space<vmem>>) semaphore(%run_scoped3A_331 : memref<!tpu.dma_semaphore, #tpu.memory_space<semaphore_mem>>) {add = true}
        %dma_wait3A_338 = arith.constant 0 : i32
        %dma_wait3A_339 = tpu.memref_slice %arg9[%run_scoped3A_323, %dma_wait3A_338] : memref<8x128xi32, #tpu.memory_space<vmem>> -> memref<1x128xi32, #tpu.memory_space<vmem>>
        %dma_wait3A_340 = tpu.memref_squeeze %dma_wait3A_339 : memref<1x128xi32, #tpu.memory_space<vmem>> -> memref<128xi32, #tpu.memory_space<vmem>>
        %dma_wait3A_341 = arith.constant 0 : i32
        %dma_wait3A_342 = arith.constant 0 : i32
        %dma_wait3A_343 = tpu.memref_slice %arg12[%dma_wait3A_341, %dma_wait3A_342] : memref<10240x128xf32, #tpu.memory_space<vmem_shared>> -> memref<10240x128xf32, #tpu.memory_space<vmem_shared>>
        tpu.wait_indirect_dma semaphore(%run_scoped3A_331 : memref<!tpu.dma_semaphore, #tpu.memory_space<semaphore_mem>>) src(%arg11 : memref<128x128xf32, #tpu.memory_space<vmem>>) dst(%dma_wait3A_343 : memref<10240x128xf32, #tpu.memory_space<vmem_shared>>)
        tpu.yield
      }) : () -> ()
      %add3A_324 = arith.constant 1 : i32
      %add3A_325 = arith.addi %add3A_196, %add3A_324 : i32
      %lt3A_326 = arith.constant 10 : i32
      %lt3A_327 = arith.cmpi slt, %add3A_325, %lt3A_326 : i32
      %convert_element_type3A_328 = arith.extui %lt3A_327 : i1 to i32
      %cond3A_329 = arith.constant 0 : i32
      %cond3A_330 = arith.cmpi ne, %convert_element_type3A_328, %cond3A_329 : i32
      scf.if %cond3A_330 {
        %dma_start3A_331 = arith.constant 1 : i32
        %dma_start3A_332 = arith.constant 0 : i32
        %dma_start3A_333 = tpu.memref_slice %arg6[%dma_start3A_331, %dma_start3A_332] : memref<8x128xi32, #tpu.memory_space<vmem>> -> memref<1x128xi32, #tpu.memory_space<vmem>>
        %dma_start3A_334 = tpu.memref_squeeze %dma_start3A_333 : memref<1x128xi32, #tpu.memory_space<vmem>> -> memref<128xi32, #tpu.memory_space<vmem>>
        %dma_start3A_335 = arith.constant 0 : i32
        %dma_start3A_336 = arith.constant 0 : i32
        %dma_start3A_337 = tpu.memref_slice %arg2[%dma_start3A_335, %dma_start3A_336] : memref<10000x128xf32, #tpu.memory_space<hbm>> -> memref<10000x128xf32, #tpu.memory_space<hbm>>
        tpu.enqueue_indirect_dma source(%dma_start3A_337 : memref<10000x128xf32, #tpu.memory_space<hbm>>) target(%arg11 : memref<128x128xf32, #tpu.memory_space<vmem>>) offsets(%dma_start3A_334 : memref<128xi32, #tpu.memory_space<vmem>>) semaphore(%arg14 : memref<!tpu.dma_semaphore, #tpu.memory_space<semaphore_mem>>)
      } else {
      }
    }
    %scan3A_48 = arith.constant 5 : i32
    %barrier3A_49 = arith.constant 0 : index
    tpu.barrier barrier_id(%barrier3A_49)
    %mul3A_50 = arith.constant 624 : i32
    %mul3A_51 = arith.muli %arg1, %mul3A_50 : i32
    %mul3A_52 = arith.constant 10000 : i32
    %mul3A_53 = arith.muli %arg0, %mul3A_52 : i32
    %mul3A_54 = arith.constant 624 : i32
    %mul3A_55 = arith.muli %arg1, %mul3A_54 : i32
    %add3A_56 = arith.addi %mul3A_53, %mul3A_55 : i32
    "tpu.region"() ({
      %run_scoped3A = tpu.sem_alloc : memref<!tpu.dma_semaphore, #tpu.memory_space<semaphore_mem>>
      %dma_start3A_59 = arith.constant 0 : i32
      %dma_start3A_60 = tpu.memref_slice %arg5[%add3A_56, %dma_start3A_59] : memref<20000x128xf32, #tpu.memory_space<hbm>> -> memref<624x128xf32, #tpu.memory_space<hbm>>
      %dma_start3A_61 = arith.constant 0 : i32
      %dma_start3A_62 = tpu.memref_slice %arg12[%mul3A_51, %dma_start3A_61] : memref<10240x128xf32, #tpu.memory_space<vmem_shared>> -> memref<624x128xf32, #tpu.memory_space<vmem_shared>>
      tpu.enqueue_dma source(%dma_start3A_62 : memref<624x128xf32, #tpu.memory_space<vmem_shared>>) target(%dma_start3A_60 : memref<624x128xf32, #tpu.memory_space<hbm>>) target_semaphore(%run_scoped3A : memref<!tpu.dma_semaphore, #tpu.memory_space<semaphore_mem>>)
      %dma_wait3A = arith.constant 0 : i32
      %dma_wait3A_63 = tpu.memref_slice %arg5[%add3A_56, %dma_wait3A] : memref<20000x128xf32, #tpu.memory_space<hbm>> -> memref<624x128xf32, #tpu.memory_space<hbm>>
      %dma_wait3A_64 = arith.constant 0 : i32
      %dma_wait3A_65 = tpu.memref_slice %arg12[%mul3A_51, %dma_wait3A_64] : memref<10240x128xf32, #tpu.memory_space<vmem_shared>> -> memref<624x128xf32, #tpu.memory_space<vmem_shared>>
      tpu.wait_dma2 semaphore(%run_scoped3A : memref<!tpu.dma_semaphore, #tpu.memory_space<semaphore_mem>>) src(%dma_wait3A_65 : memref<624x128xf32, #tpu.memory_space<vmem_shared>>) dst(%dma_wait3A_63 : memref<624x128xf32, #tpu.memory_space<hbm>>)
      tpu.yield
    }) : () -> ()
    %eq3A = arith.constant 15 : i32
    %eq3A_57 = arith.cmpi eq, %arg1, %eq3A : i32
    %convert_element_type3A = arith.extui %eq3A_57 : i1 to i32
    %cond3A = arith.constant 0 : i32
    %cond3A_58 = arith.cmpi ne, %convert_element_type3A, %cond3A : i32
    scf.if %cond3A_58 {
      %mul3A_59 = arith.constant 10000 : i32
      %mul3A_60 = arith.muli %arg0, %mul3A_59 : i32
      %add3A_61 = arith.constant 9984 : i32
      %add3A_62 = arith.addi %mul3A_60, %add3A_61 : i32
      "tpu.region"() ({
        %run_scoped3A = tpu.sem_alloc : memref<!tpu.dma_semaphore, #tpu.memory_space<semaphore_mem>>
        %dma_start3A_63 = arith.constant 0 : i32
        %dma_start3A_64 = tpu.memref_slice %arg5[%add3A_62, %dma_start3A_63] : memref<20000x128xf32, #tpu.memory_space<hbm>> -> memref<16x128xf32, #tpu.memory_space<hbm>>
        %dma_start3A_65 = arith.constant 9984 : i32
        %dma_start3A_66 = arith.constant 0 : i32
        %dma_start3A_67 = tpu.memref_slice %arg12[%dma_start3A_65, %dma_start3A_66] : memref<10240x128xf32, #tpu.memory_space<vmem_shared>> -> memref<16x128xf32, #tpu.memory_space<vmem_shared>>
        tpu.enqueue_dma source(%dma_start3A_67 : memref<16x128xf32, #tpu.memory_space<vmem_shared>>) target(%dma_start3A_64 : memref<16x128xf32, #tpu.memory_space<hbm>>) target_semaphore(%run_scoped3A : memref<!tpu.dma_semaphore, #tpu.memory_space<semaphore_mem>>)
        %dma_wait3A = arith.constant 0 : i32
        %dma_wait3A_68 = tpu.memref_slice %arg5[%add3A_62, %dma_wait3A] : memref<20000x128xf32, #tpu.memory_space<hbm>> -> memref<16x128xf32, #tpu.memory_space<hbm>>
        %dma_wait3A_69 = arith.constant 9984 : i32
        %dma_wait3A_70 = arith.constant 0 : i32
        %dma_wait3A_71 = tpu.memref_slice %arg12[%dma_wait3A_69, %dma_wait3A_70] : memref<10240x128xf32, #tpu.memory_space<vmem_shared>> -> memref<16x128xf32, #tpu.memory_space<vmem_shared>>
        tpu.wait_dma2 semaphore(%run_scoped3A : memref<!tpu.dma_semaphore, #tpu.memory_space<semaphore_mem>>) src(%dma_wait3A_71 : memref<16x128xf32, #tpu.memory_space<vmem_shared>>) dst(%dma_wait3A_68 : memref<16x128xf32, #tpu.memory_space<hbm>>)
        tpu.yield
      }) : () -> ()
    } else {
    }
    return
  }
}

#map = affine_map<(d0, d1) -> (0, 0)>
module attributes {stable_mosaic.version = 14 : i64} {
  func.func @_edge_scatter_kernel(%arg0: i32, %arg1: i32, %arg2: memref<10000x128xf32, #tpu.memory_space<hbm>>, %arg3: memref<2560x128xi32, #tpu.memory_space<hbm>>, %arg4: memref<2560x128xi32, #tpu.memory_space<hbm>>, %arg5: memref<20000x128xf32, #tpu.memory_space<hbm>>, %arg6: memref<8x128xi32, #tpu.memory_space<vmem>>, %arg7: memref<8x128xi32, #tpu.memory_space<vmem>>, %arg8: memref<8x128xi32, #tpu.memory_space<vmem>>, %arg9: memref<8x128xi32, #tpu.memory_space<vmem>>, %arg10: memref<128x128xf32, #tpu.memory_space<vmem>>, %arg11: memref<128x128xf32, #tpu.memory_space<vmem>>, %arg12: memref<10240x128xf32, #tpu.memory_space<vmem_shared>>, %arg13: memref<!tpu.dma_semaphore, #tpu.memory_space<semaphore_mem>>, %arg14: memref<!tpu.dma_semaphore, #tpu.memory_space<semaphore_mem>>, %arg15: memref<!tpu.dma_semaphore, #tpu.memory_space<semaphore_mem>>, %arg16: memref<!tpu.dma_semaphore, #tpu.memory_space<semaphore_mem>>) attributes {dimension_semantics = [#tpu.dimension_semantics<core_parallel>, #tpu.dimension_semantics<subcore_parallel>], iteration_bounds = array<i64: 2, 16>, scalar_prefetch = 0 : i64, scratch_operands = 11 : i64, tpu.core_type = #tpu.core_type<sc_vector_subcore>, window_params = [{transform_indices = #map}, {transform_indices = #map}, {transform_indices = #map}, {transform_indices = #map}]} {
    %mul3A = arith.constant 16 : i32
    %mul3A_0 = arith.muli %arg0, %mul3A : i32
    %add3A = arith.addi %mul3A_0, %arg1 : i32
    %mul3A_1 = arith.constant 80 : i32
    %mul3A_2 = arith.muli %add3A, %mul3A_1 : i32
    %broadcast_in_dim3A = arith.constant 0.000000e+00 : f32
    %broadcast_in_dim3A_3 = vector.broadcast %broadcast_in_dim3A : f32 to vector<16xf32>
    %scan3A = arith.constant 0 : i32
    %scan3A_4 = arith.constant 0 : i32
    %scan3A_5 = arith.constant 128 : i32
    %scan3A_6 = arith.addi %scan3A_4, %scan3A_5 : i32
    %scan3A_7 = arith.constant 1 : i32
    scf.for %scan3A_59 = %scan3A_4 to %scan3A_6 step %scan3A_7  : i32 {
      %swap3A = arith.index_cast %scan3A_59 : i32 to index
      %swap3A_60 = arith.constant 0 : index
      %swap3A_61 = tpu.vector_load %arg10[%swap3A, %swap3A_60] {strides = array<i32>} : memref<128x128xf32, #tpu.memory_space<vmem>>, vector<1x16xf32>,
      %swap3A_62 = vector.shape_cast %swap3A_61 : vector<1x16xf32> to vector<16xf32>
      %swap3A_63 = vector.shape_cast %broadcast_in_dim3A_3 : vector<16xf32> to vector<1x16xf32>
      tpu.vector_store %arg10[%swap3A, %swap3A_60], %swap3A_63 {strides = array<i32>} : memref<128x128xf32, #tpu.memory_space<vmem>>, vector<1x16xf32>,
      %swap3A_64 = arith.index_cast %scan3A_59 : i32 to index
      %swap3A_65 = arith.constant 16 : index
      %swap3A_66 = tpu.vector_load %arg10[%swap3A_64, %swap3A_65] {strides = array<i32>} : memref<128x128xf32, #tpu.memory_space<vmem>>, vector<1x16xf32>,
      %swap3A_67 = vector.shape_cast %swap3A_66 : vector<1x16xf32> to vector<16xf32>
      %swap3A_68 = vector.shape_cast %broadcast_in_dim3A_3 : vector<16xf32> to vector<1x16xf32>
      tpu.vector_store %arg10[%swap3A_64, %swap3A_65], %swap3A_68 {strides = array<i32>} : memref<128x128xf32, #tpu.memory_space<vmem>>, vector<1x16xf32>,
      %swap3A_69 = arith.index_cast %scan3A_59 : i32 to index
      %swap3A_70 = arith.constant 32 : index
      %swap3A_71 = tpu.vector_load %arg10[%swap3A_69, %swap3A_70] {strides = array<i32>} : memref<128x128xf32, #tpu.memory_space<vmem>>, vector<1x16xf32>,
      %swap3A_72 = vector.shape_cast %swap3A_71 : vector<1x16xf32> to vector<16xf32>
      %swap3A_73 = vector.shape_cast %broadcast_in_dim3A_3 : vector<16xf32> to vector<1x16xf32>
      tpu.vector_store %arg10[%swap3A_69, %swap3A_70], %swap3A_73 {strides = array<i32>} : memref<128x128xf32, #tpu.memory_space<vmem>>, vector<1x16xf32>,
      %swap3A_74 = arith.index_cast %scan3A_59 : i32 to index
      %swap3A_75 = arith.constant 48 : index
      %swap3A_76 = tpu.vector_load %arg10[%swap3A_74, %swap3A_75] {strides = array<i32>} : memref<128x128xf32, #tpu.memory_space<vmem>>, vector<1x16xf32>,
      %swap3A_77 = vector.shape_cast %swap3A_76 : vector<1x16xf32> to vector<16xf32>
      %swap3A_78 = vector.shape_cast %broadcast_in_dim3A_3 : vector<16xf32> to vector<1x16xf32>
      tpu.vector_store %arg10[%swap3A_74, %swap3A_75], %swap3A_78 {strides = array<i32>} : memref<128x128xf32, #tpu.memory_space<vmem>>, vector<1x16xf32>,
      %swap3A_79 = arith.index_cast %scan3A_59 : i32 to index
      %swap3A_80 = arith.constant 64 : index
      %swap3A_81 = tpu.vector_load %arg10[%swap3A_79, %swap3A_80] {strides = array<i32>} : memref<128x128xf32, #tpu.memory_space<vmem>>, vector<1x16xf32>,
      %swap3A_82 = vector.shape_cast %swap3A_81 : vector<1x16xf32> to vector<16xf32>
      %swap3A_83 = vector.shape_cast %broadcast_in_dim3A_3 : vector<16xf32> to vector<1x16xf32>
      tpu.vector_store %arg10[%swap3A_79, %swap3A_80], %swap3A_83 {strides = array<i32>} : memref<128x128xf32, #tpu.memory_space<vmem>>, vector<1x16xf32>,
      %swap3A_84 = arith.index_cast %scan3A_59 : i32 to index
      %swap3A_85 = arith.constant 80 : index
      %swap3A_86 = tpu.vector_load %arg10[%swap3A_84, %swap3A_85] {strides = array<i32>} : memref<128x128xf32, #tpu.memory_space<vmem>>, vector<1x16xf32>,
      %swap3A_87 = vector.shape_cast %swap3A_86 : vector<1x16xf32> to vector<16xf32>
      %swap3A_88 = vector.shape_cast %broadcast_in_dim3A_3 : vector<16xf32> to vector<1x16xf32>
      tpu.vector_store %arg10[%swap3A_84, %swap3A_85], %swap3A_88 {strides = array<i32>} : memref<128x128xf32, #tpu.memory_space<vmem>>, vector<1x16xf32>,
      %swap3A_89 = arith.index_cast %scan3A_59 : i32 to index
      %swap3A_90 = arith.constant 96 : index
      %swap3A_91 = tpu.vector_load %arg10[%swap3A_89, %swap3A_90] {strides = array<i32>} : memref<128x128xf32, #tpu.memory_space<vmem>>, vector<1x16xf32>,
      %swap3A_92 = vector.shape_cast %swap3A_91 : vector<1x16xf32> to vector<16xf32>
      %swap3A_93 = vector.shape_cast %broadcast_in_dim3A_3 : vector<16xf32> to vector<1x16xf32>
      tpu.vector_store %arg10[%swap3A_89, %swap3A_90], %swap3A_93 {strides = array<i32>} : memref<128x128xf32, #tpu.memory_space<vmem>>, vector<1x16xf32>,
      %swap3A_94 = arith.index_cast %scan3A_59 : i32 to index
      %swap3A_95 = arith.constant 112 : index
      %swap3A_96 = tpu.vector_load %arg10[%swap3A_94, %swap3A_95] {strides = array<i32>} : memref<128x128xf32, #tpu.memory_space<vmem>>, vector<1x16xf32>,
      %swap3A_97 = vector.shape_cast %swap3A_96 : vector<1x16xf32> to vector<16xf32>
      %swap3A_98 = vector.shape_cast %broadcast_in_dim3A_3 : vector<16xf32> to vector<1x16xf32>
      tpu.vector_store %arg10[%swap3A_94, %swap3A_95], %swap3A_98 {strides = array<i32>} : memref<128x128xf32, #tpu.memory_space<vmem>>, vector<1x16xf32>,
    }
    %scan3A_8 = arith.constant 128 : i32
    %mul3A_9 = arith.constant 640 : i32
    %mul3A_10 = arith.muli %arg1, %mul3A_9 : i32
    %add3A_11 = arith.constant 0 : i32
    %add3A_12 = arith.addi %mul3A_10, %add3A_11 : i32
    "tpu.region"() ({
      %run_scoped3A = tpu.sem_alloc : memref<!tpu.dma_semaphore, #tpu.memory_space<semaphore_mem>>
      %dma_start3A_59 = arith.constant 0 : i32
      %dma_start3A_60 = tpu.memref_slice %arg12[%add3A_12, %dma_start3A_59] : memref<10240x128xf32, #tpu.memory_space<vmem_shared>> -> memref<128x128xf32, #tpu.memory_space<vmem_shared>>
      %dma_start3A_61 = arith.constant 0 : i32
      %dma_start3A_62 = tpu.memref_slice %arg12[%add3A_12, %dma_start3A_61] : memref<10240x128xf32, #tpu.memory_space<vmem_shared>> -> memref<128x128xf32, #tpu.memory_space<vmem_shared>>
      tpu.enqueue_dma source(%arg10 : memref<128x128xf32, #tpu.memory_space<vmem>>) target(%dma_start3A_62 : memref<128x128xf32, #tpu.memory_space<vmem_shared>>) target_semaphore(%run_scoped3A : memref<!tpu.dma_semaphore, #tpu.memory_space<semaphore_mem>>)
      %dma_wait3A = arith.constant 0 : i32
      %dma_wait3A_63 = tpu.memref_slice %arg12[%add3A_12, %dma_wait3A] : memref<10240x128xf32, #tpu.memory_space<vmem_shared>> -> memref<128x128xf32, #tpu.memory_space<vmem_shared>>
      %dma_wait3A_64 = arith.constant 0 : i32
      %dma_wait3A_65 = tpu.memref_slice %arg12[%add3A_12, %dma_wait3A_64] : memref<10240x128xf32, #tpu.memory_space<vmem_shared>> -> memref<128x128xf32, #tpu.memory_space<vmem_shared>>
      tpu.wait_dma2 semaphore(%run_scoped3A : memref<!tpu.dma_semaphore, #tpu.memory_space<semaphore_mem>>) src(%arg10 : memref<128x128xf32, #tpu.memory_space<vmem>>) dst(%dma_wait3A_65 : memref<128x128xf32, #tpu.memory_space<vmem_shared>>)
      tpu.yield
    }) : () -> ()
    %mul3A_13 = arith.constant 640 : i32
    %mul3A_14 = arith.muli %arg1, %mul3A_13 : i32
    %add3A_15 = arith.constant 128 : i32
    %add3A_16 = arith.addi %mul3A_14, %add3A_15 : i32
    "tpu.region"() ({
      %run_scoped3A = tpu.sem_alloc : memref<!tpu.dma_semaphore, #tpu.memory_space<semaphore_mem>>
      %dma_start3A_59 = arith.constant 0 : i32
      %dma_start3A_60 = tpu.memref_slice %arg12[%add3A_16, %dma_start3A_59] : memref<10240x128xf32, #tpu.memory_space<vmem_shared>> -> memref<128x128xf32, #tpu.memory_space<vmem_shared>>
      %dma_start3A_61 = arith.constant 0 : i32
      %dma_start3A_62 = tpu.memref_slice %arg12[%add3A_16, %dma_start3A_61] : memref<10240x128xf32, #tpu.memory_space<vmem_shared>> -> memref<128x128xf32, #tpu.memory_space<vmem_shared>>
      tpu.enqueue_dma source(%arg10 : memref<128x128xf32, #tpu.memory_space<vmem>>) target(%dma_start3A_62 : memref<128x128xf32, #tpu.memory_space<vmem_shared>>) target_semaphore(%run_scoped3A : memref<!tpu.dma_semaphore, #tpu.memory_space<semaphore_mem>>)
      %dma_wait3A = arith.constant 0 : i32
      %dma_wait3A_63 = tpu.memref_slice %arg12[%add3A_16, %dma_wait3A] : memref<10240x128xf32, #tpu.memory_space<vmem_shared>> -> memref<128x128xf32, #tpu.memory_space<vmem_shared>>
      %dma_wait3A_64 = arith.constant 0 : i32
      %dma_wait3A_65 = tpu.memref_slice %arg12[%add3A_16, %dma_wait3A_64] : memref<10240x128xf32, #tpu.memory_space<vmem_shared>> -> memref<128x128xf32, #tpu.memory_space<vmem_shared>>
      tpu.wait_dma2 semaphore(%run_scoped3A : memref<!tpu.dma_semaphore, #tpu.memory_space<semaphore_mem>>) src(%arg10 : memref<128x128xf32, #tpu.memory_space<vmem>>) dst(%dma_wait3A_65 : memref<128x128xf32, #tpu.memory_space<vmem_shared>>)
      tpu.yield
    }) : () -> ()
    %mul3A_17 = arith.constant 640 : i32
    %mul3A_18 = arith.muli %arg1, %mul3A_17 : i32
    %add3A_19 = arith.constant 256 : i32
    %add3A_20 = arith.addi %mul3A_18, %add3A_19 : i32
    "tpu.region"() ({
      %run_scoped3A = tpu.sem_alloc : memref<!tpu.dma_semaphore, #tpu.memory_space<semaphore_mem>>
      %dma_start3A_59 = arith.constant 0 : i32
      %dma_start3A_60 = tpu.memref_slice %arg12[%add3A_20, %dma_start3A_59] : memref<10240x128xf32, #tpu.memory_space<vmem_shared>> -> memref<128x128xf32, #tpu.memory_space<vmem_shared>>
      %dma_start3A_61 = arith.constant 0 : i32
      %dma_start3A_62 = tpu.memref_slice %arg12[%add3A_20, %dma_start3A_61] : memref<10240x128xf32, #tpu.memory_space<vmem_shared>> -> memref<128x128xf32, #tpu.memory_space<vmem_shared>>
      tpu.enqueue_dma source(%arg10 : memref<128x128xf32, #tpu.memory_space<vmem>>) target(%dma_start3A_62 : memref<128x128xf32, #tpu.memory_space<vmem_shared>>) target_semaphore(%run_scoped3A : memref<!tpu.dma_semaphore, #tpu.memory_space<semaphore_mem>>)
      %dma_wait3A = arith.constant 0 : i32
      %dma_wait3A_63 = tpu.memref_slice %arg12[%add3A_20, %dma_wait3A] : memref<10240x128xf32, #tpu.memory_space<vmem_shared>> -> memref<128x128xf32, #tpu.memory_space<vmem_shared>>
      %dma_wait3A_64 = arith.constant 0 : i32
      %dma_wait3A_65 = tpu.memref_slice %arg12[%add3A_20, %dma_wait3A_64] : memref<10240x128xf32, #tpu.memory_space<vmem_shared>> -> memref<128x128xf32, #tpu.memory_space<vmem_shared>>
      tpu.wait_dma2 semaphore(%run_scoped3A : memref<!tpu.dma_semaphore, #tpu.memory_space<semaphore_mem>>) src(%arg10 : memref<128x128xf32, #tpu.memory_space<vmem>>) dst(%dma_wait3A_65 : memref<128x128xf32, #tpu.memory_space<vmem_shared>>)
      tpu.yield
    }) : () -> ()
    %mul3A_21 = arith.constant 640 : i32
    %mul3A_22 = arith.muli %arg1, %mul3A_21 : i32
    %add3A_23 = arith.constant 384 : i32
    %add3A_24 = arith.addi %mul3A_22, %add3A_23 : i32
    "tpu.region"() ({
      %run_scoped3A = tpu.sem_alloc : memref<!tpu.dma_semaphore, #tpu.memory_space<semaphore_mem>>
      %dma_start3A_59 = arith.constant 0 : i32
      %dma_start3A_60 = tpu.memref_slice %arg12[%add3A_24, %dma_start3A_59] : memref<10240x128xf32, #tpu.memory_space<vmem_shared>> -> memref<128x128xf32, #tpu.memory_space<vmem_shared>>
      %dma_start3A_61 = arith.constant 0 : i32
      %dma_start3A_62 = tpu.memref_slice %arg12[%add3A_24, %dma_start3A_61] : memref<10240x128xf32, #tpu.memory_space<vmem_shared>> -> memref<128x128xf32, #tpu.memory_space<vmem_shared>>
      tpu.enqueue_dma source(%arg10 : memref<128x128xf32, #tpu.memory_space<vmem>>) target(%dma_start3A_62 : memref<128x128xf32, #tpu.memory_space<vmem_shared>>) target_semaphore(%run_scoped3A : memref<!tpu.dma_semaphore, #tpu.memory_space<semaphore_mem>>)
      %dma_wait3A = arith.constant 0 : i32
      %dma_wait3A_63 = tpu.memref_slice %arg12[%add3A_24, %dma_wait3A] : memref<10240x128xf32, #tpu.memory_space<vmem_shared>> -> memref<128x128xf32, #tpu.memory_space<vmem_shared>>
      %dma_wait3A_64 = arith.constant 0 : i32
      %dma_wait3A_65 = tpu.memref_slice %arg12[%add3A_24, %dma_wait3A_64] : memref<10240x128xf32, #tpu.memory_space<vmem_shared>> -> memref<128x128xf32, #tpu.memory_space<vmem_shared>>
      tpu.wait_dma2 semaphore(%run_scoped3A : memref<!tpu.dma_semaphore, #tpu.memory_space<semaphore_mem>>) src(%arg10 : memref<128x128xf32, #tpu.memory_space<vmem>>) dst(%dma_wait3A_65 : memref<128x128xf32, #tpu.memory_space<vmem_shared>>)
      tpu.yield
    }) : () -> ()
    %mul3A_25 = arith.constant 640 : i32
    %mul3A_26 = arith.muli %arg1, %mul3A_25 : i32
    %add3A_27 = arith.constant 512 : i32
    %add3A_28 = arith.addi %mul3A_26, %add3A_27 : i32
    "tpu.region"() ({
      %run_scoped3A = tpu.sem_alloc : memref<!tpu.dma_semaphore, #tpu.memory_space<semaphore_mem>>
      %dma_start3A_59 = arith.constant 0 : i32
      %dma_start3A_60 = tpu.memref_slice %arg12[%add3A_28, %dma_start3A_59] : memref<10240x128xf32, #tpu.memory_space<vmem_shared>> -> memref<128x128xf32, #tpu.memory_space<vmem_shared>>
      %dma_start3A_61 = arith.constant 0 : i32
      %dma_start3A_62 = tpu.memref_slice %arg12[%add3A_28, %dma_start3A_61] : memref<10240x128xf32, #tpu.memory_space<vmem_shared>> -> memref<128x128xf32, #tpu.memory_space<vmem_shared>>
      tpu.enqueue_dma source(%arg10 : memref<128x128xf32, #tpu.memory_space<vmem>>) target(%dma_start3A_62 : memref<128x128xf32, #tpu.memory_space<vmem_shared>>) target_semaphore(%run_scoped3A : memref<!tpu.dma_semaphore, #tpu.memory_space<semaphore_mem>>)
      %dma_wait3A = arith.constant 0 : i32
      %dma_wait3A_63 = tpu.memref_slice %arg12[%add3A_28, %dma_wait3A] : memref<10240x128xf32, #tpu.memory_space<vmem_shared>> -> memref<128x128xf32, #tpu.memory_space<vmem_shared>>
      %dma_wait3A_64 = arith.constant 0 : i32
      %dma_wait3A_65 = tpu.memref_slice %arg12[%add3A_28, %dma_wait3A_64] : memref<10240x128xf32, #tpu.memory_space<vmem_shared>> -> memref<128x128xf32, #tpu.memory_space<vmem_shared>>
      tpu.wait_dma2 semaphore(%run_scoped3A : memref<!tpu.dma_semaphore, #tpu.memory_space<semaphore_mem>>) src(%arg10 : memref<128x128xf32, #tpu.memory_space<vmem>>) dst(%dma_wait3A_65 : memref<128x128xf32, #tpu.memory_space<vmem_shared>>)
      tpu.yield
    }) : () -> ()
    %multiple_of3A = tpu.assume_multiple %mul3A_2, 8 : i32
    "tpu.region"() ({
      %run_scoped3A = tpu.sem_alloc : memref<!tpu.dma_semaphore, #tpu.memory_space<semaphore_mem>>
      %dma_start3A_59 = arith.constant 0 : i32
      %dma_start3A_60 = tpu.memref_slice %arg3[%multiple_of3A, %dma_start3A_59] : memref<2560x128xi32, #tpu.memory_space<hbm>> -> memref<8x128xi32, #tpu.memory_space<hbm>>
      %dma_start3A_61 = arith.constant 0 : i32
      %dma_start3A_62 = tpu.memref_slice %arg3[%multiple_of3A, %dma_start3A_61] : memref<2560x128xi32, #tpu.memory_space<hbm>> -> memref<8x128xi32, #tpu.memory_space<hbm>>
      tpu.enqueue_dma source(%dma_start3A_62 : memref<8x128xi32, #tpu.memory_space<hbm>>) target(%arg6 : memref<8x128xi32, #tpu.memory_space<vmem>>) target_semaphore(%run_scoped3A : memref<!tpu.dma_semaphore, #tpu.memory_space<semaphore_mem>>)
      %dma_wait3A = arith.constant 0 : i32
      %dma_wait3A_63 = tpu.memref_slice %arg3[%multiple_of3A, %dma_wait3A] : memref<2560x128xi32, #tpu.memory_space<hbm>> -> memref<8x128xi32, #tpu.memory_space<hbm>>
      %dma_wait3A_64 = arith.constant 0 : i32
      %dma_wait3A_65 = tpu.memref_slice %arg3[%multiple_of3A, %dma_wait3A_64] : memref<2560x128xi32, #tpu.memory_space<hbm>> -> memref<8x128xi32, #tpu.memory_space<hbm>>
      tpu.wait_dma2 semaphore(%run_scoped3A : memref<!tpu.dma_semaphore, #tpu.memory_space<semaphore_mem>>) src(%dma_wait3A_65 : memref<8x128xi32, #tpu.memory_space<hbm>>) dst(%arg6 : memref<8x128xi32, #tpu.memory_space<vmem>>)
      tpu.yield
    }) : () -> ()
    %multiple_of3A_29 = tpu.assume_multiple %mul3A_2, 8 : i32
    "tpu.region"() ({
      %run_scoped3A = tpu.sem_alloc : memref<!tpu.dma_semaphore, #tpu.memory_space<semaphore_mem>>
      %dma_start3A_59 = arith.constant 0 : i32
      %dma_start3A_60 = tpu.memref_slice %arg4[%multiple_of3A_29, %dma_start3A_59] : memref<2560x128xi32, #tpu.memory_space<hbm>> -> memref<8x128xi32, #tpu.memory_space<hbm>>
      %dma_start3A_61 = arith.constant 0 : i32
      %dma_start3A_62 = tpu.memref_slice %arg4[%multiple_of3A_29, %dma_start3A_61] : memref<2560x128xi32, #tpu.memory_space<hbm>> -> memref<8x128xi32, #tpu.memory_space<hbm>>
      tpu.enqueue_dma source(%dma_start3A_62 : memref<8x128xi32, #tpu.memory_space<hbm>>) target(%arg8 : memref<8x128xi32, #tpu.memory_space<vmem>>) target_semaphore(%run_scoped3A : memref<!tpu.dma_semaphore, #tpu.memory_space<semaphore_mem>>)
      %dma_wait3A = arith.constant 0 : i32
      %dma_wait3A_63 = tpu.memref_slice %arg4[%multiple_of3A_29, %dma_wait3A] : memref<2560x128xi32, #tpu.memory_space<hbm>> -> memref<8x128xi32, #tpu.memory_space<hbm>>
      %dma_wait3A_64 = arith.constant 0 : i32
      %dma_wait3A_65 = tpu.memref_slice %arg4[%multiple_of3A_29, %dma_wait3A_64] : memref<2560x128xi32, #tpu.memory_space<hbm>> -> memref<8x128xi32, #tpu.memory_space<hbm>>
      tpu.wait_dma2 semaphore(%run_scoped3A : memref<!tpu.dma_semaphore, #tpu.memory_space<semaphore_mem>>) src(%dma_wait3A_65 : memref<8x128xi32, #tpu.memory_space<hbm>>) dst(%arg8 : memref<8x128xi32, #tpu.memory_space<vmem>>)
      tpu.yield
    }) : () -> ()
    %barrier3A = arith.constant 0 : index
    tpu.barrier barrier_id(%barrier3A)
    %dma_start3A = arith.constant 0 : i32
    %dma_start3A_30 = arith.constant 0 : i32
    %dma_start3A_31 = tpu.memref_slice %arg6[%dma_start3A, %dma_start3A_30] : memref<8x128xi32, #tpu.memory_space<vmem>> -> memref<1x128xi32, #tpu.memory_space<vmem>>
    %dma_start3A_32 = tpu.memref_squeeze %dma_start3A_31 : memref<1x128xi32, #tpu.memory_space<vmem>> -> memref<128xi32, #tpu.memory_space<vmem>>
    %dma_start3A_33 = arith.constant 0 : i32
    %dma_start3A_34 = arith.constant 0 : i32
    %dma_start3A_35 = tpu.memref_slice %arg2[%dma_start3A_33, %dma_start3A_34] : memref<10000x128xf32, #tpu.memory_space<hbm>> -> memref<10000x128xf32, #tpu.memory_space<hbm>>
    tpu.enqueue_indirect_dma source(%dma_start3A_35 : memref<10000x128xf32, #tpu.memory_space<hbm>>) target(%arg10 : memref<128x128xf32, #tpu.memory_space<vmem>>) offsets(%dma_start3A_32 : memref<128xi32, #tpu.memory_space<vmem>>) semaphore(%arg13 : memref<!tpu.dma_semaphore, #tpu.memory_space<semaphore_mem>>)
    %dma_start3A_36 = arith.constant 1 : i32
    %dma_start3A_37 = arith.constant 0 : i32
    %dma_start3A_38 = tpu.memref_slice %arg6[%dma_start3A_36, %dma_start3A_37] : memref<8x128xi32, #tpu.memory_space<vmem>> -> memref<1x128xi32, #tpu.memory_space<vmem>>
    %dma_start3A_39 = tpu.memref_squeeze %dma_start3A_38 : memref<1x128xi32, #tpu.memory_space<vmem>> -> memref<128xi32, #tpu.memory_space<vmem>>
    %dma_start3A_40 = arith.constant 0 : i32
    %dma_start3A_41 = arith.constant 0 : i32
    %dma_start3A_42 = tpu.memref_slice %arg2[%dma_start3A_40, %dma_start3A_41] : memref<10000x128xf32, #tpu.memory_space<hbm>> -> memref<10000x128xf32, #tpu.memory_space<hbm>>
    tpu.enqueue_indirect_dma source(%dma_start3A_42 : memref<10000x128xf32, #tpu.memory_space<hbm>>) target(%arg11 : memref<128x128xf32, #tpu.memory_space<vmem>>) offsets(%dma_start3A_39 : memref<128xi32, #tpu.memory_space<vmem>>) semaphore(%arg14 : memref<!tpu.dma_semaphore, #tpu.memory_space<semaphore_mem>>)
    %scan3A_43 = arith.constant 0 : i32
    %scan3A_44 = arith.constant 0 : i32
    %scan3A_45 = arith.constant 5 : i32
    %scan3A_46 = arith.addi %scan3A_44, %scan3A_45 : i32
    %scan3A_47 = arith.constant 1 : i32
    scf.for %scan3A_59 = %scan3A_44 to %scan3A_46 step %scan3A_47  : i32 {
      %mul3A_60 = arith.constant 2 : i32
      %mul3A_61 = arith.muli %mul3A_60, %scan3A_59 : i32
      %dma_wait3A = arith.constant 0 : i32
      %dma_wait3A_62 = arith.constant 0 : i32
      %dma_wait3A_63 = tpu.memref_slice %arg6[%dma_wait3A, %dma_wait3A_62] : memref<8x128xi32, #tpu.memory_space<vmem>> -> memref<1x128xi32, #tpu.memory_space<vmem>>
      %dma_wait3A_64 = tpu.memref_squeeze %dma_wait3A_63 : memref<1x128xi32, #tpu.memory_space<vmem>> -> memref<128xi32, #tpu.memory_space<vmem>>
      %dma_wait3A_65 = arith.constant 0 : i32
      %dma_wait3A_66 = arith.constant 0 : i32
      %dma_wait3A_67 = tpu.memref_slice %arg2[%dma_wait3A_65, %dma_wait3A_66] : memref<10000x128xf32, #tpu.memory_space<hbm>> -> memref<10000x128xf32, #tpu.memory_space<hbm>>
      tpu.wait_indirect_dma semaphore(%arg13 : memref<!tpu.dma_semaphore, #tpu.memory_space<semaphore_mem>>) src(%dma_wait3A_67 : memref<10000x128xf32, #tpu.memory_space<hbm>>) dst(%arg10 : memref<128x128xf32, #tpu.memory_space<vmem>>)
      %run_scoped3A = arith.constant 0 : i32
      "tpu.region"() ({
        %run_scoped3A_331 = tpu.sem_alloc : memref<!tpu.dma_semaphore, #tpu.memory_space<semaphore_mem>>
        %dma_start3A_332 = arith.constant 0 : i32
        %dma_start3A_333 = tpu.memref_slice %arg8[%run_scoped3A, %dma_start3A_332] : memref<8x128xi32, #tpu.memory_space<vmem>> -> memref<1x128xi32, #tpu.memory_space<vmem>>
        %dma_start3A_334 = tpu.memref_squeeze %dma_start3A_333 : memref<1x128xi32, #tpu.memory_space<vmem>> -> memref<128xi32, #tpu.memory_space<vmem>>
        %dma_start3A_335 = arith.constant 0 : i32
        %dma_start3A_336 = arith.constant 0 : i32
        %dma_start3A_337 = tpu.memref_slice %arg12[%dma_start3A_335, %dma_start3A_336] : memref<10240x128xf32, #tpu.memory_space<vmem_shared>> -> memref<10240x128xf32, #tpu.memory_space<vmem_shared>>
        tpu.enqueue_indirect_dma source(%arg10 : memref<128x128xf32, #tpu.memory_space<vmem>>) target(%dma_start3A_337 : memref<10240x128xf32, #tpu.memory_space<vmem_shared>>) offsets(%dma_start3A_334 : memref<128xi32, #tpu.memory_space<vmem>>) semaphore(%run_scoped3A_331 : memref<!tpu.dma_semaphore, #tpu.memory_space<semaphore_mem>>) {add = true}
        %dma_wait3A_338 = arith.constant 0 : i32
        %dma_wait3A_339 = tpu.memref_slice %arg8[%run_scoped3A, %dma_wait3A_338] : memref<8x128xi32, #tpu.memory_space<vmem>> -> memref<1x128xi32, #tpu.memory_space<vmem>>
        %dma_wait3A_340 = tpu.memref_squeeze %dma_wait3A_339 : memref<1x128xi32, #tpu.memory_space<vmem>> -> memref<128xi32, #tpu.memory_space<vmem>>
        %dma_wait3A_341 = arith.constant 0 : i32
        %dma_wait3A_342 = arith.constant 0 : i32
        %dma_wait3A_343 = tpu.memref_slice %arg12[%dma_wait3A_341, %dma_wait3A_342] : memref<10240x128xf32, #tpu.memory_space<vmem_shared>> -> memref<10240x128xf32, #tpu.memory_space<vmem_shared>>
        tpu.wait_indirect_dma semaphore(%run_scoped3A_331 : memref<!tpu.dma_semaphore, #tpu.memory_space<semaphore_mem>>) src(%arg10 : memref<128x128xf32, #tpu.memory_space<vmem>>) dst(%dma_wait3A_343 : memref<10240x128xf32, #tpu.memory_space<vmem_shared>>)
        tpu.yield
      }) : () -> ()
      %add3A_68 = arith.constant 1 : i32
      %add3A_69 = arith.addi %mul3A_61, %add3A_68 : i32
      %lt3A = arith.constant 10 : i32
      %lt3A_70 = arith.cmpi slt, %add3A_69, %lt3A : i32
      %convert_element_type3A_71 = arith.extui %lt3A_70 : i1 to i32
      %cond3A_72 = arith.constant 0 : i32
      %cond3A_73 = arith.cmpi ne, %convert_element_type3A_71, %cond3A_72 : i32
      scf.if %cond3A_73 {
        %add3A_331 = arith.constant 1 : i32
        %add3A_332 = arith.addi %mul3A_61, %add3A_331 : i32
        %mul3A_333 = arith.constant 8 : i32
        %mul3A_334 = arith.muli %add3A_332, %mul3A_333 : i32
        %add3A_335 = arith.addi %mul3A_2, %mul3A_334 : i32
        %multiple_of3A_336 = tpu.assume_multiple %add3A_335, 8 : i32
        %dma_start3A_337 = arith.constant 0 : i32
        %dma_start3A_338 = tpu.memref_slice %arg3[%multiple_of3A_336, %dma_start3A_337] : memref<2560x128xi32, #tpu.memory_space<hbm>> -> memref<8x128xi32, #tpu.memory_space<hbm>>
        %dma_start3A_339 = arith.constant 0 : i32
        %dma_start3A_340 = tpu.memref_slice %arg3[%multiple_of3A_336, %dma_start3A_339] : memref<2560x128xi32, #tpu.memory_space<hbm>> -> memref<8x128xi32, #tpu.memory_space<hbm>>
        tpu.enqueue_dma source(%dma_start3A_340 : memref<8x128xi32, #tpu.memory_space<hbm>>) target(%arg7 : memref<8x128xi32, #tpu.memory_space<vmem>>) target_semaphore(%arg15 : memref<!tpu.dma_semaphore, #tpu.memory_space<semaphore_mem>>)
        %dma_start3A_341 = arith.constant 0 : i32
        %dma_start3A_342 = tpu.memref_slice %arg4[%multiple_of3A_336, %dma_start3A_341] : memref<2560x128xi32, #tpu.memory_space<hbm>> -> memref<8x128xi32, #tpu.memory_space<hbm>>
        %dma_start3A_343 = arith.constant 0 : i32
        %dma_start3A_344 = tpu.memref_slice %arg4[%multiple_of3A_336, %dma_start3A_343] : memref<2560x128xi32, #tpu.memory_space<hbm>> -> memref<8x128xi32, #tpu.memory_space<hbm>>
        tpu.enqueue_dma source(%dma_start3A_344 : memref<8x128xi32, #tpu.memory_space<hbm>>) target(%arg9 : memref<8x128xi32, #tpu.memory_space<vmem>>) target_semaphore(%arg16 : memref<!tpu.dma_semaphore, #tpu.memory_space<semaphore_mem>>)
      } else {
      }
      %dma_start3A_74 = arith.constant 2 : i32
      %dma_start3A_75 = arith.constant 0 : i32
      %dma_start3A_76 = tpu.memref_slice %arg6[%dma_start3A_74, %dma_start3A_75] : memref<8x128xi32, #tpu.memory_space<vmem>> -> memref<1x128xi32, #tpu.memory_space<vmem>>
      %dma_start3A_77 = tpu.memref_squeeze %dma_start3A_76 : memref<1x128xi32, #tpu.memory_space<vmem>> -> memref<128xi32, #tpu.memory_space<vmem>>
      %dma_start3A_78 = arith.constant 0 : i32
      %dma_start3A_79 = arith.constant 0 : i32
      %dma_start3A_80 = tpu.memref_slice %arg2[%dma_start3A_78, %dma_start3A_79] : memref<10000x128xf32, #tpu.memory_space<hbm>> -> memref<10000x128xf32, #tpu.memory_space<hbm>>
      tpu.enqueue_indirect_dma source(%dma_start3A_80 : memref<10000x128xf32, #tpu.memory_space<hbm>>) target(%arg10 : memref<128x128xf32, #tpu.memory_space<vmem>>) offsets(%dma_start3A_77 : memref<128xi32, #tpu.memory_space<vmem>>) semaphore(%arg13 : memref<!tpu.dma_semaphore, #tpu.memory_space<semaphore_mem>>)
      %dma_wait3A_81 = arith.constant 1 : i32
      %dma_wait3A_82 = arith.constant 0 : i32
      %dma_wait3A_83 = tpu.memref_slice %arg6[%dma_wait3A_81, %dma_wait3A_82] : memref<8x128xi32, #tpu.memory_space<vmem>> -> memref<1x128xi32, #tpu.memory_space<vmem>>
      %dma_wait3A_84 = tpu.memref_squeeze %dma_wait3A_83 : memref<1x128xi32, #tpu.memory_space<vmem>> -> memref<128xi32, #tpu.memory_space<vmem>>
      %dma_wait3A_85 = arith.constant 0 : i32
      %dma_wait3A_86 = arith.constant 0 : i32
      %dma_wait3A_87 = tpu.memref_slice %arg2[%dma_wait3A_85, %dma_wait3A_86] : memref<10000x128xf32, #tpu.memory_space<hbm>> -> memref<10000x128xf32, #tpu.memory_space<hbm>>
      tpu.wait_indirect_dma semaphore(%arg14 : memref<!tpu.dma_semaphore, #tpu.memory_space<semaphore_mem>>) src(%dma_wait3A_87 : memref<10000x128xf32, #tpu.memory_space<hbm>>) dst(%arg11 : memref<128x128xf32, #tpu.memory_space<vmem>>)
      %run_scoped3A_88 = arith.constant 1 : i32
      "tpu.region"() ({
        %run_scoped3A_331 = tpu.sem_alloc : memref<!tpu.dma_semaphore, #tpu.memory_space<semaphore_mem>>
        %dma_start3A_332 = arith.constant 0 : i32
        %dma_start3A_333 = tpu.memref_slice %arg8[%run_scoped3A_88, %dma_start3A_332] : memref<8x128xi32, #tpu.memory_space<vmem>> -> memref<1x128xi32, #tpu.memory_space<vmem>>
        %dma_start3A_334 = tpu.memref_squeeze %dma_start3A_333 : memref<1x128xi32, #tpu.memory_space<vmem>> -> memref<128xi32, #tpu.memory_space<vmem>>
        %dma_start3A_335 = arith.constant 0 : i32
        %dma_start3A_336 = arith.constant 0 : i32
        %dma_start3A_337 = tpu.memref_slice %arg12[%dma_start3A_335, %dma_start3A_336] : memref<10240x128xf32, #tpu.memory_space<vmem_shared>> -> memref<10240x128xf32, #tpu.memory_space<vmem_shared>>
        tpu.enqueue_indirect_dma source(%arg11 : memref<128x128xf32, #tpu.memory_space<vmem>>) target(%dma_start3A_337 : memref<10240x128xf32, #tpu.memory_space<vmem_shared>>) offsets(%dma_start3A_334 : memref<128xi32, #tpu.memory_space<vmem>>) semaphore(%run_scoped3A_331 : memref<!tpu.dma_semaphore, #tpu.memory_space<semaphore_mem>>) {add = true}
        %dma_wait3A_338 = arith.constant 0 : i32
        %dma_wait3A_339 = tpu.memref_slice %arg8[%run_scoped3A_88, %dma_wait3A_338] : memref<8x128xi32, #tpu.memory_space<vmem>> -> memref<1x128xi32, #tpu.memory_space<vmem>>
        %dma_wait3A_340 = tpu.memref_squeeze %dma_wait3A_339 : memref<1x128xi32, #tpu.memory_space<vmem>> -> memref<128xi32, #tpu.memory_space<vmem>>
        %dma_wait3A_341 = arith.constant 0 : i32
        %dma_wait3A_342 = arith.constant 0 : i32
        %dma_wait3A_343 = tpu.memref_slice %arg12[%dma_wait3A_341, %dma_wait3A_342] : memref<10240x128xf32, #tpu.memory_space<vmem_shared>> -> memref<10240x128xf32, #tpu.memory_space<vmem_shared>>
        tpu.wait_indirect_dma semaphore(%run_scoped3A_331 : memref<!tpu.dma_semaphore, #tpu.memory_space<semaphore_mem>>) src(%arg11 : memref<128x128xf32, #tpu.memory_space<vmem>>) dst(%dma_wait3A_343 : memref<10240x128xf32, #tpu.memory_space<vmem_shared>>)
        tpu.yield
      }) : () -> ()
      %dma_start3A_89 = arith.constant 3 : i32
      %dma_start3A_90 = arith.constant 0 : i32
      %dma_start3A_91 = tpu.memref_slice %arg6[%dma_start3A_89, %dma_start3A_90] : memref<8x128xi32, #tpu.memory_space<vmem>> -> memref<1x128xi32, #tpu.memory_space<vmem>>
      %dma_start3A_92 = tpu.memref_squeeze %dma_start3A_91 : memref<1x128xi32, #tpu.memory_space<vmem>> -> memref<128xi32, #tpu.memory_space<vmem>>
      %dma_start3A_93 = arith.constant 0 : i32
      %dma_start3A_94 = arith.constant 0 : i32
      %dma_start3A_95 = tpu.memref_slice %arg2[%dma_start3A_93, %dma_start3A_94] : memref<10000x128xf32, #tpu.memory_space<hbm>> -> memref<10000x128xf32, #tpu.memory_space<hbm>>
      tpu.enqueue_indirect_dma source(%dma_start3A_95 : memref<10000x128xf32, #tpu.memory_space<hbm>>) target(%arg11 : memref<128x128xf32, #tpu.memory_space<vmem>>) offsets(%dma_start3A_92 : memref<128xi32, #tpu.memory_space<vmem>>) semaphore(%arg14 : memref<!tpu.dma_semaphore, #tpu.memory_space<semaphore_mem>>)
      %dma_wait3A_96 = arith.constant 2 : i32
      %dma_wait3A_97 = arith.constant 0 : i32
      %dma_wait3A_98 = tpu.memref_slice %arg6[%dma_wait3A_96, %dma_wait3A_97] : memref<8x128xi32, #tpu.memory_space<vmem>> -> memref<1x128xi32, #tpu.memory_space<vmem>>
      %dma_wait3A_99 = tpu.memref_squeeze %dma_wait3A_98 : memref<1x128xi32, #tpu.memory_space<vmem>> -> memref<128xi32, #tpu.memory_space<vmem>>
      %dma_wait3A_100 = arith.constant 0 : i32
      %dma_wait3A_101 = arith.constant 0 : i32
      %dma_wait3A_102 = tpu.memref_slice %arg2[%dma_wait3A_100, %dma_wait3A_101] : memref<10000x128xf32, #tpu.memory_space<hbm>> -> memref<10000x128xf32, #tpu.memory_space<hbm>>
      tpu.wait_indirect_dma semaphore(%arg13 : memref<!tpu.dma_semaphore, #tpu.memory_space<semaphore_mem>>) src(%dma_wait3A_102 : memref<10000x128xf32, #tpu.memory_space<hbm>>) dst(%arg10 : memref<128x128xf32, #tpu.memory_space<vmem>>)
      %run_scoped3A_103 = arith.constant 2 : i32
      "tpu.region"() ({
        %run_scoped3A_331 = tpu.sem_alloc : memref<!tpu.dma_semaphore, #tpu.memory_space<semaphore_mem>>
        %dma_start3A_332 = arith.constant 0 : i32
        %dma_start3A_333 = tpu.memref_slice %arg8[%run_scoped3A_103, %dma_start3A_332] : memref<8x128xi32, #tpu.memory_space<vmem>> -> memref<1x128xi32, #tpu.memory_space<vmem>>
        %dma_start3A_334 = tpu.memref_squeeze %dma_start3A_333 : memref<1x128xi32, #tpu.memory_space<vmem>> -> memref<128xi32, #tpu.memory_space<vmem>>
        %dma_start3A_335 = arith.constant 0 : i32
        %dma_start3A_336 = arith.constant 0 : i32
        %dma_start3A_337 = tpu.memref_slice %arg12[%dma_start3A_335, %dma_start3A_336] : memref<10240x128xf32, #tpu.memory_space<vmem_shared>> -> memref<10240x128xf32, #tpu.memory_space<vmem_shared>>
        tpu.enqueue_indirect_dma source(%arg10 : memref<128x128xf32, #tpu.memory_space<vmem>>) target(%dma_start3A_337 : memref<10240x128xf32, #tpu.memory_space<vmem_shared>>) offsets(%dma_start3A_334 : memref<128xi32, #tpu.memory_space<vmem>>) semaphore(%run_scoped3A_331 : memref<!tpu.dma_semaphore, #tpu.memory_space<semaphore_mem>>) {add = true}
        %dma_wait3A_338 = arith.constant 0 : i32
        %dma_wait3A_339 = tpu.memref_slice %arg8[%run_scoped3A_103, %dma_wait3A_338] : memref<8x128xi32, #tpu.memory_space<vmem>> -> memref<1x128xi32, #tpu.memory_space<vmem>>
        %dma_wait3A_340 = tpu.memref_squeeze %dma_wait3A_339 : memref<1x128xi32, #tpu.memory_space<vmem>> -> memref<128xi32, #tpu.memory_space<vmem>>
        %dma_wait3A_341 = arith.constant 0 : i32
        %dma_wait3A_342 = arith.constant 0 : i32
        %dma_wait3A_343 = tpu.memref_slice %arg12[%dma_wait3A_341, %dma_wait3A_342] : memref<10240x128xf32, #tpu.memory_space<vmem_shared>> -> memref<10240x128xf32, #tpu.memory_space<vmem_shared>>
        tpu.wait_indirect_dma semaphore(%run_scoped3A_331 : memref<!tpu.dma_semaphore, #tpu.memory_space<semaphore_mem>>) src(%arg10 : memref<128x128xf32, #tpu.memory_space<vmem>>) dst(%dma_wait3A_343 : memref<10240x128xf32, #tpu.memory_space<vmem_shared>>)
        tpu.yield
      }) : () -> ()
      %dma_start3A_104 = arith.constant 4 : i32
      %dma_start3A_105 = arith.constant 0 : i32
      %dma_start3A_106 = tpu.memref_slice %arg6[%dma_start3A_104, %dma_start3A_105] : memref<8x128xi32, #tpu.memory_space<vmem>> -> memref<1x128xi32, #tpu.memory_space<vmem>>
      %dma_start3A_107 = tpu.memref_squeeze %dma_start3A_106 : memref<1x128xi32, #tpu.memory_space<vmem>> -> memref<128xi32, #tpu.memory_space<vmem>>
      %dma_start3A_108 = arith.constant 0 : i32
      %dma_start3A_109 = arith.constant 0 : i32
      %dma_start3A_110 = tpu.memref_slice %arg2[%dma_start3A_108, %dma_start3A_109] : memref<10000x128xf32, #tpu.memory_space<hbm>> -> memref<10000x128xf32, #tpu.memory_space<hbm>>
      tpu.enqueue_indirect_dma source(%dma_start3A_110 : memref<10000x128xf32, #tpu.memory_space<hbm>>) target(%arg10 : memref<128x128xf32, #tpu.memory_space<vmem>>) offsets(%dma_start3A_107 : memref<128xi32, #tpu.memory_space<vmem>>) semaphore(%arg13 : memref<!tpu.dma_semaphore, #tpu.memory_space<semaphore_mem>>)
      %dma_wait3A_111 = arith.constant 3 : i32
      %dma_wait3A_112 = arith.constant 0 : i32
      %dma_wait3A_113 = tpu.memref_slice %arg6[%dma_wait3A_111, %dma_wait3A_112] : memref<8x128xi32, #tpu.memory_space<vmem>> -> memref<1x128xi32, #tpu.memory_space<vmem>>
      %dma_wait3A_114 = tpu.memref_squeeze %dma_wait3A_113 : memref<1x128xi32, #tpu.memory_space<vmem>> -> memref<128xi32, #tpu.memory_space<vmem>>
      %dma_wait3A_115 = arith.constant 0 : i32
      %dma_wait3A_116 = arith.constant 0 : i32
      %dma_wait3A_117 = tpu.memref_slice %arg2[%dma_wait3A_115, %dma_wait3A_116] : memref<10000x128xf32, #tpu.memory_space<hbm>> -> memref<10000x128xf32, #tpu.memory_space<hbm>>
      tpu.wait_indirect_dma semaphore(%arg14 : memref<!tpu.dma_semaphore, #tpu.memory_space<semaphore_mem>>) src(%dma_wait3A_117 : memref<10000x128xf32, #tpu.memory_space<hbm>>) dst(%arg11 : memref<128x128xf32, #tpu.memory_space<vmem>>)
      %run_scoped3A_118 = arith.constant 3 : i32
      "tpu.region"() ({
        %run_scoped3A_331 = tpu.sem_alloc : memref<!tpu.dma_semaphore, #tpu.memory_space<semaphore_mem>>
        %dma_start3A_332 = arith.constant 0 : i32
        %dma_start3A_333 = tpu.memref_slice %arg8[%run_scoped3A_118, %dma_start3A_332] : memref<8x128xi32, #tpu.memory_space<vmem>> -> memref<1x128xi32, #tpu.memory_space<vmem>>
        %dma_start3A_334 = tpu.memref_squeeze %dma_start3A_333 : memref<1x128xi32, #tpu.memory_space<vmem>> -> memref<128xi32, #tpu.memory_space<vmem>>
        %dma_start3A_335 = arith.constant 0 : i32
        %dma_start3A_336 = arith.constant 0 : i32
        %dma_start3A_337 = tpu.memref_slice %arg12[%dma_start3A_335, %dma_start3A_336] : memref<10240x128xf32, #tpu.memory_space<vmem_shared>> -> memref<10240x128xf32, #tpu.memory_space<vmem_shared>>
        tpu.enqueue_indirect_dma source(%arg11 : memref<128x128xf32, #tpu.memory_space<vmem>>) target(%dma_start3A_337 : memref<10240x128xf32, #tpu.memory_space<vmem_shared>>) offsets(%dma_start3A_334 : memref<128xi32, #tpu.memory_space<vmem>>) semaphore(%run_scoped3A_331 : memref<!tpu.dma_semaphore, #tpu.memory_space<semaphore_mem>>) {add = true}
        %dma_wait3A_338 = arith.constant 0 : i32
        %dma_wait3A_339 = tpu.memref_slice %arg8[%run_scoped3A_118, %dma_wait3A_338] : memref<8x128xi32, #tpu.memory_space<vmem>> -> memref<1x128xi32, #tpu.memory_space<vmem>>
        %dma_wait3A_340 = tpu.memref_squeeze %dma_wait3A_339 : memref<1x128xi32, #tpu.memory_space<vmem>> -> memref<128xi32, #tpu.memory_space<vmem>>
        %dma_wait3A_341 = arith.constant 0 : i32
        %dma_wait3A_342 = arith.constant 0 : i32
        %dma_wait3A_343 = tpu.memref_slice %arg12[%dma_wait3A_341, %dma_wait3A_342] : memref<10240x128xf32, #tpu.memory_space<vmem_shared>> -> memref<10240x128xf32, #tpu.memory_space<vmem_shared>>
        tpu.wait_indirect_dma semaphore(%run_scoped3A_331 : memref<!tpu.dma_semaphore, #tpu.memory_space<semaphore_mem>>) src(%arg11 : memref<128x128xf32, #tpu.memory_space<vmem>>) dst(%dma_wait3A_343 : memref<10240x128xf32, #tpu.memory_space<vmem_shared>>)
        tpu.yield
      }) : () -> ()
      %dma_start3A_119 = arith.constant 5 : i32
      %dma_start3A_120 = arith.constant 0 : i32
      %dma_start3A_121 = tpu.memref_slice %arg6[%dma_start3A_119, %dma_start3A_120] : memref<8x128xi32, #tpu.memory_space<vmem>> -> memref<1x128xi32, #tpu.memory_space<vmem>>
      %dma_start3A_122 = tpu.memref_squeeze %dma_start3A_121 : memref<1x128xi32, #tpu.memory_space<vmem>> -> memref<128xi32, #tpu.memory_space<vmem>>
      %dma_start3A_123 = arith.constant 0 : i32
      %dma_start3A_124 = arith.constant 0 : i32
      %dma_start3A_125 = tpu.memref_slice %arg2[%dma_start3A_123, %dma_start3A_124] : memref<10000x128xf32, #tpu.memory_space<hbm>> -> memref<10000x128xf32, #tpu.memory_space<hbm>>
      tpu.enqueue_indirect_dma source(%dma_start3A_125 : memref<10000x128xf32, #tpu.memory_space<hbm>>) target(%arg11 : memref<128x128xf32, #tpu.memory_space<vmem>>) offsets(%dma_start3A_122 : memref<128xi32, #tpu.memory_space<vmem>>) semaphore(%arg14 : memref<!tpu.dma_semaphore, #tpu.memory_space<semaphore_mem>>)
      %dma_wait3A_126 = arith.constant 4 : i32
      %dma_wait3A_127 = arith.constant 0 : i32
      %dma_wait3A_128 = tpu.memref_slice %arg6[%dma_wait3A_126, %dma_wait3A_127] : memref<8x128xi32, #tpu.memory_space<vmem>> -> memref<1x128xi32, #tpu.memory_space<vmem>>
      %dma_wait3A_129 = tpu.memref_squeeze %dma_wait3A_128 : memref<1x128xi32, #tpu.memory_space<vmem>> -> memref<128xi32, #tpu.memory_space<vmem>>
      %dma_wait3A_130 = arith.constant 0 : i32
      %dma_wait3A_131 = arith.constant 0 : i32
      %dma_wait3A_132 = tpu.memref_slice %arg2[%dma_wait3A_130, %dma_wait3A_131] : memref<10000x128xf32, #tpu.memory_space<hbm>> -> memref<10000x128xf32, #tpu.memory_space<hbm>>
      tpu.wait_indirect_dma semaphore(%arg13 : memref<!tpu.dma_semaphore, #tpu.memory_space<semaphore_mem>>) src(%dma_wait3A_132 : memref<10000x128xf32, #tpu.memory_space<hbm>>) dst(%arg10 : memref<128x128xf32, #tpu.memory_space<vmem>>)
      %run_scoped3A_133 = arith.constant 4 : i32
      "tpu.region"() ({
        %run_scoped3A_331 = tpu.sem_alloc : memref<!tpu.dma_semaphore, #tpu.memory_space<semaphore_mem>>
        %dma_start3A_332 = arith.constant 0 : i32
        %dma_start3A_333 = tpu.memref_slice %arg8[%run_scoped3A_133, %dma_start3A_332] : memref<8x128xi32, #tpu.memory_space<vmem>> -> memref<1x128xi32, #tpu.memory_space<vmem>>
        %dma_start3A_334 = tpu.memref_squeeze %dma_start3A_333 : memref<1x128xi32, #tpu.memory_space<vmem>> -> memref<128xi32, #tpu.memory_space<vmem>>
        %dma_start3A_335 = arith.constant 0 : i32
        %dma_start3A_336 = arith.constant 0 : i32
        %dma_start3A_337 = tpu.memref_slice %arg12[%dma_start3A_335, %dma_start3A_336] : memref<10240x128xf32, #tpu.memory_space<vmem_shared>> -> memref<10240x128xf32, #tpu.memory_space<vmem_shared>>
        tpu.enqueue_indirect_dma source(%arg10 : memref<128x128xf32, #tpu.memory_space<vmem>>) target(%dma_start3A_337 : memref<10240x128xf32, #tpu.memory_space<vmem_shared>>) offsets(%dma_start3A_334 : memref<128xi32, #tpu.memory_space<vmem>>) semaphore(%run_scoped3A_331 : memref<!tpu.dma_semaphore, #tpu.memory_space<semaphore_mem>>) {add = true}
        %dma_wait3A_338 = arith.constant 0 : i32
        %dma_wait3A_339 = tpu.memref_slice %arg8[%run_scoped3A_133, %dma_wait3A_338] : memref<8x128xi32, #tpu.memory_space<vmem>> -> memref<1x128xi32, #tpu.memory_space<vmem>>
        %dma_wait3A_340 = tpu.memref_squeeze %dma_wait3A_339 : memref<1x128xi32, #tpu.memory_space<vmem>> -> memref<128xi32, #tpu.memory_space<vmem>>
        %dma_wait3A_341 = arith.constant 0 : i32
        %dma_wait3A_342 = arith.constant 0 : i32
        %dma_wait3A_343 = tpu.memref_slice %arg12[%dma_wait3A_341, %dma_wait3A_342] : memref<10240x128xf32, #tpu.memory_space<vmem_shared>> -> memref<10240x128xf32, #tpu.memory_space<vmem_shared>>
        tpu.wait_indirect_dma semaphore(%run_scoped3A_331 : memref<!tpu.dma_semaphore, #tpu.memory_space<semaphore_mem>>) src(%arg10 : memref<128x128xf32, #tpu.memory_space<vmem>>) dst(%dma_wait3A_343 : memref<10240x128xf32, #tpu.memory_space<vmem_shared>>)
        tpu.yield
      }) : () -> ()
      %dma_start3A_134 = arith.constant 6 : i32
      %dma_start3A_135 = arith.constant 0 : i32
      %dma_start3A_136 = tpu.memref_slice %arg6[%dma_start3A_134, %dma_start3A_135] : memref<8x128xi32, #tpu.memory_space<vmem>> -> memref<1x128xi32, #tpu.memory_space<vmem>>
      %dma_start3A_137 = tpu.memref_squeeze %dma_start3A_136 : memref<1x128xi32, #tpu.memory_space<vmem>> -> memref<128xi32, #tpu.memory_space<vmem>>
      %dma_start3A_138 = arith.constant 0 : i32
      %dma_start3A_139 = arith.constant 0 : i32
      %dma_start3A_140 = tpu.memref_slice %arg2[%dma_start3A_138, %dma_start3A_139] : memref<10000x128xf32, #tpu.memory_space<hbm>> -> memref<10000x128xf32, #tpu.memory_space<hbm>>
      tpu.enqueue_indirect_dma source(%dma_start3A_140 : memref<10000x128xf32, #tpu.memory_space<hbm>>) target(%arg10 : memref<128x128xf32, #tpu.memory_space<vmem>>) offsets(%dma_start3A_137 : memref<128xi32, #tpu.memory_space<vmem>>) semaphore(%arg13 : memref<!tpu.dma_semaphore, #tpu.memory_space<semaphore_mem>>)
      %dma_wait3A_141 = arith.constant 5 : i32
      %dma_wait3A_142 = arith.constant 0 : i32
      %dma_wait3A_143 = tpu.memref_slice %arg6[%dma_wait3A_141, %dma_wait3A_142] : memref<8x128xi32, #tpu.memory_space<vmem>> -> memref<1x128xi32, #tpu.memory_space<vmem>>
      %dma_wait3A_144 = tpu.memref_squeeze %dma_wait3A_143 : memref<1x128xi32, #tpu.memory_space<vmem>> -> memref<128xi32, #tpu.memory_space<vmem>>
      %dma_wait3A_145 = arith.constant 0 : i32
      %dma_wait3A_146 = arith.constant 0 : i32
      %dma_wait3A_147 = tpu.memref_slice %arg2[%dma_wait3A_145, %dma_wait3A_146] : memref<10000x128xf32, #tpu.memory_space<hbm>> -> memref<10000x128xf32, #tpu.memory_space<hbm>>
      tpu.wait_indirect_dma semaphore(%arg14 : memref<!tpu.dma_semaphore, #tpu.memory_space<semaphore_mem>>) src(%dma_wait3A_147 : memref<10000x128xf32, #tpu.memory_space<hbm>>) dst(%arg11 : memref<128x128xf32, #tpu.memory_space<vmem>>)
      %run_scoped3A_148 = arith.constant 5 : i32
      "tpu.region"() ({
        %run_scoped3A_331 = tpu.sem_alloc : memref<!tpu.dma_semaphore, #tpu.memory_space<semaphore_mem>>
        %dma_start3A_332 = arith.constant 0 : i32
        %dma_start3A_333 = tpu.memref_slice %arg8[%run_scoped3A_148, %dma_start3A_332] : memref<8x128xi32, #tpu.memory_space<vmem>> -> memref<1x128xi32, #tpu.memory_space<vmem>>
        %dma_start3A_334 = tpu.memref_squeeze %dma_start3A_333 : memref<1x128xi32, #tpu.memory_space<vmem>> -> memref<128xi32, #tpu.memory_space<vmem>>
        %dma_start3A_335 = arith.constant 0 : i32
        %dma_start3A_336 = arith.constant 0 : i32
        %dma_start3A_337 = tpu.memref_slice %arg12[%dma_start3A_335, %dma_start3A_336] : memref<10240x128xf32, #tpu.memory_space<vmem_shared>> -> memref<10240x128xf32, #tpu.memory_space<vmem_shared>>
        tpu.enqueue_indirect_dma source(%arg11 : memref<128x128xf32, #tpu.memory_space<vmem>>) target(%dma_start3A_337 : memref<10240x128xf32, #tpu.memory_space<vmem_shared>>) offsets(%dma_start3A_334 : memref<128xi32, #tpu.memory_space<vmem>>) semaphore(%run_scoped3A_331 : memref<!tpu.dma_semaphore, #tpu.memory_space<semaphore_mem>>) {add = true}
        %dma_wait3A_338 = arith.constant 0 : i32
        %dma_wait3A_339 = tpu.memref_slice %arg8[%run_scoped3A_148, %dma_wait3A_338] : memref<8x128xi32, #tpu.memory_space<vmem>> -> memref<1x128xi32, #tpu.memory_space<vmem>>
        %dma_wait3A_340 = tpu.memref_squeeze %dma_wait3A_339 : memref<1x128xi32, #tpu.memory_space<vmem>> -> memref<128xi32, #tpu.memory_space<vmem>>
        %dma_wait3A_341 = arith.constant 0 : i32
        %dma_wait3A_342 = arith.constant 0 : i32
        %dma_wait3A_343 = tpu.memref_slice %arg12[%dma_wait3A_341, %dma_wait3A_342] : memref<10240x128xf32, #tpu.memory_space<vmem_shared>> -> memref<10240x128xf32, #tpu.memory_space<vmem_shared>>
        tpu.wait_indirect_dma semaphore(%run_scoped3A_331 : memref<!tpu.dma_semaphore, #tpu.memory_space<semaphore_mem>>) src(%arg11 : memref<128x128xf32, #tpu.memory_space<vmem>>) dst(%dma_wait3A_343 : memref<10240x128xf32, #tpu.memory_space<vmem_shared>>)
        tpu.yield
      }) : () -> ()
      %add3A_149 = arith.constant 1 : i32
      %add3A_150 = arith.addi %mul3A_61, %add3A_149 : i32
      %lt3A_151 = arith.constant 10 : i32
      %lt3A_152 = arith.cmpi slt, %add3A_150, %lt3A_151 : i32
      %convert_element_type3A_153 = arith.extui %lt3A_152 : i1 to i32
      %cond3A_154 = arith.constant 0 : i32
      %cond3A_155 = arith.cmpi ne, %convert_element_type3A_153, %cond3A_154 : i32
      scf.if %cond3A_155 {
        %dma_wait3A_331 = arith.constant 0 : i32
        %dma_wait3A_332 = arith.constant 0 : i32
        %dma_wait3A_333 = tpu.memref_slice %arg3[%dma_wait3A_331, %dma_wait3A_332] : memref<2560x128xi32, #tpu.memory_space<hbm>> -> memref<8x128xi32, #tpu.memory_space<hbm>>
        %dma_wait3A_334 = arith.constant 0 : i32
        %dma_wait3A_335 = arith.constant 0 : i32
        %dma_wait3A_336 = tpu.memref_slice %arg3[%dma_wait3A_334, %dma_wait3A_335] : memref<2560x128xi32, #tpu.memory_space<hbm>> -> memref<8x128xi32, #tpu.memory_space<hbm>>
        tpu.wait_dma2 semaphore(%arg15 : memref<!tpu.dma_semaphore, #tpu.memory_space<semaphore_mem>>) src(%dma_wait3A_336 : memref<8x128xi32, #tpu.memory_space<hbm>>) dst(%arg7 : memref<8x128xi32, #tpu.memory_space<vmem>>)
        %dma_wait3A_337 = arith.constant 0 : i32
        %dma_wait3A_338 = arith.constant 0 : i32
        %dma_wait3A_339 = tpu.memref_slice %arg4[%dma_wait3A_337, %dma_wait3A_338] : memref<2560x128xi32, #tpu.memory_space<hbm>> -> memref<8x128xi32, #tpu.memory_space<hbm>>
        %dma_wait3A_340 = arith.constant 0 : i32
        %dma_wait3A_341 = arith.constant 0 : i32
        %dma_wait3A_342 = tpu.memref_slice %arg4[%dma_wait3A_340, %dma_wait3A_341] : memref<2560x128xi32, #tpu.memory_space<hbm>> -> memref<8x128xi32, #tpu.memory_space<hbm>>
        tpu.wait_dma2 semaphore(%arg16 : memref<!tpu.dma_semaphore, #tpu.memory_space<semaphore_mem>>) src(%dma_wait3A_342 : memref<8x128xi32, #tpu.memory_space<hbm>>) dst(%arg9 : memref<8x128xi32, #tpu.memory_space<vmem>>)
      } else {
      }
      %dma_start3A_156 = arith.constant 7 : i32
      %dma_start3A_157 = arith.constant 0 : i32
      %dma_start3A_158 = tpu.memref_slice %arg6[%dma_start3A_156, %dma_start3A_157] : memref<8x128xi32, #tpu.memory_space<vmem>> -> memref<1x128xi32, #tpu.memory_space<vmem>>
      %dma_start3A_159 = tpu.memref_squeeze %dma_start3A_158 : memref<1x128xi32, #tpu.memory_space<vmem>> -> memref<128xi32, #tpu.memory_space<vmem>>
      %dma_start3A_160 = arith.constant 0 : i32
      %dma_start3A_161 = arith.constant 0 : i32
      %dma_start3A_162 = tpu.memref_slice %arg2[%dma_start3A_160, %dma_start3A_161] : memref<10000x128xf32, #tpu.memory_space<hbm>> -> memref<10000x128xf32, #tpu.memory_space<hbm>>
      tpu.enqueue_indirect_dma source(%dma_start3A_162 : memref<10000x128xf32, #tpu.memory_space<hbm>>) target(%arg11 : memref<128x128xf32, #tpu.memory_space<vmem>>) offsets(%dma_start3A_159 : memref<128xi32, #tpu.memory_space<vmem>>) semaphore(%arg14 : memref<!tpu.dma_semaphore, #tpu.memory_space<semaphore_mem>>)
      %dma_wait3A_163 = arith.constant 6 : i32
      %dma_wait3A_164 = arith.constant 0 : i32
      %dma_wait3A_165 = tpu.memref_slice %arg6[%dma_wait3A_163, %dma_wait3A_164] : memref<8x128xi32, #tpu.memory_space<vmem>> -> memref<1x128xi32, #tpu.memory_space<vmem>>
      %dma_wait3A_166 = tpu.memref_squeeze %dma_wait3A_165 : memref<1x128xi32, #tpu.memory_space<vmem>> -> memref<128xi32, #tpu.memory_space<vmem>>
      %dma_wait3A_167 = arith.constant 0 : i32
      %dma_wait3A_168 = arith.constant 0 : i32
      %dma_wait3A_169 = tpu.memref_slice %arg2[%dma_wait3A_167, %dma_wait3A_168] : memref<10000x128xf32, #tpu.memory_space<hbm>> -> memref<10000x128xf32, #tpu.memory_space<hbm>>
      tpu.wait_indirect_dma semaphore(%arg13 : memref<!tpu.dma_semaphore, #tpu.memory_space<semaphore_mem>>) src(%dma_wait3A_169 : memref<10000x128xf32, #tpu.memory_space<hbm>>) dst(%arg10 : memref<128x128xf32, #tpu.memory_space<vmem>>)
      %run_scoped3A_170 = arith.constant 6 : i32
      "tpu.region"() ({
        %run_scoped3A_331 = tpu.sem_alloc : memref<!tpu.dma_semaphore, #tpu.memory_space<semaphore_mem>>
        %dma_start3A_332 = arith.constant 0 : i32
        %dma_start3A_333 = tpu.memref_slice %arg8[%run_scoped3A_170, %dma_start3A_332] : memref<8x128xi32, #tpu.memory_space<vmem>> -> memref<1x128xi32, #tpu.memory_space<vmem>>
        %dma_start3A_334 = tpu.memref_squeeze %dma_start3A_333 : memref<1x128xi32, #tpu.memory_space<vmem>> -> memref<128xi32, #tpu.memory_space<vmem>>
        %dma_start3A_335 = arith.constant 0 : i32
        %dma_start3A_336 = arith.constant 0 : i32
        %dma_start3A_337 = tpu.memref_slice %arg12[%dma_start3A_335, %dma_start3A_336] : memref<10240x128xf32, #tpu.memory_space<vmem_shared>> -> memref<10240x128xf32, #tpu.memory_space<vmem_shared>>
        tpu.enqueue_indirect_dma source(%arg10 : memref<128x128xf32, #tpu.memory_space<vmem>>) target(%dma_start3A_337 : memref<10240x128xf32, #tpu.memory_space<vmem_shared>>) offsets(%dma_start3A_334 : memref<128xi32, #tpu.memory_space<vmem>>) semaphore(%run_scoped3A_331 : memref<!tpu.dma_semaphore, #tpu.memory_space<semaphore_mem>>) {add = true}
        %dma_wait3A_338 = arith.constant 0 : i32
        %dma_wait3A_339 = tpu.memref_slice %arg8[%run_scoped3A_170, %dma_wait3A_338] : memref<8x128xi32, #tpu.memory_space<vmem>> -> memref<1x128xi32, #tpu.memory_space<vmem>>
        %dma_wait3A_340 = tpu.memref_squeeze %dma_wait3A_339 : memref<1x128xi32, #tpu.memory_space<vmem>> -> memref<128xi32, #tpu.memory_space<vmem>>
        %dma_wait3A_341 = arith.constant 0 : i32
        %dma_wait3A_342 = arith.constant 0 : i32
        %dma_wait3A_343 = tpu.memref_slice %arg12[%dma_wait3A_341, %dma_wait3A_342] : memref<10240x128xf32, #tpu.memory_space<vmem_shared>> -> memref<10240x128xf32, #tpu.memory_space<vmem_shared>>
        tpu.wait_indirect_dma semaphore(%run_scoped3A_331 : memref<!tpu.dma_semaphore, #tpu.memory_space<semaphore_mem>>) src(%arg10 : memref<128x128xf32, #tpu.memory_space<vmem>>) dst(%dma_wait3A_343 : memref<10240x128xf32, #tpu.memory_space<vmem_shared>>)
        tpu.yield
      }) : () -> ()
      %add3A_171 = arith.constant 1 : i32
      %add3A_172 = arith.addi %mul3A_61, %add3A_171 : i32
      %lt3A_173 = arith.constant 10 : i32
      %lt3A_174 = arith.cmpi slt, %add3A_172, %lt3A_173 : i32
      %convert_element_type3A_175 = arith.extui %lt3A_174 : i1 to i32
      %cond3A_176 = arith.constant 0 : i32
      %cond3A_177 = arith.cmpi ne, %convert_element_type3A_175, %cond3A_176 : i32
      scf.if %cond3A_177 {
        %dma_start3A_331 = arith.constant 0 : i32
        %dma_start3A_332 = arith.constant 0 : i32
        %dma_start3A_333 = tpu.memref_slice %arg7[%dma_start3A_331, %dma_start3A_332] : memref<8x128xi32, #tpu.memory_space<vmem>> -> memref<1x128xi32, #tpu.memory_space<vmem>>
        %dma_start3A_334 = tpu.memref_squeeze %dma_start3A_333 : memref<1x128xi32, #tpu.memory_space<vmem>> -> memref<128xi32, #tpu.memory_space<vmem>>
        %dma_start3A_335 = arith.constant 0 : i32
        %dma_start3A_336 = arith.constant 0 : i32
        %dma_start3A_337 = tpu.memref_slice %arg2[%dma_start3A_335, %dma_start3A_336] : memref<10000x128xf32, #tpu.memory_space<hbm>> -> memref<10000x128xf32, #tpu.memory_space<hbm>>
        tpu.enqueue_indirect_dma source(%dma_start3A_337 : memref<10000x128xf32, #tpu.memory_space<hbm>>) target(%arg10 : memref<128x128xf32, #tpu.memory_space<vmem>>) offsets(%dma_start3A_334 : memref<128xi32, #tpu.memory_space<vmem>>) semaphore(%arg13 : memref<!tpu.dma_semaphore, #tpu.memory_space<semaphore_mem>>)
      } else {
      }
      %dma_wait3A_178 = arith.constant 7 : i32
      %dma_wait3A_179 = arith.constant 0 : i32
      %dma_wait3A_180 = tpu.memref_slice %arg6[%dma_wait3A_178, %dma_wait3A_179] : memref<8x128xi32, #tpu.memory_space<vmem>> -> memref<1x128xi32, #tpu.memory_space<vmem>>
      %dma_wait3A_181 = tpu.memref_squeeze %dma_wait3A_180 : memref<1x128xi32, #tpu.memory_space<vmem>> -> memref<128xi32, #tpu.memory_space<vmem>>
      %dma_wait3A_182 = arith.constant 0 : i32
      %dma_wait3A_183 = arith.constant 0 : i32
      %dma_wait3A_184 = tpu.memref_slice %arg2[%dma_wait3A_182, %dma_wait3A_183] : memref<10000x128xf32, #tpu.memory_space<hbm>> -> memref<10000x128xf32, #tpu.memory_space<hbm>>
      tpu.wait_indirect_dma semaphore(%arg14 : memref<!tpu.dma_semaphore, #tpu.memory_space<semaphore_mem>>) src(%dma_wait3A_184 : memref<10000x128xf32, #tpu.memory_space<hbm>>) dst(%arg11 : memref<128x128xf32, #tpu.memory_space<vmem>>)
      %run_scoped3A_185 = arith.constant 7 : i32
      "tpu.region"() ({
        %run_scoped3A_331 = tpu.sem_alloc : memref<!tpu.dma_semaphore, #tpu.memory_space<semaphore_mem>>
        %dma_start3A_332 = arith.constant 0 : i32
        %dma_start3A_333 = tpu.memref_slice %arg8[%run_scoped3A_185, %dma_start3A_332] : memref<8x128xi32, #tpu.memory_space<vmem>> -> memref<1x128xi32, #tpu.memory_space<vmem>>
        %dma_start3A_334 = tpu.memref_squeeze %dma_start3A_333 : memref<1x128xi32, #tpu.memory_space<vmem>> -> memref<128xi32, #tpu.memory_space<vmem>>
        %dma_start3A_335 = arith.constant 0 : i32
        %dma_start3A_336 = arith.constant 0 : i32
        %dma_start3A_337 = tpu.memref_slice %arg12[%dma_start3A_335, %dma_start3A_336] : memref<10240x128xf32, #tpu.memory_space<vmem_shared>> -> memref<10240x128xf32, #tpu.memory_space<vmem_shared>>
        tpu.enqueue_indirect_dma source(%arg11 : memref<128x128xf32, #tpu.memory_space<vmem>>) target(%dma_start3A_337 : memref<10240x128xf32, #tpu.memory_space<vmem_shared>>) offsets(%dma_start3A_334 : memref<128xi32, #tpu.memory_space<vmem>>) semaphore(%run_scoped3A_331 : memref<!tpu.dma_semaphore, #tpu.memory_space<semaphore_mem>>) {add = true}
        %dma_wait3A_338 = arith.constant 0 : i32
        %dma_wait3A_339 = tpu.memref_slice %arg8[%run_scoped3A_185, %dma_wait3A_338] : memref<8x128xi32, #tpu.memory_space<vmem>> -> memref<1x128xi32, #tpu.memory_space<vmem>>
        %dma_wait3A_340 = tpu.memref_squeeze %dma_wait3A_339 : memref<1x128xi32, #tpu.memory_space<vmem>> -> memref<128xi32, #tpu.memory_space<vmem>>
        %dma_wait3A_341 = arith.constant 0 : i32
        %dma_wait3A_342 = arith.constant 0 : i32
        %dma_wait3A_343 = tpu.memref_slice %arg12[%dma_wait3A_341, %dma_wait3A_342] : memref<10240x128xf32, #tpu.memory_space<vmem_shared>> -> memref<10240x128xf32, #tpu.memory_space<vmem_shared>>
        tpu.wait_indirect_dma semaphore(%run_scoped3A_331 : memref<!tpu.dma_semaphore, #tpu.memory_space<semaphore_mem>>) src(%arg11 : memref<128x128xf32, #tpu.memory_space<vmem>>) dst(%dma_wait3A_343 : memref<10240x128xf32, #tpu.memory_space<vmem_shared>>)
        tpu.yield
      }) : () -> ()
      %add3A_186 = arith.constant 1 : i32
      %add3A_187 = arith.addi %mul3A_61, %add3A_186 : i32
      %lt3A_188 = arith.constant 10 : i32
      %lt3A_189 = arith.cmpi slt, %add3A_187, %lt3A_188 : i32
      %convert_element_type3A_190 = arith.extui %lt3A_189 : i1 to i32
      %cond3A_191 = arith.constant 0 : i32
      %cond3A_192 = arith.cmpi ne, %convert_element_type3A_190, %cond3A_191 : i32
      scf.if %cond3A_192 {
        %dma_start3A_331 = arith.constant 1 : i32
        %dma_start3A_332 = arith.constant 0 : i32
        %dma_start3A_333 = tpu.memref_slice %arg7[%dma_start3A_331, %dma_start3A_332] : memref<8x128xi32, #tpu.memory_space<vmem>> -> memref<1x128xi32, #tpu.memory_space<vmem>>
        %dma_start3A_334 = tpu.memref_squeeze %dma_start3A_333 : memref<1x128xi32, #tpu.memory_space<vmem>> -> memref<128xi32, #tpu.memory_space<vmem>>
        %dma_start3A_335 = arith.constant 0 : i32
        %dma_start3A_336 = arith.constant 0 : i32
        %dma_start3A_337 = tpu.memref_slice %arg2[%dma_start3A_335, %dma_start3A_336] : memref<10000x128xf32, #tpu.memory_space<hbm>> -> memref<10000x128xf32, #tpu.memory_space<hbm>>
        tpu.enqueue_indirect_dma source(%dma_start3A_337 : memref<10000x128xf32, #tpu.memory_space<hbm>>) target(%arg11 : memref<128x128xf32, #tpu.memory_space<vmem>>) offsets(%dma_start3A_334 : memref<128xi32, #tpu.memory_space<vmem>>) semaphore(%arg14 : memref<!tpu.dma_semaphore, #tpu.memory_space<semaphore_mem>>)
      } else {
      }
      %mul3A_193 = arith.constant 2 : i32
      %mul3A_194 = arith.muli %mul3A_193, %scan3A_59 : i32
      %add3A_195 = arith.constant 1 : i32
      %add3A_196 = arith.addi %mul3A_194, %add3A_195 : i32
      %dma_wait3A_197 = arith.constant 0 : i32
      %dma_wait3A_198 = arith.constant 0 : i32
      %dma_wait3A_199 = tpu.memref_slice %arg7[%dma_wait3A_197, %dma_wait3A_198] : memref<8x128xi32, #tpu.memory_space<vmem>> -> memref<1x128xi32, #tpu.memory_space<vmem>>
      %dma_wait3A_200 = tpu.memref_squeeze %dma_wait3A_199 : memref<1x128xi32, #tpu.memory_space<vmem>> -> memref<128xi32, #tpu.memory_space<vmem>>
      %dma_wait3A_201 = arith.constant 0 : i32
      %dma_wait3A_202 = arith.constant 0 : i32
      %dma_wait3A_203 = tpu.memref_slice %arg2[%dma_wait3A_201, %dma_wait3A_202] : memref<10000x128xf32, #tpu.memory_space<hbm>> -> memref<10000x128xf32, #tpu.memory_space<hbm>>
      tpu.wait_indirect_dma semaphore(%arg13 : memref<!tpu.dma_semaphore, #tpu.memory_space<semaphore_mem>>) src(%dma_wait3A_203 : memref<10000x128xf32, #tpu.memory_space<hbm>>) dst(%arg10 : memref<128x128xf32, #tpu.memory_space<vmem>>)
      %run_scoped3A_204 = arith.constant 0 : i32
      "tpu.region"() ({
        %run_scoped3A_331 = tpu.sem_alloc : memref<!tpu.dma_semaphore, #tpu.memory_space<semaphore_mem>>
        %dma_start3A_332 = arith.constant 0 : i32
        %dma_start3A_333 = tpu.memref_slice %arg9[%run_scoped3A_204, %dma_start3A_332] : memref<8x128xi32, #tpu.memory_space<vmem>> -> memref<1x128xi32, #tpu.memory_space<vmem>>
        %dma_start3A_334 = tpu.memref_squeeze %dma_start3A_333 : memref<1x128xi32, #tpu.memory_space<vmem>> -> memref<128xi32, #tpu.memory_space<vmem>>
        %dma_start3A_335 = arith.constant 0 : i32
        %dma_start3A_336 = arith.constant 0 : i32
        %dma_start3A_337 = tpu.memref_slice %arg12[%dma_start3A_335, %dma_start3A_336] : memref<10240x128xf32, #tpu.memory_space<vmem_shared>> -> memref<10240x128xf32, #tpu.memory_space<vmem_shared>>
        tpu.enqueue_indirect_dma source(%arg10 : memref<128x128xf32, #tpu.memory_space<vmem>>) target(%dma_start3A_337 : memref<10240x128xf32, #tpu.memory_space<vmem_shared>>) offsets(%dma_start3A_334 : memref<128xi32, #tpu.memory_space<vmem>>) semaphore(%run_scoped3A_331 : memref<!tpu.dma_semaphore, #tpu.memory_space<semaphore_mem>>) {add = true}
        %dma_wait3A_338 = arith.constant 0 : i32
        %dma_wait3A_339 = tpu.memref_slice %arg9[%run_scoped3A_204, %dma_wait3A_338] : memref<8x128xi32, #tpu.memory_space<vmem>> -> memref<1x128xi32, #tpu.memory_space<vmem>>
        %dma_wait3A_340 = tpu.memref_squeeze %dma_wait3A_339 : memref<1x128xi32, #tpu.memory_space<vmem>> -> memref<128xi32, #tpu.memory_space<vmem>>
        %dma_wait3A_341 = arith.constant 0 : i32
        %dma_wait3A_342 = arith.constant 0 : i32
        %dma_wait3A_343 = tpu.memref_slice %arg12[%dma_wait3A_341, %dma_wait3A_342] : memref<10240x128xf32, #tpu.memory_space<vmem_shared>> -> memref<10240x128xf32, #tpu.memory_space<vmem_shared>>
        tpu.wait_indirect_dma semaphore(%run_scoped3A_331 : memref<!tpu.dma_semaphore, #tpu.memory_space<semaphore_mem>>) src(%arg10 : memref<128x128xf32, #tpu.memory_space<vmem>>) dst(%dma_wait3A_343 : memref<10240x128xf32, #tpu.memory_space<vmem_shared>>)
        tpu.yield
      }) : () -> ()
      %add3A_205 = arith.constant 1 : i32
      %add3A_206 = arith.addi %add3A_196, %add3A_205 : i32
      %lt3A_207 = arith.constant 10 : i32
      %lt3A_208 = arith.cmpi slt, %add3A_206, %lt3A_207 : i32
      %convert_element_type3A_209 = arith.extui %lt3A_208 : i1 to i32
      %cond3A_210 = arith.constant 0 : i32
      %cond3A_211 = arith.cmpi ne, %convert_element_type3A_209, %cond3A_210 : i32
      scf.if %cond3A_211 {
        %add3A_331 = arith.constant 1 : i32
        %add3A_332 = arith.addi %add3A_196, %add3A_331 : i32
        %mul3A_333 = arith.constant 8 : i32
        %mul3A_334 = arith.muli %add3A_332, %mul3A_333 : i32
        %add3A_335 = arith.addi %mul3A_2, %mul3A_334 : i32
        %multiple_of3A_336 = tpu.assume_multiple %add3A_335, 8 : i32
        %dma_start3A_337 = arith.constant 0 : i32
        %dma_start3A_338 = tpu.memref_slice %arg3[%multiple_of3A_336, %dma_start3A_337] : memref<2560x128xi32, #tpu.memory_space<hbm>> -> memref<8x128xi32, #tpu.memory_space<hbm>>
        %dma_start3A_339 = arith.constant 0 : i32
        %dma_start3A_340 = tpu.memref_slice %arg3[%multiple_of3A_336, %dma_start3A_339] : memref<2560x128xi32, #tpu.memory_space<hbm>> -> memref<8x128xi32, #tpu.memory_space<hbm>>
        tpu.enqueue_dma source(%dma_start3A_340 : memref<8x128xi32, #tpu.memory_space<hbm>>) target(%arg6 : memref<8x128xi32, #tpu.memory_space<vmem>>) target_semaphore(%arg15 : memref<!tpu.dma_semaphore, #tpu.memory_space<semaphore_mem>>)
        %dma_start3A_341 = arith.constant 0 : i32
        %dma_start3A_342 = tpu.memref_slice %arg4[%multiple_of3A_336, %dma_start3A_341] : memref<2560x128xi32, #tpu.memory_space<hbm>> -> memref<8x128xi32, #tpu.memory_space<hbm>>
        %dma_start3A_343 = arith.constant 0 : i32
        %dma_start3A_344 = tpu.memref_slice %arg4[%multiple_of3A_336, %dma_start3A_343] : memref<2560x128xi32, #tpu.memory_space<hbm>> -> memref<8x128xi32, #tpu.memory_space<hbm>>
        tpu.enqueue_dma source(%dma_start3A_344 : memref<8x128xi32, #tpu.memory_space<hbm>>) target(%arg8 : memref<8x128xi32, #tpu.memory_space<vmem>>) target_semaphore(%arg16 : memref<!tpu.dma_semaphore, #tpu.memory_space<semaphore_mem>>)
      } else {
      }
      %dma_start3A_212 = arith.constant 2 : i32
      %dma_start3A_213 = arith.constant 0 : i32
      %dma_start3A_214 = tpu.memref_slice %arg7[%dma_start3A_212, %dma_start3A_213] : memref<8x128xi32, #tpu.memory_space<vmem>> -> memref<1x128xi32, #tpu.memory_space<vmem>>
      %dma_start3A_215 = tpu.memref_squeeze %dma_start3A_214 : memref<1x128xi32, #tpu.memory_space<vmem>> -> memref<128xi32, #tpu.memory_space<vmem>>
      %dma_start3A_216 = arith.constant 0 : i32
      %dma_start3A_217 = arith.constant 0 : i32
      %dma_start3A_218 = tpu.memref_slice %arg2[%dma_start3A_216, %dma_start3A_217] : memref<10000x128xf32, #tpu.memory_space<hbm>> -> memref<10000x128xf32, #tpu.memory_space<hbm>>
      tpu.enqueue_indirect_dma source(%dma_start3A_218 : memref<10000x128xf32, #tpu.memory_space<hbm>>) target(%arg10 : memref<128x128xf32, #tpu.memory_space<vmem>>) offsets(%dma_start3A_215 : memref<128xi32, #tpu.memory_space<vmem>>) semaphore(%arg13 : memref<!tpu.dma_semaphore, #tpu.memory_space<semaphore_mem>>)
      %dma_wait3A_219 = arith.constant 1 : i32
      %dma_wait3A_220 = arith.constant 0 : i32
      %dma_wait3A_221 = tpu.memref_slice %arg7[%dma_wait3A_219, %dma_wait3A_220] : memref<8x128xi32, #tpu.memory_space<vmem>> -> memref<1x128xi32, #tpu.memory_space<vmem>>
      %dma_wait3A_222 = tpu.memref_squeeze %dma_wait3A_221 : memref<1x128xi32, #tpu.memory_space<vmem>> -> memref<128xi32, #tpu.memory_space<vmem>>
      %dma_wait3A_223 = arith.constant 0 : i32
      %dma_wait3A_224 = arith.constant 0 : i32
      %dma_wait3A_225 = tpu.memref_slice %arg2[%dma_wait3A_223, %dma_wait3A_224] : memref<10000x128xf32, #tpu.memory_space<hbm>> -> memref<10000x128xf32, #tpu.memory_space<hbm>>
      tpu.wait_indirect_dma semaphore(%arg14 : memref<!tpu.dma_semaphore, #tpu.memory_space<semaphore_mem>>) src(%dma_wait3A_225 : memref<10000x128xf32, #tpu.memory_space<hbm>>) dst(%arg11 : memref<128x128xf32, #tpu.memory_space<vmem>>)
      %run_scoped3A_226 = arith.constant 1 : i32
      "tpu.region"() ({
        %run_scoped3A_331 = tpu.sem_alloc : memref<!tpu.dma_semaphore, #tpu.memory_space<semaphore_mem>>
        %dma_start3A_332 = arith.constant 0 : i32
        %dma_start3A_333 = tpu.memref_slice %arg9[%run_scoped3A_226, %dma_start3A_332] : memref<8x128xi32, #tpu.memory_space<vmem>> -> memref<1x128xi32, #tpu.memory_space<vmem>>
        %dma_start3A_334 = tpu.memref_squeeze %dma_start3A_333 : memref<1x128xi32, #tpu.memory_space<vmem>> -> memref<128xi32, #tpu.memory_space<vmem>>
        %dma_start3A_335 = arith.constant 0 : i32
        %dma_start3A_336 = arith.constant 0 : i32
        %dma_start3A_337 = tpu.memref_slice %arg12[%dma_start3A_335, %dma_start3A_336] : memref<10240x128xf32, #tpu.memory_space<vmem_shared>> -> memref<10240x128xf32, #tpu.memory_space<vmem_shared>>
        tpu.enqueue_indirect_dma source(%arg11 : memref<128x128xf32, #tpu.memory_space<vmem>>) target(%dma_start3A_337 : memref<10240x128xf32, #tpu.memory_space<vmem_shared>>) offsets(%dma_start3A_334 : memref<128xi32, #tpu.memory_space<vmem>>) semaphore(%run_scoped3A_331 : memref<!tpu.dma_semaphore, #tpu.memory_space<semaphore_mem>>) {add = true}
        %dma_wait3A_338 = arith.constant 0 : i32
        %dma_wait3A_339 = tpu.memref_slice %arg9[%run_scoped3A_226, %dma_wait3A_338] : memref<8x128xi32, #tpu.memory_space<vmem>> -> memref<1x128xi32, #tpu.memory_space<vmem>>
        %dma_wait3A_340 = tpu.memref_squeeze %dma_wait3A_339 : memref<1x128xi32, #tpu.memory_space<vmem>> -> memref<128xi32, #tpu.memory_space<vmem>>
        %dma_wait3A_341 = arith.constant 0 : i32
        %dma_wait3A_342 = arith.constant 0 : i32
        %dma_wait3A_343 = tpu.memref_slice %arg12[%dma_wait3A_341, %dma_wait3A_342] : memref<10240x128xf32, #tpu.memory_space<vmem_shared>> -> memref<10240x128xf32, #tpu.memory_space<vmem_shared>>
        tpu.wait_indirect_dma semaphore(%run_scoped3A_331 : memref<!tpu.dma_semaphore, #tpu.memory_space<semaphore_mem>>) src(%arg11 : memref<128x128xf32, #tpu.memory_space<vmem>>) dst(%dma_wait3A_343 : memref<10240x128xf32, #tpu.memory_space<vmem_shared>>)
        tpu.yield
      }) : () -> ()
      %dma_start3A_227 = arith.constant 3 : i32
      %dma_start3A_228 = arith.constant 0 : i32
      %dma_start3A_229 = tpu.memref_slice %arg7[%dma_start3A_227, %dma_start3A_228] : memref<8x128xi32, #tpu.memory_space<vmem>> -> memref<1x128xi32, #tpu.memory_space<vmem>>
      %dma_start3A_230 = tpu.memref_squeeze %dma_start3A_229 : memref<1x128xi32, #tpu.memory_space<vmem>> -> memref<128xi32, #tpu.memory_space<vmem>>
      %dma_start3A_231 = arith.constant 0 : i32
      %dma_start3A_232 = arith.constant 0 : i32
      %dma_start3A_233 = tpu.memref_slice %arg2[%dma_start3A_231, %dma_start3A_232] : memref<10000x128xf32, #tpu.memory_space<hbm>> -> memref<10000x128xf32, #tpu.memory_space<hbm>>
      tpu.enqueue_indirect_dma source(%dma_start3A_233 : memref<10000x128xf32, #tpu.memory_space<hbm>>) target(%arg11 : memref<128x128xf32, #tpu.memory_space<vmem>>) offsets(%dma_start3A_230 : memref<128xi32, #tpu.memory_space<vmem>>) semaphore(%arg14 : memref<!tpu.dma_semaphore, #tpu.memory_space<semaphore_mem>>)
      %dma_wait3A_234 = arith.constant 2 : i32
      %dma_wait3A_235 = arith.constant 0 : i32
      %dma_wait3A_236 = tpu.memref_slice %arg7[%dma_wait3A_234, %dma_wait3A_235] : memref<8x128xi32, #tpu.memory_space<vmem>> -> memref<1x128xi32, #tpu.memory_space<vmem>>
      %dma_wait3A_237 = tpu.memref_squeeze %dma_wait3A_236 : memref<1x128xi32, #tpu.memory_space<vmem>> -> memref<128xi32, #tpu.memory_space<vmem>>
      %dma_wait3A_238 = arith.constant 0 : i32
      %dma_wait3A_239 = arith.constant 0 : i32
      %dma_wait3A_240 = tpu.memref_slice %arg2[%dma_wait3A_238, %dma_wait3A_239] : memref<10000x128xf32, #tpu.memory_space<hbm>> -> memref<10000x128xf32, #tpu.memory_space<hbm>>
      tpu.wait_indirect_dma semaphore(%arg13 : memref<!tpu.dma_semaphore, #tpu.memory_space<semaphore_mem>>) src(%dma_wait3A_240 : memref<10000x128xf32, #tpu.memory_space<hbm>>) dst(%arg10 : memref<128x128xf32, #tpu.memory_space<vmem>>)
      %run_scoped3A_241 = arith.constant 2 : i32
      "tpu.region"() ({
        %run_scoped3A_331 = tpu.sem_alloc : memref<!tpu.dma_semaphore, #tpu.memory_space<semaphore_mem>>
        %dma_start3A_332 = arith.constant 0 : i32
        %dma_start3A_333 = tpu.memref_slice %arg9[%run_scoped3A_241, %dma_start3A_332] : memref<8x128xi32, #tpu.memory_space<vmem>> -> memref<1x128xi32, #tpu.memory_space<vmem>>
        %dma_start3A_334 = tpu.memref_squeeze %dma_start3A_333 : memref<1x128xi32, #tpu.memory_space<vmem>> -> memref<128xi32, #tpu.memory_space<vmem>>
        %dma_start3A_335 = arith.constant 0 : i32
        %dma_start3A_336 = arith.constant 0 : i32
        %dma_start3A_337 = tpu.memref_slice %arg12[%dma_start3A_335, %dma_start3A_336] : memref<10240x128xf32, #tpu.memory_space<vmem_shared>> -> memref<10240x128xf32, #tpu.memory_space<vmem_shared>>
        tpu.enqueue_indirect_dma source(%arg10 : memref<128x128xf32, #tpu.memory_space<vmem>>) target(%dma_start3A_337 : memref<10240x128xf32, #tpu.memory_space<vmem_shared>>) offsets(%dma_start3A_334 : memref<128xi32, #tpu.memory_space<vmem>>) semaphore(%run_scoped3A_331 : memref<!tpu.dma_semaphore, #tpu.memory_space<semaphore_mem>>) {add = true}
        %dma_wait3A_338 = arith.constant 0 : i32
        %dma_wait3A_339 = tpu.memref_slice %arg9[%run_scoped3A_241, %dma_wait3A_338] : memref<8x128xi32, #tpu.memory_space<vmem>> -> memref<1x128xi32, #tpu.memory_space<vmem>>
        %dma_wait3A_340 = tpu.memref_squeeze %dma_wait3A_339 : memref<1x128xi32, #tpu.memory_space<vmem>> -> memref<128xi32, #tpu.memory_space<vmem>>
        %dma_wait3A_341 = arith.constant 0 : i32
        %dma_wait3A_342 = arith.constant 0 : i32
        %dma_wait3A_343 = tpu.memref_slice %arg12[%dma_wait3A_341, %dma_wait3A_342] : memref<10240x128xf32, #tpu.memory_space<vmem_shared>> -> memref<10240x128xf32, #tpu.memory_space<vmem_shared>>
        tpu.wait_indirect_dma semaphore(%run_scoped3A_331 : memref<!tpu.dma_semaphore, #tpu.memory_space<semaphore_mem>>) src(%arg10 : memref<128x128xf32, #tpu.memory_space<vmem>>) dst(%dma_wait3A_343 : memref<10240x128xf32, #tpu.memory_space<vmem_shared>>)
        tpu.yield
      }) : () -> ()
      %dma_start3A_242 = arith.constant 4 : i32
      %dma_start3A_243 = arith.constant 0 : i32
      %dma_start3A_244 = tpu.memref_slice %arg7[%dma_start3A_242, %dma_start3A_243] : memref<8x128xi32, #tpu.memory_space<vmem>> -> memref<1x128xi32, #tpu.memory_space<vmem>>
      %dma_start3A_245 = tpu.memref_squeeze %dma_start3A_244 : memref<1x128xi32, #tpu.memory_space<vmem>> -> memref<128xi32, #tpu.memory_space<vmem>>
      %dma_start3A_246 = arith.constant 0 : i32
      %dma_start3A_247 = arith.constant 0 : i32
      %dma_start3A_248 = tpu.memref_slice %arg2[%dma_start3A_246, %dma_start3A_247] : memref<10000x128xf32, #tpu.memory_space<hbm>> -> memref<10000x128xf32, #tpu.memory_space<hbm>>
      tpu.enqueue_indirect_dma source(%dma_start3A_248 : memref<10000x128xf32, #tpu.memory_space<hbm>>) target(%arg10 : memref<128x128xf32, #tpu.memory_space<vmem>>) offsets(%dma_start3A_245 : memref<128xi32, #tpu.memory_space<vmem>>) semaphore(%arg13 : memref<!tpu.dma_semaphore, #tpu.memory_space<semaphore_mem>>)
      %dma_wait3A_249 = arith.constant 3 : i32
      %dma_wait3A_250 = arith.constant 0 : i32
      %dma_wait3A_251 = tpu.memref_slice %arg7[%dma_wait3A_249, %dma_wait3A_250] : memref<8x128xi32, #tpu.memory_space<vmem>> -> memref<1x128xi32, #tpu.memory_space<vmem>>
      %dma_wait3A_252 = tpu.memref_squeeze %dma_wait3A_251 : memref<1x128xi32, #tpu.memory_space<vmem>> -> memref<128xi32, #tpu.memory_space<vmem>>
      %dma_wait3A_253 = arith.constant 0 : i32
      %dma_wait3A_254 = arith.constant 0 : i32
      %dma_wait3A_255 = tpu.memref_slice %arg2[%dma_wait3A_253, %dma_wait3A_254] : memref<10000x128xf32, #tpu.memory_space<hbm>> -> memref<10000x128xf32, #tpu.memory_space<hbm>>
      tpu.wait_indirect_dma semaphore(%arg14 : memref<!tpu.dma_semaphore, #tpu.memory_space<semaphore_mem>>) src(%dma_wait3A_255 : memref<10000x128xf32, #tpu.memory_space<hbm>>) dst(%arg11 : memref<128x128xf32, #tpu.memory_space<vmem>>)
      %run_scoped3A_256 = arith.constant 3 : i32
      "tpu.region"() ({
        %run_scoped3A_331 = tpu.sem_alloc : memref<!tpu.dma_semaphore, #tpu.memory_space<semaphore_mem>>
        %dma_start3A_332 = arith.constant 0 : i32
        %dma_start3A_333 = tpu.memref_slice %arg9[%run_scoped3A_256, %dma_start3A_332] : memref<8x128xi32, #tpu.memory_space<vmem>> -> memref<1x128xi32, #tpu.memory_space<vmem>>
        %dma_start3A_334 = tpu.memref_squeeze %dma_start3A_333 : memref<1x128xi32, #tpu.memory_space<vmem>> -> memref<128xi32, #tpu.memory_space<vmem>>
        %dma_start3A_335 = arith.constant 0 : i32
        %dma_start3A_336 = arith.constant 0 : i32
        %dma_start3A_337 = tpu.memref_slice %arg12[%dma_start3A_335, %dma_start3A_336] : memref<10240x128xf32, #tpu.memory_space<vmem_shared>> -> memref<10240x128xf32, #tpu.memory_space<vmem_shared>>
        tpu.enqueue_indirect_dma source(%arg11 : memref<128x128xf32, #tpu.memory_space<vmem>>) target(%dma_start3A_337 : memref<10240x128xf32, #tpu.memory_space<vmem_shared>>) offsets(%dma_start3A_334 : memref<128xi32, #tpu.memory_space<vmem>>) semaphore(%run_scoped3A_331 : memref<!tpu.dma_semaphore, #tpu.memory_space<semaphore_mem>>) {add = true}
        %dma_wait3A_338 = arith.constant 0 : i32
        %dma_wait3A_339 = tpu.memref_slice %arg9[%run_scoped3A_256, %dma_wait3A_338] : memref<8x128xi32, #tpu.memory_space<vmem>> -> memref<1x128xi32, #tpu.memory_space<vmem>>
        %dma_wait3A_340 = tpu.memref_squeeze %dma_wait3A_339 : memref<1x128xi32, #tpu.memory_space<vmem>> -> memref<128xi32, #tpu.memory_space<vmem>>
        %dma_wait3A_341 = arith.constant 0 : i32
        %dma_wait3A_342 = arith.constant 0 : i32
        %dma_wait3A_343 = tpu.memref_slice %arg12[%dma_wait3A_341, %dma_wait3A_342] : memref<10240x128xf32, #tpu.memory_space<vmem_shared>> -> memref<10240x128xf32, #tpu.memory_space<vmem_shared>>
        tpu.wait_indirect_dma semaphore(%run_scoped3A_331 : memref<!tpu.dma_semaphore, #tpu.memory_space<semaphore_mem>>) src(%arg11 : memref<128x128xf32, #tpu.memory_space<vmem>>) dst(%dma_wait3A_343 : memref<10240x128xf32, #tpu.memory_space<vmem_shared>>)
        tpu.yield
      }) : () -> ()
      %dma_start3A_257 = arith.constant 5 : i32
      %dma_start3A_258 = arith.constant 0 : i32
      %dma_start3A_259 = tpu.memref_slice %arg7[%dma_start3A_257, %dma_start3A_258] : memref<8x128xi32, #tpu.memory_space<vmem>> -> memref<1x128xi32, #tpu.memory_space<vmem>>
      %dma_start3A_260 = tpu.memref_squeeze %dma_start3A_259 : memref<1x128xi32, #tpu.memory_space<vmem>> -> memref<128xi32, #tpu.memory_space<vmem>>
      %dma_start3A_261 = arith.constant 0 : i32
      %dma_start3A_262 = arith.constant 0 : i32
      %dma_start3A_263 = tpu.memref_slice %arg2[%dma_start3A_261, %dma_start3A_262] : memref<10000x128xf32, #tpu.memory_space<hbm>> -> memref<10000x128xf32, #tpu.memory_space<hbm>>
      tpu.enqueue_indirect_dma source(%dma_start3A_263 : memref<10000x128xf32, #tpu.memory_space<hbm>>) target(%arg11 : memref<128x128xf32, #tpu.memory_space<vmem>>) offsets(%dma_start3A_260 : memref<128xi32, #tpu.memory_space<vmem>>) semaphore(%arg14 : memref<!tpu.dma_semaphore, #tpu.memory_space<semaphore_mem>>)
      %dma_wait3A_264 = arith.constant 4 : i32
      %dma_wait3A_265 = arith.constant 0 : i32
      %dma_wait3A_266 = tpu.memref_slice %arg7[%dma_wait3A_264, %dma_wait3A_265] : memref<8x128xi32, #tpu.memory_space<vmem>> -> memref<1x128xi32, #tpu.memory_space<vmem>>
      %dma_wait3A_267 = tpu.memref_squeeze %dma_wait3A_266 : memref<1x128xi32, #tpu.memory_space<vmem>> -> memref<128xi32, #tpu.memory_space<vmem>>
      %dma_wait3A_268 = arith.constant 0 : i32
      %dma_wait3A_269 = arith.constant 0 : i32
      %dma_wait3A_270 = tpu.memref_slice %arg2[%dma_wait3A_268, %dma_wait3A_269] : memref<10000x128xf32, #tpu.memory_space<hbm>> -> memref<10000x128xf32, #tpu.memory_space<hbm>>
      tpu.wait_indirect_dma semaphore(%arg13 : memref<!tpu.dma_semaphore, #tpu.memory_space<semaphore_mem>>) src(%dma_wait3A_270 : memref<10000x128xf32, #tpu.memory_space<hbm>>) dst(%arg10 : memref<128x128xf32, #tpu.memory_space<vmem>>)
      %run_scoped3A_271 = arith.constant 4 : i32
      "tpu.region"() ({
        %run_scoped3A_331 = tpu.sem_alloc : memref<!tpu.dma_semaphore, #tpu.memory_space<semaphore_mem>>
        %dma_start3A_332 = arith.constant 0 : i32
        %dma_start3A_333 = tpu.memref_slice %arg9[%run_scoped3A_271, %dma_start3A_332] : memref<8x128xi32, #tpu.memory_space<vmem>> -> memref<1x128xi32, #tpu.memory_space<vmem>>
        %dma_start3A_334 = tpu.memref_squeeze %dma_start3A_333 : memref<1x128xi32, #tpu.memory_space<vmem>> -> memref<128xi32, #tpu.memory_space<vmem>>
        %dma_start3A_335 = arith.constant 0 : i32
        %dma_start3A_336 = arith.constant 0 : i32
        %dma_start3A_337 = tpu.memref_slice %arg12[%dma_start3A_335, %dma_start3A_336] : memref<10240x128xf32, #tpu.memory_space<vmem_shared>> -> memref<10240x128xf32, #tpu.memory_space<vmem_shared>>
        tpu.enqueue_indirect_dma source(%arg10 : memref<128x128xf32, #tpu.memory_space<vmem>>) target(%dma_start3A_337 : memref<10240x128xf32, #tpu.memory_space<vmem_shared>>) offsets(%dma_start3A_334 : memref<128xi32, #tpu.memory_space<vmem>>) semaphore(%run_scoped3A_331 : memref<!tpu.dma_semaphore, #tpu.memory_space<semaphore_mem>>) {add = true}
        %dma_wait3A_338 = arith.constant 0 : i32
        %dma_wait3A_339 = tpu.memref_slice %arg9[%run_scoped3A_271, %dma_wait3A_338] : memref<8x128xi32, #tpu.memory_space<vmem>> -> memref<1x128xi32, #tpu.memory_space<vmem>>
        %dma_wait3A_340 = tpu.memref_squeeze %dma_wait3A_339 : memref<1x128xi32, #tpu.memory_space<vmem>> -> memref<128xi32, #tpu.memory_space<vmem>>
        %dma_wait3A_341 = arith.constant 0 : i32
        %dma_wait3A_342 = arith.constant 0 : i32
        %dma_wait3A_343 = tpu.memref_slice %arg12[%dma_wait3A_341, %dma_wait3A_342] : memref<10240x128xf32, #tpu.memory_space<vmem_shared>> -> memref<10240x128xf32, #tpu.memory_space<vmem_shared>>
        tpu.wait_indirect_dma semaphore(%run_scoped3A_331 : memref<!tpu.dma_semaphore, #tpu.memory_space<semaphore_mem>>) src(%arg10 : memref<128x128xf32, #tpu.memory_space<vmem>>) dst(%dma_wait3A_343 : memref<10240x128xf32, #tpu.memory_space<vmem_shared>>)
        tpu.yield
      }) : () -> ()
      %dma_start3A_272 = arith.constant 6 : i32
      %dma_start3A_273 = arith.constant 0 : i32
      %dma_start3A_274 = tpu.memref_slice %arg7[%dma_start3A_272, %dma_start3A_273] : memref<8x128xi32, #tpu.memory_space<vmem>> -> memref<1x128xi32, #tpu.memory_space<vmem>>
      %dma_start3A_275 = tpu.memref_squeeze %dma_start3A_274 : memref<1x128xi32, #tpu.memory_space<vmem>> -> memref<128xi32, #tpu.memory_space<vmem>>
      %dma_start3A_276 = arith.constant 0 : i32
      %dma_start3A_277 = arith.constant 0 : i32
      %dma_start3A_278 = tpu.memref_slice %arg2[%dma_start3A_276, %dma_start3A_277] : memref<10000x128xf32, #tpu.memory_space<hbm>> -> memref<10000x128xf32, #tpu.memory_space<hbm>>
      tpu.enqueue_indirect_dma source(%dma_start3A_278 : memref<10000x128xf32, #tpu.memory_space<hbm>>) target(%arg10 : memref<128x128xf32, #tpu.memory_space<vmem>>) offsets(%dma_start3A_275 : memref<128xi32, #tpu.memory_space<vmem>>) semaphore(%arg13 : memref<!tpu.dma_semaphore, #tpu.memory_space<semaphore_mem>>)
      %dma_wait3A_279 = arith.constant 5 : i32
      %dma_wait3A_280 = arith.constant 0 : i32
      %dma_wait3A_281 = tpu.memref_slice %arg7[%dma_wait3A_279, %dma_wait3A_280] : memref<8x128xi32, #tpu.memory_space<vmem>> -> memref<1x128xi32, #tpu.memory_space<vmem>>
      %dma_wait3A_282 = tpu.memref_squeeze %dma_wait3A_281 : memref<1x128xi32, #tpu.memory_space<vmem>> -> memref<128xi32, #tpu.memory_space<vmem>>
      %dma_wait3A_283 = arith.constant 0 : i32
      %dma_wait3A_284 = arith.constant 0 : i32
      %dma_wait3A_285 = tpu.memref_slice %arg2[%dma_wait3A_283, %dma_wait3A_284] : memref<10000x128xf32, #tpu.memory_space<hbm>> -> memref<10000x128xf32, #tpu.memory_space<hbm>>
      tpu.wait_indirect_dma semaphore(%arg14 : memref<!tpu.dma_semaphore, #tpu.memory_space<semaphore_mem>>) src(%dma_wait3A_285 : memref<10000x128xf32, #tpu.memory_space<hbm>>) dst(%arg11 : memref<128x128xf32, #tpu.memory_space<vmem>>)
      %run_scoped3A_286 = arith.constant 5 : i32
      "tpu.region"() ({
        %run_scoped3A_331 = tpu.sem_alloc : memref<!tpu.dma_semaphore, #tpu.memory_space<semaphore_mem>>
        %dma_start3A_332 = arith.constant 0 : i32
        %dma_start3A_333 = tpu.memref_slice %arg9[%run_scoped3A_286, %dma_start3A_332] : memref<8x128xi32, #tpu.memory_space<vmem>> -> memref<1x128xi32, #tpu.memory_space<vmem>>
        %dma_start3A_334 = tpu.memref_squeeze %dma_start3A_333 : memref<1x128xi32, #tpu.memory_space<vmem>> -> memref<128xi32, #tpu.memory_space<vmem>>
        %dma_start3A_335 = arith.constant 0 : i32
        %dma_start3A_336 = arith.constant 0 : i32
        %dma_start3A_337 = tpu.memref_slice %arg12[%dma_start3A_335, %dma_start3A_336] : memref<10240x128xf32, #tpu.memory_space<vmem_shared>> -> memref<10240x128xf32, #tpu.memory_space<vmem_shared>>
        tpu.enqueue_indirect_dma source(%arg11 : memref<128x128xf32, #tpu.memory_space<vmem>>) target(%dma_start3A_337 : memref<10240x128xf32, #tpu.memory_space<vmem_shared>>) offsets(%dma_start3A_334 : memref<128xi32, #tpu.memory_space<vmem>>) semaphore(%run_scoped3A_331 : memref<!tpu.dma_semaphore, #tpu.memory_space<semaphore_mem>>) {add = true}
        %dma_wait3A_338 = arith.constant 0 : i32
        %dma_wait3A_339 = tpu.memref_slice %arg9[%run_scoped3A_286, %dma_wait3A_338] : memref<8x128xi32, #tpu.memory_space<vmem>> -> memref<1x128xi32, #tpu.memory_space<vmem>>
        %dma_wait3A_340 = tpu.memref_squeeze %dma_wait3A_339 : memref<1x128xi32, #tpu.memory_space<vmem>> -> memref<128xi32, #tpu.memory_space<vmem>>
        %dma_wait3A_341 = arith.constant 0 : i32
        %dma_wait3A_342 = arith.constant 0 : i32
        %dma_wait3A_343 = tpu.memref_slice %arg12[%dma_wait3A_341, %dma_wait3A_342] : memref<10240x128xf32, #tpu.memory_space<vmem_shared>> -> memref<10240x128xf32, #tpu.memory_space<vmem_shared>>
        tpu.wait_indirect_dma semaphore(%run_scoped3A_331 : memref<!tpu.dma_semaphore, #tpu.memory_space<semaphore_mem>>) src(%arg11 : memref<128x128xf32, #tpu.memory_space<vmem>>) dst(%dma_wait3A_343 : memref<10240x128xf32, #tpu.memory_space<vmem_shared>>)
        tpu.yield
      }) : () -> ()
      %add3A_287 = arith.constant 1 : i32
      %add3A_288 = arith.addi %add3A_196, %add3A_287 : i32
      %lt3A_289 = arith.constant 10 : i32
      %lt3A_290 = arith.cmpi slt, %add3A_288, %lt3A_289 : i32
      %convert_element_type3A_291 = arith.extui %lt3A_290 : i1 to i32
      %cond3A_292 = arith.constant 0 : i32
      %cond3A_293 = arith.cmpi ne, %convert_element_type3A_291, %cond3A_292 : i32
      scf.if %cond3A_293 {
        %dma_wait3A_331 = arith.constant 0 : i32
        %dma_wait3A_332 = arith.constant 0 : i32
        %dma_wait3A_333 = tpu.memref_slice %arg3[%dma_wait3A_331, %dma_wait3A_332] : memref<2560x128xi32, #tpu.memory_space<hbm>> -> memref<8x128xi32, #tpu.memory_space<hbm>>
        %dma_wait3A_334 = arith.constant 0 : i32
        %dma_wait3A_335 = arith.constant 0 : i32
        %dma_wait3A_336 = tpu.memref_slice %arg3[%dma_wait3A_334, %dma_wait3A_335] : memref<2560x128xi32, #tpu.memory_space<hbm>> -> memref<8x128xi32, #tpu.memory_space<hbm>>
        tpu.wait_dma2 semaphore(%arg15 : memref<!tpu.dma_semaphore, #tpu.memory_space<semaphore_mem>>) src(%dma_wait3A_336 : memref<8x128xi32, #tpu.memory_space<hbm>>) dst(%arg6 : memref<8x128xi32, #tpu.memory_space<vmem>>)
        %dma_wait3A_337 = arith.constant 0 : i32
        %dma_wait3A_338 = arith.constant 0 : i32
        %dma_wait3A_339 = tpu.memref_slice %arg4[%dma_wait3A_337, %dma_wait3A_338] : memref<2560x128xi32, #tpu.memory_space<hbm>> -> memref<8x128xi32, #tpu.memory_space<hbm>>
        %dma_wait3A_340 = arith.constant 0 : i32
        %dma_wait3A_341 = arith.constant 0 : i32
        %dma_wait3A_342 = tpu.memref_slice %arg4[%dma_wait3A_340, %dma_wait3A_341] : memref<2560x128xi32, #tpu.memory_space<hbm>> -> memref<8x128xi32, #tpu.memory_space<hbm>>
        tpu.wait_dma2 semaphore(%arg16 : memref<!tpu.dma_semaphore, #tpu.memory_space<semaphore_mem>>) src(%dma_wait3A_342 : memref<8x128xi32, #tpu.memory_space<hbm>>) dst(%arg8 : memref<8x128xi32, #tpu.memory_space<vmem>>)
      } else {
      }
      %dma_start3A_294 = arith.constant 7 : i32
      %dma_start3A_295 = arith.constant 0 : i32
      %dma_start3A_296 = tpu.memref_slice %arg7[%dma_start3A_294, %dma_start3A_295] : memref<8x128xi32, #tpu.memory_space<vmem>> -> memref<1x128xi32, #tpu.memory_space<vmem>>
      %dma_start3A_297 = tpu.memref_squeeze %dma_start3A_296 : memref<1x128xi32, #tpu.memory_space<vmem>> -> memref<128xi32, #tpu.memory_space<vmem>>
      %dma_start3A_298 = arith.constant 0 : i32
      %dma_start3A_299 = arith.constant 0 : i32
      %dma_start3A_300 = tpu.memref_slice %arg2[%dma_start3A_298, %dma_start3A_299] : memref<10000x128xf32, #tpu.memory_space<hbm>> -> memref<10000x128xf32, #tpu.memory_space<hbm>>
      tpu.enqueue_indirect_dma source(%dma_start3A_300 : memref<10000x128xf32, #tpu.memory_space<hbm>>) target(%arg11 : memref<128x128xf32, #tpu.memory_space<vmem>>) offsets(%dma_start3A_297 : memref<128xi32, #tpu.memory_space<vmem>>) semaphore(%arg14 : memref<!tpu.dma_semaphore, #tpu.memory_space<semaphore_mem>>)
      %dma_wait3A_301 = arith.constant 6 : i32
      %dma_wait3A_302 = arith.constant 0 : i32
      %dma_wait3A_303 = tpu.memref_slice %arg7[%dma_wait3A_301, %dma_wait3A_302] : memref<8x128xi32, #tpu.memory_space<vmem>> -> memref<1x128xi32, #tpu.memory_space<vmem>>
      %dma_wait3A_304 = tpu.memref_squeeze %dma_wait3A_303 : memref<1x128xi32, #tpu.memory_space<vmem>> -> memref<128xi32, #tpu.memory_space<vmem>>
      %dma_wait3A_305 = arith.constant 0 : i32
      %dma_wait3A_306 = arith.constant 0 : i32
      %dma_wait3A_307 = tpu.memref_slice %arg2[%dma_wait3A_305, %dma_wait3A_306] : memref<10000x128xf32, #tpu.memory_space<hbm>> -> memref<10000x128xf32, #tpu.memory_space<hbm>>
      tpu.wait_indirect_dma semaphore(%arg13 : memref<!tpu.dma_semaphore, #tpu.memory_space<semaphore_mem>>) src(%dma_wait3A_307 : memref<10000x128xf32, #tpu.memory_space<hbm>>) dst(%arg10 : memref<128x128xf32, #tpu.memory_space<vmem>>)
      %run_scoped3A_308 = arith.constant 6 : i32
      "tpu.region"() ({
        %run_scoped3A_331 = tpu.sem_alloc : memref<!tpu.dma_semaphore, #tpu.memory_space<semaphore_mem>>
        %dma_start3A_332 = arith.constant 0 : i32
        %dma_start3A_333 = tpu.memref_slice %arg9[%run_scoped3A_308, %dma_start3A_332] : memref<8x128xi32, #tpu.memory_space<vmem>> -> memref<1x128xi32, #tpu.memory_space<vmem>>
        %dma_start3A_334 = tpu.memref_squeeze %dma_start3A_333 : memref<1x128xi32, #tpu.memory_space<vmem>> -> memref<128xi32, #tpu.memory_space<vmem>>
        %dma_start3A_335 = arith.constant 0 : i32
        %dma_start3A_336 = arith.constant 0 : i32
        %dma_start3A_337 = tpu.memref_slice %arg12[%dma_start3A_335, %dma_start3A_336] : memref<10240x128xf32, #tpu.memory_space<vmem_shared>> -> memref<10240x128xf32, #tpu.memory_space<vmem_shared>>
        tpu.enqueue_indirect_dma source(%arg10 : memref<128x128xf32, #tpu.memory_space<vmem>>) target(%dma_start3A_337 : memref<10240x128xf32, #tpu.memory_space<vmem_shared>>) offsets(%dma_start3A_334 : memref<128xi32, #tpu.memory_space<vmem>>) semaphore(%run_scoped3A_331 : memref<!tpu.dma_semaphore, #tpu.memory_space<semaphore_mem>>) {add = true}
        %dma_wait3A_338 = arith.constant 0 : i32
        %dma_wait3A_339 = tpu.memref_slice %arg9[%run_scoped3A_308, %dma_wait3A_338] : memref<8x128xi32, #tpu.memory_space<vmem>> -> memref<1x128xi32, #tpu.memory_space<vmem>>
        %dma_wait3A_340 = tpu.memref_squeeze %dma_wait3A_339 : memref<1x128xi32, #tpu.memory_space<vmem>> -> memref<128xi32, #tpu.memory_space<vmem>>
        %dma_wait3A_341 = arith.constant 0 : i32
        %dma_wait3A_342 = arith.constant 0 : i32
        %dma_wait3A_343 = tpu.memref_slice %arg12[%dma_wait3A_341, %dma_wait3A_342] : memref<10240x128xf32, #tpu.memory_space<vmem_shared>> -> memref<10240x128xf32, #tpu.memory_space<vmem_shared>>
        tpu.wait_indirect_dma semaphore(%run_scoped3A_331 : memref<!tpu.dma_semaphore, #tpu.memory_space<semaphore_mem>>) src(%arg10 : memref<128x128xf32, #tpu.memory_space<vmem>>) dst(%dma_wait3A_343 : memref<10240x128xf32, #tpu.memory_space<vmem_shared>>)
        tpu.yield
      }) : () -> ()
      %add3A_309 = arith.constant 1 : i32
      %add3A_310 = arith.addi %add3A_196, %add3A_309 : i32
      %lt3A_311 = arith.constant 10 : i32
      %lt3A_312 = arith.cmpi slt, %add3A_310, %lt3A_311 : i32
      %convert_element_type3A_313 = arith.extui %lt3A_312 : i1 to i32
      %cond3A_314 = arith.constant 0 : i32
      %cond3A_315 = arith.cmpi ne, %convert_element_type3A_313, %cond3A_314 : i32
      scf.if %cond3A_315 {
        %dma_start3A_331 = arith.constant 0 : i32
        %dma_start3A_332 = arith.constant 0 : i32
        %dma_start3A_333 = tpu.memref_slice %arg6[%dma_start3A_331, %dma_start3A_332] : memref<8x128xi32, #tpu.memory_space<vmem>> -> memref<1x128xi32, #tpu.memory_space<vmem>>
        %dma_start3A_334 = tpu.memref_squeeze %dma_start3A_333 : memref<1x128xi32, #tpu.memory_space<vmem>> -> memref<128xi32, #tpu.memory_space<vmem>>
        %dma_start3A_335 = arith.constant 0 : i32
        %dma_start3A_336 = arith.constant 0 : i32
        %dma_start3A_337 = tpu.memref_slice %arg2[%dma_start3A_335, %dma_start3A_336] : memref<10000x128xf32, #tpu.memory_space<hbm>> -> memref<10000x128xf32, #tpu.memory_space<hbm>>
        tpu.enqueue_indirect_dma source(%dma_start3A_337 : memref<10000x128xf32, #tpu.memory_space<hbm>>) target(%arg10 : memref<128x128xf32, #tpu.memory_space<vmem>>) offsets(%dma_start3A_334 : memref<128xi32, #tpu.memory_space<vmem>>) semaphore(%arg13 : memref<!tpu.dma_semaphore, #tpu.memory_space<semaphore_mem>>)
      } else {
      }
      %dma_wait3A_316 = arith.constant 7 : i32
      %dma_wait3A_317 = arith.constant 0 : i32
      %dma_wait3A_318 = tpu.memref_slice %arg7[%dma_wait3A_316, %dma_wait3A_317] : memref<8x128xi32, #tpu.memory_space<vmem>> -> memref<1x128xi32, #tpu.memory_space<vmem>>
      %dma_wait3A_319 = tpu.memref_squeeze %dma_wait3A_318 : memref<1x128xi32, #tpu.memory_space<vmem>> -> memref<128xi32, #tpu.memory_space<vmem>>
      %dma_wait3A_320 = arith.constant 0 : i32
      %dma_wait3A_321 = arith.constant 0 : i32
      %dma_wait3A_322 = tpu.memref_slice %arg2[%dma_wait3A_320, %dma_wait3A_321] : memref<10000x128xf32, #tpu.memory_space<hbm>> -> memref<10000x128xf32, #tpu.memory_space<hbm>>
      tpu.wait_indirect_dma semaphore(%arg14 : memref<!tpu.dma_semaphore, #tpu.memory_space<semaphore_mem>>) src(%dma_wait3A_322 : memref<10000x128xf32, #tpu.memory_space<hbm>>) dst(%arg11 : memref<128x128xf32, #tpu.memory_space<vmem>>)
      %run_scoped3A_323 = arith.constant 7 : i32
      "tpu.region"() ({
        %run_scoped3A_331 = tpu.sem_alloc : memref<!tpu.dma_semaphore, #tpu.memory_space<semaphore_mem>>
        %dma_start3A_332 = arith.constant 0 : i32
        %dma_start3A_333 = tpu.memref_slice %arg9[%run_scoped3A_323, %dma_start3A_332] : memref<8x128xi32, #tpu.memory_space<vmem>> -> memref<1x128xi32, #tpu.memory_space<vmem>>
        %dma_start3A_334 = tpu.memref_squeeze %dma_start3A_333 : memref<1x128xi32, #tpu.memory_space<vmem>> -> memref<128xi32, #tpu.memory_space<vmem>>
        %dma_start3A_335 = arith.constant 0 : i32
        %dma_start3A_336 = arith.constant 0 : i32
        %dma_start3A_337 = tpu.memref_slice %arg12[%dma_start3A_335, %dma_start3A_336] : memref<10240x128xf32, #tpu.memory_space<vmem_shared>> -> memref<10240x128xf32, #tpu.memory_space<vmem_shared>>
        tpu.enqueue_indirect_dma source(%arg11 : memref<128x128xf32, #tpu.memory_space<vmem>>) target(%dma_start3A_337 : memref<10240x128xf32, #tpu.memory_space<vmem_shared>>) offsets(%dma_start3A_334 : memref<128xi32, #tpu.memory_space<vmem>>) semaphore(%run_scoped3A_331 : memref<!tpu.dma_semaphore, #tpu.memory_space<semaphore_mem>>) {add = true}
        %dma_wait3A_338 = arith.constant 0 : i32
        %dma_wait3A_339 = tpu.memref_slice %arg9[%run_scoped3A_323, %dma_wait3A_338] : memref<8x128xi32, #tpu.memory_space<vmem>> -> memref<1x128xi32, #tpu.memory_space<vmem>>
        %dma_wait3A_340 = tpu.memref_squeeze %dma_wait3A_339 : memref<1x128xi32, #tpu.memory_space<vmem>> -> memref<128xi32, #tpu.memory_space<vmem>>
        %dma_wait3A_341 = arith.constant 0 : i32
        %dma_wait3A_342 = arith.constant 0 : i32
        %dma_wait3A_343 = tpu.memref_slice %arg12[%dma_wait3A_341, %dma_wait3A_342] : memref<10240x128xf32, #tpu.memory_space<vmem_shared>> -> memref<10240x128xf32, #tpu.memory_space<vmem_shared>>
        tpu.wait_indirect_dma semaphore(%run_scoped3A_331 : memref<!tpu.dma_semaphore, #tpu.memory_space<semaphore_mem>>) src(%arg11 : memref<128x128xf32, #tpu.memory_space<vmem>>) dst(%dma_wait3A_343 : memref<10240x128xf32, #tpu.memory_space<vmem_shared>>)
        tpu.yield
      }) : () -> ()
      %add3A_324 = arith.constant 1 : i32
      %add3A_325 = arith.addi %add3A_196, %add3A_324 : i32
      %lt3A_326 = arith.constant 10 : i32
      %lt3A_327 = arith.cmpi slt, %add3A_325, %lt3A_326 : i32
      %convert_element_type3A_328 = arith.extui %lt3A_327 : i1 to i32
      %cond3A_329 = arith.constant 0 : i32
      %cond3A_330 = arith.cmpi ne, %convert_element_type3A_328, %cond3A_329 : i32
      scf.if %cond3A_330 {
        %dma_start3A_331 = arith.constant 1 : i32
        %dma_start3A_332 = arith.constant 0 : i32
        %dma_start3A_333 = tpu.memref_slice %arg6[%dma_start3A_331, %dma_start3A_332] : memref<8x128xi32, #tpu.memory_space<vmem>> -> memref<1x128xi32, #tpu.memory_space<vmem>>
        %dma_start3A_334 = tpu.memref_squeeze %dma_start3A_333 : memref<1x128xi32, #tpu.memory_space<vmem>> -> memref<128xi32, #tpu.memory_space<vmem>>
        %dma_start3A_335 = arith.constant 0 : i32
        %dma_start3A_336 = arith.constant 0 : i32
        %dma_start3A_337 = tpu.memref_slice %arg2[%dma_start3A_335, %dma_start3A_336] : memref<10000x128xf32, #tpu.memory_space<hbm>> -> memref<10000x128xf32, #tpu.memory_space<hbm>>
        tpu.enqueue_indirect_dma source(%dma_start3A_337 : memref<10000x128xf32, #tpu.memory_space<hbm>>) target(%arg11 : memref<128x128xf32, #tpu.memory_space<vmem>>) offsets(%dma_start3A_334 : memref<128xi32, #tpu.memory_space<vmem>>) semaphore(%arg14 : memref<!tpu.dma_semaphore, #tpu.memory_space<semaphore_mem>>)
      } else {
      }
    }
    %scan3A_48 = arith.constant 5 : i32
    %barrier3A_49 = arith.constant 0 : index
    tpu.barrier barrier_id(%barrier3A_49)
    %mul3A_50 = arith.constant 624 : i32
    %mul3A_51 = arith.muli %arg1, %mul3A_50 : i32
    %mul3A_52 = arith.constant 10000 : i32
    %mul3A_53 = arith.muli %arg0, %mul3A_52 : i32
    %mul3A_54 = arith.constant 624 : i32
    %mul3A_55 = arith.muli %arg1, %mul3A_54 : i32
    %add3A_56 = arith.addi %mul3A_53, %mul3A_55 : i32
    "tpu.region"() ({
      %run_scoped3A = tpu.sem_alloc : memref<!tpu.dma_semaphore, #tpu.memory_space<semaphore_mem>>
      %dma_start3A_59 = arith.constant 0 : i32
      %dma_start3A_60 = tpu.memref_slice %arg5[%add3A_56, %dma_start3A_59] : memref<20000x128xf32, #tpu.memory_space<hbm>> -> memref<624x128xf32, #tpu.memory_space<hbm>>
      %dma_start3A_61 = arith.constant 0 : i32
      %dma_start3A_62 = tpu.memref_slice %arg12[%mul3A_51, %dma_start3A_61] : memref<10240x128xf32, #tpu.memory_space<vmem_shared>> -> memref<624x128xf32, #tpu.memory_space<vmem_shared>>
      tpu.enqueue_dma source(%dma_start3A_62 : memref<624x128xf32, #tpu.memory_space<vmem_shared>>) target(%dma_start3A_60 : memref<624x128xf32, #tpu.memory_space<hbm>>) target_semaphore(%run_scoped3A : memref<!tpu.dma_semaphore, #tpu.memory_space<semaphore_mem>>)
      %dma_wait3A = arith.constant 0 : i32
      %dma_wait3A_63 = tpu.memref_slice %arg5[%add3A_56, %dma_wait3A] : memref<20000x128xf32, #tpu.memory_space<hbm>> -> memref<624x128xf32, #tpu.memory_space<hbm>>
      %dma_wait3A_64 = arith.constant 0 : i32
      %dma_wait3A_65 = tpu.memref_slice %arg12[%mul3A_51, %dma_wait3A_64] : memref<10240x128xf32, #tpu.memory_space<vmem_shared>> -> memref<624x128xf32, #tpu.memory_space<vmem_shared>>
      tpu.wait_dma2 semaphore(%run_scoped3A : memref<!tpu.dma_semaphore, #tpu.memory_space<semaphore_mem>>) src(%dma_wait3A_65 : memref<624x128xf32, #tpu.memory_space<vmem_shared>>) dst(%dma_wait3A_63 : memref<624x128xf32, #tpu.memory_space<hbm>>)
      tpu.yield
    }) : () -> ()
    %eq3A = arith.constant 15 : i32
    %eq3A_57 = arith.cmpi eq, %arg1, %eq3A : i32
    %convert_element_type3A = arith.extui %eq3A_57 : i1 to i32
    %cond3A = arith.constant 0 : i32
    %cond3A_58 = arith.cmpi ne, %convert_element_type3A, %cond3A : i32
    scf.if %cond3A_58 {
      %mul3A_59 = arith.constant 10000 : i32
      %mul3A_60 = arith.muli %arg0, %mul3A_59 : i32
      %add3A_61 = arith.constant 9984 : i32
      %add3A_62 = arith.addi %mul3A_60, %add3A_61 : i32
      "tpu.region"() ({
        %run_scoped3A = tpu.sem_alloc : memref<!tpu.dma_semaphore, #tpu.memory_space<semaphore_mem>>
        %dma_start3A_63 = arith.constant 0 : i32
        %dma_start3A_64 = tpu.memref_slice %arg5[%add3A_62, %dma_start3A_63] : memref<20000x128xf32, #tpu.memory_space<hbm>> -> memref<16x128xf32, #tpu.memory_space<hbm>>
        %dma_start3A_65 = arith.constant 9984 : i32
        %dma_start3A_66 = arith.constant 0 : i32
        %dma_start3A_67 = tpu.memref_slice %arg12[%dma_start3A_65, %dma_start3A_66] : memref<10240x128xf32, #tpu.memory_space<vmem_shared>> -> memref<16x128xf32, #tpu.memory_space<vmem_shared>>
        tpu.enqueue_dma source(%dma_start3A_67 : memref<16x128xf32, #tpu.memory_space<vmem_shared>>) target(%dma_start3A_64 : memref<16x128xf32, #tpu.memory_space<hbm>>) target_semaphore(%run_scoped3A : memref<!tpu.dma_semaphore, #tpu.memory_space<semaphore_mem>>)
        %dma_wait3A = arith.constant 0 : i32
        %dma_wait3A_68 = tpu.memref_slice %arg5[%add3A_62, %dma_wait3A] : memref<20000x128xf32, #tpu.memory_space<hbm>> -> memref<16x128xf32, #tpu.memory_space<hbm>>
        %dma_wait3A_69 = arith.constant 9984 : i32
        %dma_wait3A_70 = arith.constant 0 : i32
        %dma_wait3A_71 = tpu.memref_slice %arg12[%dma_wait3A_69, %dma_wait3A_70] : memref<10240x128xf32, #tpu.memory_space<vmem_shared>> -> memref<16x128xf32, #tpu.memory_space<vmem_shared>>
        tpu.wait_dma2 semaphore(%run_scoped3A : memref<!tpu.dma_semaphore, #tpu.memory_space<semaphore_mem>>) src(%dma_wait3A_71 : memref<16x128xf32, #tpu.memory_space<vmem_shared>>) dst(%dma_wait3A_68 : memref<16x128xf32, #tpu.memory_space<hbm>>)
        tpu.yield
      }) : () -> ()
    } else {
    }
    return
  }
}

module attributes {stable_mosaic.version = 14 : i64} {
  func.func @_bc_body(%arg0: i32, %arg1: memref<1000x1xf32, #tpu.memory_space<vmem>>, %arg2: memref<1000x1xf32, #tpu.memory_space<vmem>>, %arg3: memref<1000x128xf32, #tpu.memory_space<vmem>>, %arg4: memref<128x128xf32, #tpu.memory_space<vmem>>, %arg5: memref<1000x128xf32, #tpu.memory_space<vmem>>, %arg6: memref<1000x1xf32, #tpu.memory_space<vmem>>) attributes {dimension_semantics = [#tpu.dimension_semantics<arbitrary>], iteration_bounds = array<i64: 10>, scalar_prefetch = 0 : i64, scratch_operands = 0 : i64, tpu.core_type = #tpu.core_type<tc>, window_params = [{transform_indices = @transform_0, window_bounds = array<i64: 1000, 1>}, {transform_indices = @transform_1, window_bounds = array<i64: 1000, 1>}, {transform_indices = @transform_2, window_bounds = array<i64: 1000, 128>}, {pipeline_mode = #tpu.pipeline_mode<synchronous>, transform_indices = @transform_3, window_bounds = array<i64: 128, 128>}, {transform_indices = @transform_4, window_bounds = array<i64: 1000, 128>}, {transform_indices = @transform_5, window_bounds = array<i64: 1000, 1>}]} {
    %get3A = arith.constant 0 : index
    %get3A_0 = arith.constant 0 : index
    %get3A_1 = vector.load %arg1[%get3A, %get3A_0] : memref<1000x1xf32, #tpu.memory_space<vmem>>, vector<1000x1xf32>
    %get3A_2 = arith.constant 0 : index
    %get3A_3 = arith.constant 0 : index
    %get3A_4 = vector.load %arg2[%get3A_2, %get3A_3] : memref<1000x1xf32, #tpu.memory_space<vmem>>, vector<1000x1xf32>
    %add3A = arith.addf %get3A_1, %get3A_4 : vector<1000x1xf32>
    %add3A_5 = arith.constant 1.000000e+00 : f32
    %add3A_6 = vector.broadcast %add3A_5 : f32 to vector<1000x1xf32>
    %add3A_7 = arith.addf %add3A, %add3A_6 : vector<1000x1xf32>
    %rsqrt3A = math.rsqrt %add3A_7 : vector<1000x1xf32>
    %swap3A = arith.constant 0 : index
    %swap3A_8 = arith.constant 0 : index
    %swap3A_9 = vector.load %arg6[%swap3A, %swap3A_8] : memref<1000x1xf32, #tpu.memory_space<vmem>>, vector<1000x1xf32>
    tpu.vector_store %arg6[%swap3A, %swap3A_8], %rsqrt3A {strides = array<i32>} : memref<1000x1xf32, #tpu.memory_space<vmem>>, vector<1000x1xf32>,
    %get3A_10 = arith.constant 0 : index
    %get3A_11 = arith.constant 0 : index
    %get3A_12 = vector.load %arg3[%get3A_10, %get3A_11] : memref<1000x128xf32, #tpu.memory_space<vmem>>, vector<1000x128xf32>
    %get3A_13 = arith.constant 0 : index
    %get3A_14 = arith.constant 0 : index
    %get3A_15 = vector.load %arg4[%get3A_13, %get3A_14] : memref<128x128xf32, #tpu.memory_space<vmem>>, vector<128x128xf32>
    %dot_general3A = arith.constant dense<0.000000e+00> : vector<1000x128xf32>
    %dot_general3A_16 = tpu.matmul %get3A_12, %get3A_15, %dot_general3A {dimension_numbers = #tpu.dot_dimension_numbers<[1], [0], [0], [1], [0, 0, 1, 1], [], []>, transpose_lhs_hint = false} : vector<1000x128xf32>, vector<128x128xf32>, vector<1000x128xf32> -> vector<1000x128xf32>
    %mul3A = vector.broadcast %rsqrt3A : vector<1000x1xf32> to vector<1000x128xf32>
    %mul3A_17 = arith.mulf %dot_general3A_16, %mul3A : vector<1000x128xf32>
    %swap3A_18 = arith.constant 0 : index
    %swap3A_19 = arith.constant 0 : index
    %swap3A_20 = vector.load %arg5[%swap3A_18, %swap3A_19] : memref<1000x128xf32, #tpu.memory_space<vmem>>, vector<1000x128xf32>
    tpu.vector_store %arg5[%swap3A_18, %swap3A_19], %mul3A_17 {strides = array<i32>} : memref<1000x128xf32, #tpu.memory_space<vmem>>, vector<1000x128xf32>,
    return
  }
  func.func @transform_0(%arg0: i32) -> (i32, i32) {
    %c0_i32 = arith.constant 0 : i32
    %c0_i32_0 = arith.constant 0 : i32
    return %arg0, %c0_i32 : i32, i32
  }
  func.func @transform_1(%arg0: i32) -> (i32, i32) {
    %c0_i32 = arith.constant 0 : i32
    %c0_i32_0 = arith.constant 0 : i32
    return %arg0, %c0_i32 : i32, i32
  }
  func.func @transform_2(%arg0: i32) -> (i32, i32) {
    %c0_i32 = arith.constant 0 : i32
    %c0_i32_0 = arith.constant 0 : i32
    return %arg0, %c0_i32 : i32, i32
  }
  func.func @transform_3(%arg0: i32) -> (i32, i32) {
    %c0_i32 = arith.constant 0 : i32
    %c0_i32_0 = arith.constant 0 : i32
    %c0_i32_1 = arith.constant 0 : i32
    return %c0_i32, %c0_i32_0 : i32, i32
  }
  func.func @transform_4(%arg0: i32) -> (i32, i32) {
    %c0_i32 = arith.constant 0 : i32
    %c0_i32_0 = arith.constant 0 : i32
    return %arg0, %c0_i32 : i32, i32
  }
  func.func @transform_5(%arg0: i32) -> (i32, i32) {
    %c0_i32 = arith.constant 0 : i32
    %c0_i32_0 = arith.constant 0 : i32
    return %arg0, %c0_i32 : i32, i32
  }
}

module attributes {stable_mosaic.version = 14 : i64} {
  func.func @_mid_body(%arg0: i32, %arg1: memref<1000x128xf32, #tpu.memory_space<vmem>>, %arg2: memref<1000x128xf32, #tpu.memory_space<vmem>>, %arg3: memref<1000x128xf32, #tpu.memory_space<vmem>>, %arg4: memref<1000x1xf32, #tpu.memory_space<vmem>>, %arg5: memref<128x128xf32, #tpu.memory_space<vmem>>, %arg6: memref<1x128xf32, #tpu.memory_space<vmem>>, %arg7: memref<1000x128xf32, #tpu.memory_space<vmem>>) attributes {dimension_semantics = [#tpu.dimension_semantics<arbitrary>], iteration_bounds = array<i64: 10>, scalar_prefetch = 0 : i64, scratch_operands = 0 : i64, tpu.core_type = #tpu.core_type<tc>, window_params = [{transform_indices = @transform_0, window_bounds = array<i64: 1000, 128>}, {transform_indices = @transform_1, window_bounds = array<i64: 1000, 128>}, {transform_indices = @transform_2, window_bounds = array<i64: 1000, 128>}, {transform_indices = @transform_3, window_bounds = array<i64: 1000, 1>}, {pipeline_mode = #tpu.pipeline_mode<synchronous>, transform_indices = @transform_4, window_bounds = array<i64: 128, 128>}, {pipeline_mode = #tpu.pipeline_mode<synchronous>, transform_indices = @transform_5, window_bounds = array<i64: 1, 128>}, {transform_indices = @transform_6, window_bounds = array<i64: 1000, 128>}]} {
    %get3A = arith.constant 0 : index
    %get3A_0 = arith.constant 0 : index
    %get3A_1 = vector.load %arg4[%get3A, %get3A_0] : memref<1000x1xf32, #tpu.memory_space<vmem>>, vector<1000x1xf32>
    %get3A_2 = arith.constant 0 : index
    %get3A_3 = arith.constant 0 : index
    %get3A_4 = vector.load %arg1[%get3A_2, %get3A_3] : memref<1000x128xf32, #tpu.memory_space<vmem>>, vector<1000x128xf32>
    %get3A_5 = arith.constant 0 : index
    %get3A_6 = arith.constant 0 : index
    %get3A_7 = vector.load %arg2[%get3A_5, %get3A_6] : memref<1000x128xf32, #tpu.memory_space<vmem>>, vector<1000x128xf32>
    %add3A = arith.addf %get3A_4, %get3A_7 : vector<1000x128xf32>
    %get3A_8 = arith.constant 0 : index
    %get3A_9 = arith.constant 0 : index
    %get3A_10 = vector.load %arg3[%get3A_8, %get3A_9] : memref<1000x128xf32, #tpu.memory_space<vmem>>, vector<1000x128xf32>
    %add3A_11 = arith.addf %add3A, %get3A_10 : vector<1000x128xf32>
    %mul3A = vector.broadcast %get3A_1 : vector<1000x1xf32> to vector<1000x128xf32>
    %mul3A_12 = arith.mulf %mul3A, %add3A_11 : vector<1000x128xf32>
    %get3A_13 = arith.constant 0 : index
    %get3A_14 = arith.constant 0 : index
    %get3A_15 = vector.load %arg6[%get3A_13, %get3A_14] : memref<1x128xf32, #tpu.memory_space<vmem>>, vector<1x128xf32>
    %add3A_16 = vector.broadcast %get3A_15 : vector<1x128xf32> to vector<1000x128xf32>
    %add3A_17 = arith.addf %mul3A_12, %add3A_16 : vector<1000x128xf32>
    %max3A = arith.constant 0.000000e+00 : f32
    %max3A_18 = vector.broadcast %max3A : f32 to vector<1000x128xf32>
    %max3A_19 = arith.maximumf %add3A_17, %max3A_18 : vector<1000x128xf32>
    %get3A_20 = arith.constant 0 : index
    %get3A_21 = arith.constant 0 : index
    %get3A_22 = vector.load %arg5[%get3A_20, %get3A_21] : memref<128x128xf32, #tpu.memory_space<vmem>>, vector<128x128xf32>
    %dot_general3A = arith.constant dense<0.000000e+00> : vector<1000x128xf32>
    %dot_general3A_23 = tpu.matmul %max3A_19, %get3A_22, %dot_general3A {dimension_numbers = #tpu.dot_dimension_numbers<[1], [0], [0], [1], [0, 0, 1, 1], [], []>, transpose_lhs_hint = false} : vector<1000x128xf32>, vector<128x128xf32>, vector<1000x128xf32> -> vector<1000x128xf32>
    %mul3A_24 = vector.broadcast %get3A_1 : vector<1000x1xf32> to vector<1000x128xf32>
    %mul3A_25 = arith.mulf %dot_general3A_23, %mul3A_24 : vector<1000x128xf32>
    %swap3A = arith.constant 0 : index
    %swap3A_26 = arith.constant 0 : index
    %swap3A_27 = vector.load %arg7[%swap3A, %swap3A_26] : memref<1000x128xf32, #tpu.memory_space<vmem>>, vector<1000x128xf32>
    tpu.vector_store %arg7[%swap3A, %swap3A_26], %mul3A_25 {strides = array<i32>} : memref<1000x128xf32, #tpu.memory_space<vmem>>, vector<1000x128xf32>,
    return
  }
  func.func @transform_0(%arg0: i32) -> (i32, i32) {
    %c0_i32 = arith.constant 0 : i32
    %c0_i32_0 = arith.constant 0 : i32
    return %arg0, %c0_i32 : i32, i32
  }
  func.func @transform_1(%arg0: i32) -> (i32, i32) {
    %add3A = arith.constant 10 : i32
    %add3A_0 = arith.addi %arg0, %add3A : i32
    %c0_i32 = arith.constant 0 : i32
    %c0_i32_1 = arith.constant 0 : i32
    return %add3A_0, %c0_i32 : i32, i32
  }
  func.func @transform_2(%arg0: i32) -> (i32, i32) {
    %c0_i32 = arith.constant 0 : i32
    %c0_i32_0 = arith.constant 0 : i32
    return %arg0, %c0_i32 : i32, i32
  }
  func.func @transform_3(%arg0: i32) -> (i32, i32) {
    %c0_i32 = arith.constant 0 : i32
    %c0_i32_0 = arith.constant 0 : i32
    return %arg0, %c0_i32 : i32, i32
  }
  func.func @transform_4(%arg0: i32) -> (i32, i32) {
    %c0_i32 = arith.constant 0 : i32
    %c0_i32_0 = arith.constant 0 : i32
    %c0_i32_1 = arith.constant 0 : i32
    return %c0_i32, %c0_i32_0 : i32, i32
  }
  func.func @transform_5(%arg0: i32) -> (i32, i32) {
    %c0_i32 = arith.constant 0 : i32
    %c0_i32_0 = arith.constant 0 : i32
    %c0_i32_1 = arith.constant 0 : i32
    return %c0_i32, %c0_i32_0 : i32, i32
  }
  func.func @transform_6(%arg0: i32) -> (i32, i32) {
    %c0_i32 = arith.constant 0 : i32
    %c0_i32_0 = arith.constant 0 : i32
    return %arg0, %c0_i32 : i32, i32
  }
}

module attributes {stable_mosaic.version = 14 : i64} {
  func.func @_fin_body(%arg0: i32, %arg1: memref<1000x128xf32, #tpu.memory_space<vmem>>, %arg2: memref<1000x128xf32, #tpu.memory_space<vmem>>, %arg3: memref<1000x128xf32, #tpu.memory_space<vmem>>, %arg4: memref<1000x1xf32, #tpu.memory_space<vmem>>, %arg5: memref<1x128xf32, #tpu.memory_space<vmem>>, %arg6: memref<128x8xf32, #tpu.memory_space<vmem>>, %arg7: memref<1x8xf32, #tpu.memory_space<vmem>>, %arg8: memref<1000x128xf32, #tpu.memory_space<vmem>>, %arg9: memref<1000x8xf32, #tpu.memory_space<vmem>>) attributes {dimension_semantics = [#tpu.dimension_semantics<arbitrary>], iteration_bounds = array<i64: 10>, scalar_prefetch = 0 : i64, scratch_operands = 0 : i64, tpu.core_type = #tpu.core_type<tc>, window_params = [{transform_indices = @transform_0, window_bounds = array<i64: 1000, 128>}, {transform_indices = @transform_1, window_bounds = array<i64: 1000, 128>}, {transform_indices = @transform_2, window_bounds = array<i64: 1000, 128>}, {transform_indices = @transform_3, window_bounds = array<i64: 1000, 1>}, {pipeline_mode = #tpu.pipeline_mode<synchronous>, transform_indices = @transform_4, window_bounds = array<i64: 1, 128>}, {pipeline_mode = #tpu.pipeline_mode<synchronous>, transform_indices = @transform_5, window_bounds = array<i64: 128, 8>}, {pipeline_mode = #tpu.pipeline_mode<synchronous>, transform_indices = @transform_6, window_bounds = array<i64: 1, 8>}, {transform_indices = @transform_7, window_bounds = array<i64: 1000, 128>}, {transform_indices = @transform_8, window_bounds = array<i64: 1000, 8>}]} {
    %get3A = arith.constant 0 : index
    %get3A_0 = arith.constant 0 : index
    %get3A_1 = vector.load %arg4[%get3A, %get3A_0] : memref<1000x1xf32, #tpu.memory_space<vmem>>, vector<1000x1xf32>
    %get3A_2 = arith.constant 0 : index
    %get3A_3 = arith.constant 0 : index
    %get3A_4 = vector.load %arg1[%get3A_2, %get3A_3] : memref<1000x128xf32, #tpu.memory_space<vmem>>, vector<1000x128xf32>
    %get3A_5 = arith.constant 0 : index
    %get3A_6 = arith.constant 0 : index
    %get3A_7 = vector.load %arg2[%get3A_5, %get3A_6] : memref<1000x128xf32, #tpu.memory_space<vmem>>, vector<1000x128xf32>
    %add3A = arith.addf %get3A_4, %get3A_7 : vector<1000x128xf32>
    %get3A_8 = arith.constant 0 : index
    %get3A_9 = arith.constant 0 : index
    %get3A_10 = vector.load %arg3[%get3A_8, %get3A_9] : memref<1000x128xf32, #tpu.memory_space<vmem>>, vector<1000x128xf32>
    %add3A_11 = arith.addf %add3A, %get3A_10 : vector<1000x128xf32>
    %mul3A = vector.broadcast %get3A_1 : vector<1000x1xf32> to vector<1000x128xf32>
    %mul3A_12 = arith.mulf %mul3A, %add3A_11 : vector<1000x128xf32>
    %get3A_13 = arith.constant 0 : index
    %get3A_14 = arith.constant 0 : index
    %get3A_15 = vector.load %arg5[%get3A_13, %get3A_14] : memref<1x128xf32, #tpu.memory_space<vmem>>, vector<1x128xf32>
    %add3A_16 = vector.broadcast %get3A_15 : vector<1x128xf32> to vector<1000x128xf32>
    %add3A_17 = arith.addf %mul3A_12, %add3A_16 : vector<1000x128xf32>
    %swap3A = arith.constant 0 : index
    %swap3A_18 = arith.constant 0 : index
    %swap3A_19 = vector.load %arg8[%swap3A, %swap3A_18] : memref<1000x128xf32, #tpu.memory_space<vmem>>, vector<1000x128xf32>
    tpu.vector_store %arg8[%swap3A, %swap3A_18], %add3A_17 {strides = array<i32>} : memref<1000x128xf32, #tpu.memory_space<vmem>>, vector<1000x128xf32>,
    %get3A_20 = arith.constant 0 : index
    %get3A_21 = arith.constant 0 : index
    %get3A_22 = vector.load %arg6[%get3A_20, %get3A_21] : memref<128x8xf32, #tpu.memory_space<vmem>>, vector<128x8xf32>
    %dot_general3A = arith.constant dense<0.000000e+00> : vector<1000x8xf32>
    %dot_general3A_23 = tpu.matmul %add3A_17, %get3A_22, %dot_general3A {dimension_numbers = #tpu.dot_dimension_numbers<[1], [0], [0], [1], [0, 0, 1, 1], [], []>, transpose_lhs_hint = false} : vector<1000x128xf32>, vector<128x8xf32>, vector<1000x8xf32> -> vector<1000x8xf32>
    %get3A_24 = arith.constant 0 : index
    %get3A_25 = arith.constant 0 : index
    %get3A_26 = vector.load %arg7[%get3A_24, %get3A_25] : memref<1x8xf32, #tpu.memory_space<vmem>>, vector<1x8xf32>
    %add3A_27 = vector.broadcast %get3A_26 : vector<1x8xf32> to vector<1000x8xf32>
    %add3A_28 = arith.addf %dot_general3A_23, %add3A_27 : vector<1000x8xf32>
    %swap3A_29 = arith.constant 0 : index
    %swap3A_30 = arith.constant 0 : index
    %swap3A_31 = vector.load %arg9[%swap3A_29, %swap3A_30] : memref<1000x8xf32, #tpu.memory_space<vmem>>, vector<1000x8xf32>
    tpu.vector_store %arg9[%swap3A_29, %swap3A_30], %add3A_28 {strides = array<i32>} : memref<1000x8xf32, #tpu.memory_space<vmem>>, vector<1000x8xf32>,
    return
  }
  func.func @transform_0(%arg0: i32) -> (i32, i32) {
    %c0_i32 = arith.constant 0 : i32
    %c0_i32_0 = arith.constant 0 : i32
    return %arg0, %c0_i32 : i32, i32
  }
  func.func @transform_1(%arg0: i32) -> (i32, i32) {
    %add3A = arith.constant 10 : i32
    %add3A_0 = arith.addi %arg0, %add3A : i32
    %c0_i32 = arith.constant 0 : i32
    %c0_i32_1 = arith.constant 0 : i32
    return %add3A_0, %c0_i32 : i32, i32
  }
  func.func @transform_2(%arg0: i32) -> (i32, i32) {
    %c0_i32 = arith.constant 0 : i32
    %c0_i32_0 = arith.constant 0 : i32
    return %arg0, %c0_i32 : i32, i32
  }
  func.func @transform_3(%arg0: i32) -> (i32, i32) {
    %c0_i32 = arith.constant 0 : i32
    %c0_i32_0 = arith.constant 0 : i32
    return %arg0, %c0_i32 : i32, i32
  }
  func.func @transform_4(%arg0: i32) -> (i32, i32) {
    %c0_i32 = arith.constant 0 : i32
    %c0_i32_0 = arith.constant 0 : i32
    %c0_i32_1 = arith.constant 0 : i32
    return %c0_i32, %c0_i32_0 : i32, i32
  }
  func.func @transform_5(%arg0: i32) -> (i32, i32) {
    %c0_i32 = arith.constant 0 : i32
    %c0_i32_0 = arith.constant 0 : i32
    %c0_i32_1 = arith.constant 0 : i32
    return %c0_i32, %c0_i32_0 : i32, i32
  }
  func.func @transform_6(%arg0: i32) -> (i32, i32) {
    %c0_i32 = arith.constant 0 : i32
    %c0_i32_0 = arith.constant 0 : i32
    %c0_i32_1 = arith.constant 0 : i32
    return %c0_i32, %c0_i32_0 : i32, i32
  }
  func.func @transform_7(%arg0: i32) -> (i32, i32) {
    %c0_i32 = arith.constant 0 : i32
    %c0_i32_0 = arith.constant 0 : i32
    return %arg0, %c0_i32 : i32, i32
  }
  func.func @transform_8(%arg0: i32) -> (i32, i32) {
    %c0_i32 = arith.constant 0 : i32
    %c0_i32_0 = arith.constant 0 : i32
    return %arg0, %c0_i32 : i32, i32
  }
}

</mosaic_0001>

<sc_bundles>
// kernel: kernel.11.cloned.1.call-start
scs
__scs_entry_jumppad:
0x0: {  	(pc) =	sbr.rel $0x88, $3  }
0x1: {  	(tag) =	ssettag $0x0;
	lr =	simm.s32 $0x1  }
0x2: {  	[smem:$0x3F99] =	sst lr;
	_ =	strace $0xD0000000  }
0x3: {  	_ = 	snop  }
0x4: {  	_ = 	snop  }
0x5: {  	_ = 	snop  }
0x6: {  	_ = 	snop  }
0x7: {  	_ = 	snop  }
__scs_overlays_trampoline_lowered:
0x8: {  	[smem:$0x3FA8] =	sst s0  }
0x9: {  	[smem:$0x3FA9] =	sst s1  }
0xa: {  	[smem:$0x3FAA] =	sst s2  }
0xb: {  	[smem:$0x3FAB] =	sst s3  }
0xc: {  	[smem:$0x3FAC] =	sst s4  }
0xd: {  	[smem:$0x3FAD] =	sst s5  }
0xe: {  	[smem:$0x3FAE] =	sst s6  }
0xf: {  	[smem:$0x3FAF] =	sst s7  }
0x10: {  	[smem:$0x3FB0] =	sst s8  }
0x11: {  	[smem:$0x3FB1] =	sst s9;
	s0 =	simm.s32 @!p0 $0x0  }
0x12: {  	s1 =	sld [smem:$0x3F97];
	s0 =	simm.s32 @p0 $0x1  }
0x13: {  	[smem:$0x3FB2] =	sst s0;
	s0 =	simm.s32 @!p1 $0x0  }
0x14: {  	s2 =	sld [smem:$0x3F96];
	s0 =	simm.s32 @p1 $0x1  }
0x15: {  	[smem:$0x3FB3] =	sst s0;
	s0 =	simm.s32 @!p2 $0x0  }
0x16: {  	s3 =	sld [smem:$0x3FDB];
	s0 =	simm.s32 @p2 $0x1  }
0x17: {  	s4 =	simm.s32 $0x1BF5;
	[smem:$0x3FB5] =	sst s0  }
0x18: {  	s0 =	sld [smem:$0x3F98];
	_ =	swait.ge [sflag:s4], $0x0  }
0x19: {  	s7 =	sld [smem:$0x3F99]  }
0x1a: {  	s8 =	sadd.s32 $0xFFFFE003, lr  }
0x1b: {  	s9 =	sadd.s32 $0xFFFFFEF7, lr;
	s5 =	simm.s32 $0xFFFFFFFF;
	p2 =	slt.u32 s8, $0xFFFFF086  }
0x1c: {  	p1 =	slt.u32 s9, $0xF7A;
	s5 =	simm.s32 @!p2 $0x0  }
0x1d: {  	s5 =	simm.s32 @p1 $0x1;
	p0 =	seq.s32 s7, s2  }
0x1e: {  	s7 =	smul.u32 @!p0 $0xF7A, s2;
	p2 =	seq.s32 @!p0 s5, $0x0  }
0x1f: {  	s9 =	smul.u32 $0xF7A, s1;
	s8 =	simm.s32 @!p0 $0x1BF5;
	p2 =	por !p2, p0  }
0x20: {  	[sflag:s8] =	ssyncset.s32 @!p0 $0xFFFFF086;
	s6 =	sadd.s32 @!p0 s3, s7;
	s7 =	simm.s32 @!p0 $0x108  }
0x21: {  	s3 =	sadd.s32 s3, s9;
	s6 =	sadd.s32 @!p0 $0x88, s6;
	s7 =	simm.s32 @p2 $0x1082  }
0x22: {  	[simem:s7], [sflag:s8] =	dma.local @!p0 [hbm:s6], $0xF7A  }
0x23: {  	s9 =	sor.u32 $0xD0000000, s2;
	s6 =	simm.s32 $0x108;
	_ =	swait.ge @!p0 [sflag:s8], $0x0  }
0x24: {  	s3 =	sadd.s32 $0x88, s3;
	s6 =	simm.s32 @!p1 $0x1082;
	[sflag:s4] =	ssyncset.s32 $0xFFFFF086  }
0x25: {  	[simem:s6], [sflag:s4] =	dma.local [hbm:s3], $0xF7A  }
0x26: {  	[smem:$0x3F99] =	sst s1;
	(tag) =	ssettag s2;
	_ =	strace s9  }
0x27: {  	s1 =	sld [smem:$0x3FA9]  }
0x28: {  	s2 =	sld [smem:$0x3FAA]  }
0x29: {  	s4 =	sld [smem:$0x3FAC]  }
0x2a: {  	p0 =	seq.s32 s5, $0x0;
	s5 =	sld [smem:$0x3FAD]  }
0x2b: {  	s6 =	sld [smem:$0x3FAE]  }
0x2c: {  	s7 =	sld [smem:$0x3FAF]  }
0x2d: {  	s3 =	simm.s32 $0x108;
	s8 =	sld [smem:$0x3FB0]  }
0x2e: {  	s3 =	simm.s32 @!p0 $0x1082;
	s9 =	sld [smem:$0x3FB1]  }
0x2f: {  	lr =	sadd.s32 s0, s3;
	s0 =	sld [smem:$0x3FA8]  }
0x30: {  	s3 =	sld [smem:$0x3FAB]  }
0x31: {  	[smem:$0x3FB4] =	sst s10  }
0x32: {  	s10 =	sld [smem:$0x3FB2];
	_ =	sdelay $0x3  }
0x33: {  	p0 =	seq.s32 s10, $0x1;
	s10 =	sld [smem:$0x3FB4];
	_ =	sdelay $0x3  }
0x34: {  	[smem:$0x3FB4] =	sst s10  }
0x35: {  	s10 =	sld [smem:$0x3FB3];
	_ =	sdelay $0x3  }
0x36: {  	p1 =	seq.s32 s10, $0x1;
	s10 =	sld [smem:$0x3FB4];
	_ =	sdelay $0x3  }
0x37: {  	[smem:$0x3FB4] =	sst s10  }
0x38: {  	s10 =	sld [smem:$0x3FB5]  }
0x39: {  	_ = 	snop;
	(pc) =	sbr.ind lr, $3  }
0x3a: {  	_ = 	snop  }
0x3b: {  	_ = 	snop  }
0x3c: {  	p2 =	seq.s32 s10, $0x1;
	s10 =	sld [smem:$0x3FB4]  }
0x3d: {  	_ =	shalt  }
0x3e: {  	_ =	shalt  }
0x3f: {  	_ =	shalt  }
0x40: {  	_ =	shalt  }
0x41: {  	_ =	shalt  }
0x42: {  	_ =	shalt  }
0x43: {  	_ =	shalt  }
0x44: {  	_ =	shalt  }
0x45: {  	_ =	shalt  }
0x46: {  	_ =	shalt  }
0x47: {  	_ =	shalt  }
0x48: {  	_ =	shalt  }
0x49: {  	_ =	shalt  }
0x4a: {  	_ =	shalt  }
0x4b: {  	_ =	shalt  }
0x4c: {  	_ =	shalt  }
0x4d: {  	_ =	shalt  }
0x4e: {  	_ =	shalt  }
0x4f: {  	_ =	shalt  }
0x50: {  	_ =	shalt  }
0x51: {  	_ =	shalt  }
0x52: {  	_ =	shalt  }
0x53: {  	_ =	shalt  }
0x54: {  	_ =	shalt  }
0x55: {  	_ =	shalt  }
0x56: {  	_ =	shalt  }
0x57: {  	_ =	shalt  }
0x58: {  	_ =	shalt  }
0x59: {  	_ =	shalt  }
0x5a: {  	_ =	shalt  }
0x5b: {  	_ =	shalt  }
0x5c: {  	_ =	shalt  }
0x5d: {  	_ =	shalt  }
0x5e: {  	_ =	shalt  }
0x5f: {  	_ =	shalt  }
0x60: {  	_ =	shalt  }
0x61: {  	_ =	shalt  }
0x62: {  	_ =	shalt  }
0x63: {  	_ =	shalt  }
0x64: {  	_ =	shalt  }
0x65: {  	_ =	shalt  }
0x66: {  	_ =	shalt  }
0x67: {  	_ =	shalt  }
0x68: {  	_ =	shalt  }
0x69: {  	_ =	shalt  }
0x6a: {  	_ =	shalt  }
0x6b: {  	_ =	shalt  }
0x6c: {  	_ =	shalt  }
0x6d: {  	_ =	shalt  }
0x6e: {  	_ =	shalt  }
0x6f: {  	_ =	shalt  }
0x70: {  	_ =	shalt  }
0x71: {  	_ =	shalt  }
0x72: {  	_ =	shalt  }
0x73: {  	_ =	shalt  }
0x74: {  	_ =	shalt  }
0x75: {  	_ =	shalt  }
0x76: {  	_ =	shalt  }
0x77: {  	_ =	shalt  }
0x78: {  	_ =	shalt  }
0x79: {  	_ =	shalt  }
0x7a: {  	_ =	shalt  }
0x7b: {  	_ =	shalt  }
0x7c: {  	_ =	shalt  }
0x7d: {  	_ =	shalt  }
0x7e: {  	_ =	shalt  }
0x7f: {  	_ =	shalt  }
0x80: {  	_ =	shalt  }
0x81: {  	_ =	shalt  }
0x82: {  	_ =	shalt  }
0x83: {  	_ =	shalt  }
0x84: {  	_ =	shalt  }
0x85: {  	_ =	shalt  }
0x86: {  	_ =	shalt  }
0x87: {  	_ =	shalt  }
.Lfunc_end0:
.L_simem_size_0:
called_computation.1_lowered:
.L_overlay_start_0:
0x88: {  	s2 =	sld [smem:$0x3FD9]  }
0x89: {  	s3 =	sld [smem:$0x3FFE];
	_ =	sdelay $0x1  }
0x8a: {  	s1 =	srdreg.scid  }
0x8b: {  	s0 =	sand.u32 $0x1, s1  }
0x8c: {  	s14 =	sshll.u32 s0, $0xA;
	s2 =	sadd.s32 s3, s2  }
0x8d: {  	s2 =	sadd.s32 s2, s14  }
0x8e: {  	[smem:$0x3FC0] =	sst s2  }
0x8f: {  	_ = 	snop  }
0x90: {  	s2 =	sld [smem:$0x3FD0];
	_ =	sdelay $0x2  }
0x91: {  	s15 =	simm.s32 $0xA;
	s4 =	simm.s32 $0x10  }
0x92: {  	[smem:s4], [sflag:s15] =	dma.local [hbm:s2], $0x1  }
0x93: {  	_ =	swait.eq [sflag:s15], $0x1  }
0x94: {  	[sflag:s15] =	ssyncset.done $0x0  }
0x95: {  	[sflag:s15] =	ssyncadd.s32 $0xFFFFFFFF  }
0x96: {  	s16 =	sld [smem:$0x11];
	(tm) =	ssettm $0x1  }
0x97: {  	s17 =	sld [smem:$0x3FFB];
	_ =	sdelay $0x3  }
0x98: {  	_ =	strace s17  }
0x99: {  	s3 =	sld [smem:$0x3FFC];
	_ =	sdelay $0x3  }
0x9a: {  	_ =	strace s3  }
0x9b: {  	s3 =	sld [smem:$0x3FFD];
	_ =	sdelay $0x3  }
0x9c: {  	_ =	strace s3  }
0x9d: {  	_ =	strace $0x8FFFFFFF  }
0x9e: {  	s18 =	sld [smem:$0x3FDB];
	_ =	sdelay $0x1  }
0x9f: {  	s19 =	simm.s32 $_scs_section_size  }
0xa0: {  	s5 =	simm.s32 $_size__tile_overlayer_lowered;
	s6 =	simm.s32 $_tile_overlayer_lowered  }
0xa1: {  	s22 =	simm.s32 $0x1BFF;
	s21 =	sshll.u32 s6, $0x1;
	s3 =	sadd.s32 s19, s18  }
0xa2: {  	s7 =	simm.s32 $0x0;
	s20 =	sshll.u32 s5, $0x1;
	s5 =	sadd.s32 s21, s3  }
0xa3: {  	[timem:s7], [sflag:s22] =	dma.local [hbm:s5], s20  }
0xa4: {  	_ =	swait.ge [sflag:s22], s20  }
0xa5: {  	s4 =	ssub.s32 $0x0, s20;
	[sflag:s22] =	ssyncset.done $0x0  }
0xa6: {  	[sflag:s22] =	ssyncadd.s32 s4;
	_ =	sdelay $0x1  }
0xa7: {  	s23 =	simm.s32 $0x1B8B  }
0xa8: {  	_ =	swait.ge [sflag:s23], $0x1  }
0xa9: {  	[sflag:s23] =	ssyncset.done $0x0  }
0xaa: {  	s25 =	simm.s32 $0x1B8E;
	s24 =	sld [smem:$0x3FFE];
	[sflag:s23] =	ssyncadd.s32 $0xFFFFFFFF  }
0xab: {  	s26 =	simm.s32 $execute0_lowered;
	[smem:$0x3FD2] =	sst s25  }
0xac: {  	s5 =	sshll.u32 s26, $0x1;
	_ =	strace $0x80000049;
	[dreg:$0x1] =	wrdreg $0xFFFFFFFF  }
0xad: {  	s28 =	simm.s32 $_size_execute0_lowered;
	s3 =	sadd.s32 s3, s5;
	[dreg:$0x0] =	wrdreg $0x0  }
0xae: {  	s5 =	sshll.u32 s28, $0x1;
	[dreg:$0x2] =	wrdreg s3  }
0xaf: {  	[dreg:$0x3] =	wrdreg s5  }
0xb0: {  	[dreg:$0x4] =	wrdreg $0xC0  }
0xb1: {  	_ =	task [dreg:s7], $0x5FFFF  }
0xb2: {  	[dreg:$0x1] =	wrdreg $0xFFFFFFFF  }
0xb3: {  	[dreg:$0x0] =	wrdreg $0x60  }
0xb4: {  	[dreg:$0x2] =	wrdreg s16  }
0xb5: {  	[dreg:$0x3] =	wrdreg s24  }
0xb6: {  	[dreg:$0x4] =	wrdreg $0x90000  }
0xb7: {  	[dreg:$0x5] =	wrdreg $0x9  }
0xb8: {  	_ =	task.clear_ibuf [dreg:s7], $0x6FFFF;
	_ =	strace $0x90000049  }
0xb9: {  	s29 =	simm.s32 $0x9;
	_ =	strace $0x8000004B  }
0xba: {  	_ =	swait.ge [sflag:s29], $0x1  }
0xbb: {  	[sflag:s29] =	ssyncadd.s32 $0xFFFFFFFF  }
0xbc: {  	_ =	strace $0x9000004B  }
0xbd: {  	_ =	sfence  }
0xbe: {  	s30 =	sld [smem:$0x0];
	_ =	sdelay $0x2  }
0xbf: {  	s31 =	sshll.u32 s1, $0xD;
	s1 =	sshrl.u32 s1, $0x2  }
0xc0: {  	s3 =	sand.u32 $0x4000, s31;
	s1 =	sadd.s32 s1, s30  }
0xc1: {  	s0 =	sor.u32 s3, s0;
	s1 =	sshll.u32 s1, $0x11  }
0xc2: {  	s0 =	sor.u32 s1, s0  }
0xc3: {  	s0 =	sadd.s32 $0x8F2B, s0  }
0xc4: {  	[sflag:s0] =	ssyncadd.remote.s32 $0x1  }
0xc5: {  	_ =	sfence.sel $0xFFFF  }
0xc6: {  	[dreg:$0x0] =	wrdreg $0xFFFFFFFF;
	(pc) =	sbr.abs _section_cstart, $3  }
0xc7: {  	[dreg:$0x1] =	wrdreg $0xFFFFFFFF  }
0xc8: {  	_ =	task.clear_ibuf [dreg:s7], $0x2FFFF;
	_ =	strace $0x9FFFFFFF  }
0xc9: {  	(tm) =	ssettm $0x7FFFFFFF  }
tec
execute0_lowered:
.L_overlay_start_1:
0x0: {  	(tag) =	ssettag $0x1  }
0x1: {  	s1 =	rddreg [dreg:$0x0]  }
0x2: {  	s0 =	rddreg [dreg:$0x1]  }
0x3: {  	s2 =	rddreg [dreg:$0x2]  }
0x4: {  	s3 =	simm.s32 $0x0;
	s4 =	srdreg.scid;
	s14 =	stileid.u32  }
0x5: {  	s28 =	simm.s32 $0x400;
	s29 =	simm.s32 $0xC00;
	s7 =	smul.u32 $0x50000, s14  }
0x6: {  	s31 =	simm.s32 $0x2;
	[smem:$0x7FF] =	sst s3;
	s10 =	smul.u32 $0x4E000, s14  }
0x7: {  	s4 =	sand.u32 $0x1, s4;
	s6 =	sadd.s32 $0x2600, s0;
	s15 =	smul.u32 $0x2700, s14  }
0x8: {  	s8 =	sadd.s32 $0xC600, s0;
	s0 =	sadd.s32 $0x16600, s0;
	s19 =	smul.u32 $0xA, s14  }
0x9: {  	p0 =	sne.s32 s14, $0xF;
	_ =	strace $0x8000004A;
	s30 =	smul.u32 $0x27100, s4  }
0xa: {  	s5 =	sshll.u32 s4, $0x4;
	s9 =	ssub.s32 $0x2, s4;
	s17 =	smul.u32 $0xA0, s4  }
0xb: {  	s4 =	smul.u32 $0x138800, s4;
	s5 =	sor.u32 s14, s5;
	s7 =	sshrl.u32 s7, $0x2  }
0xc: {  	s11 =	sshrl.u32 s9, $0x1;
	s20 =	sshrl.u32 s10, $0x2;
	s10 =	sadd.s32 $0x138000, s2  }
0xd: {  	s14 =	simm.s32 $0x4;
	s5 =	smul.u32 $0x500, s5;
	s13 =	sadd.s32 s7, s2  }
0xe: {  	s9 =	ssub.s32 s9, s11;
	s7 =	sadd.s32 s15, s30;
	s21 =	sadd.s32 s19, s17  }
0xf: {  	s4 =	sshrl.u32 s4, $0x3;
	s19 =	simm.s32 $0x1000;
	s11 =	simm.s32 $0x700  }
0x10: {  	s12 =	sadd.s32 $0x4000, s13;
	s16 =	sadd.s32 $0xC000, s13;
	[dreg:$0x4] =	wrdreg s13  }
0x11: {  	s7 =	sadd.s32 s0, s7;
	s22 =	sshll.u32 s21, $0x7;
	s0 =	sadd.s32 s0, s4  }
0x12: {  	s24 =	smax.u32 s9, $0x1;
	s4 =	simm.s32 $0x580;
	[dreg:$0x5] =	wrdreg s12  }
0x13: {  	s9 =	simm.s32 $0x680;
	s21 =	simm.s32 $0x0;
	[dreg:$0x7] =	wrdreg s16  }
0x14: {  	s12 =	sadd.s32 $0x8000, s13;
	s13 =	sadd.s32 $0x10000, s13;
	[dreg:$0xb] =	wrdreg s7  }
0x15: {  	s18 =	sadd.s32 s6, s5;
	s5 =	sadd.s32 s8, s5;
	[dreg:$0xd] =	wrdreg s24  }
0x16: {  	s23 =	sadd.s32 $0x100, s22;
	s0 =	sadd.s32 $0x27000, s0;
	[dreg:$0x6] =	wrdreg s12  }
0x17: {  	s25 =	sadd.s32 s22, s6;
	s26 =	sadd.s32 s22, s8;
	[dreg:$0x8] =	wrdreg s13  }
0x18: {  	s22 =	simm.s32 $0x80;
	s7 =	simm.s32 $0x600;
	[dreg:$0x9] =	wrdreg s18  }
0x19: {  	s24 =	simm.s32 $0xF80;
	[dreg:$0xa] =	wrdreg s5;
	s5 =	sadd.s32 s20, s2  }
0x1a: {  	[dreg:$0xc] =	wrdreg s0;
	s15 =	sadd.s32 s23, s6;
	s16 =	sadd.s32 s23, s8  }
.Ltmp0:
0x1b: {  	s17 =	sadd.s32 $0x80, s25;
	s18 =	sadd.s32 $0x80, s26;
	(pc) =	sbr.rel .LBB2_1-.Ltmp0, $4  }
0x1c: {  	s20 =	simm.s32 $0x5;
	s23 =	simm.s32 $0x5000;
	s0 =	sshrl.u32 @!p0 s10, $0x3  }
0x1d: {  	s26 =	simm.s32 $0x1;
	s13 =	simm.s32 $0x3;
	s6 =	simm.s32 $0xD00  }
0x1e: {  	s8 =	simm.s32 $0xD80;
	s30 =	sshrl.u32 s5, $0x3;
	[dreg:$0xf] =	wrdreg s0  }
0x1f: {  	v0 =	vimm.f32 $0.0e+00;
	s10 =	simm.s32 $0xE00;
	s12 =	simm.s32 $0xE80;
	[dreg:$0xe] =	wrdreg s30  }
.LBB2_6:
0x20: {  	s0 =	stileid.u32;
	[bflag:$0x0] =	sbarrier.arrive $0xFFFF  }
0x21: {  	s0 =	sshll.u32 s0, $0x6;
	s5 =	rddreg [dreg:$0xb]  }
0x22: {  	s21 =	rddreg [dreg:$0xe];
	s0 =	sor.u32 $0x1C05, s0  }
0x23: {  	[hbm:s5], [sflag:s0] =	dma.local [spmem:s21], $0x2700  }
0x24: {  	_ =	swait.ge [sflag:s20], $0x2700  }
0x25: {  	[sflag:s20] =	ssyncset.done $0x0;
	s5 =	rddreg [dreg:$0xc]  }
0x26: {  	s21 =	rddreg [dreg:$0xf];
	[sflag:s20] =	ssyncadd.s32 $0xFFFFD900  }
0x27: {  	[hbm:s5], [sflag:s0] =	dma.local @!p0 [spmem:s21], $0x100  }
0x28: {  	s0 =	simm.s32 @!p0 $0x5  }
0x29: {  	_ =	swait.ge @!p0 [sflag:s0], $0x100  }
0x2a: {  	s25 =	rddreg [dreg:$0x10]  }
0x2b: {  	s30 =	rddreg [dreg:$0xd];
	s21 =	sadd.s32 $0x1, s25  }
0x2c: {  	p1 =	sne.s32 s21, s30  }
.Ltmp1:
0x2d: {  	_ = 	snop;
	(pc) =	sbr.rel @!p1 .LBB2_7-.Ltmp1, $3  }
0x2e: {  	_ =	sdelay $0x1  }
0x2f: {  	[sflag:s0] =	ssyncset.done @!p0 $0x0  }
0x30: {  	[sflag:s0] =	ssyncadd.s32 @!p0 $0xFFFFFF00  }
.LBB2_1:
0x31: {  	[dreg:$0x10] =	wrdreg s21;
	s5 =	simm.s32 $0x0;
	s25 =	simm.s32 $0x200  }
.LBB2_2:
0x32: {  	p1 =	sne.s32 s25, $0xFE00;
	[tilespmem:s5+$0x1070] =	vst v0  }
0x33: {  	[tilespmem:s5+$0x1000] =	vst v0  }
0x34: {  	[tilespmem:s5+$0x1010] =	vst v0  }
.Ltmp2:
0x35: {  	[tilespmem:s5+$0x1020] =	vst v0;
	(pc) =	sbr.rel @p1 .LBB2_2-.Ltmp2, $4  }
0x36: {  	[tilespmem:s5+$0x1030] =	vst v0  }
0x37: {  	[tilespmem:s5+$0x1040] =	vst v0  }
0x38: {  	[tilespmem:s5+$0x1050] =	vst v0  }
0x39: {  	[tilespmem:s5+$0x1060] =	vst v0;
	s5 =	sshra.s32 s25, $0x2;
	s25 =	sadd.s32 $0x200, s25  }
0x3a: {  	[tilespmem:s5+$0x1070] =	vst v0  }
0x3b: {  	[tilespmem:s5+$0x1000] =	vst v0  }
0x3c: {  	[tilespmem:s5+$0x1010] =	vst v0  }
0x3d: {  	[tilespmem:s5+$0x1020] =	vst v0  }
0x3e: {  	[tilespmem:s5+$0x1030] =	vst v0  }
0x3f: {  	[tilespmem:s5+$0x1040] =	vst v0  }
0x40: {  	[tilespmem:s5+$0x1050] =	vst v0  }
0x41: {  	[tilespmem:s5+$0x1060] =	vst v0;
	s0 =	rddreg [dreg:$0x4]  }
0x42: {  	[spmem:s0] =	stream.linear.scatter [tilespmem:s19], [sflag:$0x5], $0x4000, $0x38;
	[tilespmem:$0x1D000] =	vst v63  }
0x43: {  	_ =	swait.ge [sflag:s20], $0x4000  }
0x44: {  	[sflag:s20] =	ssyncset.done $0x0  }
0x45: {  	s5 =	rddreg [dreg:$0x5];
	[sflag:s20] =	ssyncadd.s32 $0xFFFFC000  }
0x46: {  	[spmem:s5] =	stream.linear.scatter [tilespmem:s19], [sflag:$0x5], $0x4000, $0x38;
	[tilespmem:$0x1D000] =	vst v63  }
0x47: {  	_ =	swait.ge [sflag:s20], $0x4000  }
0x48: {  	[sflag:s20] =	ssyncset.done $0x0  }
0x49: {  	s21 =	rddreg [dreg:$0x6];
	[sflag:s20] =	ssyncadd.s32 $0xFFFFC000  }
0x4a: {  	[spmem:s21] =	stream.linear.scatter [tilespmem:s19], [sflag:$0x5], $0x4000, $0x38;
	[tilespmem:$0x1D000] =	vst v63  }
0x4b: {  	_ =	swait.ge [sflag:s20], $0x4000  }
0x4c: {  	[sflag:s20] =	ssyncset.done $0x0  }
0x4d: {  	s25 =	rddreg [dreg:$0x7];
	[sflag:s20] =	ssyncadd.s32 $0xFFFFC000  }
0x4e: {  	[spmem:s25] =	stream.linear.scatter [tilespmem:s19], [sflag:$0x5], $0x4000, $0x38;
	[tilespmem:$0x1D000] =	vst v63  }
0x4f: {  	_ =	swait.ge [sflag:s20], $0x4000  }
0x50: {  	[sflag:s20] =	ssyncset.done $0x0  }
0x51: {  	s30 =	rddreg [dreg:$0x8];
	[sflag:s20] =	ssyncadd.s32 $0xFFFFC000  }
0x52: {  	[spmem:s30] =	stream.linear.scatter [tilespmem:s19], [sflag:$0x5], $0x4000, $0x38;
	[tilespmem:$0x1D000] =	vst v63  }
0x53: {  	_ =	swait.ge [sflag:s20], $0x4000  }
0x54: {  	[sflag:s20] =	ssyncset.done $0x0  }
0x55: {  	s25 =	simm.s32 $0x0;
	s5 =	rddreg [dreg:$0x9];
	[sflag:s20] =	ssyncadd.s32 $0xFFFFC000  }
0x56: {  	[tilespmem:s25], [sflag:$0x5] =	stream.linear.gather [hbm4b:s5+s25], $0x400, $0x38;
	[tilespmem:$0x1D000] =	vst v63  }
0x57: {  	_ =	swait.ge [sflag:s20], $0x400  }
0x58: {  	[sflag:s20] =	ssyncset.done $0x0  }
0x59: {  	s30 =	simm.s32 $0x800;
	s21 =	rddreg [dreg:$0xa];
	[sflag:s20] =	ssyncadd.s32 $0xFFFFFC00  }
0x5a: {  	[tilespmem:s30], [sflag:$0x5] =	stream.linear.gather [hbm4b:s21+s25], $0x400, $0x38;
	[tilespmem:$0x1D000] =	vst v63  }
0x5b: {  	_ =	swait.ge [sflag:s20], $0x400  }
0x5c: {  	[sflag:s20] =	ssyncset.done $0x0  }
0x5d: {  	[sflag:s20] =	ssyncadd.s32 $0xFFFFFC00  }
0x5e: {  	[bflag:$0x0] =	sbarrier.arrive $0xFFFF  }
0x5f: {  	[tilespmem:s19], [sflag:$0x1] =	stream.indirect.gather [hbm4b:s1+s22], $0x80, s25, s22, $0xb8;
	[tilespmem:$0x1D000] =	vst v63  }
0x60: {  	_ = 	snop  }
0x61: {  	[tilespmem:s23], [sflag:$0x2] =	stream.indirect.gather [hbm4b:s1+s22], $0x80, s22, s22, $0xb8;
	[tilespmem:$0x1D000] =	vst v63  }
.LBB2_4:
0x62: {  	_ =	swait.ge [sflag:s26], $0x4000  }
0x63: {  	[sflag:s26] =	ssyncset.done $0x0  }
0x64: {  	s0 =	simm.s32 $0x800;
	[sflag:s26] =	ssyncadd.s32 $0xFFFFC000  }
0x65: {  	[spmem:s2] =	stream.indirect.scatter.add.f32 [tilespmem:s19], [sflag:$0x5], $0x80, s0, s22, $0xb8;
	[tilespmem:$0x1D000] =	vst v63  }
0x66: {  	_ =	swait.ge [sflag:s20], $0x4000  }
0x67: {  	[sflag:s20] =	ssyncset.done $0x0  }
0x68: {  	s5 =	sadd.s32 s25, s17;
	[sflag:s20] =	ssyncadd.s32 $0xFFFFC000  }
0x69: {  	[tilespmem:s28], [sflag:$0x3] =	stream.linear.gather [hbm4b:s5+s3], $0x400, $0x38;
	[tilespmem:$0x1D000] =	vst v63  }
0x6a: {  	s21 =	sadd.s32 s25, s18  }
0x6b: {  	[tilespmem:s29], [sflag:$0x4] =	stream.linear.gather [hbm4b:s21+s3], $0x400, $0x38;
	[tilespmem:$0x1D000] =	vst v63  }
0x6c: {  	s30 =	simm.s32 $0x100  }
0x6d: {  	[tilespmem:s19], [sflag:$0x1] =	stream.indirect.gather [hbm4b:s1+s22], $0x80, s30, s22, $0xb8;
	[tilespmem:$0x1D000] =	vst v63  }
0x6e: {  	_ =	swait.ge [sflag:s31], $0x4000  }
0x6f: {  	[sflag:s31] =	ssyncset.done $0x0  }
0x70: {  	s5 =	simm.s32 $0x880;
	[sflag:s31] =	ssyncadd.s32 $0xFFFFC000  }
0x71: {  	[spmem:s2] =	stream.indirect.scatter.add.f32 [tilespmem:s23], [sflag:$0x5], $0x80, s5, s22, $0xb8;
	[tilespmem:$0x1D000] =	vst v63  }
0x72: {  	_ =	swait.ge [sflag:s20], $0x4000  }
0x73: {  	[sflag:s20] =	ssyncset.done $0x0  }
0x74: {  	s21 =	simm.s32 $0x180;
	[sflag:s20] =	ssyncadd.s32 $0xFFFFC000  }
0x75: {  	[tilespmem:s23], [sflag:$0x2] =	stream.indirect.gather [hbm4b:s1+s22], $0x80, s21, s22, $0xb8;
	[tilespmem:$0x1D000] =	vst v63  }
0x76: {  	_ =	swait.ge [sflag:s26], $0x4000  }
0x77: {  	[sflag:s26] =	ssyncset.done $0x0  }
0x78: {  	s30 =	simm.s32 $0x900;
	[sflag:s26] =	ssyncadd.s32 $0xFFFFC000  }
0x79: {  	[spmem:s2] =	stream.indirect.scatter.add.f32 [tilespmem:s19], [sflag:$0x5], $0x80, s30, s22, $0xb8;
	[tilespmem:$0x1D000] =	vst v63  }
0x7a: {  	_ =	swait.ge [sflag:s20], $0x4000  }
0x7b: {  	[sflag:s20] =	ssyncset.done $0x0  }
0x7c: {  	s5 =	simm.s32 $0x200;
	[sflag:s20] =	ssyncadd.s32 $0xFFFFC000  }
0x7d: {  	[tilespmem:s19], [sflag:$0x1] =	stream.indirect.gather [hbm4b:s1+s22], $0x80, s5, s22, $0xb8;
	[tilespmem:$0x1D000] =	vst v63  }
0x7e: {  	_ =	swait.ge [sflag:s31], $0x4000  }
0x7f: {  	[sflag:s31] =	ssyncset.done $0x0  }
0x80: {  	s21 =	simm.s32 $0x980;
	[sflag:s31] =	ssyncadd.s32 $0xFFFFC000  }
0x81: {  	[spmem:s2] =	stream.indirect.scatter.add.f32 [tilespmem:s23], [sflag:$0x5], $0x80, s21, s22, $0xb8;
	[tilespmem:$0x1D000] =	vst v63  }
0x82: {  	_ =	swait.ge [sflag:s20], $0x4000  }
0x83: {  	[sflag:s20] =	ssyncset.done $0x0  }
0x84: {  	s30 =	simm.s32 $0x280;
	[sflag:s20] =	ssyncadd.s32 $0xFFFFC000  }
0x85: {  	[tilespmem:s23], [sflag:$0x2] =	stream.indirect.gather [hbm4b:s1+s22], $0x80, s30, s22, $0xb8;
	[tilespmem:$0x1D000] =	vst v63  }
0x86: {  	_ =	swait.ge [sflag:s26], $0x4000  }
0x87: {  	[sflag:s26] =	ssyncset.done $0x0  }
0x88: {  	s5 =	simm.s32 $0xA00;
	[sflag:s26] =	ssyncadd.s32 $0xFFFFC000  }
0x89: {  	[spmem:s2] =	stream.indirect.scatter.add.f32 [tilespmem:s19], [sflag:$0x5], $0x80, s5, s22, $0xb8;
	[tilespmem:$0x1D000] =	vst v63  }
0x8a: {  	_ =	swait.ge [sflag:s20], $0x4000  }
0x8b: {  	[sflag:s20] =	ssyncset.done $0x0  }
0x8c: {  	s21 =	simm.s32 $0x300;
	[sflag:s20] =	ssyncadd.s32 $0xFFFFC000  }
0x8d: {  	[tilespmem:s19], [sflag:$0x1] =	stream.indirect.gather [hbm4b:s1+s22], $0x80, s21, s22, $0xb8;
	[tilespmem:$0x1D000] =	vst v63  }
0x8e: {  	_ =	swait.ge [sflag:s31], $0x4000  }
0x8f: {  	[sflag:s31] =	ssyncset.done $0x0  }
0x90: {  	s30 =	simm.s32 $0xA80;
	[sflag:s31] =	ssyncadd.s32 $0xFFFFC000  }
0x91: {  	[spmem:s2] =	stream.indirect.scatter.add.f32 [tilespmem:s23], [sflag:$0x5], $0x80, s30, s22, $0xb8;
	[tilespmem:$0x1D000] =	vst v63  }
0x92: {  	_ =	swait.ge [sflag:s20], $0x4000  }
0x93: {  	[sflag:s20] =	ssyncset.done $0x0  }
0x94: {  	[sflag:s20] =	ssyncadd.s32 $0xFFFFC000  }
0x95: {  	_ =	swait.ge [sflag:s13], $0x400  }
0x96: {  	[sflag:s13] =	ssyncset.done $0x0  }
0x97: {  	[sflag:s13] =	ssyncadd.s32 $0xFFFFFC00  }
0x98: {  	_ =	swait.ge [sflag:s14], $0x400  }
0x99: {  	[sflag:s14] =	ssyncset.done $0x0  }
0x9a: {  	s5 =	simm.s32 $0x380;
	[sflag:s14] =	ssyncadd.s32 $0xFFFFFC00  }
0x9b: {  	[tilespmem:s23], [sflag:$0x2] =	stream.indirect.gather [hbm4b:s1+s22], $0x80, s5, s22, $0xb8;
	[tilespmem:$0x1D000] =	vst v63  }
0x9c: {  	_ =	swait.ge [sflag:s26], $0x4000  }
0x9d: {  	[sflag:s26] =	ssyncset.done $0x0  }
0x9e: {  	s21 =	simm.s32 $0xB00;
	[sflag:s26] =	ssyncadd.s32 $0xFFFFC000  }
0x9f: {  	[spmem:s2] =	stream.indirect.scatter.add.f32 [tilespmem:s19], [sflag:$0x5], $0x80, s21, s22, $0xb8;
	[tilespmem:$0x1D000] =	vst v63  }
0xa0: {  	_ =	swait.ge [sflag:s20], $0x4000  }
0xa1: {  	[sflag:s20] =	ssyncset.done $0x0  }
0xa2: {  	[sflag:s20] =	ssyncadd.s32 $0xFFFFC000  }
0xa3: {  	[tilespmem:s19], [sflag:$0x1] =	stream.indirect.gather [hbm4b:s1+s22], $0x80, s28, s22, $0xb8;
	[tilespmem:$0x1D000] =	vst v63  }
0xa4: {  	_ =	swait.ge [sflag:s31], $0x4000  }
0xa5: {  	[sflag:s31] =	ssyncset.done $0x0  }
0xa6: {  	s30 =	simm.s32 $0xB80;
	[sflag:s31] =	ssyncadd.s32 $0xFFFFC000  }
0xa7: {  	[spmem:s2] =	stream.indirect.scatter.add.f32 [tilespmem:s23], [sflag:$0x5], $0x80, s30, s22, $0xb8;
	[tilespmem:$0x1D000] =	vst v63  }
0xa8: {  	_ =	swait.ge [sflag:s20], $0x4000  }
0xa9: {  	[sflag:s20] =	ssyncset.done $0x0  }
0xaa: {  	s5 =	simm.s32 $0x480;
	[sflag:s20] =	ssyncadd.s32 $0xFFFFC000  }
0xab: {  	[tilespmem:s23], [sflag:$0x2] =	stream.indirect.gather [hbm4b:s1+s22], $0x80, s5, s22, $0xb8;
	[tilespmem:$0x1D000] =	vst v63  }
0xac: {  	_ =	swait.ge [sflag:s26], $0x4000  }
0xad: {  	[sflag:s26] =	ssyncset.done $0x0  }
0xae: {  	[sflag:s26] =	ssyncadd.s32 $0xFFFFC000  }
0xaf: {  	[spmem:s2] =	stream.indirect.scatter.add.f32 [tilespmem:s19], [sflag:$0x5], $0x80, s29, s22, $0xb8;
	[tilespmem:$0x1D000] =	vst v63  }
0xb0: {  	_ =	swait.ge [sflag:s20], $0x4000  }
0xb1: {  	p1 =	seq.s32 s25, $0x400;
	[sflag:s20] =	ssyncset.done $0x0  }
0xb2: {  	s30 =	sadd.s32 @!p1 s25, s15;
	s5 =	simm.s32 @!p1 $0x0;
	[sflag:s20] =	ssyncadd.s32 $0xFFFFC000  }
0xb3: {  	[tilespmem:s5], [sflag:$0x3] =	stream.linear.gather @!p1 [hbm4b:s30+s5], $0x400, $0x38;
	[tilespmem:$0x1D000] =	vst v63  }
0xb4: {  	s21 =	simm.s32 @!p1 $0x800;
	s30 =	sadd.s32 @!p1 s25, s16  }
0xb5: {  	[tilespmem:s21], [sflag:$0x4] =	stream.linear.gather @!p1 [hbm4b:s30+s5], $0x400, $0x38;
	[tilespmem:$0x1D000] =	vst v63  }
0xb6: {  	s21 =	simm.s32 $0x500  }
0xb7: {  	[tilespmem:s19], [sflag:$0x1] =	stream.indirect.gather [hbm4b:s1+s22], $0x80, s21, s22, $0xb8;
	[tilespmem:$0x1D000] =	vst v63  }
0xb8: {  	_ =	swait.ge [sflag:s31], $0x4000  }
0xb9: {  	[sflag:s31] =	ssyncset.done $0x0  }
0xba: {  	s30 =	simm.s32 $0xC80;
	[sflag:s31] =	ssyncadd.s32 $0xFFFFC000  }
0xbb: {  	[spmem:s2] =	stream.indirect.scatter.add.f32 [tilespmem:s23], [sflag:$0x5], $0x80, s30, s22, $0xb8;
	[tilespmem:$0x1D000] =	vst v63  }
0xbc: {  	_ =	swait.ge [sflag:s20], $0x4000  }
0xbd: {  	[sflag:s20] =	ssyncset.done $0x0  }
0xbe: {  	[sflag:s20] =	ssyncadd.s32 $0xFFFFC000  }
0xbf: {  	[tilespmem:s23], [sflag:$0x2] =	stream.indirect.gather [hbm4b:s1+s22], $0x80, s4, s22, $0xb8;
	[tilespmem:$0x1D000] =	vst v63  }
0xc0: {  	_ =	swait.ge [sflag:s26], $0x4000  }
0xc1: {  	[sflag:s26] =	ssyncset.done $0x0  }
0xc2: {  	[sflag:s26] =	ssyncadd.s32 $0xFFFFC000  }
0xc3: {  	[spmem:s2] =	stream.indirect.scatter.add.f32 [tilespmem:s19], [sflag:$0x5], $0x80, s6, s22, $0xb8;
	[tilespmem:$0x1D000] =	vst v63  }
0xc4: {  	_ =	swait.ge [sflag:s20], $0x4000  }
0xc5: {  	[sflag:s20] =	ssyncset.done $0x0  }
0xc6: {  	[sflag:s20] =	ssyncadd.s32 $0xFFFFC000  }
0xc7: {  	[tilespmem:s19], [sflag:$0x1] =	stream.indirect.gather [hbm4b:s1+s22], $0x80, s7, s22, $0xb8;
	[tilespmem:$0x1D000] =	vst v63  }
0xc8: {  	_ =	swait.ge [sflag:s31], $0x4000  }
0xc9: {  	[sflag:s31] =	ssyncset.done $0x0  }
0xca: {  	[sflag:s31] =	ssyncadd.s32 $0xFFFFC000  }
0xcb: {  	[spmem:s2] =	stream.indirect.scatter.add.f32 [tilespmem:s23], [sflag:$0x5], $0x80, s8, s22, $0xb8;
	[tilespmem:$0x1D000] =	vst v63  }
0xcc: {  	_ =	swait.ge [sflag:s20], $0x4000  }
0xcd: {  	[sflag:s20] =	ssyncset.done $0x0  }
0xce: {  	[sflag:s20] =	ssyncadd.s32 $0xFFFFC000  }
0xcf: {  	[tilespmem:s23], [sflag:$0x2] =	stream.indirect.gather [hbm4b:s1+s22], $0x80, s9, s22, $0xb8;
	[tilespmem:$0x1D000] =	vst v63  }
0xd0: {  	_ =	swait.ge [sflag:s26], $0x4000  }
0xd1: {  	[sflag:s26] =	ssyncset.done $0x0  }
0xd2: {  	[sflag:s26] =	ssyncadd.s32 $0xFFFFC000  }
0xd3: {  	[spmem:s2] =	stream.indirect.scatter.add.f32 [tilespmem:s19], [sflag:$0x5], $0x80, s10, s22, $0xb8;
	[tilespmem:$0x1D000] =	vst v63  }
0xd4: {  	_ =	swait.ge [sflag:s20], $0x4000  }
0xd5: {  	[sflag:s20] =	ssyncset.done $0x0  }
0xd6: {  	[sflag:s20] =	ssyncadd.s32 $0xFFFFC000  }
0xd7: {  	[tilespmem:s19], [sflag:$0x1] =	stream.indirect.gather [hbm4b:s1+s22], $0x80, s11, s22, $0xb8;
	[tilespmem:$0x1D000] =	vst v63  }
0xd8: {  	_ =	swait.ge [sflag:s31], $0x4000  }
0xd9: {  	[sflag:s31] =	ssyncset.done $0x0  }
0xda: {  	[sflag:s31] =	ssyncadd.s32 $0xFFFFC000  }
0xdb: {  	[spmem:s2] =	stream.indirect.scatter.add.f32 [tilespmem:s23], [sflag:$0x5], $0x80, s12, s22, $0xb8;
	[tilespmem:$0x1D000] =	vst v63  }
0xdc: {  	_ =	swait.ge [sflag:s20], $0x4000  }
0xdd: {  	s0 =	simm.s32 @p1 $0x5000;
	[sflag:s20] =	ssyncset.done $0x0  }
0xde: {  	s21 =	simm.s32 @p1 $0x80;
	s30 =	simm.s32 @p1 $0x780;
	[sflag:s20] =	ssyncadd.s32 $0xFFFFC000  }
0xdf: {  	[tilespmem:s0], [sflag:$0x2] =	stream.indirect.gather @p1 [hbm4b:s1+s21], $0x80, s30, s21, $0xb8;
	[tilespmem:$0x1D000] =	vst v63  }
0xe0: {  	s0 =	simm.s32 @p1 $0x1  }
0xe1: {  	_ =	swait.ge @p1 [sflag:s0], $0x4000  }
0xe2: {  	[sflag:s0] =	ssyncset.done @p1 $0x0  }
0xe3: {  	s30 =	simm.s32 @p1 $0x1000;
	[sflag:s0] =	ssyncadd.s32 @p1 $0xFFFFC000;
	s0 =	simm.s32 @p1 $0xF00  }
0xe4: {  	[spmem:s2] =	stream.indirect.scatter.add.f32 @p1 [tilespmem:s30], [sflag:$0x5], $0x80, s0, s21, $0xb8;
	[tilespmem:$0x1D000] =	vst v63  }
0xe5: {  	s0 =	simm.s32 @p1 $0x5  }
0xe6: {  	_ =	swait.ge @p1 [sflag:s0], $0x4000  }
0xe7: {  	[sflag:s0] =	ssyncset.done @p1 $0x0  }
0xe8: {  	[sflag:s0] =	ssyncadd.s32 @p1 $0xFFFFC000;
	s0 =	simm.s32 @!p1 $0x3  }
0xe9: {  	_ =	swait.ge @!p1 [sflag:s0], $0x400  }
0xea: {  	[sflag:s0] =	ssyncset.done @!p1 $0x0  }
0xeb: {  	[sflag:s0] =	ssyncadd.s32 @!p1 $0xFFFFFC00;
	s0 =	simm.s32 @!p1 $0x4  }
0xec: {  	_ =	swait.ge @!p1 [sflag:s0], $0x400  }
0xed: {  	s21 =	simm.s32 @!p1 $0x780;
	[sflag:s0] =	ssyncset.done @!p1 $0x0  }
0xee: {  	s30 =	simm.s32 @!p1 $0x5000;
	[sflag:s0] =	ssyncadd.s32 @!p1 $0xFFFFFC00;
	s0 =	simm.s32 @!p1 $0x80  }
0xef: {  	[tilespmem:s30], [sflag:$0x2] =	stream.indirect.gather @!p1 [hbm4b:s1+s0], $0x80, s21, s0, $0xb8;
	[tilespmem:$0x1D000] =	vst v63  }
0xf0: {  	s21 =	simm.s32 @!p1 $0x1  }
0xf1: {  	_ =	swait.ge @!p1 [sflag:s21], $0x4000  }
0xf2: {  	[sflag:s21] =	ssyncset.done @!p1 $0x0  }
0xf3: {  	s30 =	simm.s32 @!p1 $0x1000;
	[sflag:s21] =	ssyncadd.s32 @!p1 $0xFFFFC000;
	s21 =	simm.s32 @!p1 $0xF00  }
0xf4: {  	[spmem:s2] =	stream.indirect.scatter.add.f32 @!p1 [tilespmem:s30], [sflag:$0x5], $0x80, s21, s0, $0xb8;
	[tilespmem:$0x1D000] =	vst v63  }
0xf5: {  	s21 =	simm.s32 @!p1 $0x5  }
0xf6: {  	_ =	swait.ge @!p1 [sflag:s21], $0x4000  }
0xf7: {  	[sflag:s21] =	ssyncset.done @!p1 $0x0  }
0xf8: {  	[sflag:s21] =	ssyncadd.s32 @!p1 $0xFFFFC000  }
0xf9: {  	[tilespmem:s30], [sflag:$0x1] =	stream.indirect.gather @!p1 [hbm4b:s1+s0], $0x80, s5, s0, $0xb8;
	[tilespmem:$0x1D000] =	vst v63  }
0xfa: {  	_ =	swait.ge [sflag:s31], $0x4000  }
0xfb: {  	[sflag:s31] =	ssyncset.done $0x0  }
.Ltmp3:
0xfc: {  	[sflag:s31] =	ssyncadd.s32 $0xFFFFC000;
	(pc) =	sbr.rel @p1 .LBB2_6-.Ltmp3, $4  }
0xfd: {  	[spmem:s2] =	stream.indirect.scatter.add.f32 [tilespmem:s23], [sflag:$0x5], $0x80, s24, s22, $0xb8;
	[tilespmem:$0x1D000] =	vst v63  }
0xfe: {  	_ =	swait.ge [sflag:s20], $0x4000  }
0xff: {  	[sflag:s20] =	ssyncset.done $0x0  }
0x100: {  	[sflag:s20] =	ssyncadd.s32 $0xFFFFC000  }
.Ltmp4:
0x101: {  	(pc) =	sbr.rel .LBB2_4-.Ltmp4, $3  }
0x102: {  	_ =	sdelay $0x1  }
0x103: {  	[tilespmem:s23], [sflag:$0x2] =	stream.indirect.gather [hbm4b:s1+s22], $0x80, s22, s22, $0xb8;
	[tilespmem:$0x1D000] =	vst v63  }
0x104: {  	s25 =	sadd.s32 $0x100, s25  }
.LBB2_7:
0x105: {  	_ =	sfence.sel $0x180000  }
0x106: {  	[bflag:$0x0] =	sbarrier.arrive $0xFFFF  }
0x107: {  	_ =	strace $0x9000004A  }
0x108: {  	s0 =	stileid.u32;
	[bflag:$0x2] =	sbarrier.arrive $0xFFFF  }
0x109: {  	p0 =	sne.s32 s0, $0x0;
	s0 =	rddreg [dreg:$0x3]  }
0x10a: {  	s0 =	sadd.s32 @!p0 $0x100000, s0  }
0x10b: {  	[sflag:s0] =	ssyncadd.tile.s32 @!p0 $0x1;
	_ =	shalt  }
.Lfunc_end2:
_tile_overlayer_lowered:
.L_overlay_start_2:
0x10c: {  	(tag) =	ssettag $0x2  }
0x10d: {  	s0 =	rddreg [dreg:$0x0];
	s2 =	stileid.u32  }
0x10e: {  	s1 =	rddreg [dreg:$0x1];
	p0 =	sne.s32 s2, $0x0  }
0x10f: {  	s3 =	rddreg [dreg:$0x2];
	[bflag:$0x3] =	sbarrier.arrive $0xFFFF;
	s2 =	simm.s32 @!p0 $0x1C05  }
0x110: {  	[timem:s3], [sflag:s2] =	dma.local @!p0 [hbm:s0], s1  }
0x111: {  	s0 =	simm.s32 @!p0 $0x5  }
0x112: {  	_ =	swait.ge @!p0 [sflag:s0], s1  }
0x113: {  	s1 =	ssub.s32 @!p0 $0x0, s1;
	[sflag:s0] =	ssyncset.done @!p0 $0x0  }
0x114: {  	[sflag:s0] =	ssyncadd.s32 @!p0 s1  }
0x115: {  	[bflag:$0x3] =	sbarrier.arrive $0xFFFF  }
0x116: {  	_ =	shalt  }

// kernel: kernel.14.cloned.1.call-start
scs
__scs_entry_jumppad:
0x0: {  	(pc) =	sbr.rel $0x88, $3  }
0x1: {  	(tag) =	ssettag $0x0;
	lr =	simm.s32 $0x1  }
0x2: {  	[smem:$0x3F99] =	sst lr;
	_ =	strace $0xD0000000  }
0x3: {  	_ = 	snop  }
0x4: {  	_ = 	snop  }
0x5: {  	_ = 	snop  }
0x6: {  	_ = 	snop  }
0x7: {  	_ = 	snop  }
__scs_overlays_trampoline_lowered:
0x8: {  	[smem:$0x3FA8] =	sst s0  }
0x9: {  	[smem:$0x3FA9] =	sst s1  }
0xa: {  	[smem:$0x3FAA] =	sst s2  }
0xb: {  	[smem:$0x3FAB] =	sst s3  }
0xc: {  	[smem:$0x3FAC] =	sst s4  }
0xd: {  	[smem:$0x3FAD] =	sst s5  }
0xe: {  	[smem:$0x3FAE] =	sst s6  }
0xf: {  	[smem:$0x3FAF] =	sst s7  }
0x10: {  	[smem:$0x3FB0] =	sst s8  }
0x11: {  	[smem:$0x3FB1] =	sst s9;
	s0 =	simm.s32 @!p0 $0x0  }
0x12: {  	s1 =	sld [smem:$0x3F97];
	s0 =	simm.s32 @p0 $0x1  }
0x13: {  	[smem:$0x3FB2] =	sst s0;
	s0 =	simm.s32 @!p1 $0x0  }
0x14: {  	s2 =	sld [smem:$0x3F96];
	s0 =	simm.s32 @p1 $0x1  }
0x15: {  	[smem:$0x3FB3] =	sst s0;
	s0 =	simm.s32 @!p2 $0x0  }
0x16: {  	s3 =	sld [smem:$0x3FDB];
	s0 =	simm.s32 @p2 $0x1  }
0x17: {  	s4 =	simm.s32 $0x1BF5;
	[smem:$0x3FB5] =	sst s0  }
0x18: {  	s0 =	sld [smem:$0x3F98];
	_ =	swait.ge [sflag:s4], $0x0  }
0x19: {  	s7 =	sld [smem:$0x3F99]  }
0x1a: {  	s8 =	sadd.s32 $0xFFFFE003, lr  }
0x1b: {  	s9 =	sadd.s32 $0xFFFFFEF7, lr;
	s5 =	simm.s32 $0xFFFFFFFF;
	p2 =	slt.u32 s8, $0xFFFFF086  }
0x1c: {  	p1 =	slt.u32 s9, $0xF7A;
	s5 =	simm.s32 @!p2 $0x0  }
0x1d: {  	s5 =	simm.s32 @p1 $0x1;
	p0 =	seq.s32 s7, s2  }
0x1e: {  	s7 =	smul.u32 @!p0 $0xF7A, s2;
	p2 =	seq.s32 @!p0 s5, $0x0  }
0x1f: {  	s9 =	smul.u32 $0xF7A, s1;
	s8 =	simm.s32 @!p0 $0x1BF5;
	p2 =	por !p2, p0  }
0x20: {  	[sflag:s8] =	ssyncset.s32 @!p0 $0xFFFFF086;
	s6 =	sadd.s32 @!p0 s3, s7;
	s7 =	simm.s32 @!p0 $0x108  }
0x21: {  	s3 =	sadd.s32 s3, s9;
	s6 =	sadd.s32 @!p0 $0x88, s6;
	s7 =	simm.s32 @p2 $0x1082  }
0x22: {  	[simem:s7], [sflag:s8] =	dma.local @!p0 [hbm:s6], $0xF7A  }
0x23: {  	s9 =	sor.u32 $0xD0000000, s2;
	s6 =	simm.s32 $0x108;
	_ =	swait.ge @!p0 [sflag:s8], $0x0  }
0x24: {  	s3 =	sadd.s32 $0x88, s3;
	s6 =	simm.s32 @!p1 $0x1082;
	[sflag:s4] =	ssyncset.s32 $0xFFFFF086  }
0x25: {  	[simem:s6], [sflag:s4] =	dma.local [hbm:s3], $0xF7A  }
0x26: {  	[smem:$0x3F99] =	sst s1;
	(tag) =	ssettag s2;
	_ =	strace s9  }
0x27: {  	s1 =	sld [smem:$0x3FA9]  }
0x28: {  	s2 =	sld [smem:$0x3FAA]  }
0x29: {  	s4 =	sld [smem:$0x3FAC]  }
0x2a: {  	p0 =	seq.s32 s5, $0x0;
	s5 =	sld [smem:$0x3FAD]  }
0x2b: {  	s6 =	sld [smem:$0x3FAE]  }
0x2c: {  	s7 =	sld [smem:$0x3FAF]  }
0x2d: {  	s3 =	simm.s32 $0x108;
	s8 =	sld [smem:$0x3FB0]  }
0x2e: {  	s3 =	simm.s32 @!p0 $0x1082;
	s9 =	sld [smem:$0x3FB1]  }
0x2f: {  	lr =	sadd.s32 s0, s3;
	s0 =	sld [smem:$0x3FA8]  }
0x30: {  	s3 =	sld [smem:$0x3FAB]  }
0x31: {  	[smem:$0x3FB4] =	sst s10  }
0x32: {  	s10 =	sld [smem:$0x3FB2];
	_ =	sdelay $0x3  }
0x33: {  	p0 =	seq.s32 s10, $0x1;
	s10 =	sld [smem:$0x3FB4];
	_ =	sdelay $0x3  }
0x34: {  	[smem:$0x3FB4] =	sst s10  }
0x35: {  	s10 =	sld [smem:$0x3FB3];
	_ =	sdelay $0x3  }
0x36: {  	p1 =	seq.s32 s10, $0x1;
	s10 =	sld [smem:$0x3FB4];
	_ =	sdelay $0x3  }
0x37: {  	[smem:$0x3FB4] =	sst s10  }
0x38: {  	s10 =	sld [smem:$0x3FB5]  }
0x39: {  	_ = 	snop;
	(pc) =	sbr.ind lr, $3  }
0x3a: {  	_ = 	snop  }
0x3b: {  	_ = 	snop  }
0x3c: {  	p2 =	seq.s32 s10, $0x1;
	s10 =	sld [smem:$0x3FB4]  }
0x3d: {  	_ =	shalt  }
0x3e: {  	_ =	shalt  }
0x3f: {  	_ =	shalt  }
0x40: {  	_ =	shalt  }
0x41: {  	_ =	shalt  }
0x42: {  	_ =	shalt  }
0x43: {  	_ =	shalt  }
0x44: {  	_ =	shalt  }
0x45: {  	_ =	shalt  }
0x46: {  	_ =	shalt  }
0x47: {  	_ =	shalt  }
0x48: {  	_ =	shalt  }
0x49: {  	_ =	shalt  }
0x4a: {  	_ =	shalt  }
0x4b: {  	_ =	shalt  }
0x4c: {  	_ =	shalt  }
0x4d: {  	_ =	shalt  }
0x4e: {  	_ =	shalt  }
0x4f: {  	_ =	shalt  }
0x50: {  	_ =	shalt  }
0x51: {  	_ =	shalt  }
0x52: {  	_ =	shalt  }
0x53: {  	_ =	shalt  }
0x54: {  	_ =	shalt  }
0x55: {  	_ =	shalt  }
0x56: {  	_ =	shalt  }
0x57: {  	_ =	shalt  }
0x58: {  	_ =	shalt  }
0x59: {  	_ =	shalt  }
0x5a: {  	_ =	shalt  }
0x5b: {  	_ =	shalt  }
0x5c: {  	_ =	shalt  }
0x5d: {  	_ =	shalt  }
0x5e: {  	_ =	shalt  }
0x5f: {  	_ =	shalt  }
0x60: {  	_ =	shalt  }
0x61: {  	_ =	shalt  }
0x62: {  	_ =	shalt  }
0x63: {  	_ =	shalt  }
0x64: {  	_ =	shalt  }
0x65: {  	_ =	shalt  }
0x66: {  	_ =	shalt  }
0x67: {  	_ =	shalt  }
0x68: {  	_ =	shalt  }
0x69: {  	_ =	shalt  }
0x6a: {  	_ =	shalt  }
0x6b: {  	_ =	shalt  }
0x6c: {  	_ =	shalt  }
0x6d: {  	_ =	shalt  }
0x6e: {  	_ =	shalt  }
0x6f: {  	_ =	shalt  }
0x70: {  	_ =	shalt  }
0x71: {  	_ =	shalt  }
0x72: {  	_ =	shalt  }
0x73: {  	_ =	shalt  }
0x74: {  	_ =	shalt  }
0x75: {  	_ =	shalt  }
0x76: {  	_ =	shalt  }
0x77: {  	_ =	shalt  }
0x78: {  	_ =	shalt  }
0x79: {  	_ =	shalt  }
0x7a: {  	_ =	shalt  }
0x7b: {  	_ =	shalt  }
0x7c: {  	_ =	shalt  }
0x7d: {  	_ =	shalt  }
0x7e: {  	_ =	shalt  }
0x7f: {  	_ =	shalt  }
0x80: {  	_ =	shalt  }
0x81: {  	_ =	shalt  }
0x82: {  	_ =	shalt  }
0x83: {  	_ =	shalt  }
0x84: {  	_ =	shalt  }
0x85: {  	_ =	shalt  }
0x86: {  	_ =	shalt  }
0x87: {  	_ =	shalt  }
.Lfunc_end0:
.L_simem_size_0:
called_computation.2_lowered:
.L_overlay_start_0:
0x88: {  	s2 =	sld [smem:$0x3FD9]  }
0x89: {  	s3 =	sld [smem:$0x3FFE];
	_ =	sdelay $0x1  }
0x8a: {  	s1 =	srdreg.scid  }
0x8b: {  	s0 =	sand.u32 $0x1, s1  }
0x8c: {  	s14 =	sshll.u32 s0, $0xA;
	s2 =	sadd.s32 s3, s2  }
0x8d: {  	s2 =	sadd.s32 s2, s14  }
0x8e: {  	[smem:$0x3FC0] =	sst s2  }
0x8f: {  	_ = 	snop  }
0x90: {  	s2 =	sld [smem:$0x3FD0];
	_ =	sdelay $0x2  }
0x91: {  	s15 =	simm.s32 $0xA;
	s4 =	simm.s32 $0x10  }
0x92: {  	[smem:s4], [sflag:s15] =	dma.local [hbm:s2], $0x1  }
0x93: {  	_ =	swait.eq [sflag:s15], $0x1  }
0x94: {  	[sflag:s15] =	ssyncset.done $0x0  }
0x95: {  	[sflag:s15] =	ssyncadd.s32 $0xFFFFFFFF  }
0x96: {  	s16 =	sld [smem:$0x11];
	(tm) =	ssettm $0x1  }
0x97: {  	s17 =	sld [smem:$0x3FFB];
	_ =	sdelay $0x3  }
0x98: {  	_ =	strace s17  }
0x99: {  	s3 =	sld [smem:$0x3FFC];
	_ =	sdelay $0x3  }
0x9a: {  	_ =	strace s3  }
0x9b: {  	s3 =	sld [smem:$0x3FFD];
	_ =	sdelay $0x3  }
0x9c: {  	_ =	strace s3  }
0x9d: {  	_ =	strace $0x8FFFFFFF  }
0x9e: {  	s18 =	sld [smem:$0x3FDB];
	_ =	sdelay $0x1  }
0x9f: {  	s19 =	simm.s32 $_scs_section_size  }
0xa0: {  	s5 =	simm.s32 $_size__tile_overlayer_lowered;
	s6 =	simm.s32 $_tile_overlayer_lowered  }
0xa1: {  	s22 =	simm.s32 $0x1BFF;
	s21 =	sshll.u32 s6, $0x1;
	s3 =	sadd.s32 s19, s18  }
0xa2: {  	s7 =	simm.s32 $0x0;
	s20 =	sshll.u32 s5, $0x1;
	s5 =	sadd.s32 s21, s3  }
0xa3: {  	[timem:s7], [sflag:s22] =	dma.local [hbm:s5], s20  }
0xa4: {  	_ =	swait.ge [sflag:s22], s20  }
0xa5: {  	s4 =	ssub.s32 $0x0, s20;
	[sflag:s22] =	ssyncset.done $0x0  }
0xa6: {  	[sflag:s22] =	ssyncadd.s32 s4;
	_ =	sdelay $0x1  }
0xa7: {  	s23 =	simm.s32 $0x1B8B  }
0xa8: {  	_ =	swait.ge [sflag:s23], $0x1  }
0xa9: {  	[sflag:s23] =	ssyncset.done $0x0  }
0xaa: {  	s25 =	simm.s32 $0x1B8E;
	s24 =	sld [smem:$0x3FFE];
	[sflag:s23] =	ssyncadd.s32 $0xFFFFFFFF  }
0xab: {  	s26 =	simm.s32 $execute0_lowered;
	[smem:$0x3FD2] =	sst s25  }
0xac: {  	s5 =	sshll.u32 s26, $0x1;
	_ =	strace $0x8000004C;
	[dreg:$0x1] =	wrdreg $0xFFFFFFFF  }
0xad: {  	s28 =	simm.s32 $_size_execute0_lowered;
	s3 =	sadd.s32 s3, s5;
	[dreg:$0x0] =	wrdreg $0x0  }
0xae: {  	s5 =	sshll.u32 s28, $0x1;
	[dreg:$0x2] =	wrdreg s3  }
0xaf: {  	[dreg:$0x3] =	wrdreg s5  }
0xb0: {  	[dreg:$0x4] =	wrdreg $0xC0  }
0xb1: {  	_ =	task [dreg:s7], $0x5FFFF  }
0xb2: {  	[dreg:$0x1] =	wrdreg $0xFFFFFFFF  }
0xb3: {  	[dreg:$0x0] =	wrdreg $0x60  }
0xb4: {  	[dreg:$0x2] =	wrdreg s16  }
0xb5: {  	[dreg:$0x3] =	wrdreg s24  }
0xb6: {  	[dreg:$0x4] =	wrdreg $0x90000  }
0xb7: {  	[dreg:$0x5] =	wrdreg $0x9  }
0xb8: {  	_ =	task.clear_ibuf [dreg:s7], $0x6FFFF;
	_ =	strace $0x9000004C  }
0xb9: {  	s29 =	simm.s32 $0x9;
	_ =	strace $0x8000004E  }
0xba: {  	_ =	swait.ge [sflag:s29], $0x1  }
0xbb: {  	[sflag:s29] =	ssyncadd.s32 $0xFFFFFFFF  }
0xbc: {  	_ =	strace $0x9000004E  }
0xbd: {  	_ =	sfence  }
0xbe: {  	s30 =	sld [smem:$0x0];
	_ =	sdelay $0x2  }
0xbf: {  	s31 =	sshll.u32 s1, $0xD;
	s1 =	sshrl.u32 s1, $0x2  }
0xc0: {  	s3 =	sand.u32 $0x4000, s31;
	s1 =	sadd.s32 s1, s30  }
0xc1: {  	s0 =	sor.u32 s3, s0;
	s1 =	sshll.u32 s1, $0x11  }
0xc2: {  	s0 =	sor.u32 s1, s0  }
0xc3: {  	s0 =	sadd.s32 $0x8F2B, s0  }
0xc4: {  	[sflag:s0] =	ssyncadd.remote.s32 $0x1  }
0xc5: {  	_ =	sfence.sel $0xFFFF  }
0xc6: {  	[dreg:$0x0] =	wrdreg $0xFFFFFFFF;
	(pc) =	sbr.abs _section_cstart, $3  }
0xc7: {  	[dreg:$0x1] =	wrdreg $0xFFFFFFFF  }
0xc8: {  	_ =	task.clear_ibuf [dreg:s7], $0x2FFFF;
	_ =	strace $0x9FFFFFFF  }
0xc9: {  	(tm) =	ssettm $0x7FFFFFFF  }
tec
execute0_lowered:
.L_overlay_start_1:
0x0: {  	(tag) =	ssettag $0x1  }
0x1: {  	s1 =	rddreg [dreg:$0x0]  }
0x2: {  	s0 =	rddreg [dreg:$0x1]  }
0x3: {  	s2 =	rddreg [dreg:$0x2]  }
0x4: {  	s3 =	simm.s32 $0x0;
	s4 =	srdreg.scid;
	s14 =	stileid.u32  }
0x5: {  	s28 =	simm.s32 $0x400;
	s29 =	simm.s32 $0xC00;
	s7 =	smul.u32 $0x50000, s14  }
0x6: {  	s31 =	simm.s32 $0x2;
	[smem:$0x7FF] =	sst s3;
	s10 =	smul.u32 $0x4E000, s14  }
0x7: {  	s4 =	sand.u32 $0x1, s4;
	s6 =	sadd.s32 $0x2600, s0;
	s15 =	smul.u32 $0x2700, s14  }
0x8: {  	s8 =	sadd.s32 $0xC600, s0;
	s0 =	sadd.s32 $0x16600, s0;
	s19 =	smul.u32 $0xA, s14  }
0x9: {  	p0 =	sne.s32 s14, $0xF;
	_ =	strace $0x8000004D;
	s30 =	smul.u32 $0x27100, s4  }
0xa: {  	s5 =	sshll.u32 s4, $0x4;
	s9 =	ssub.s32 $0x2, s4;
	s17 =	smul.u32 $0xA0, s4  }
0xb: {  	s4 =	smul.u32 $0x138800, s4;
	s5 =	sor.u32 s14, s5;
	s7 =	sshrl.u32 s7, $0x2  }
0xc: {  	s11 =	sshrl.u32 s9, $0x1;
	s20 =	sshrl.u32 s10, $0x2;
	s10 =	sadd.s32 $0x138000, s2  }
0xd: {  	s14 =	simm.s32 $0x4;
	s5 =	smul.u32 $0x500, s5;
	s13 =	sadd.s32 s7, s2  }
0xe: {  	s9 =	ssub.s32 s9, s11;
	s7 =	sadd.s32 s15, s30;
	s21 =	sadd.s32 s19, s17  }
0xf: {  	s4 =	sshrl.u32 s4, $0x3;
	s19 =	simm.s32 $0x1000;
	s11 =	simm.s32 $0x700  }
0x10: {  	s12 =	sadd.s32 $0x4000, s13;
	s16 =	sadd.s32 $0xC000, s13;
	[dreg:$0x4] =	wrdreg s13  }
0x11: {  	s7 =	sadd.s32 s0, s7;
	s22 =	sshll.u32 s21, $0x7;
	s0 =	sadd.s32 s0, s4  }
0x12: {  	s24 =	smax.u32 s9, $0x1;
	s4 =	simm.s32 $0x580;
	[dreg:$0x5] =	wrdreg s12  }
0x13: {  	s9 =	simm.s32 $0x680;
	s21 =	simm.s32 $0x0;
	[dreg:$0x7] =	wrdreg s16  }
0x14: {  	s12 =	sadd.s32 $0x8000, s13;
	s13 =	sadd.s32 $0x10000, s13;
	[dreg:$0xb] =	wrdreg s7  }
0x15: {  	s18 =	sadd.s32 s6, s5;
	s5 =	sadd.s32 s8, s5;
	[dreg:$0xd] =	wrdreg s24  }
0x16: {  	s23 =	sadd.s32 $0x100, s22;
	s0 =	sadd.s32 $0x27000, s0;
	[dreg:$0x6] =	wrdreg s12  }
0x17: {  	s25 =	sadd.s32 s22, s6;
	s26 =	sadd.s32 s22, s8;
	[dreg:$0x8] =	wrdreg s13  }
0x18: {  	s22 =	simm.s32 $0x80;
	s7 =	simm.s32 $0x600;
	[dreg:$0x9] =	wrdreg s18  }
0x19: {  	s24 =	simm.s32 $0xF80;
	[dreg:$0xa] =	wrdreg s5;
	s5 =	sadd.s32 s20, s2  }
0x1a: {  	[dreg:$0xc] =	wrdreg s0;
	s15 =	sadd.s32 s23, s6;
	s16 =	sadd.s32 s23, s8  }
.Ltmp0:
0x1b: {  	s17 =	sadd.s32 $0x80, s25;
	s18 =	sadd.s32 $0x80, s26;
	(pc) =	sbr.rel .LBB2_1-.Ltmp0, $4  }
0x1c: {  	s20 =	simm.s32 $0x5;
	s23 =	simm.s32 $0x5000;
	s0 =	sshrl.u32 @!p0 s10, $0x3  }
0x1d: {  	s26 =	simm.s32 $0x1;
	s13 =	simm.s32 $0x3;
	s6 =	simm.s32 $0xD00  }
0x1e: {  	s8 =	simm.s32 $0xD80;
	s30 =	sshrl.u32 s5, $0x3;
	[dreg:$0xf] =	wrdreg s0  }
0x1f: {  	v0 =	vimm.f32 $0.0e+00;
	s10 =	simm.s32 $0xE00;
	s12 =	simm.s32 $0xE80;
	[dreg:$0xe] =	wrdreg s30  }
.LBB2_6:
0x20: {  	s0 =	stileid.u32;
	[bflag:$0x0] =	sbarrier.arrive $0xFFFF  }
0x21: {  	s0 =	sshll.u32 s0, $0x6;
	s5 =	rddreg [dreg:$0xb]  }
0x22: {  	s21 =	rddreg [dreg:$0xe];
	s0 =	sor.u32 $0x1C05, s0  }
0x23: {  	[hbm:s5], [sflag:s0] =	dma.local [spmem:s21], $0x2700  }
0x24: {  	_ =	swait.ge [sflag:s20], $0x2700  }
0x25: {  	[sflag:s20] =	ssyncset.done $0x0;
	s5 =	rddreg [dreg:$0xc]  }
0x26: {  	s21 =	rddreg [dreg:$0xf];
	[sflag:s20] =	ssyncadd.s32 $0xFFFFD900  }
0x27: {  	[hbm:s5], [sflag:s0] =	dma.local @!p0 [spmem:s21], $0x100  }
0x28: {  	s0 =	simm.s32 @!p0 $0x5  }
0x29: {  	_ =	swait.ge @!p0 [sflag:s0], $0x100  }
0x2a: {  	s25 =	rddreg [dreg:$0x10]  }
0x2b: {  	s30 =	rddreg [dreg:$0xd];
	s21 =	sadd.s32 $0x1, s25  }
0x2c: {  	p1 =	sne.s32 s21, s30  }
.Ltmp1:
0x2d: {  	_ = 	snop;
	(pc) =	sbr.rel @!p1 .LBB2_7-.Ltmp1, $3  }
0x2e: {  	_ =	sdelay $0x1  }
0x2f: {  	[sflag:s0] =	ssyncset.done @!p0 $0x0  }
0x30: {  	[sflag:s0] =	ssyncadd.s32 @!p0 $0xFFFFFF00  }
.LBB2_1:
0x31: {  	[dreg:$0x10] =	wrdreg s21;
	s5 =	simm.s32 $0x0;
	s25 =	simm.s32 $0x200  }
.LBB2_2:
0x32: {  	p1 =	sne.s32 s25, $0xFE00;
	[tilespmem:s5+$0x1070] =	vst v0  }
0x33: {  	[tilespmem:s5+$0x1000] =	vst v0  }
0x34: {  	[tilespmem:s5+$0x1010] =	vst v0  }
.Ltmp2:
0x35: {  	[tilespmem:s5+$0x1020] =	vst v0;
	(pc) =	sbr.rel @p1 .LBB2_2-.Ltmp2, $4  }
0x36: {  	[tilespmem:s5+$0x1030] =	vst v0  }
0x37: {  	[tilespmem:s5+$0x1040] =	vst v0  }
0x38: {  	[tilespmem:s5+$0x1050] =	vst v0  }
0x39: {  	[tilespmem:s5+$0x1060] =	vst v0;
	s5 =	sshra.s32 s25, $0x2;
	s25 =	sadd.s32 $0x200, s25  }
0x3a: {  	[tilespmem:s5+$0x1070] =	vst v0  }
0x3b: {  	[tilespmem:s5+$0x1000] =	vst v0  }
0x3c: {  	[tilespmem:s5+$0x1010] =	vst v0  }
0x3d: {  	[tilespmem:s5+$0x1020] =	vst v0  }
0x3e: {  	[tilespmem:s5+$0x1030] =	vst v0  }
0x3f: {  	[tilespmem:s5+$0x1040] =	vst v0  }
0x40: {  	[tilespmem:s5+$0x1050] =	vst v0  }
0x41: {  	[tilespmem:s5+$0x1060] =	vst v0;
	s0 =	rddreg [dreg:$0x4]  }
0x42: {  	[spmem:s0] =	stream.linear.scatter [tilespmem:s19], [sflag:$0x5], $0x4000, $0x38;
	[tilespmem:$0x1D000] =	vst v63  }
0x43: {  	_ =	swait.ge [sflag:s20], $0x4000  }
0x44: {  	[sflag:s20] =	ssyncset.done $0x0  }
0x45: {  	s5 =	rddreg [dreg:$0x5];
	[sflag:s20] =	ssyncadd.s32 $0xFFFFC000  }
0x46: {  	[spmem:s5] =	stream.linear.scatter [tilespmem:s19], [sflag:$0x5], $0x4000, $0x38;
	[tilespmem:$0x1D000] =	vst v63  }
0x47: {  	_ =	swait.ge [sflag:s20], $0x4000  }
0x48: {  	[sflag:s20] =	ssyncset.done $0x0  }
0x49: {  	s21 =	rddreg [dreg:$0x6];
	[sflag:s20] =	ssyncadd.s32 $0xFFFFC000  }
0x4a: {  	[spmem:s21] =	stream.linear.scatter [tilespmem:s19], [sflag:$0x5], $0x4000, $0x38;
	[tilespmem:$0x1D000] =	vst v63  }
0x4b: {  	_ =	swait.ge [sflag:s20], $0x4000  }
0x4c: {  	[sflag:s20] =	ssyncset.done $0x0  }
0x4d: {  	s25 =	rddreg [dreg:$0x7];
	[sflag:s20] =	ssyncadd.s32 $0xFFFFC000  }
0x4e: {  	[spmem:s25] =	stream.linear.scatter [tilespmem:s19], [sflag:$0x5], $0x4000, $0x38;
	[tilespmem:$0x1D000] =	vst v63  }
0x4f: {  	_ =	swait.ge [sflag:s20], $0x4000  }
0x50: {  	[sflag:s20] =	ssyncset.done $0x0  }
0x51: {  	s30 =	rddreg [dreg:$0x8];
	[sflag:s20] =	ssyncadd.s32 $0xFFFFC000  }
0x52: {  	[spmem:s30] =	stream.linear.scatter [tilespmem:s19], [sflag:$0x5], $0x4000, $0x38;
	[tilespmem:$0x1D000] =	vst v63  }
0x53: {  	_ =	swait.ge [sflag:s20], $0x4000  }
0x54: {  	[sflag:s20] =	ssyncset.done $0x0  }
0x55: {  	s25 =	simm.s32 $0x0;
	s5 =	rddreg [dreg:$0x9];
	[sflag:s20] =	ssyncadd.s32 $0xFFFFC000  }
0x56: {  	[tilespmem:s25], [sflag:$0x5] =	stream.linear.gather [hbm4b:s5+s25], $0x400, $0x38;
	[tilespmem:$0x1D000] =	vst v63  }
0x57: {  	_ =	swait.ge [sflag:s20], $0x400  }
0x58: {  	[sflag:s20] =	ssyncset.done $0x0  }
0x59: {  	s30 =	simm.s32 $0x800;
	s21 =	rddreg [dreg:$0xa];
	[sflag:s20] =	ssyncadd.s32 $0xFFFFFC00  }
0x5a: {  	[tilespmem:s30], [sflag:$0x5] =	stream.linear.gather [hbm4b:s21+s25], $0x400, $0x38;
	[tilespmem:$0x1D000] =	vst v63  }
0x5b: {  	_ =	swait.ge [sflag:s20], $0x400  }
0x5c: {  	[sflag:s20] =	ssyncset.done $0x0  }
0x5d: {  	[sflag:s20] =	ssyncadd.s32 $0xFFFFFC00  }
0x5e: {  	[bflag:$0x0] =	sbarrier.arrive $0xFFFF  }
0x5f: {  	[tilespmem:s19], [sflag:$0x1] =	stream.indirect.gather [hbm4b:s1+s22], $0x80, s25, s22, $0xb8;
	[tilespmem:$0x1D000] =	vst v63  }
0x60: {  	_ = 	snop  }
0x61: {  	[tilespmem:s23], [sflag:$0x2] =	stream.indirect.gather [hbm4b:s1+s22], $0x80, s22, s22, $0xb8;
	[tilespmem:$0x1D000] =	vst v63  }
.LBB2_4:
0x62: {  	_ =	swait.ge [sflag:s26], $0x4000  }
0x63: {  	[sflag:s26] =	ssyncset.done $0x0  }
0x64: {  	s0 =	simm.s32 $0x800;
	[sflag:s26] =	ssyncadd.s32 $0xFFFFC000  }
0x65: {  	[spmem:s2] =	stream.indirect.scatter.add.f32 [tilespmem:s19], [sflag:$0x5], $0x80, s0, s22, $0xb8;
	[tilespmem:$0x1D000] =	vst v63  }
0x66: {  	_ =	swait.ge [sflag:s20], $0x4000  }
0x67: {  	[sflag:s20] =	ssyncset.done $0x0  }
0x68: {  	s5 =	sadd.s32 s25, s17;
	[sflag:s20] =	ssyncadd.s32 $0xFFFFC000  }
0x69: {  	[tilespmem:s28], [sflag:$0x3] =	stream.linear.gather [hbm4b:s5+s3], $0x400, $0x38;
	[tilespmem:$0x1D000] =	vst v63  }
0x6a: {  	s21 =	sadd.s32 s25, s18  }
0x6b: {  	[tilespmem:s29], [sflag:$0x4] =	stream.linear.gather [hbm4b:s21+s3], $0x400, $0x38;
	[tilespmem:$0x1D000] =	vst v63  }
0x6c: {  	s30 =	simm.s32 $0x100  }
0x6d: {  	[tilespmem:s19], [sflag:$0x1] =	stream.indirect.gather [hbm4b:s1+s22], $0x80, s30, s22, $0xb8;
	[tilespmem:$0x1D000] =	vst v63  }
0x6e: {  	_ =	swait.ge [sflag:s31], $0x4000  }
0x6f: {  	[sflag:s31] =	ssyncset.done $0x0  }
0x70: {  	s5 =	simm.s32 $0x880;
	[sflag:s31] =	ssyncadd.s32 $0xFFFFC000  }
0x71: {  	[spmem:s2] =	stream.indirect.scatter.add.f32 [tilespmem:s23], [sflag:$0x5], $0x80, s5, s22, $0xb8;
	[tilespmem:$0x1D000] =	vst v63  }
0x72: {  	_ =	swait.ge [sflag:s20], $0x4000  }
0x73: {  	[sflag:s20] =	ssyncset.done $0x0  }
0x74: {  	s21 =	simm.s32 $0x180;
	[sflag:s20] =	ssyncadd.s32 $0xFFFFC000  }
0x75: {  	[tilespmem:s23], [sflag:$0x2] =	stream.indirect.gather [hbm4b:s1+s22], $0x80, s21, s22, $0xb8;
	[tilespmem:$0x1D000] =	vst v63  }
0x76: {  	_ =	swait.ge [sflag:s26], $0x4000  }
0x77: {  	[sflag:s26] =	ssyncset.done $0x0  }
0x78: {  	s30 =	simm.s32 $0x900;
	[sflag:s26] =	ssyncadd.s32 $0xFFFFC000  }
0x79: {  	[spmem:s2] =	stream.indirect.scatter.add.f32 [tilespmem:s19], [sflag:$0x5], $0x80, s30, s22, $0xb8;
	[tilespmem:$0x1D000] =	vst v63  }
0x7a: {  	_ =	swait.ge [sflag:s20], $0x4000  }
0x7b: {  	[sflag:s20] =	ssyncset.done $0x0  }
0x7c: {  	s5 =	simm.s32 $0x200;
	[sflag:s20] =	ssyncadd.s32 $0xFFFFC000  }
0x7d: {  	[tilespmem:s19], [sflag:$0x1] =	stream.indirect.gather [hbm4b:s1+s22], $0x80, s5, s22, $0xb8;
	[tilespmem:$0x1D000] =	vst v63  }
0x7e: {  	_ =	swait.ge [sflag:s31], $0x4000  }
0x7f: {  	[sflag:s31] =	ssyncset.done $0x0  }
0x80: {  	s21 =	simm.s32 $0x980;
	[sflag:s31] =	ssyncadd.s32 $0xFFFFC000  }
0x81: {  	[spmem:s2] =	stream.indirect.scatter.add.f32 [tilespmem:s23], [sflag:$0x5], $0x80, s21, s22, $0xb8;
	[tilespmem:$0x1D000] =	vst v63  }
0x82: {  	_ =	swait.ge [sflag:s20], $0x4000  }
0x83: {  	[sflag:s20] =	ssyncset.done $0x0  }
0x84: {  	s30 =	simm.s32 $0x280;
	[sflag:s20] =	ssyncadd.s32 $0xFFFFC000  }
0x85: {  	[tilespmem:s23], [sflag:$0x2] =	stream.indirect.gather [hbm4b:s1+s22], $0x80, s30, s22, $0xb8;
	[tilespmem:$0x1D000] =	vst v63  }
0x86: {  	_ =	swait.ge [sflag:s26], $0x4000  }
0x87: {  	[sflag:s26] =	ssyncset.done $0x0  }
0x88: {  	s5 =	simm.s32 $0xA00;
	[sflag:s26] =	ssyncadd.s32 $0xFFFFC000  }
0x89: {  	[spmem:s2] =	stream.indirect.scatter.add.f32 [tilespmem:s19], [sflag:$0x5], $0x80, s5, s22, $0xb8;
	[tilespmem:$0x1D000] =	vst v63  }
0x8a: {  	_ =	swait.ge [sflag:s20], $0x4000  }
0x8b: {  	[sflag:s20] =	ssyncset.done $0x0  }
0x8c: {  	s21 =	simm.s32 $0x300;
	[sflag:s20] =	ssyncadd.s32 $0xFFFFC000  }
0x8d: {  	[tilespmem:s19], [sflag:$0x1] =	stream.indirect.gather [hbm4b:s1+s22], $0x80, s21, s22, $0xb8;
	[tilespmem:$0x1D000] =	vst v63  }
0x8e: {  	_ =	swait.ge [sflag:s31], $0x4000  }
0x8f: {  	[sflag:s31] =	ssyncset.done $0x0  }
0x90: {  	s30 =	simm.s32 $0xA80;
	[sflag:s31] =	ssyncadd.s32 $0xFFFFC000  }
0x91: {  	[spmem:s2] =	stream.indirect.scatter.add.f32 [tilespmem:s23], [sflag:$0x5], $0x80, s30, s22, $0xb8;
	[tilespmem:$0x1D000] =	vst v63  }
0x92: {  	_ =	swait.ge [sflag:s20], $0x4000  }
0x93: {  	[sflag:s20] =	ssyncset.done $0x0  }
0x94: {  	[sflag:s20] =	ssyncadd.s32 $0xFFFFC000  }
0x95: {  	_ =	swait.ge [sflag:s13], $0x400  }
0x96: {  	[sflag:s13] =	ssyncset.done $0x0  }
0x97: {  	[sflag:s13] =	ssyncadd.s32 $0xFFFFFC00  }
0x98: {  	_ =	swait.ge [sflag:s14], $0x400  }
0x99: {  	[sflag:s14] =	ssyncset.done $0x0  }
0x9a: {  	s5 =	simm.s32 $0x380;
	[sflag:s14] =	ssyncadd.s32 $0xFFFFFC00  }
0x9b: {  	[tilespmem:s23], [sflag:$0x2] =	stream.indirect.gather [hbm4b:s1+s22], $0x80, s5, s22, $0xb8;
	[tilespmem:$0x1D000] =	vst v63  }
0x9c: {  	_ =	swait.ge [sflag:s26], $0x4000  }
0x9d: {  	[sflag:s26] =	ssyncset.done $0x0  }
0x9e: {  	s21 =	simm.s32 $0xB00;
	[sflag:s26] =	ssyncadd.s32 $0xFFFFC000  }
0x9f: {  	[spmem:s2] =	stream.indirect.scatter.add.f32 [tilespmem:s19], [sflag:$0x5], $0x80, s21, s22, $0xb8;
	[tilespmem:$0x1D000] =	vst v63  }
0xa0: {  	_ =	swait.ge [sflag:s20], $0x4000  }
0xa1: {  	[sflag:s20] =	ssyncset.done $0x0  }
0xa2: {  	[sflag:s20] =	ssyncadd.s32 $0xFFFFC000  }
0xa3: {  	[tilespmem:s19], [sflag:$0x1] =	stream.indirect.gather [hbm4b:s1+s22], $0x80, s28, s22, $0xb8;
	[tilespmem:$0x1D000] =	vst v63  }
0xa4: {  	_ =	swait.ge [sflag:s31], $0x4000  }
0xa5: {  	[sflag:s31] =	ssyncset.done $0x0  }
0xa6: {  	s30 =	simm.s32 $0xB80;
	[sflag:s31] =	ssyncadd.s32 $0xFFFFC000  }
0xa7: {  	[spmem:s2] =	stream.indirect.scatter.add.f32 [tilespmem:s23], [sflag:$0x5], $0x80, s30, s22, $0xb8;
	[tilespmem:$0x1D000] =	vst v63  }
0xa8: {  	_ =	swait.ge [sflag:s20], $0x4000  }
0xa9: {  	[sflag:s20] =	ssyncset.done $0x0  }
0xaa: {  	s5 =	simm.s32 $0x480;
	[sflag:s20] =	ssyncadd.s32 $0xFFFFC000  }
0xab: {  	[tilespmem:s23], [sflag:$0x2] =	stream.indirect.gather [hbm4b:s1+s22], $0x80, s5, s22, $0xb8;
	[tilespmem:$0x1D000] =	vst v63  }
0xac: {  	_ =	swait.ge [sflag:s26], $0x4000  }
0xad: {  	[sflag:s26] =	ssyncset.done $0x0  }
0xae: {  	[sflag:s26] =	ssyncadd.s32 $0xFFFFC000  }
0xaf: {  	[spmem:s2] =	stream.indirect.scatter.add.f32 [tilespmem:s19], [sflag:$0x5], $0x80, s29, s22, $0xb8;
	[tilespmem:$0x1D000] =	vst v63  }
0xb0: {  	_ =	swait.ge [sflag:s20], $0x4000  }
0xb1: {  	p1 =	seq.s32 s25, $0x400;
	[sflag:s20] =	ssyncset.done $0x0  }
0xb2: {  	s30 =	sadd.s32 @!p1 s25, s15;
	s5 =	simm.s32 @!p1 $0x0;
	[sflag:s20] =	ssyncadd.s32 $0xFFFFC000  }
0xb3: {  	[tilespmem:s5], [sflag:$0x3] =	stream.linear.gather @!p1 [hbm4b:s30+s5], $0x400, $0x38;
	[tilespmem:$0x1D000] =	vst v63  }
0xb4: {  	s21 =	simm.s32 @!p1 $0x800;
	s30 =	sadd.s32 @!p1 s25, s16  }
0xb5: {  	[tilespmem:s21], [sflag:$0x4] =	stream.linear.gather @!p1 [hbm4b:s30+s5], $0x400, $0x38;
	[tilespmem:$0x1D000] =	vst v63  }
0xb6: {  	s21 =	simm.s32 $0x500  }
0xb7: {  	[tilespmem:s19], [sflag:$0x1] =	stream.indirect.gather [hbm4b:s1+s22], $0x80, s21, s22, $0xb8;
	[tilespmem:$0x1D000] =	vst v63  }
0xb8: {  	_ =	swait.ge [sflag:s31], $0x4000  }
0xb9: {  	[sflag:s31] =	ssyncset.done $0x0  }
0xba: {  	s30 =	simm.s32 $0xC80;
	[sflag:s31] =	ssyncadd.s32 $0xFFFFC000  }
0xbb: {  	[spmem:s2] =	stream.indirect.scatter.add.f32 [tilespmem:s23], [sflag:$0x5], $0x80, s30, s22, $0xb8;
	[tilespmem:$0x1D000] =	vst v63  }
0xbc: {  	_ =	swait.ge [sflag:s20], $0x4000  }
0xbd: {  	[sflag:s20] =	ssyncset.done $0x0  }
0xbe: {  	[sflag:s20] =	ssyncadd.s32 $0xFFFFC000  }
0xbf: {  	[tilespmem:s23], [sflag:$0x2] =	stream.indirect.gather [hbm4b:s1+s22], $0x80, s4, s22, $0xb8;
	[tilespmem:$0x1D000] =	vst v63  }
0xc0: {  	_ =	swait.ge [sflag:s26], $0x4000  }
0xc1: {  	[sflag:s26] =	ssyncset.done $0x0  }
0xc2: {  	[sflag:s26] =	ssyncadd.s32 $0xFFFFC000  }
0xc3: {  	[spmem:s2] =	stream.indirect.scatter.add.f32 [tilespmem:s19], [sflag:$0x5], $0x80, s6, s22, $0xb8;
	[tilespmem:$0x1D000] =	vst v63  }
0xc4: {  	_ =	swait.ge [sflag:s20], $0x4000  }
0xc5: {  	[sflag:s20] =	ssyncset.done $0x0  }
0xc6: {  	[sflag:s20] =	ssyncadd.s32 $0xFFFFC000  }
0xc7: {  	[tilespmem:s19], [sflag:$0x1] =	stream.indirect.gather [hbm4b:s1+s22], $0x80, s7, s22, $0xb8;
	[tilespmem:$0x1D000] =	vst v63  }
0xc8: {  	_ =	swait.ge [sflag:s31], $0x4000  }
0xc9: {  	[sflag:s31] =	ssyncset.done $0x0  }
0xca: {  	[sflag:s31] =	ssyncadd.s32 $0xFFFFC000  }
0xcb: {  	[spmem:s2] =	stream.indirect.scatter.add.f32 [tilespmem:s23], [sflag:$0x5], $0x80, s8, s22, $0xb8;
	[tilespmem:$0x1D000] =	vst v63  }
0xcc: {  	_ =	swait.ge [sflag:s20], $0x4000  }
0xcd: {  	[sflag:s20] =	ssyncset.done $0x0  }
0xce: {  	[sflag:s20] =	ssyncadd.s32 $0xFFFFC000  }
0xcf: {  	[tilespmem:s23], [sflag:$0x2] =	stream.indirect.gather [hbm4b:s1+s22], $0x80, s9, s22, $0xb8;
	[tilespmem:$0x1D000] =	vst v63  }
0xd0: {  	_ =	swait.ge [sflag:s26], $0x4000  }
0xd1: {  	[sflag:s26] =	ssyncset.done $0x0  }
0xd2: {  	[sflag:s26] =	ssyncadd.s32 $0xFFFFC000  }
0xd3: {  	[spmem:s2] =	stream.indirect.scatter.add.f32 [tilespmem:s19], [sflag:$0x5], $0x80, s10, s22, $0xb8;
	[tilespmem:$0x1D000] =	vst v63  }
0xd4: {  	_ =	swait.ge [sflag:s20], $0x4000  }
0xd5: {  	[sflag:s20] =	ssyncset.done $0x0  }
0xd6: {  	[sflag:s20] =	ssyncadd.s32 $0xFFFFC000  }
0xd7: {  	[tilespmem:s19], [sflag:$0x1] =	stream.indirect.gather [hbm4b:s1+s22], $0x80, s11, s22, $0xb8;
	[tilespmem:$0x1D000] =	vst v63  }
0xd8: {  	_ =	swait.ge [sflag:s31], $0x4000  }
0xd9: {  	[sflag:s31] =	ssyncset.done $0x0  }
0xda: {  	[sflag:s31] =	ssyncadd.s32 $0xFFFFC000  }
0xdb: {  	[spmem:s2] =	stream.indirect.scatter.add.f32 [tilespmem:s23], [sflag:$0x5], $0x80, s12, s22, $0xb8;
	[tilespmem:$0x1D000] =	vst v63  }
0xdc: {  	_ =	swait.ge [sflag:s20], $0x4000  }
0xdd: {  	s0 =	simm.s32 @p1 $0x5000;
	[sflag:s20] =	ssyncset.done $0x0  }
0xde: {  	s21 =	simm.s32 @p1 $0x80;
	s30 =	simm.s32 @p1 $0x780;
	[sflag:s20] =	ssyncadd.s32 $0xFFFFC000  }
0xdf: {  	[tilespmem:s0], [sflag:$0x2] =	stream.indirect.gather @p1 [hbm4b:s1+s21], $0x80, s30, s21, $0xb8;
	[tilespmem:$0x1D000] =	vst v63  }
0xe0: {  	s0 =	simm.s32 @p1 $0x1  }
0xe1: {  	_ =	swait.ge @p1 [sflag:s0], $0x4000  }
0xe2: {  	[sflag:s0] =	ssyncset.done @p1 $0x0  }
0xe3: {  	s30 =	simm.s32 @p1 $0x1000;
	[sflag:s0] =	ssyncadd.s32 @p1 $0xFFFFC000;
	s0 =	simm.s32 @p1 $0xF00  }
0xe4: {  	[spmem:s2] =	stream.indirect.scatter.add.f32 @p1 [tilespmem:s30], [sflag:$0x5], $0x80, s0, s21, $0xb8;
	[tilespmem:$0x1D000] =	vst v63  }
0xe5: {  	s0 =	simm.s32 @p1 $0x5  }
0xe6: {  	_ =	swait.ge @p1 [sflag:s0], $0x4000  }
0xe7: {  	[sflag:s0] =	ssyncset.done @p1 $0x0  }
0xe8: {  	[sflag:s0] =	ssyncadd.s32 @p1 $0xFFFFC000;
	s0 =	simm.s32 @!p1 $0x3  }
0xe9: {  	_ =	swait.ge @!p1 [sflag:s0], $0x400  }
0xea: {  	[sflag:s0] =	ssyncset.done @!p1 $0x0  }
0xeb: {  	[sflag:s0] =	ssyncadd.s32 @!p1 $0xFFFFFC00;
	s0 =	simm.s32 @!p1 $0x4  }
0xec: {  	_ =	swait.ge @!p1 [sflag:s0], $0x400  }
0xed: {  	s21 =	simm.s32 @!p1 $0x780;
	[sflag:s0] =	ssyncset.done @!p1 $0x0  }
0xee: {  	s30 =	simm.s32 @!p1 $0x5000;
	[sflag:s0] =	ssyncadd.s32 @!p1 $0xFFFFFC00;
	s0 =	simm.s32 @!p1 $0x80  }
0xef: {  	[tilespmem:s30], [sflag:$0x2] =	stream.indirect.gather @!p1 [hbm4b:s1+s0], $0x80, s21, s0, $0xb8;
	[tilespmem:$0x1D000] =	vst v63  }
0xf0: {  	s21 =	simm.s32 @!p1 $0x1  }
0xf1: {  	_ =	swait.ge @!p1 [sflag:s21], $0x4000  }
0xf2: {  	[sflag:s21] =	ssyncset.done @!p1 $0x0  }
0xf3: {  	s30 =	simm.s32 @!p1 $0x1000;
	[sflag:s21] =	ssyncadd.s32 @!p1 $0xFFFFC000;
	s21 =	simm.s32 @!p1 $0xF00  }
0xf4: {  	[spmem:s2] =	stream.indirect.scatter.add.f32 @!p1 [tilespmem:s30], [sflag:$0x5], $0x80, s21, s0, $0xb8;
	[tilespmem:$0x1D000] =	vst v63  }
0xf5: {  	s21 =	simm.s32 @!p1 $0x5  }
0xf6: {  	_ =	swait.ge @!p1 [sflag:s21], $0x4000  }
0xf7: {  	[sflag:s21] =	ssyncset.done @!p1 $0x0  }
0xf8: {  	[sflag:s21] =	ssyncadd.s32 @!p1 $0xFFFFC000  }
0xf9: {  	[tilespmem:s30], [sflag:$0x1] =	stream.indirect.gather @!p1 [hbm4b:s1+s0], $0x80, s5, s0, $0xb8;
	[tilespmem:$0x1D000] =	vst v63  }
0xfa: {  	_ =	swait.ge [sflag:s31], $0x4000  }
0xfb: {  	[sflag:s31] =	ssyncset.done $0x0  }
.Ltmp3:
0xfc: {  	[sflag:s31] =	ssyncadd.s32 $0xFFFFC000;
	(pc) =	sbr.rel @p1 .LBB2_6-.Ltmp3, $4  }
0xfd: {  	[spmem:s2] =	stream.indirect.scatter.add.f32 [tilespmem:s23], [sflag:$0x5], $0x80, s24, s22, $0xb8;
	[tilespmem:$0x1D000] =	vst v63  }
0xfe: {  	_ =	swait.ge [sflag:s20], $0x4000  }
0xff: {  	[sflag:s20] =	ssyncset.done $0x0  }
0x100: {  	[sflag:s20] =	ssyncadd.s32 $0xFFFFC000  }
.Ltmp4:
0x101: {  	(pc) =	sbr.rel .LBB2_4-.Ltmp4, $3  }
0x102: {  	_ =	sdelay $0x1  }
0x103: {  	[tilespmem:s23], [sflag:$0x2] =	stream.indirect.gather [hbm4b:s1+s22], $0x80, s22, s22, $0xb8;
	[tilespmem:$0x1D000] =	vst v63  }
0x104: {  	s25 =	sadd.s32 $0x100, s25  }
.LBB2_7:
0x105: {  	_ =	sfence.sel $0x180000  }
0x106: {  	[bflag:$0x0] =	sbarrier.arrive $0xFFFF  }
0x107: {  	_ =	strace $0x9000004D  }
0x108: {  	s0 =	stileid.u32;
	[bflag:$0x2] =	sbarrier.arrive $0xFFFF  }
0x109: {  	p0 =	sne.s32 s0, $0x0;
	s0 =	rddreg [dreg:$0x3]  }
0x10a: {  	s0 =	sadd.s32 @!p0 $0x100000, s0  }
0x10b: {  	[sflag:s0] =	ssyncadd.tile.s32 @!p0 $0x1;
	_ =	shalt  }
.Lfunc_end2:
_tile_overlayer_lowered:
.L_overlay_start_2:
0x10c: {  	(tag) =	ssettag $0x2  }
0x10d: {  	s0 =	rddreg [dreg:$0x0];
	s2 =	stileid.u32  }
0x10e: {  	s1 =	rddreg [dreg:$0x1];
	p0 =	sne.s32 s2, $0x0  }
0x10f: {  	s3 =	rddreg [dreg:$0x2];
	[bflag:$0x3] =	sbarrier.arrive $0xFFFF;
	s2 =	simm.s32 @!p0 $0x1C05  }
0x110: {  	[timem:s3], [sflag:s2] =	dma.local @!p0 [hbm:s0], s1  }
0x111: {  	s0 =	simm.s32 @!p0 $0x5  }
0x112: {  	_ =	swait.ge @!p0 [sflag:s0], s1  }
0x113: {  	s1 =	ssub.s32 @!p0 $0x0, s1;
	[sflag:s0] =	ssyncset.done @!p0 $0x0  }
0x114: {  	[sflag:s0] =	ssyncadd.s32 @!p0 s1  }
0x115: {  	[bflag:$0x3] =	sbarrier.arrive $0xFFFF  }
0x116: {  	_ =	shalt  }

// kernel: kernel.8.cloned.1.call-start
scs
__scs_entry_jumppad:
0x0: {  	(pc) =	sbr.rel $0x88, $3  }
0x1: {  	(tag) =	ssettag $0x0;
	lr =	simm.s32 $0x1  }
0x2: {  	[smem:$0x3F99] =	sst lr;
	_ =	strace $0xD0000000  }
0x3: {  	_ = 	snop  }
0x4: {  	_ = 	snop  }
0x5: {  	_ = 	snop  }
0x6: {  	_ = 	snop  }
0x7: {  	_ = 	snop  }
__scs_overlays_trampoline_lowered:
0x8: {  	[smem:$0x3FA8] =	sst s0  }
0x9: {  	[smem:$0x3FA9] =	sst s1  }
0xa: {  	[smem:$0x3FAA] =	sst s2  }
0xb: {  	[smem:$0x3FAB] =	sst s3  }
0xc: {  	[smem:$0x3FAC] =	sst s4  }
0xd: {  	[smem:$0x3FAD] =	sst s5  }
0xe: {  	[smem:$0x3FAE] =	sst s6  }
0xf: {  	[smem:$0x3FAF] =	sst s7  }
0x10: {  	[smem:$0x3FB0] =	sst s8  }
0x11: {  	[smem:$0x3FB1] =	sst s9;
	s0 =	simm.s32 @!p0 $0x0  }
0x12: {  	s1 =	sld [smem:$0x3F97];
	s0 =	simm.s32 @p0 $0x1  }
0x13: {  	[smem:$0x3FB2] =	sst s0;
	s0 =	simm.s32 @!p1 $0x0  }
0x14: {  	s2 =	sld [smem:$0x3F96];
	s0 =	simm.s32 @p1 $0x1  }
0x15: {  	[smem:$0x3FB3] =	sst s0;
	s0 =	simm.s32 @!p2 $0x0  }
0x16: {  	s3 =	sld [smem:$0x3FDB];
	s0 =	simm.s32 @p2 $0x1  }
0x17: {  	s4 =	simm.s32 $0x1BF5;
	[smem:$0x3FB5] =	sst s0  }
0x18: {  	s0 =	sld [smem:$0x3F98];
	_ =	swait.ge [sflag:s4], $0x0  }
0x19: {  	s7 =	sld [smem:$0x3F99]  }
0x1a: {  	s8 =	sadd.s32 $0xFFFFE003, lr  }
0x1b: {  	s9 =	sadd.s32 $0xFFFFFEF7, lr;
	s5 =	simm.s32 $0xFFFFFFFF;
	p2 =	slt.u32 s8, $0xFFFFF086  }
0x1c: {  	p1 =	slt.u32 s9, $0xF7A;
	s5 =	simm.s32 @!p2 $0x0  }
0x1d: {  	s5 =	simm.s32 @p1 $0x1;
	p0 =	seq.s32 s7, s2  }
0x1e: {  	s7 =	smul.u32 @!p0 $0xF7A, s2;
	p2 =	seq.s32 @!p0 s5, $0x0  }
0x1f: {  	s9 =	smul.u32 $0xF7A, s1;
	s8 =	simm.s32 @!p0 $0x1BF5;
	p2 =	por !p2, p0  }
0x20: {  	[sflag:s8] =	ssyncset.s32 @!p0 $0xFFFFF086;
	s6 =	sadd.s32 @!p0 s3, s7;
	s7 =	simm.s32 @!p0 $0x108  }
0x21: {  	s3 =	sadd.s32 s3, s9;
	s6 =	sadd.s32 @!p0 $0x88, s6;
	s7 =	simm.s32 @p2 $0x1082  }
0x22: {  	[simem:s7], [sflag:s8] =	dma.local @!p0 [hbm:s6], $0xF7A  }
0x23: {  	s9 =	sor.u32 $0xD0000000, s2;
	s6 =	simm.s32 $0x108;
	_ =	swait.ge @!p0 [sflag:s8], $0x0  }
0x24: {  	s3 =	sadd.s32 $0x88, s3;
	s6 =	simm.s32 @!p1 $0x1082;
	[sflag:s4] =	ssyncset.s32 $0xFFFFF086  }
0x25: {  	[simem:s6], [sflag:s4] =	dma.local [hbm:s3], $0xF7A  }
0x26: {  	[smem:$0x3F99] =	sst s1;
	(tag) =	ssettag s2;
	_ =	strace s9  }
0x27: {  	s1 =	sld [smem:$0x3FA9]  }
0x28: {  	s2 =	sld [smem:$0x3FAA]  }
0x29: {  	s4 =	sld [smem:$0x3FAC]  }
0x2a: {  	p0 =	seq.s32 s5, $0x0;
	s5 =	sld [smem:$0x3FAD]  }
0x2b: {  	s6 =	sld [smem:$0x3FAE]  }
0x2c: {  	s7 =	sld [smem:$0x3FAF]  }
0x2d: {  	s3 =	simm.s32 $0x108;
	s8 =	sld [smem:$0x3FB0]  }
0x2e: {  	s3 =	simm.s32 @!p0 $0x1082;
	s9 =	sld [smem:$0x3FB1]  }
0x2f: {  	lr =	sadd.s32 s0, s3;
	s0 =	sld [smem:$0x3FA8]  }
0x30: {  	s3 =	sld [smem:$0x3FAB]  }
0x31: {  	[smem:$0x3FB4] =	sst s10  }
0x32: {  	s10 =	sld [smem:$0x3FB2];
	_ =	sdelay $0x3  }
0x33: {  	p0 =	seq.s32 s10, $0x1;
	s10 =	sld [smem:$0x3FB4];
	_ =	sdelay $0x3  }
0x34: {  	[smem:$0x3FB4] =	sst s10  }
0x35: {  	s10 =	sld [smem:$0x3FB3];
	_ =	sdelay $0x3  }
0x36: {  	p1 =	seq.s32 s10, $0x1;
	s10 =	sld [smem:$0x3FB4];
	_ =	sdelay $0x3  }
0x37: {  	[smem:$0x3FB4] =	sst s10  }
0x38: {  	s10 =	sld [smem:$0x3FB5]  }
0x39: {  	_ = 	snop;
	(pc) =	sbr.ind lr, $3  }
0x3a: {  	_ = 	snop  }
0x3b: {  	_ = 	snop  }
0x3c: {  	p2 =	seq.s32 s10, $0x1;
	s10 =	sld [smem:$0x3FB4]  }
0x3d: {  	_ =	shalt  }
0x3e: {  	_ =	shalt  }
0x3f: {  	_ =	shalt  }
0x40: {  	_ =	shalt  }
0x41: {  	_ =	shalt  }
0x42: {  	_ =	shalt  }
0x43: {  	_ =	shalt  }
0x44: {  	_ =	shalt  }
0x45: {  	_ =	shalt  }
0x46: {  	_ =	shalt  }
0x47: {  	_ =	shalt  }
0x48: {  	_ =	shalt  }
0x49: {  	_ =	shalt  }
0x4a: {  	_ =	shalt  }
0x4b: {  	_ =	shalt  }
0x4c: {  	_ =	shalt  }
0x4d: {  	_ =	shalt  }
0x4e: {  	_ =	shalt  }
0x4f: {  	_ =	shalt  }
0x50: {  	_ =	shalt  }
0x51: {  	_ =	shalt  }
0x52: {  	_ =	shalt  }
0x53: {  	_ =	shalt  }
0x54: {  	_ =	shalt  }
0x55: {  	_ =	shalt  }
0x56: {  	_ =	shalt  }
0x57: {  	_ =	shalt  }
0x58: {  	_ =	shalt  }
0x59: {  	_ =	shalt  }
0x5a: {  	_ =	shalt  }
0x5b: {  	_ =	shalt  }
0x5c: {  	_ =	shalt  }
0x5d: {  	_ =	shalt  }
0x5e: {  	_ =	shalt  }
0x5f: {  	_ =	shalt  }
0x60: {  	_ =	shalt  }
0x61: {  	_ =	shalt  }
0x62: {  	_ =	shalt  }
0x63: {  	_ =	shalt  }
0x64: {  	_ =	shalt  }
0x65: {  	_ =	shalt  }
0x66: {  	_ =	shalt  }
0x67: {  	_ =	shalt  }
0x68: {  	_ =	shalt  }
0x69: {  	_ =	shalt  }
0x6a: {  	_ =	shalt  }
0x6b: {  	_ =	shalt  }
0x6c: {  	_ =	shalt  }
0x6d: {  	_ =	shalt  }
0x6e: {  	_ =	shalt  }
0x6f: {  	_ =	shalt  }
0x70: {  	_ =	shalt  }
0x71: {  	_ =	shalt  }
0x72: {  	_ =	shalt  }
0x73: {  	_ =	shalt  }
0x74: {  	_ =	shalt  }
0x75: {  	_ =	shalt  }
0x76: {  	_ =	shalt  }
0x77: {  	_ =	shalt  }
0x78: {  	_ =	shalt  }
0x79: {  	_ =	shalt  }
0x7a: {  	_ =	shalt  }
0x7b: {  	_ =	shalt  }
0x7c: {  	_ =	shalt  }
0x7d: {  	_ =	shalt  }
0x7e: {  	_ =	shalt  }
0x7f: {  	_ =	shalt  }
0x80: {  	_ =	shalt  }
0x81: {  	_ =	shalt  }
0x82: {  	_ =	shalt  }
0x83: {  	_ =	shalt  }
0x84: {  	_ =	shalt  }
0x85: {  	_ =	shalt  }
0x86: {  	_ =	shalt  }
0x87: {  	_ =	shalt  }
.Lfunc_end0:
.L_simem_size_0:
called_computation_lowered:
.L_overlay_start_0:
0x88: {  	s2 =	sld [smem:$0x3FD9]  }
0x89: {  	s3 =	sld [smem:$0x3FFE];
	_ =	sdelay $0x1  }
0x8a: {  	s1 =	srdreg.scid  }
0x8b: {  	s0 =	sand.u32 $0x1, s1  }
0x8c: {  	s15 =	sshll.u32 s0, $0xA;
	s2 =	sadd.s32 s3, s2  }
0x8d: {  	s2 =	sadd.s32 s2, s15  }
0x8e: {  	[smem:$0x3FC0] =	sst s2  }
0x8f: {  	_ = 	snop  }
0x90: {  	s2 =	sld [smem:$0x3FD0];
	_ =	sdelay $0x2  }
0x91: {  	s16 =	simm.s32 $0xA;
	s4 =	simm.s32 $0x10  }
0x92: {  	[smem:s4], [sflag:s16] =	dma.local [hbm:s2], $0x1  }
0x93: {  	_ =	swait.eq [sflag:s16], $0x1  }
0x94: {  	[sflag:s16] =	ssyncset.done $0x0  }
0x95: {  	s17 =	sld [smem:$0x10];
	[sflag:s16] =	ssyncadd.s32 $0xFFFFFFFF  }
0x96: {  	s18 =	sld [smem:$0x11];
	(tm) =	ssettm $0x1  }
0x97: {  	s19 =	sld [smem:$0x3FFB];
	_ =	sdelay $0x3  }
0x98: {  	_ =	strace s19  }
0x99: {  	s4 =	sld [smem:$0x3FFC];
	_ =	sdelay $0x3  }
0x9a: {  	_ =	strace s4  }
0x9b: {  	s4 =	sld [smem:$0x3FFD];
	_ =	sdelay $0x3  }
0x9c: {  	_ =	strace s4  }
0x9d: {  	_ =	strace $0x8FFFFFFF  }
0x9e: {  	s20 =	sld [smem:$0x3FDB];
	_ =	sdelay $0x1  }
0x9f: {  	s5 =	simm.s32 $_scs_section_size  }
0xa0: {  	s6 =	simm.s32 $_size__tile_overlayer_lowered;
	s7 =	simm.s32 $_tile_overlayer_lowered  }
0xa1: {  	s23 =	simm.s32 $0x1BFF;
	s22 =	sshll.u32 s7, $0x1;
	s4 =	sadd.s32 s5, s20  }
0xa2: {  	s8 =	simm.s32 $0x0;
	s21 =	sshll.u32 s6, $0x1;
	s6 =	sadd.s32 s22, s4  }
0xa3: {  	[timem:s8], [sflag:s23] =	dma.local [hbm:s6], s21  }
0xa4: {  	_ =	swait.ge [sflag:s23], s21  }
0xa5: {  	s5 =	ssub.s32 $0x0, s21;
	[sflag:s23] =	ssyncset.done $0x0  }
0xa6: {  	[sflag:s23] =	ssyncadd.s32 s5;
	_ =	sdelay $0x1  }
0xa7: {  	s24 =	simm.s32 $0x1B8B  }
0xa8: {  	_ =	swait.ge [sflag:s24], $0x1  }
0xa9: {  	[sflag:s24] =	ssyncset.done $0x0  }
0xaa: {  	s25 =	simm.s32 $0x1B8E;
	[sflag:s24] =	ssyncadd.s32 $0xFFFFFFFF  }
0xab: {  	s26 =	simm.s32 $execute0_lowered;
	[smem:$0x3FD2] =	sst s25  }
0xac: {  	s5 =	sshll.u32 s26, $0x1;
	_ =	strace $0x80000046;
	[dreg:$0x1] =	wrdreg $0xFFFFFFFF  }
0xad: {  	s28 =	simm.s32 $_size_execute0_lowered;
	s4 =	sadd.s32 s4, s5;
	[dreg:$0x0] =	wrdreg $0x0  }
0xae: {  	s5 =	sshll.u32 s28, $0x1;
	[dreg:$0x2] =	wrdreg s4  }
0xaf: {  	[dreg:$0x3] =	wrdreg s5  }
0xb0: {  	[dreg:$0x4] =	wrdreg $0xC0  }
0xb1: {  	_ =	task [dreg:s8], $0x5FFFF  }
0xb2: {  	[dreg:$0x1] =	wrdreg $0xFFFFFFFF  }
0xb3: {  	[dreg:$0x0] =	wrdreg $0x60  }
0xb4: {  	[dreg:$0x2] =	wrdreg s18  }
0xb5: {  	[dreg:$0x3] =	wrdreg s17  }
0xb6: {  	[dreg:$0x4] =	wrdreg $0x43000  }
0xb7: {  	[dreg:$0x5] =	wrdreg $0x9  }
0xb8: {  	_ =	task.clear_ibuf [dreg:s8], $0x6FFFF;
	_ =	strace $0x90000046  }
0xb9: {  	s29 =	simm.s32 $0x9;
	_ =	strace $0x80000048  }
0xba: {  	_ =	swait.ge [sflag:s29], $0x1  }
0xbb: {  	[sflag:s29] =	ssyncadd.s32 $0xFFFFFFFF  }
0xbc: {  	_ =	strace $0x90000048  }
0xbd: {  	_ =	sfence  }
0xbe: {  	s30 =	sld [smem:$0x0];
	_ =	sdelay $0x2  }
0xbf: {  	s31 =	sshll.u32 s1, $0xD;
	s1 =	sshrl.u32 s1, $0x2  }
0xc0: {  	s3 =	sand.u32 $0x4000, s31;
	s1 =	sadd.s32 s1, s30  }
0xc1: {  	s0 =	sor.u32 s3, s0;
	s1 =	sshll.u32 s1, $0x11  }
0xc2: {  	s0 =	sor.u32 s1, s0  }
0xc3: {  	s0 =	sadd.s32 $0x8F2B, s0  }
0xc4: {  	[sflag:s0] =	ssyncadd.remote.s32 $0x1  }
0xc5: {  	_ =	sfence.sel $0xFFFF  }
0xc6: {  	[dreg:$0x0] =	wrdreg $0xFFFFFFFF;
	(pc) =	sbr.abs _section_cstart, $3  }
0xc7: {  	[dreg:$0x1] =	wrdreg $0xFFFFFFFF  }
0xc8: {  	_ =	task.clear_ibuf [dreg:s8], $0x2FFFF;
	_ =	strace $0x9FFFFFFF  }
0xc9: {  	(tm) =	ssettm $0x7FFFFFFF  }
tec
execute0_lowered:
.L_overlay_start_1:
0x0: {  	(tag) =	ssettag $0x1  }
0x1: {  	s4 =	rddreg [dreg:$0x0]  }
0x2: {  	s6 =	rddreg [dreg:$0x1]  }
0x3: {  	s2 =	rddreg [dreg:$0x2]  }
0x4: {  	s0 =	rddreg [dreg:$0x3];
	s5 =	srdreg.scid  }
0x5: {  	s1 =	stileid.u32;
	s3 =	simm.s32 $0x0;
	s11 =	simm.s32 $0x4000  }
0x6: {  	s14 =	simm.s32 $0x0;
	s5 =	sand.u32 $0x1, s5;
	s7 =	smul.u32 $0x280, s1  }
0x7: {  	[smem:$0x7FF] =	sst s3;
	s31 =	sshll.u32 s1, $0xB;
	s12 =	sshll.u32 s1, $0x6  }
0x8: {  	s8 =	ssub.s32 $0x2, s5;
	s9 =	smul.u32 $0x2800, s5;
	_ =	strace $0x80000047  }
0x9: {  	s5 =	sshll.u32 s5, $0xF;
	s12 =	sor.u32 $0x1C01, s12;
	s10 =	sshrl.u32 s8, $0x1  }
0xa: {  	s8 =	ssub.s32 s8, s10;
	s9 =	sadd.s32 s7, s9;
	s10 =	sadd.s32 s4, s31  }
0xb: {  	s4 =	sadd.s32 s7, s2;
	s9 =	sshrl.u32 s9, $0x3;
	s5 =	sadd.s32 s5, s10  }
0xc: {  	s7 =	smax.u32 s8, $0x1;
	s8 =	simm.s32 $0x4080;
	s10 =	simm.s32 $0x50  }
0xd: {  	v0 =	vimm.f32 $0.0e+00;
	v1 =	vimm.f32 $1.000000000e+00;
	s13 =	sshrl.u32 s4, $0x3;
	s6 =	sadd.s32 s6, s9;
	s9 =	simm.s32 $0x1  }
.LBB2_1:
0xe: {  	[tilespmem:$0x4080] =	vst v0  }
0xf: {  	[tilespmem:$0x4090] =	vst v0  }
0x10: {  	[tilespmem:$0x40A0] =	vst v0  }
0x11: {  	[tilespmem:$0x40B0] =	vst v0  }
0x12: {  	[tilespmem:$0x40C0] =	vst v0  }
0x13: {  	[tilespmem:$0x40D0] =	vst v0  }
0x14: {  	[tilespmem:$0x40E0] =	vst v0  }
0x15: {  	[tilespmem:$0x40F0] =	vst v0  }
0x16: {  	[tilespmem:$0x4100] =	vst v0  }
0x17: {  	[tilespmem:$0x4110] =	vst v0  }
0x18: {  	[tilespmem:$0x4120] =	vst v0  }
0x19: {  	[tilespmem:$0x4130] =	vst v0  }
0x1a: {  	[tilespmem:$0x4140] =	vst v0  }
0x1b: {  	[tilespmem:$0x4150] =	vst v0  }
0x1c: {  	[tilespmem:$0x4160] =	vst v0  }
0x1d: {  	[tilespmem:$0x4170] =	vst v0  }
0x1e: {  	[tilespmem:$0x4180] =	vst v0  }
0x1f: {  	[tilespmem:$0x4190] =	vst v0  }
0x20: {  	[tilespmem:$0x41A0] =	vst v0  }
0x21: {  	[tilespmem:$0x41B0] =	vst v0  }
0x22: {  	[tilespmem:$0x41C0] =	vst v0  }
0x23: {  	[tilespmem:$0x41D0] =	vst v0  }
0x24: {  	[tilespmem:$0x41E0] =	vst v0  }
0x25: {  	[tilespmem:$0x41F0] =	vst v0  }
0x26: {  	[tilespmem:$0x4200] =	vst v0  }
0x27: {  	[tilespmem:$0x4210] =	vst v0  }
0x28: {  	[tilespmem:$0x4220] =	vst v0  }
0x29: {  	[tilespmem:$0x4230] =	vst v0  }
0x2a: {  	[tilespmem:$0x4240] =	vst v0  }
0x2b: {  	[tilespmem:$0x4250] =	vst v0  }
0x2c: {  	[tilespmem:$0x4260] =	vst v0  }
0x2d: {  	[tilespmem:$0x4270] =	vst v0  }
0x2e: {  	[tilespmem:$0x4280] =	vst v0  }
0x2f: {  	[tilespmem:$0x4290] =	vst v0  }
0x30: {  	[tilespmem:$0x42A0] =	vst v0  }
0x31: {  	[tilespmem:$0x42B0] =	vst v0  }
0x32: {  	[tilespmem:$0x42C0] =	vst v0  }
0x33: {  	[tilespmem:$0x42D0] =	vst v0  }
0x34: {  	[tilespmem:$0x42E0] =	vst v0  }
0x35: {  	[tilespmem:$0x42F0] =	vst v0  }
0x36: {  	[tilespmem:$0x4000] =	vst v1  }
0x37: {  	[tilespmem:$0x4010] =	vst v1  }
0x38: {  	[tilespmem:$0x4020] =	vst v1  }
0x39: {  	[tilespmem:$0x4030] =	vst v1  }
0x3a: {  	[tilespmem:$0x4040] =	vst v1  }
0x3b: {  	[spmem:s4] =	stream.linear.scatter [tilespmem:s8], [sflag:$0x1], $0x280, $0x38;
	[tilespmem:$0x4580] =	vst v63  }
0x3c: {  	_ =	swait.ge [sflag:s9], $0x280  }
0x3d: {  	[sflag:s9] =	ssyncset.done $0x0  }
0x3e: {  	[sflag:s9] =	ssyncadd.s32 $0xFFFFFD80  }
0x3f: {  	[tilespmem:s3], [sflag:$0x1] =	stream.linear.gather [hbm4b:s5+s3], $0x3E80, $0x38;
	[tilespmem:$0x4580] =	vst v63  }
0x40: {  	_ =	swait.ge [sflag:s9], $0x3E80  }
0x41: {  	[sflag:s9] =	ssyncset.done $0x0  }
0x42: {  	[sflag:s9] =	ssyncadd.s32 $0xFFFFC180  }
0x43: {  	s15 =	simm.s32 $0x0;
	[bflag:$0x0] =	sbarrier.arrive $0xFFFF  }
0x44: {  	[spmem:s2] =	stream.indirect.scatter.add.f32 [tilespmem:s11], [sflag:$0x1], $0x1, s15, s10, $0xb8;
	[tilespmem:$0x4580] =	vst v63  }
0x45: {  	_ =	swait.ge [sflag:s9], $0x50  }
0x46: {  	s15 =	simm.s32 $0x200;
	[sflag:s9] =	ssyncset.done $0x0  }
.LBB2_2:
0x47: {  	s16 =	sshra.s32 s15, $0x2;
	[sflag:s9] =	ssyncadd.s32 $0xFFFFFFB0;
	p0 =	sne.s32 s15, $0xF800  }
0x48: {  	[spmem:s2] =	stream.indirect.scatter.add.f32 [tilespmem:s11], [sflag:$0x1], $0x1, s16, s10, $0xb8;
	[tilespmem:$0x4580] =	vst v63  }
.Ltmp0:
0x49: {  	_ = 	snop;
	(pc) =	sbr.rel @p0 .LBB2_2-.Ltmp0, $4  }
0x4a: {  	_ = 	snop  }
0x4b: {  	s15 =	sadd.s32 $0x200, s15  }
0x4c: {  	_ =	swait.ge [sflag:s9], $0x50  }
0x4d: {  	[sflag:s9] =	ssyncset.done $0x0  }
0x4e: {  	s14 =	sadd.s32 $0x1, s14  }
0x4f: {  	[sflag:s9] =	ssyncadd.s32 $0xFFFFFFB0;
	p0 =	sne.s32 s14, s7  }
.Ltmp1:
0x50: {  	[bflag:$0x0] =	sbarrier.arrive $0xFFFF;
	(pc) =	sbr.rel @p0 .LBB2_1-.Ltmp1, $4  }
0x51: {  	[hbm:s6], [sflag:s12] =	dma.local [spmem:s13], $0x50  }
0x52: {  	_ =	swait.ge [sflag:s9], $0x50  }
0x53: {  	[sflag:s9] =	ssyncset.done $0x0  }
0x54: {  	[sflag:s9] =	ssyncadd.s32 $0xFFFFFFB0  }
0x55: {  	_ =	sfence.sel $0x180000  }
0x56: {  	[bflag:$0x0] =	sbarrier.arrive $0xFFFF  }
0x57: {  	p0 =	sne.s32 s1, $0x0;
	_ =	strace $0x90000047  }
0x58: {  	s0 =	sadd.s32 @!p0 $0x100000, s0;
	[bflag:$0x2] =	sbarrier.arrive $0xFFFF  }
0x59: {  	[sflag:s0] =	ssyncadd.tile.s32 @!p0 $0x1;
	_ =	shalt  }
.Lfunc_end2:
_tile_overlayer_lowered:
.L_overlay_start_2:
0x5a: {  	(tag) =	ssettag $0x2  }
0x5b: {  	s0 =	rddreg [dreg:$0x0];
	s2 =	stileid.u32  }
0x5c: {  	s1 =	rddreg [dreg:$0x1];
	p0 =	sne.s32 s2, $0x0  }
0x5d: {  	s3 =	rddreg [dreg:$0x2];
	[bflag:$0x3] =	sbarrier.arrive $0xFFFF;
	s2 =	simm.s32 @!p0 $0x1C01  }
0x5e: {  	[timem:s3], [sflag:s2] =	dma.local @!p0 [hbm:s0], s1  }
0x5f: {  	s0 =	simm.s32 @!p0 $0x1  }
0x60: {  	_ =	swait.ge @!p0 [sflag:s0], s1  }
0x61: {  	s1 =	ssub.s32 @!p0 $0x0, s1;
	[sflag:s0] =	ssyncset.done @!p0 $0x0  }
0x62: {  	[sflag:s0] =	ssyncadd.s32 @!p0 s1  }
0x63: {  	[bflag:$0x3] =	sbarrier.arrive $0xFFFF  }
0x64: {  	_ =	shalt  }

</sc_bundles>
